<compile_context>
chip_gen: v7x
topology: tpu7x:2x2x1
jax: 0.10.2.dev20260603
libtpu: 0.0.44.dev20260713+nightly
codegen_flags: <defaults>
</compile_context>

<pallas_src>
import jax
import jax.numpy as jnp
from jax import lax
from jax.experimental import pallas as pl
from jax.experimental.pallas import tpu as pltpu
from jax.experimental.pallas import tpu_sc as plsc

N = 10000
E = 320000
D = 128
C = 40

NC, NS = 2, 16
NW = NC * NS
EPT = E // NW
CHUNK = 125
NCHUNK = EPT // CHUNK
HALF = NCHUNK // 2
RPW8 = 632
RPWL = N - (NS - 1) * RPW8

BN = 2048
GRID = (N + BN - 1) // BN


def _sc_agg_body(h_hbm, zeros_hbm, src_hbm, dst_hbm, out_hbm,
                 srcv, dstv, rows0, rows1, agg_sh, sem0, sem1):
    c = lax.axis_index("c")
    s = lax.axis_index("s")
    w = s * NC + c

    def gather(j, buf, sem):
        return pltpu.async_copy(h_hbm.at[srcv.at[j]], buf, sem)

    def scatter(j, buf):
        pltpu.sync_copy(buf, agg_sh.at[dstv.at[j]], add=True)

    def drain(buf, sem):
        pltpu.make_async_copy(h_hbm.at[srcv.at[0]], buf, sem).wait()

    def stage(p):
        pltpu.sync_copy(src_hbm.at[w].at[p], srcv)
        pltpu.sync_copy(dst_hbm.at[w].at[p], dstv)

    stage(0)
    gather(0, rows0, sem0)
    gather(1, rows1, sem1)

    def init_slice(src_hbm):
        @pl.when(s < NS - 1)
        def _():
            off = pl.multiple_of(s * RPW8, 8)
            pltpu.sync_copy(src_hbm.at[pl.ds(off, RPW8)],
                            agg_sh.at[pl.ds(off, RPW8)])

        @pl.when(s == NS - 1)
        def _():
            pltpu.sync_copy(src_hbm.at[pl.ds((NS - 1) * RPW8, RPWL)],
                            agg_sh.at[pl.ds((NS - 1) * RPW8, RPWL)])

    @pl.when(c == 0)
    def _():
        init_slice(h_hbm)

    @pl.when(c == 1)
    def _():
        init_slice(zeros_hbm)

    plsc.subcore_barrier()

    for p in range(2):
        if p == 1:
            stage(1)
            gather(0, rows0, sem0)
            gather(1, rows1, sem1)

        def pair(i, carry):
            j2 = 2 * i
            drain(rows0, sem0)
            scatter(j2, rows0)
            gather(j2 + 2, rows0, sem0)
            drain(rows1, sem1)
            scatter(j2 + 1, rows1)
            gather(j2 + 3, rows1, sem1)
            return carry

        lax.fori_loop(0, HALF // 2 - 1, pair, 0, unroll=False)
        drain(rows0, sem0)
        scatter(HALF - 2, rows0)
        drain(rows1, sem1)
        scatter(HALF - 1, rows1)
    plsc.subcore_barrier()

    @pl.when(s < NS - 1)
    def _():
        off = pl.multiple_of(s * RPW8, 8)
        pltpu.sync_copy(agg_sh.at[pl.ds(off, RPW8)],
                        out_hbm.at[c].at[pl.ds(off, RPW8)])

    @pl.when(s == NS - 1)
    def _():
        pltpu.sync_copy(agg_sh.at[pl.ds((NS - 1) * RPW8, RPWL)],
                        out_hbm.at[c].at[pl.ds((NS - 1) * RPW8, RPWL)])


_sc_agg_cache = []


def _sc_agg(*args):
    if not _sc_agg_cache:
        _sc_agg_cache.append(pl.kernel(
            _sc_agg_body,
            out_type=jax.ShapeDtypeStruct((NC, N, D), jnp.float32),
            mesh=plsc.VectorSubcoreMesh(core_axis_name="c",
                                        subcore_axis_name="s",
                                        num_cores=NC, num_subcores=NS),
            scratch_types=[
                pltpu.VMEM((HALF, CHUNK), jnp.int32),
                pltpu.VMEM((HALF, CHUNK), jnp.int32),
                pltpu.VMEM((CHUNK, D), jnp.float32),
                pltpu.VMEM((CHUNK, D), jnp.float32),
                pltpu.VMEM_SHARED((N, D), jnp.float32),
                pltpu.SemaphoreType.DMA,
                pltpu.SemaphoreType.DMA,
            ],
        ))
    return _sc_agg_cache[0](*args)


def _layer_phase0(p_ref, w1_ref, b1_ref, w2_ref, b2_ref, i, h2_s, stat_s):
    row = lax.broadcasted_iota(jnp.int32, (BN, 1), 0) + i * BN
    valid = row < N
    z = jnp.where(valid, p_ref[0] + p_ref[1], 0.0)
    z1 = jnp.maximum(
        jnp.dot(z, w1_ref[...], preferred_element_type=jnp.float32)
        + b1_ref[...], 0.0)
    h2 = jnp.maximum(
        jnp.dot(z1, w2_ref[...], preferred_element_type=jnp.float32)
        + b2_ref[...], 0.0)
    h2_s[pl.ds(i * BN, BN), :] = h2
    h2m = jnp.where(valid, h2, 0.0)
    new = jnp.concatenate(
        [jnp.sum(h2m, axis=0, keepdims=True),
         jnp.sum(h2m * h2m, axis=0, keepdims=True)], axis=0)

    @pl.when(i == 0)
    def _():
        stat_s[...] = new

    @pl.when(i > 0)
    def _():
        stat_s[...] = stat_s[...] + new


def _bn_of(h2_blk, stat_s, g_ref, bb_ref):
    mu = stat_s[0:1, :] * (1.0 / N)
    var = stat_s[1:2, :] * (1.0 / N) - mu * mu
    inv = lax.rsqrt(var + 1e-5)
    return g_ref[...] * (h2_blk - mu) * inv + bb_ref[...]


def _mlpbn_body(p_ref, w1_ref, b1_ref, w2_ref, b2_ref, g_ref, bb_ref,
                out_ref, h2_s, stat_s):
    ph = pl.program_id(0)
    i = pl.program_id(1)

    @pl.when(ph == 0)
    def _():
        _layer_phase0(p_ref, w1_ref, b1_ref, w2_ref, b2_ref, i, h2_s, stat_s)

    @pl.when(ph == 1)
    def _():
        out_ref[...] = _bn_of(h2_s[pl.ds(i * BN, BN), :], stat_s,
                              g_ref, bb_ref)


def _mlpbn_head_body(p_ref, w1_ref, b1_ref, w2_ref, b2_ref, g_ref, bb_ref,
                     f1w_ref, f1b_ref, f2w_ref, f2b_ref,
                     out_ref, h2_s, stat_s):
    ph = pl.program_id(0)
    i = pl.program_id(1)

    @pl.when(ph == 0)
    def _():
        _layer_phase0(p_ref, w1_ref, b1_ref, w2_ref, b2_ref, i, h2_s, stat_s)

    @pl.when(ph == 1)
    def _():
        bnh = _bn_of(h2_s[pl.ds(i * BN, BN), :], stat_s, g_ref, bb_ref)
        t = jnp.maximum(
            jnp.dot(bnh, f1w_ref[...], preferred_element_type=jnp.float32)
            + f1b_ref[...], 0.0)
        sc = (jnp.dot(t, f2w_ref[...], preferred_element_type=jnp.float32)
              + f2b_ref[...])
        m = jnp.max(sc, axis=1, keepdims=True)
        lse = jnp.log(jnp.sum(jnp.exp(sc - m), axis=1, keepdims=True)) + m
        out_ref[...] = sc - lse


_W_SPECS = [
    pl.BlockSpec((D, D), lambda p, i: (0, 0)),
    pl.BlockSpec((1, D), lambda p, i: (0, 0)),
    pl.BlockSpec((D, D), lambda p, i: (0, 0)),
    pl.BlockSpec((1, D), lambda p, i: (0, 0)),
    pl.BlockSpec((1, D), lambda p, i: (0, 0)),
    pl.BlockSpec((1, D), lambda p, i: (0, 0)),
]

_LAYER_COMMON = dict(
    grid=(2, GRID),
    out_specs=pl.BlockSpec((BN, D), lambda p, i: (i * p, 0)),
    out_shape=jax.ShapeDtypeStruct((N, D), jnp.float32),
    scratch_shapes=[
        pltpu.VMEM((GRID * BN, D), jnp.float32),
        pltpu.VMEM((2, D), jnp.float32),
    ],
    compiler_params=pltpu.CompilerParams(
        dimension_semantics=("arbitrary", "arbitrary")),
)

_mlpbn = pl.pallas_call(
    _mlpbn_body,
    in_specs=[pl.BlockSpec((NC, BN, D), lambda p, i: (0, i * (1 - p), 0))]
    + _W_SPECS,
    **_LAYER_COMMON,
)

_mlpbn_head = pl.pallas_call(
    _mlpbn_head_body,
    in_specs=[pl.BlockSpec((NC, BN, D), lambda p, i: (0, i * (1 - p), 0))]
    + _W_SPECS
    + [
        pl.BlockSpec((D, D), lambda p, i: (0, 0)),
        pl.BlockSpec((1, D), lambda p, i: (0, 0)),
        pl.BlockSpec((D, D), lambda p, i: (0, 0)),
        pl.BlockSpec((1, D), lambda p, i: (0, 0)),
    ],
    **_LAYER_COMMON,
)


def kernel(x, edge_index, params):
    src = edge_index[0].astype(jnp.int32).reshape(NW, 2, HALF, CHUNK)
    dst = edge_index[1].astype(jnp.int32).reshape(NW, 2, HALF, CHUNK)
    zeros = jnp.zeros((N, D), jnp.float32)

    w2p = jnp.zeros((D, D), jnp.float32).at[:, :C].set(params['fc2_W'])
    b2p = jnp.full((1, D), -1e30, jnp.float32).at[0, :C].set(params['fc2_b'])

    h = x
    for i in range(5):
        parts = _sc_agg(h, zeros, src, dst)
        layer_args = (parts,
                      params[f'conv{i}_W1'],
                      params[f'conv{i}_b1'].reshape(1, D),
                      params[f'conv{i}_W2'],
                      params[f'conv{i}_b2'].reshape(1, D),
                      params[f'bn{i}_g'].reshape(1, D),
                      params[f'bn{i}_b'].reshape(1, D))
        if i < 4:
            h = _mlpbn(*layer_args)
        else:
            h = _mlpbn_head(*layer_args,
                            params['fc1_W'],
                            params['fc1_b'].reshape(1, D),
                            w2p, b2p)
    return h[:, :C]

# --- scband reference (transcript-rebuilt; emitter-appended) ---
"""Pipeline reference for scband-gin-agg-30081950941678 (READ-ONLY COPY).

The authoritative reference and input builder live on the scoring server;
editing this copy changes nothing except your own understanding.
"""

import jax, jax.numpy as jnp
import numpy as np

N = 10000
E = 320000
D = 128
C = 40


def setup_inputs(seed: int = 0) -> dict:
    key = jax.random.key(seed)
    ks = jax.random.split(key, 32)
    x = jax.random.normal(ks[0], (N, D), dtype=jnp.float32)
    edge_index = jax.random.randint(ks[1], (2, E), 0, N, dtype=jnp.int64)
    params = {}
    ki = 2
    s = 1.0 / np.sqrt(D)
    for i in range(5):
        params[f'conv{i}_W1'] = jax.random.normal(ks[ki], (D, D), dtype=jnp.float32) * s; ki += 1
        params[f'conv{i}_b1'] = jnp.zeros((D,), dtype=jnp.float32)
        params[f'conv{i}_W2'] = jax.random.normal(ks[ki], (D, D), dtype=jnp.float32) * s; ki += 1
        params[f'conv{i}_b2'] = jnp.zeros((D,), dtype=jnp.float32)
        params[f'bn{i}_g'] = jnp.ones((D,), dtype=jnp.float32)
        params[f'bn{i}_b'] = jnp.zeros((D,), dtype=jnp.float32)
    params['fc1_W'] = jax.random.normal(ks[ki], (D, D), dtype=jnp.float32) * s; ki += 1
    params['fc1_b'] = jnp.zeros((D,), dtype=jnp.float32)
    params['fc2_W'] = jax.random.normal(ks[ki], (D, C), dtype=jnp.float32) * s; ki += 1
    params['fc2_b'] = jnp.zeros((C,), dtype=jnp.float32)
    return {'x': x, 'edge_index': edge_index, 'params': params}


def _gin_conv(h, edge_index, W1, b1, W2, b2):
    # GINConv with eps=0: mlp(x + sum_{j in N(i)} x_j)
    src = edge_index[0]
    dst = edge_index[1]
    msgs = jnp.take(h, src, axis=0)                      # gather (SparseCore)
    agg = jax.ops.segment_sum(msgs, dst, num_segments=h.shape[0])  # scatter-add
    z = h + agg
    z = jnp.maximum(z @ W1 + b1, 0.0)
    return z @ W2 + b2


def _batch_norm(h, gamma, beta, eps=1e-5):
    mu = jnp.mean(h, axis=0)
    var = jnp.var(h, axis=0)
    return gamma * (h - mu) / jnp.sqrt(var + eps) + beta


def reference(x, edge_index, params):
    h = x
    for i in range(5):
        h = jax.nn.relu(_gin_conv(h, edge_index,
                                  params[f'conv{i}_W1'], params[f'conv{i}_b1'],
                                  params[f'conv{i}_W2'], params[f'conv{i}_b2']))
        h = _batch_norm(h, params[f'bn{i}_g'], params[f'bn{i}_b'])
    h = jax.nn.relu(h @ params['fc1_W'] + params['fc1_b'])
    # dropout skipped (eval-mode determinism)
    h = h @ params['fc2_W'] + params['fc2_b']
    return jax.nn.log_softmax(h, axis=-1)

if __name__ == "__main__":
    import jax
    _d = setup_inputs()
    print(jax.jit(kernel)(*tuple(_d.values())))

</pallas_src>

<mosaic_0001>
#map = affine_map<(d0, d1) -> (0, 0)>
#map1 = affine_map<(d0, d1) -> (0, 0, 0, 0)>
#map2 = affine_map<(d0, d1) -> (0, 0, 0)>
module attributes {stable_mosaic.version = 14 : i64} {
  func.func @_sc_agg_body(%arg0: i32, %arg1: i32, %arg2: memref<10000x128xf32, #tpu.memory_space<hbm>>, %arg3: memref<10000x128xf32, #tpu.memory_space<hbm>>, %arg4: memref<32x2x40x125xi32, #tpu.memory_space<hbm>>, %arg5: memref<32x2x40x125xi32, #tpu.memory_space<hbm>>, %arg6: memref<2x10000x128xf32, #tpu.memory_space<hbm>>, %arg7: memref<40x125xi32, #tpu.memory_space<vmem>>, %arg8: memref<40x125xi32, #tpu.memory_space<vmem>>, %arg9: memref<125x128xf32, #tpu.memory_space<vmem>>, %arg10: memref<125x128xf32, #tpu.memory_space<vmem>>, %arg11: memref<10000x128xf32, #tpu.memory_space<vmem_shared>>, %arg12: memref<!tpu.dma_semaphore, #tpu.memory_space<semaphore_mem>>, %arg13: memref<!tpu.dma_semaphore, #tpu.memory_space<semaphore_mem>>) attributes {dimension_semantics = [#tpu.dimension_semantics<core_parallel>, #tpu.dimension_semantics<subcore_parallel>], iteration_bounds = array<i64: 2, 16>, scalar_prefetch = 0 : i64, scratch_operands = 7 : i64, tpu.core_type = #tpu.core_type<sc_vector_subcore>, window_params = [{transform_indices = #map}, {transform_indices = #map}, {transform_indices = #map1}, {transform_indices = #map1}, {transform_indices = #map2}]} {
    %mul3A = arith.constant 2 : i32
    %mul3A_0 = arith.muli %arg1, %mul3A : i32
    %add3A = arith.addi %mul3A_0, %arg0 : i32
    %run_scoped3A = arith.constant 0 : i32
    "tpu.region"() ({
      %run_scoped3A_90 = tpu.sem_alloc : memref<!tpu.dma_semaphore, #tpu.memory_space<semaphore_mem>>
      %dma_start3A_91 = arith.constant 0 : i32
      %dma_start3A_92 = arith.constant 0 : i32
      %dma_start3A_93 = arith.constant 0 : i32
      %dma_start3A_94 = tpu.memref_slice %arg4[%add3A, %dma_start3A_91, %dma_start3A_92, %dma_start3A_93] : memref<32x2x40x125xi32, #tpu.memory_space<hbm>> -> memref<1x2x40x125xi32, #tpu.memory_space<hbm>>
      %dma_start3A_95 = tpu.memref_squeeze %dma_start3A_94 : memref<1x2x40x125xi32, #tpu.memory_space<hbm>> -> memref<2x40x125xi32, #tpu.memory_space<hbm>>
      %dma_start3A_96 = arith.constant 0 : i32
      %dma_start3A_97 = arith.constant 0 : i32
      %dma_start3A_98 = tpu.memref_slice %dma_start3A_95[%run_scoped3A, %dma_start3A_96, %dma_start3A_97] : memref<2x40x125xi32, #tpu.memory_space<hbm>> -> memref<1x40x125xi32, #tpu.memory_space<hbm>>
      %dma_start3A_99 = tpu.memref_squeeze %dma_start3A_98 : memref<1x40x125xi32, #tpu.memory_space<hbm>> -> memref<40x125xi32, #tpu.memory_space<hbm>>
      %dma_start3A_100 = arith.constant 0 : i32
      %dma_start3A_101 = arith.constant 0 : i32
      %dma_start3A_102 = arith.constant 0 : i32
      %dma_start3A_103 = tpu.memref_slice %arg4[%add3A, %dma_start3A_100, %dma_start3A_101, %dma_start3A_102] : memref<32x2x40x125xi32, #tpu.memory_space<hbm>> -> memref<1x2x40x125xi32, #tpu.memory_space<hbm>>
      %dma_start3A_104 = tpu.memref_squeeze %dma_start3A_103 : memref<1x2x40x125xi32, #tpu.memory_space<hbm>> -> memref<2x40x125xi32, #tpu.memory_space<hbm>>
      %dma_start3A_105 = arith.constant 0 : i32
      %dma_start3A_106 = arith.constant 0 : i32
      %dma_start3A_107 = tpu.memref_slice %dma_start3A_104[%run_scoped3A, %dma_start3A_105, %dma_start3A_106] : memref<2x40x125xi32, #tpu.memory_space<hbm>> -> memref<1x40x125xi32, #tpu.memory_space<hbm>>
      %dma_start3A_108 = tpu.memref_squeeze %dma_start3A_107 : memref<1x40x125xi32, #tpu.memory_space<hbm>> -> memref<40x125xi32, #tpu.memory_space<hbm>>
      tpu.enqueue_dma source(%dma_start3A_108 : memref<40x125xi32, #tpu.memory_space<hbm>>) target(%arg7 : memref<40x125xi32, #tpu.memory_space<vmem>>) target_semaphore(%run_scoped3A_90 : memref<!tpu.dma_semaphore, #tpu.memory_space<semaphore_mem>>)
      %dma_wait3A_109 = arith.constant 0 : i32
      %dma_wait3A_110 = arith.constant 0 : i32
      %dma_wait3A_111 = arith.constant 0 : i32
      %dma_wait3A_112 = tpu.memref_slice %arg4[%add3A, %dma_wait3A_109, %dma_wait3A_110, %dma_wait3A_111] : memref<32x2x40x125xi32, #tpu.memory_space<hbm>> -> memref<1x2x40x125xi32, #tpu.memory_space<hbm>>
      %dma_wait3A_113 = tpu.memref_squeeze %dma_wait3A_112 : memref<1x2x40x125xi32, #tpu.memory_space<hbm>> -> memref<2x40x125xi32, #tpu.memory_space<hbm>>
      %dma_wait3A_114 = arith.constant 0 : i32
      %dma_wait3A_115 = arith.constant 0 : i32
      %dma_wait3A_116 = tpu.memref_slice %dma_wait3A_113[%run_scoped3A, %dma_wait3A_114, %dma_wait3A_115] : memref<2x40x125xi32, #tpu.memory_space<hbm>> -> memref<1x40x125xi32, #tpu.memory_space<hbm>>
      %dma_wait3A_117 = tpu.memref_squeeze %dma_wait3A_116 : memref<1x40x125xi32, #tpu.memory_space<hbm>> -> memref<40x125xi32, #tpu.memory_space<hbm>>
      %dma_wait3A_118 = arith.constant 0 : i32
      %dma_wait3A_119 = arith.constant 0 : i32
      %dma_wait3A_120 = arith.constant 0 : i32
      %dma_wait3A_121 = tpu.memref_slice %arg4[%add3A, %dma_wait3A_118, %dma_wait3A_119, %dma_wait3A_120] : memref<32x2x40x125xi32, #tpu.memory_space<hbm>> -> memref<1x2x40x125xi32, #tpu.memory_space<hbm>>
      %dma_wait3A_122 = tpu.memref_squeeze %dma_wait3A_121 : memref<1x2x40x125xi32, #tpu.memory_space<hbm>> -> memref<2x40x125xi32, #tpu.memory_space<hbm>>
      %dma_wait3A_123 = arith.constant 0 : i32
      %dma_wait3A_124 = arith.constant 0 : i32
      %dma_wait3A_125 = tpu.memref_slice %dma_wait3A_122[%run_scoped3A, %dma_wait3A_123, %dma_wait3A_124] : memref<2x40x125xi32, #tpu.memory_space<hbm>> -> memref<1x40x125xi32, #tpu.memory_space<hbm>>
      %dma_wait3A_126 = tpu.memref_squeeze %dma_wait3A_125 : memref<1x40x125xi32, #tpu.memory_space<hbm>> -> memref<40x125xi32, #tpu.memory_space<hbm>>
      tpu.wait_dma2 semaphore(%run_scoped3A_90 : memref<!tpu.dma_semaphore, #tpu.memory_space<semaphore_mem>>) src(%dma_wait3A_126 : memref<40x125xi32, #tpu.memory_space<hbm>>) dst(%arg7 : memref<40x125xi32, #tpu.memory_space<vmem>>)
      tpu.yield
    }) : () -> ()
    %run_scoped3A_1 = arith.constant 0 : i32
    "tpu.region"() ({
      %run_scoped3A_90 = tpu.sem_alloc : memref<!tpu.dma_semaphore, #tpu.memory_space<semaphore_mem>>
      %dma_start3A_91 = arith.constant 0 : i32
      %dma_start3A_92 = arith.constant 0 : i32
      %dma_start3A_93 = arith.constant 0 : i32
      %dma_start3A_94 = tpu.memref_slice %arg5[%add3A, %dma_start3A_91, %dma_start3A_92, %dma_start3A_93] : memref<32x2x40x125xi32, #tpu.memory_space<hbm>> -> memref<1x2x40x125xi32, #tpu.memory_space<hbm>>
      %dma_start3A_95 = tpu.memref_squeeze %dma_start3A_94 : memref<1x2x40x125xi32, #tpu.memory_space<hbm>> -> memref<2x40x125xi32, #tpu.memory_space<hbm>>
      %dma_start3A_96 = arith.constant 0 : i32
      %dma_start3A_97 = arith.constant 0 : i32
      %dma_start3A_98 = tpu.memref_slice %dma_start3A_95[%run_scoped3A_1, %dma_start3A_96, %dma_start3A_97] : memref<2x40x125xi32, #tpu.memory_space<hbm>> -> memref<1x40x125xi32, #tpu.memory_space<hbm>>
      %dma_start3A_99 = tpu.memref_squeeze %dma_start3A_98 : memref<1x40x125xi32, #tpu.memory_space<hbm>> -> memref<40x125xi32, #tpu.memory_space<hbm>>
      %dma_start3A_100 = arith.constant 0 : i32
      %dma_start3A_101 = arith.constant 0 : i32
      %dma_start3A_102 = arith.constant 0 : i32
      %dma_start3A_103 = tpu.memref_slice %arg5[%add3A, %dma_start3A_100, %dma_start3A_101, %dma_start3A_102] : memref<32x2x40x125xi32, #tpu.memory_space<hbm>> -> memref<1x2x40x125xi32, #tpu.memory_space<hbm>>
      %dma_start3A_104 = tpu.memref_squeeze %dma_start3A_103 : memref<1x2x40x125xi32, #tpu.memory_space<hbm>> -> memref<2x40x125xi32, #tpu.memory_space<hbm>>
      %dma_start3A_105 = arith.constant 0 : i32
      %dma_start3A_106 = arith.constant 0 : i32
      %dma_start3A_107 = tpu.memref_slice %dma_start3A_104[%run_scoped3A_1, %dma_start3A_105, %dma_start3A_106] : memref<2x40x125xi32, #tpu.memory_space<hbm>> -> memref<1x40x125xi32, #tpu.memory_space<hbm>>
      %dma_start3A_108 = tpu.memref_squeeze %dma_start3A_107 : memref<1x40x125xi32, #tpu.memory_space<hbm>> -> memref<40x125xi32, #tpu.memory_space<hbm>>
      tpu.enqueue_dma source(%dma_start3A_108 : memref<40x125xi32, #tpu.memory_space<hbm>>) target(%arg8 : memref<40x125xi32, #tpu.memory_space<vmem>>) target_semaphore(%run_scoped3A_90 : memref<!tpu.dma_semaphore, #tpu.memory_space<semaphore_mem>>)
      %dma_wait3A_109 = arith.constant 0 : i32
      %dma_wait3A_110 = arith.constant 0 : i32
      %dma_wait3A_111 = arith.constant 0 : i32
      %dma_wait3A_112 = tpu.memref_slice %arg5[%add3A, %dma_wait3A_109, %dma_wait3A_110, %dma_wait3A_111] : memref<32x2x40x125xi32, #tpu.memory_space<hbm>> -> memref<1x2x40x125xi32, #tpu.memory_space<hbm>>
      %dma_wait3A_113 = tpu.memref_squeeze %dma_wait3A_112 : memref<1x2x40x125xi32, #tpu.memory_space<hbm>> -> memref<2x40x125xi32, #tpu.memory_space<hbm>>
      %dma_wait3A_114 = arith.constant 0 : i32
      %dma_wait3A_115 = arith.constant 0 : i32
      %dma_wait3A_116 = tpu.memref_slice %dma_wait3A_113[%run_scoped3A_1, %dma_wait3A_114, %dma_wait3A_115] : memref<2x40x125xi32, #tpu.memory_space<hbm>> -> memref<1x40x125xi32, #tpu.memory_space<hbm>>
      %dma_wait3A_117 = tpu.memref_squeeze %dma_wait3A_116 : memref<1x40x125xi32, #tpu.memory_space<hbm>> -> memref<40x125xi32, #tpu.memory_space<hbm>>
      %dma_wait3A_118 = arith.constant 0 : i32
      %dma_wait3A_119 = arith.constant 0 : i32
      %dma_wait3A_120 = arith.constant 0 : i32
      %dma_wait3A_121 = tpu.memref_slice %arg5[%add3A, %dma_wait3A_118, %dma_wait3A_119, %dma_wait3A_120] : memref<32x2x40x125xi32, #tpu.memory_space<hbm>> -> memref<1x2x40x125xi32, #tpu.memory_space<hbm>>
      %dma_wait3A_122 = tpu.memref_squeeze %dma_wait3A_121 : memref<1x2x40x125xi32, #tpu.memory_space<hbm>> -> memref<2x40x125xi32, #tpu.memory_space<hbm>>
      %dma_wait3A_123 = arith.constant 0 : i32
      %dma_wait3A_124 = arith.constant 0 : i32
      %dma_wait3A_125 = tpu.memref_slice %dma_wait3A_122[%run_scoped3A_1, %dma_wait3A_123, %dma_wait3A_124] : memref<2x40x125xi32, #tpu.memory_space<hbm>> -> memref<1x40x125xi32, #tpu.memory_space<hbm>>
      %dma_wait3A_126 = tpu.memref_squeeze %dma_wait3A_125 : memref<1x40x125xi32, #tpu.memory_space<hbm>> -> memref<40x125xi32, #tpu.memory_space<hbm>>
      tpu.wait_dma2 semaphore(%run_scoped3A_90 : memref<!tpu.dma_semaphore, #tpu.memory_space<semaphore_mem>>) src(%dma_wait3A_126 : memref<40x125xi32, #tpu.memory_space<hbm>>) dst(%arg8 : memref<40x125xi32, #tpu.memory_space<vmem>>)
      tpu.yield
    }) : () -> ()
    %dma_start3A = arith.constant 0 : i32
    %dma_start3A_2 = arith.constant 0 : i32
    %dma_start3A_3 = tpu.memref_slice %arg7[%dma_start3A, %dma_start3A_2] : memref<40x125xi32, #tpu.memory_space<vmem>> -> memref<1x125xi32, #tpu.memory_space<vmem>>
    %dma_start3A_4 = tpu.memref_squeeze %dma_start3A_3 : memref<1x125xi32, #tpu.memory_space<vmem>> -> memref<125xi32, #tpu.memory_space<vmem>>
    %dma_start3A_5 = arith.constant 0 : i32
    %dma_start3A_6 = arith.constant 0 : i32
    %dma_start3A_7 = tpu.memref_slice %arg2[%dma_start3A_5, %dma_start3A_6] : memref<10000x128xf32, #tpu.memory_space<hbm>> -> memref<10000x128xf32, #tpu.memory_space<hbm>>
    tpu.enqueue_indirect_dma source(%dma_start3A_7 : memref<10000x128xf32, #tpu.memory_space<hbm>>) target(%arg9 : memref<125x128xf32, #tpu.memory_space<vmem>>) offsets(%dma_start3A_4 : memref<125xi32, #tpu.memory_space<vmem>>) semaphore(%arg12 : memref<!tpu.dma_semaphore, #tpu.memory_space<semaphore_mem>>)
    %dma_start3A_8 = arith.constant 1 : i32
    %dma_start3A_9 = arith.constant 0 : i32
    %dma_start3A_10 = tpu.memref_slice %arg7[%dma_start3A_8, %dma_start3A_9] : memref<40x125xi32, #tpu.memory_space<vmem>> -> memref<1x125xi32, #tpu.memory_space<vmem>>
    %dma_start3A_11 = tpu.memref_squeeze %dma_start3A_10 : memref<1x125xi32, #tpu.memory_space<vmem>> -> memref<125xi32, #tpu.memory_space<vmem>>
    %dma_start3A_12 = arith.constant 0 : i32
    %dma_start3A_13 = arith.constant 0 : i32
    %dma_start3A_14 = tpu.memref_slice %arg2[%dma_start3A_12, %dma_start3A_13] : memref<10000x128xf32, #tpu.memory_space<hbm>> -> memref<10000x128xf32, #tpu.memory_space<hbm>>
    tpu.enqueue_indirect_dma source(%dma_start3A_14 : memref<10000x128xf32, #tpu.memory_space<hbm>>) target(%arg10 : memref<125x128xf32, #tpu.memory_space<vmem>>) offsets(%dma_start3A_11 : memref<125xi32, #tpu.memory_space<vmem>>) semaphore(%arg13 : memref<!tpu.dma_semaphore, #tpu.memory_space<semaphore_mem>>)
    %eq3A = arith.constant 0 : i32
    %eq3A_15 = arith.cmpi eq, %arg0, %eq3A : i32
    %convert_element_type3A = arith.extui %eq3A_15 : i1 to i32
    %cond3A = arith.constant 0 : i32
    %cond3A_16 = arith.cmpi ne, %convert_element_type3A, %cond3A : i32
    scf.if %cond3A_16 {
      %lt3A_90 = arith.constant 15 : i32
      %lt3A_91 = arith.cmpi slt, %arg1, %lt3A_90 : i32
      %convert_element_type3A_92 = arith.extui %lt3A_91 : i1 to i32
      %cond3A_93 = arith.constant 0 : i32
      %cond3A_94 = arith.cmpi ne, %convert_element_type3A_92, %cond3A_93 : i32
      scf.if %cond3A_94 {
        %mul3A_100 = arith.constant 632 : i32
        %mul3A_101 = arith.muli %arg1, %mul3A_100 : i32
        %multiple_of3A = tpu.assume_multiple %mul3A_101, 8 : i32
        "tpu.region"() ({
          %run_scoped3A_102 = tpu.sem_alloc : memref<!tpu.dma_semaphore, #tpu.memory_space<semaphore_mem>>
          %dma_start3A_103 = arith.constant 0 : i32
          %dma_start3A_104 = tpu.memref_slice %arg11[%multiple_of3A, %dma_start3A_103] : memref<10000x128xf32, #tpu.memory_space<vmem_shared>> -> memref<632x128xf32, #tpu.memory_space<vmem_shared>>
          %dma_start3A_105 = arith.constant 0 : i32
          %dma_start3A_106 = tpu.memref_slice %arg2[%multiple_of3A, %dma_start3A_105] : memref<10000x128xf32, #tpu.memory_space<hbm>> -> memref<632x128xf32, #tpu.memory_space<hbm>>
          tpu.enqueue_dma source(%dma_start3A_106 : memref<632x128xf32, #tpu.memory_space<hbm>>) target(%dma_start3A_104 : memref<632x128xf32, #tpu.memory_space<vmem_shared>>) target_semaphore(%run_scoped3A_102 : memref<!tpu.dma_semaphore, #tpu.memory_space<semaphore_mem>>)
          %dma_wait3A_107 = arith.constant 0 : i32
          %dma_wait3A_108 = tpu.memref_slice %arg11[%multiple_of3A, %dma_wait3A_107] : memref<10000x128xf32, #tpu.memory_space<vmem_shared>> -> memref<632x128xf32, #tpu.memory_space<vmem_shared>>
          %dma_wait3A_109 = arith.constant 0 : i32
          %dma_wait3A_110 = tpu.memref_slice %arg2[%multiple_of3A, %dma_wait3A_109] : memref<10000x128xf32, #tpu.memory_space<hbm>> -> memref<632x128xf32, #tpu.memory_space<hbm>>
          tpu.wait_dma2 semaphore(%run_scoped3A_102 : memref<!tpu.dma_semaphore, #tpu.memory_space<semaphore_mem>>) src(%dma_wait3A_110 : memref<632x128xf32, #tpu.memory_space<hbm>>) dst(%dma_wait3A_108 : memref<632x128xf32, #tpu.memory_space<vmem_shared>>)
          tpu.yield
        }) : () -> ()
      } else {
      }
      %eq3A_95 = arith.constant 15 : i32
      %eq3A_96 = arith.cmpi eq, %arg1, %eq3A_95 : i32
      %convert_element_type3A_97 = arith.extui %eq3A_96 : i1 to i32
      %cond3A_98 = arith.constant 0 : i32
      %cond3A_99 = arith.cmpi ne, %convert_element_type3A_97, %cond3A_98 : i32
      scf.if %cond3A_99 {
        "tpu.region"() ({
          %run_scoped3A_100 = tpu.sem_alloc : memref<!tpu.dma_semaphore, #tpu.memory_space<semaphore_mem>>
          %dma_start3A_101 = arith.constant 9480 : i32
          %dma_start3A_102 = arith.constant 0 : i32
          %dma_start3A_103 = tpu.memref_slice %arg11[%dma_start3A_101, %dma_start3A_102] : memref<10000x128xf32, #tpu.memory_space<vmem_shared>> -> memref<520x128xf32, #tpu.memory_space<vmem_shared>>
          %dma_start3A_104 = arith.constant 9480 : i32
          %dma_start3A_105 = arith.constant 0 : i32
          %dma_start3A_106 = tpu.memref_slice %arg2[%dma_start3A_104, %dma_start3A_105] : memref<10000x128xf32, #tpu.memory_space<hbm>> -> memref<520x128xf32, #tpu.memory_space<hbm>>
          tpu.enqueue_dma source(%dma_start3A_106 : memref<520x128xf32, #tpu.memory_space<hbm>>) target(%dma_start3A_103 : memref<520x128xf32, #tpu.memory_space<vmem_shared>>) target_semaphore(%run_scoped3A_100 : memref<!tpu.dma_semaphore, #tpu.memory_space<semaphore_mem>>)
          %dma_wait3A_107 = arith.constant 9480 : i32
          %dma_wait3A_108 = arith.constant 0 : i32
          %dma_wait3A_109 = tpu.memref_slice %arg11[%dma_wait3A_107, %dma_wait3A_108] : memref<10000x128xf32, #tpu.memory_space<vmem_shared>> -> memref<520x128xf32, #tpu.memory_space<vmem_shared>>
          %dma_wait3A_110 = arith.constant 9480 : i32
          %dma_wait3A_111 = arith.constant 0 : i32
          %dma_wait3A_112 = tpu.memref_slice %arg2[%dma_wait3A_110, %dma_wait3A_111] : memref<10000x128xf32, #tpu.memory_space<hbm>> -> memref<520x128xf32, #tpu.memory_space<hbm>>
          tpu.wait_dma2 semaphore(%run_scoped3A_100 : memref<!tpu.dma_semaphore, #tpu.memory_space<semaphore_mem>>) src(%dma_wait3A_112 : memref<520x128xf32, #tpu.memory_space<hbm>>) dst(%dma_wait3A_109 : memref<520x128xf32, #tpu.memory_space<vmem_shared>>)
          tpu.yield
        }) : () -> ()
      } else {
      }
    } else {
    }
    %eq3A_17 = arith.constant 1 : i32
    %eq3A_18 = arith.cmpi eq, %arg0, %eq3A_17 : i32
    %convert_element_type3A_19 = arith.extui %eq3A_18 : i1 to i32
    %cond3A_20 = arith.constant 0 : i32
    %cond3A_21 = arith.cmpi ne, %convert_element_type3A_19, %cond3A_20 : i32
    scf.if %cond3A_21 {
      %lt3A_90 = arith.constant 15 : i32
      %lt3A_91 = arith.cmpi slt, %arg1, %lt3A_90 : i32
      %convert_element_type3A_92 = arith.extui %lt3A_91 : i1 to i32
      %cond3A_93 = arith.constant 0 : i32
      %cond3A_94 = arith.cmpi ne, %convert_element_type3A_92, %cond3A_93 : i32
      scf.if %cond3A_94 {
        %mul3A_100 = arith.constant 632 : i32
        %mul3A_101 = arith.muli %arg1, %mul3A_100 : i32
        %multiple_of3A = tpu.assume_multiple %mul3A_101, 8 : i32
        "tpu.region"() ({
          %run_scoped3A_102 = tpu.sem_alloc : memref<!tpu.dma_semaphore, #tpu.memory_space<semaphore_mem>>
          %dma_start3A_103 = arith.constant 0 : i32
          %dma_start3A_104 = tpu.memref_slice %arg11[%multiple_of3A, %dma_start3A_103] : memref<10000x128xf32, #tpu.memory_space<vmem_shared>> -> memref<632x128xf32, #tpu.memory_space<vmem_shared>>
          %dma_start3A_105 = arith.constant 0 : i32
          %dma_start3A_106 = tpu.memref_slice %arg3[%multiple_of3A, %dma_start3A_105] : memref<10000x128xf32, #tpu.memory_space<hbm>> -> memref<632x128xf32, #tpu.memory_space<hbm>>
          tpu.enqueue_dma source(%dma_start3A_106 : memref<632x128xf32, #tpu.memory_space<hbm>>) target(%dma_start3A_104 : memref<632x128xf32, #tpu.memory_space<vmem_shared>>) target_semaphore(%run_scoped3A_102 : memref<!tpu.dma_semaphore, #tpu.memory_space<semaphore_mem>>)
          %dma_wait3A_107 = arith.constant 0 : i32
          %dma_wait3A_108 = tpu.memref_slice %arg11[%multiple_of3A, %dma_wait3A_107] : memref<10000x128xf32, #tpu.memory_space<vmem_shared>> -> memref<632x128xf32, #tpu.memory_space<vmem_shared>>
          %dma_wait3A_109 = arith.constant 0 : i32
          %dma_wait3A_110 = tpu.memref_slice %arg3[%multiple_of3A, %dma_wait3A_109] : memref<10000x128xf32, #tpu.memory_space<hbm>> -> memref<632x128xf32, #tpu.memory_space<hbm>>
          tpu.wait_dma2 semaphore(%run_scoped3A_102 : memref<!tpu.dma_semaphore, #tpu.memory_space<semaphore_mem>>) src(%dma_wait3A_110 : memref<632x128xf32, #tpu.memory_space<hbm>>) dst(%dma_wait3A_108 : memref<632x128xf32, #tpu.memory_space<vmem_shared>>)
          tpu.yield
        }) : () -> ()
      } else {
      }
      %eq3A_95 = arith.constant 15 : i32
      %eq3A_96 = arith.cmpi eq, %arg1, %eq3A_95 : i32
      %convert_element_type3A_97 = arith.extui %eq3A_96 : i1 to i32
      %cond3A_98 = arith.constant 0 : i32
      %cond3A_99 = arith.cmpi ne, %convert_element_type3A_97, %cond3A_98 : i32
      scf.if %cond3A_99 {
        "tpu.region"() ({
          %run_scoped3A_100 = tpu.sem_alloc : memref<!tpu.dma_semaphore, #tpu.memory_space<semaphore_mem>>
          %dma_start3A_101 = arith.constant 9480 : i32
          %dma_start3A_102 = arith.constant 0 : i32
          %dma_start3A_103 = tpu.memref_slice %arg11[%dma_start3A_101, %dma_start3A_102] : memref<10000x128xf32, #tpu.memory_space<vmem_shared>> -> memref<520x128xf32, #tpu.memory_space<vmem_shared>>
          %dma_start3A_104 = arith.constant 9480 : i32
          %dma_start3A_105 = arith.constant 0 : i32
          %dma_start3A_106 = tpu.memref_slice %arg3[%dma_start3A_104, %dma_start3A_105] : memref<10000x128xf32, #tpu.memory_space<hbm>> -> memref<520x128xf32, #tpu.memory_space<hbm>>
          tpu.enqueue_dma source(%dma_start3A_106 : memref<520x128xf32, #tpu.memory_space<hbm>>) target(%dma_start3A_103 : memref<520x128xf32, #tpu.memory_space<vmem_shared>>) target_semaphore(%run_scoped3A_100 : memref<!tpu.dma_semaphore, #tpu.memory_space<semaphore_mem>>)
          %dma_wait3A_107 = arith.constant 9480 : i32
          %dma_wait3A_108 = arith.constant 0 : i32
          %dma_wait3A_109 = tpu.memref_slice %arg11[%dma_wait3A_107, %dma_wait3A_108] : memref<10000x128xf32, #tpu.memory_space<vmem_shared>> -> memref<520x128xf32, #tpu.memory_space<vmem_shared>>
          %dma_wait3A_110 = arith.constant 9480 : i32
          %dma_wait3A_111 = arith.constant 0 : i32
          %dma_wait3A_112 = tpu.memref_slice %arg3[%dma_wait3A_110, %dma_wait3A_111] : memref<10000x128xf32, #tpu.memory_space<hbm>> -> memref<520x128xf32, #tpu.memory_space<hbm>>
          tpu.wait_dma2 semaphore(%run_scoped3A_100 : memref<!tpu.dma_semaphore, #tpu.memory_space<semaphore_mem>>) src(%dma_wait3A_112 : memref<520x128xf32, #tpu.memory_space<hbm>>) dst(%dma_wait3A_109 : memref<520x128xf32, #tpu.memory_space<vmem_shared>>)
          tpu.yield
        }) : () -> ()
      } else {
      }
    } else {
    }
    %barrier3A = arith.constant 0 : index
    tpu.barrier barrier_id(%barrier3A)
    %scan3A = arith.constant 0 : i32
    %scan3A_22 = arith.constant 0 : i32
    %scan3A_23 = arith.constant 19 : i32
    %scan3A_24 = arith.addi %scan3A_22, %scan3A_23 : i32
    %scan3A_25 = arith.constant 1 : i32
    scf.for %scan3A_90 = %scan3A_22 to %scan3A_24 step %scan3A_25  : i32 {
      %mul3A_91 = arith.constant 2 : i32
      %mul3A_92 = arith.muli %mul3A_91, %scan3A_90 : i32
      %dma_wait3A_93 = arith.constant 0 : i32
      %dma_wait3A_94 = arith.constant 0 : i32
      %dma_wait3A_95 = tpu.memref_slice %arg7[%dma_wait3A_93, %dma_wait3A_94] : memref<40x125xi32, #tpu.memory_space<vmem>> -> memref<1x125xi32, #tpu.memory_space<vmem>>
      %dma_wait3A_96 = tpu.memref_squeeze %dma_wait3A_95 : memref<1x125xi32, #tpu.memory_space<vmem>> -> memref<125xi32, #tpu.memory_space<vmem>>
      %dma_wait3A_97 = arith.constant 0 : i32
      %dma_wait3A_98 = arith.constant 0 : i32
      %dma_wait3A_99 = tpu.memref_slice %arg2[%dma_wait3A_97, %dma_wait3A_98] : memref<10000x128xf32, #tpu.memory_space<hbm>> -> memref<10000x128xf32, #tpu.memory_space<hbm>>
      tpu.wait_indirect_dma semaphore(%arg12 : memref<!tpu.dma_semaphore, #tpu.memory_space<semaphore_mem>>) src(%dma_wait3A_99 : memref<10000x128xf32, #tpu.memory_space<hbm>>) dst(%arg9 : memref<125x128xf32, #tpu.memory_space<vmem>>)
      "tpu.region"() ({
        %run_scoped3A_125 = tpu.sem_alloc : memref<!tpu.dma_semaphore, #tpu.memory_space<semaphore_mem>>
        %dma_start3A_126 = arith.constant 0 : i32
        %dma_start3A_127 = tpu.memref_slice %arg8[%mul3A_92, %dma_start3A_126] : memref<40x125xi32, #tpu.memory_space<vmem>> -> memref<1x125xi32, #tpu.memory_space<vmem>>
        %dma_start3A_128 = tpu.memref_squeeze %dma_start3A_127 : memref<1x125xi32, #tpu.memory_space<vmem>> -> memref<125xi32, #tpu.memory_space<vmem>>
        %dma_start3A_129 = arith.constant 0 : i32
        %dma_start3A_130 = arith.constant 0 : i32
        %dma_start3A_131 = tpu.memref_slice %arg11[%dma_start3A_129, %dma_start3A_130] : memref<10000x128xf32, #tpu.memory_space<vmem_shared>> -> memref<10000x128xf32, #tpu.memory_space<vmem_shared>>
        tpu.enqueue_indirect_dma source(%arg9 : memref<125x128xf32, #tpu.memory_space<vmem>>) target(%dma_start3A_131 : memref<10000x128xf32, #tpu.memory_space<vmem_shared>>) offsets(%dma_start3A_128 : memref<125xi32, #tpu.memory_space<vmem>>) semaphore(%run_scoped3A_125 : memref<!tpu.dma_semaphore, #tpu.memory_space<semaphore_mem>>) {add = true}
        %dma_wait3A_132 = arith.constant 0 : i32
        %dma_wait3A_133 = tpu.memref_slice %arg8[%mul3A_92, %dma_wait3A_132] : memref<40x125xi32, #tpu.memory_space<vmem>> -> memref<1x125xi32, #tpu.memory_space<vmem>>
        %dma_wait3A_134 = tpu.memref_squeeze %dma_wait3A_133 : memref<1x125xi32, #tpu.memory_space<vmem>> -> memref<125xi32, #tpu.memory_space<vmem>>
        %dma_wait3A_135 = arith.constant 0 : i32
        %dma_wait3A_136 = arith.constant 0 : i32
        %dma_wait3A_137 = tpu.memref_slice %arg11[%dma_wait3A_135, %dma_wait3A_136] : memref<10000x128xf32, #tpu.memory_space<vmem_shared>> -> memref<10000x128xf32, #tpu.memory_space<vmem_shared>>
        tpu.wait_indirect_dma semaphore(%run_scoped3A_125 : memref<!tpu.dma_semaphore, #tpu.memory_space<semaphore_mem>>) src(%arg9 : memref<125x128xf32, #tpu.memory_space<vmem>>) dst(%dma_wait3A_137 : memref<10000x128xf32, #tpu.memory_space<vmem_shared>>)
        tpu.yield
      }) : () -> ()
      %add3A_100 = arith.constant 2 : i32
      %add3A_101 = arith.addi %mul3A_92, %add3A_100 : i32
      %dma_start3A_102 = arith.constant 0 : i32
      %dma_start3A_103 = tpu.memref_slice %arg7[%add3A_101, %dma_start3A_102] : memref<40x125xi32, #tpu.memory_space<vmem>> -> memref<1x125xi32, #tpu.memory_space<vmem>>
      %dma_start3A_104 = tpu.memref_squeeze %dma_start3A_103 : memref<1x125xi32, #tpu.memory_space<vmem>> -> memref<125xi32, #tpu.memory_space<vmem>>
      %dma_start3A_105 = arith.constant 0 : i32
      %dma_start3A_106 = arith.constant 0 : i32
      %dma_start3A_107 = tpu.memref_slice %arg2[%dma_start3A_105, %dma_start3A_106] : memref<10000x128xf32, #tpu.memory_space<hbm>> -> memref<10000x128xf32, #tpu.memory_space<hbm>>
      tpu.enqueue_indirect_dma source(%dma_start3A_107 : memref<10000x128xf32, #tpu.memory_space<hbm>>) target(%arg9 : memref<125x128xf32, #tpu.memory_space<vmem>>) offsets(%dma_start3A_104 : memref<125xi32, #tpu.memory_space<vmem>>) semaphore(%arg12 : memref<!tpu.dma_semaphore, #tpu.memory_space<semaphore_mem>>)
      %dma_wait3A_108 = arith.constant 0 : i32
      %dma_wait3A_109 = arith.constant 0 : i32
      %dma_wait3A_110 = tpu.memref_slice %arg7[%dma_wait3A_108, %dma_wait3A_109] : memref<40x125xi32, #tpu.memory_space<vmem>> -> memref<1x125xi32, #tpu.memory_space<vmem>>
      %dma_wait3A_111 = tpu.memref_squeeze %dma_wait3A_110 : memref<1x125xi32, #tpu.memory_space<vmem>> -> memref<125xi32, #tpu.memory_space<vmem>>
      %dma_wait3A_112 = arith.constant 0 : i32
      %dma_wait3A_113 = arith.constant 0 : i32
      %dma_wait3A_114 = tpu.memref_slice %arg2[%dma_wait3A_112, %dma_wait3A_113] : memref<10000x128xf32, #tpu.memory_space<hbm>> -> memref<10000x128xf32, #tpu.memory_space<hbm>>
      tpu.wait_indirect_dma semaphore(%arg13 : memref<!tpu.dma_semaphore, #tpu.memory_space<semaphore_mem>>) src(%dma_wait3A_114 : memref<10000x128xf32, #tpu.memory_space<hbm>>) dst(%arg10 : memref<125x128xf32, #tpu.memory_space<vmem>>)
      %add3A_115 = arith.constant 1 : i32
      %add3A_116 = arith.addi %mul3A_92, %add3A_115 : i32
      "tpu.region"() ({
        %run_scoped3A_125 = tpu.sem_alloc : memref<!tpu.dma_semaphore, #tpu.memory_space<semaphore_mem>>
        %dma_start3A_126 = arith.constant 0 : i32
        %dma_start3A_127 = tpu.memref_slice %arg8[%add3A_116, %dma_start3A_126] : memref<40x125xi32, #tpu.memory_space<vmem>> -> memref<1x125xi32, #tpu.memory_space<vmem>>
        %dma_start3A_128 = tpu.memref_squeeze %dma_start3A_127 : memref<1x125xi32, #tpu.memory_space<vmem>> -> memref<125xi32, #tpu.memory_space<vmem>>
        %dma_start3A_129 = arith.constant 0 : i32
        %dma_start3A_130 = arith.constant 0 : i32
        %dma_start3A_131 = tpu.memref_slice %arg11[%dma_start3A_129, %dma_start3A_130] : memref<10000x128xf32, #tpu.memory_space<vmem_shared>> -> memref<10000x128xf32, #tpu.memory_space<vmem_shared>>
        tpu.enqueue_indirect_dma source(%arg10 : memref<125x128xf32, #tpu.memory_space<vmem>>) target(%dma_start3A_131 : memref<10000x128xf32, #tpu.memory_space<vmem_shared>>) offsets(%dma_start3A_128 : memref<125xi32, #tpu.memory_space<vmem>>) semaphore(%run_scoped3A_125 : memref<!tpu.dma_semaphore, #tpu.memory_space<semaphore_mem>>) {add = true}
        %dma_wait3A_132 = arith.constant 0 : i32
        %dma_wait3A_133 = tpu.memref_slice %arg8[%add3A_116, %dma_wait3A_132] : memref<40x125xi32, #tpu.memory_space<vmem>> -> memref<1x125xi32, #tpu.memory_space<vmem>>
        %dma_wait3A_134 = tpu.memref_squeeze %dma_wait3A_133 : memref<1x125xi32, #tpu.memory_space<vmem>> -> memref<125xi32, #tpu.memory_space<vmem>>
        %dma_wait3A_135 = arith.constant 0 : i32
        %dma_wait3A_136 = arith.constant 0 : i32
        %dma_wait3A_137 = tpu.memref_slice %arg11[%dma_wait3A_135, %dma_wait3A_136] : memref<10000x128xf32, #tpu.memory_space<vmem_shared>> -> memref<10000x128xf32, #tpu.memory_space<vmem_shared>>
        tpu.wait_indirect_dma semaphore(%run_scoped3A_125 : memref<!tpu.dma_semaphore, #tpu.memory_space<semaphore_mem>>) src(%arg10 : memref<125x128xf32, #tpu.memory_space<vmem>>) dst(%dma_wait3A_137 : memref<10000x128xf32, #tpu.memory_space<vmem_shared>>)
        tpu.yield
      }) : () -> ()
      %add3A_117 = arith.constant 3 : i32
      %add3A_118 = arith.addi %mul3A_92, %add3A_117 : i32
      %dma_start3A_119 = arith.constant 0 : i32
      %dma_start3A_120 = tpu.memref_slice %arg7[%add3A_118, %dma_start3A_119] : memref<40x125xi32, #tpu.memory_space<vmem>> -> memref<1x125xi32, #tpu.memory_space<vmem>>
      %dma_start3A_121 = tpu.memref_squeeze %dma_start3A_120 : memref<1x125xi32, #tpu.memory_space<vmem>> -> memref<125xi32, #tpu.memory_space<vmem>>
      %dma_start3A_122 = arith.constant 0 : i32
      %dma_start3A_123 = arith.constant 0 : i32
      %dma_start3A_124 = tpu.memref_slice %arg2[%dma_start3A_122, %dma_start3A_123] : memref<10000x128xf32, #tpu.memory_space<hbm>> -> memref<10000x128xf32, #tpu.memory_space<hbm>>
      tpu.enqueue_indirect_dma source(%dma_start3A_124 : memref<10000x128xf32, #tpu.memory_space<hbm>>) target(%arg10 : memref<125x128xf32, #tpu.memory_space<vmem>>) offsets(%dma_start3A_121 : memref<125xi32, #tpu.memory_space<vmem>>) semaphore(%arg13 : memref<!tpu.dma_semaphore, #tpu.memory_space<semaphore_mem>>)
    }
    %scan3A_26 = arith.constant 19 : i32
    %dma_wait3A = arith.constant 0 : i32
    %dma_wait3A_27 = arith.constant 0 : i32
    %dma_wait3A_28 = tpu.memref_slice %arg7[%dma_wait3A, %dma_wait3A_27] : memref<40x125xi32, #tpu.memory_space<vmem>> -> memref<1x125xi32, #tpu.memory_space<vmem>>
    %dma_wait3A_29 = tpu.memref_squeeze %dma_wait3A_28 : memref<1x125xi32, #tpu.memory_space<vmem>> -> memref<125xi32, #tpu.memory_space<vmem>>
    %dma_wait3A_30 = arith.constant 0 : i32
    %dma_wait3A_31 = arith.constant 0 : i32
    %dma_wait3A_32 = tpu.memref_slice %arg2[%dma_wait3A_30, %dma_wait3A_31] : memref<10000x128xf32, #tpu.memory_space<hbm>> -> memref<10000x128xf32, #tpu.memory_space<hbm>>
    tpu.wait_indirect_dma semaphore(%arg12 : memref<!tpu.dma_semaphore, #tpu.memory_space<semaphore_mem>>) src(%dma_wait3A_32 : memref<10000x128xf32, #tpu.memory_space<hbm>>) dst(%arg9 : memref<125x128xf32, #tpu.memory_space<vmem>>)
    %run_scoped3A_33 = arith.constant 38 : i32
    "tpu.region"() ({
      %run_scoped3A_90 = tpu.sem_alloc : memref<!tpu.dma_semaphore, #tpu.memory_space<semaphore_mem>>
      %dma_start3A_91 = arith.constant 0 : i32
      %dma_start3A_92 = tpu.memref_slice %arg8[%run_scoped3A_33, %dma_start3A_91] : memref<40x125xi32, #tpu.memory_space<vmem>> -> memref<1x125xi32, #tpu.memory_space<vmem>>
      %dma_start3A_93 = tpu.memref_squeeze %dma_start3A_92 : memref<1x125xi32, #tpu.memory_space<vmem>> -> memref<125xi32, #tpu.memory_space<vmem>>
      %dma_start3A_94 = arith.constant 0 : i32
      %dma_start3A_95 = arith.constant 0 : i32
      %dma_start3A_96 = tpu.memref_slice %arg11[%dma_start3A_94, %dma_start3A_95] : memref<10000x128xf32, #tpu.memory_space<vmem_shared>> -> memref<10000x128xf32, #tpu.memory_space<vmem_shared>>
      tpu.enqueue_indirect_dma source(%arg9 : memref<125x128xf32, #tpu.memory_space<vmem>>) target(%dma_start3A_96 : memref<10000x128xf32, #tpu.memory_space<vmem_shared>>) offsets(%dma_start3A_93 : memref<125xi32, #tpu.memory_space<vmem>>) semaphore(%run_scoped3A_90 : memref<!tpu.dma_semaphore, #tpu.memory_space<semaphore_mem>>) {add = true}
      %dma_wait3A_97 = arith.constant 0 : i32
      %dma_wait3A_98 = tpu.memref_slice %arg8[%run_scoped3A_33, %dma_wait3A_97] : memref<40x125xi32, #tpu.memory_space<vmem>> -> memref<1x125xi32, #tpu.memory_space<vmem>>
      %dma_wait3A_99 = tpu.memref_squeeze %dma_wait3A_98 : memref<1x125xi32, #tpu.memory_space<vmem>> -> memref<125xi32, #tpu.memory_space<vmem>>
      %dma_wait3A_100 = arith.constant 0 : i32
      %dma_wait3A_101 = arith.constant 0 : i32
      %dma_wait3A_102 = tpu.memref_slice %arg11[%dma_wait3A_100, %dma_wait3A_101] : memref<10000x128xf32, #tpu.memory_space<vmem_shared>> -> memref<10000x128xf32, #tpu.memory_space<vmem_shared>>
      tpu.wait_indirect_dma semaphore(%run_scoped3A_90 : memref<!tpu.dma_semaphore, #tpu.memory_space<semaphore_mem>>) src(%arg9 : memref<125x128xf32, #tpu.memory_space<vmem>>) dst(%dma_wait3A_102 : memref<10000x128xf32, #tpu.memory_space<vmem_shared>>)
      tpu.yield
    }) : () -> ()
    %dma_wait3A_34 = arith.constant 0 : i32
    %dma_wait3A_35 = arith.constant 0 : i32
    %dma_wait3A_36 = tpu.memref_slice %arg7[%dma_wait3A_34, %dma_wait3A_35] : memref<40x125xi32, #tpu.memory_space<vmem>> -> memref<1x125xi32, #tpu.memory_space<vmem>>
    %dma_wait3A_37 = tpu.memref_squeeze %dma_wait3A_36 : memref<1x125xi32, #tpu.memory_space<vmem>> -> memref<125xi32, #tpu.memory_space<vmem>>
    %dma_wait3A_38 = arith.constant 0 : i32
    %dma_wait3A_39 = arith.constant 0 : i32
    %dma_wait3A_40 = tpu.memref_slice %arg2[%dma_wait3A_38, %dma_wait3A_39] : memref<10000x128xf32, #tpu.memory_space<hbm>> -> memref<10000x128xf32, #tpu.memory_space<hbm>>
    tpu.wait_indirect_dma semaphore(%arg13 : memref<!tpu.dma_semaphore, #tpu.memory_space<semaphore_mem>>) src(%dma_wait3A_40 : memref<10000x128xf32, #tpu.memory_space<hbm>>) dst(%arg10 : memref<125x128xf32, #tpu.memory_space<vmem>>)
    %run_scoped3A_41 = arith.constant 39 : i32
    "tpu.region"() ({
      %run_scoped3A_90 = tpu.sem_alloc : memref<!tpu.dma_semaphore, #tpu.memory_space<semaphore_mem>>
      %dma_start3A_91 = arith.constant 0 : i32
      %dma_start3A_92 = tpu.memref_slice %arg8[%run_scoped3A_41, %dma_start3A_91] : memref<40x125xi32, #tpu.memory_space<vmem>> -> memref<1x125xi32, #tpu.memory_space<vmem>>
      %dma_start3A_93 = tpu.memref_squeeze %dma_start3A_92 : memref<1x125xi32, #tpu.memory_space<vmem>> -> memref<125xi32, #tpu.memory_space<vmem>>
      %dma_start3A_94 = arith.constant 0 : i32
      %dma_start3A_95 = arith.constant 0 : i32
      %dma_start3A_96 = tpu.memref_slice %arg11[%dma_start3A_94, %dma_start3A_95] : memref<10000x128xf32, #tpu.memory_space<vmem_shared>> -> memref<10000x128xf32, #tpu.memory_space<vmem_shared>>
      tpu.enqueue_indirect_dma source(%arg10 : memref<125x128xf32, #tpu.memory_space<vmem>>) target(%dma_start3A_96 : memref<10000x128xf32, #tpu.memory_space<vmem_shared>>) offsets(%dma_start3A_93 : memref<125xi32, #tpu.memory_space<vmem>>) semaphore(%run_scoped3A_90 : memref<!tpu.dma_semaphore, #tpu.memory_space<semaphore_mem>>) {add = true}
      %dma_wait3A_97 = arith.constant 0 : i32
      %dma_wait3A_98 = tpu.memref_slice %arg8[%run_scoped3A_41, %dma_wait3A_97] : memref<40x125xi32, #tpu.memory_space<vmem>> -> memref<1x125xi32, #tpu.memory_space<vmem>>
      %dma_wait3A_99 = tpu.memref_squeeze %dma_wait3A_98 : memref<1x125xi32, #tpu.memory_space<vmem>> -> memref<125xi32, #tpu.memory_space<vmem>>
      %dma_wait3A_100 = arith.constant 0 : i32
      %dma_wait3A_101 = arith.constant 0 : i32
      %dma_wait3A_102 = tpu.memref_slice %arg11[%dma_wait3A_100, %dma_wait3A_101] : memref<10000x128xf32, #tpu.memory_space<vmem_shared>> -> memref<10000x128xf32, #tpu.memory_space<vmem_shared>>
      tpu.wait_indirect_dma semaphore(%run_scoped3A_90 : memref<!tpu.dma_semaphore, #tpu.memory_space<semaphore_mem>>) src(%arg10 : memref<125x128xf32, #tpu.memory_space<vmem>>) dst(%dma_wait3A_102 : memref<10000x128xf32, #tpu.memory_space<vmem_shared>>)
      tpu.yield
    }) : () -> ()
    %run_scoped3A_42 = arith.constant 1 : i32
    "tpu.region"() ({
      %run_scoped3A_90 = tpu.sem_alloc : memref<!tpu.dma_semaphore, #tpu.memory_space<semaphore_mem>>
      %dma_start3A_91 = arith.constant 0 : i32
      %dma_start3A_92 = arith.constant 0 : i32
      %dma_start3A_93 = arith.constant 0 : i32
      %dma_start3A_94 = tpu.memref_slice %arg4[%add3A, %dma_start3A_91, %dma_start3A_92, %dma_start3A_93] : memref<32x2x40x125xi32, #tpu.memory_space<hbm>> -> memref<1x2x40x125xi32, #tpu.memory_space<hbm>>
      %dma_start3A_95 = tpu.memref_squeeze %dma_start3A_94 : memref<1x2x40x125xi32, #tpu.memory_space<hbm>> -> memref<2x40x125xi32, #tpu.memory_space<hbm>>
      %dma_start3A_96 = arith.constant 0 : i32
      %dma_start3A_97 = arith.constant 0 : i32
      %dma_start3A_98 = tpu.memref_slice %dma_start3A_95[%run_scoped3A_42, %dma_start3A_96, %dma_start3A_97] : memref<2x40x125xi32, #tpu.memory_space<hbm>> -> memref<1x40x125xi32, #tpu.memory_space<hbm>>
      %dma_start3A_99 = tpu.memref_squeeze %dma_start3A_98 : memref<1x40x125xi32, #tpu.memory_space<hbm>> -> memref<40x125xi32, #tpu.memory_space<hbm>>
      %dma_start3A_100 = arith.constant 0 : i32
      %dma_start3A_101 = arith.constant 0 : i32
      %dma_start3A_102 = arith.constant 0 : i32
      %dma_start3A_103 = tpu.memref_slice %arg4[%add3A, %dma_start3A_100, %dma_start3A_101, %dma_start3A_102] : memref<32x2x40x125xi32, #tpu.memory_space<hbm>> -> memref<1x2x40x125xi32, #tpu.memory_space<hbm>>
      %dma_start3A_104 = tpu.memref_squeeze %dma_start3A_103 : memref<1x2x40x125xi32, #tpu.memory_space<hbm>> -> memref<2x40x125xi32, #tpu.memory_space<hbm>>
      %dma_start3A_105 = arith.constant 0 : i32
      %dma_start3A_106 = arith.constant 0 : i32
      %dma_start3A_107 = tpu.memref_slice %dma_start3A_104[%run_scoped3A_42, %dma_start3A_105, %dma_start3A_106] : memref<2x40x125xi32, #tpu.memory_space<hbm>> -> memref<1x40x125xi32, #tpu.memory_space<hbm>>
      %dma_start3A_108 = tpu.memref_squeeze %dma_start3A_107 : memref<1x40x125xi32, #tpu.memory_space<hbm>> -> memref<40x125xi32, #tpu.memory_space<hbm>>
      tpu.enqueue_dma source(%dma_start3A_108 : memref<40x125xi32, #tpu.memory_space<hbm>>) target(%arg7 : memref<40x125xi32, #tpu.memory_space<vmem>>) target_semaphore(%run_scoped3A_90 : memref<!tpu.dma_semaphore, #tpu.memory_space<semaphore_mem>>)
      %dma_wait3A_109 = arith.constant 0 : i32
      %dma_wait3A_110 = arith.constant 0 : i32
      %dma_wait3A_111 = arith.constant 0 : i32
      %dma_wait3A_112 = tpu.memref_slice %arg4[%add3A, %dma_wait3A_109, %dma_wait3A_110, %dma_wait3A_111] : memref<32x2x40x125xi32, #tpu.memory_space<hbm>> -> memref<1x2x40x125xi32, #tpu.memory_space<hbm>>
      %dma_wait3A_113 = tpu.memref_squeeze %dma_wait3A_112 : memref<1x2x40x125xi32, #tpu.memory_space<hbm>> -> memref<2x40x125xi32, #tpu.memory_space<hbm>>
      %dma_wait3A_114 = arith.constant 0 : i32
      %dma_wait3A_115 = arith.constant 0 : i32
      %dma_wait3A_116 = tpu.memref_slice %dma_wait3A_113[%run_scoped3A_42, %dma_wait3A_114, %dma_wait3A_115] : memref<2x40x125xi32, #tpu.memory_space<hbm>> -> memref<1x40x125xi32, #tpu.memory_space<hbm>>
      %dma_wait3A_117 = tpu.memref_squeeze %dma_wait3A_116 : memref<1x40x125xi32, #tpu.memory_space<hbm>> -> memref<40x125xi32, #tpu.memory_space<hbm>>
      %dma_wait3A_118 = arith.constant 0 : i32
      %dma_wait3A_119 = arith.constant 0 : i32
      %dma_wait3A_120 = arith.constant 0 : i32
      %dma_wait3A_121 = tpu.memref_slice %arg4[%add3A, %dma_wait3A_118, %dma_wait3A_119, %dma_wait3A_120] : memref<32x2x40x125xi32, #tpu.memory_space<hbm>> -> memref<1x2x40x125xi32, #tpu.memory_space<hbm>>
      %dma_wait3A_122 = tpu.memref_squeeze %dma_wait3A_121 : memref<1x2x40x125xi32, #tpu.memory_space<hbm>> -> memref<2x40x125xi32, #tpu.memory_space<hbm>>
      %dma_wait3A_123 = arith.constant 0 : i32
      %dma_wait3A_124 = arith.constant 0 : i32
      %dma_wait3A_125 = tpu.memref_slice %dma_wait3A_122[%run_scoped3A_42, %dma_wait3A_123, %dma_wait3A_124] : memref<2x40x125xi32, #tpu.memory_space<hbm>> -> memref<1x40x125xi32, #tpu.memory_space<hbm>>
      %dma_wait3A_126 = tpu.memref_squeeze %dma_wait3A_125 : memref<1x40x125xi32, #tpu.memory_space<hbm>> -> memref<40x125xi32, #tpu.memory_space<hbm>>
      tpu.wait_dma2 semaphore(%run_scoped3A_90 : memref<!tpu.dma_semaphore, #tpu.memory_space<semaphore_mem>>) src(%dma_wait3A_126 : memref<40x125xi32, #tpu.memory_space<hbm>>) dst(%arg7 : memref<40x125xi32, #tpu.memory_space<vmem>>)
      tpu.yield
    }) : () -> ()
    %run_scoped3A_43 = arith.constant 1 : i32
    "tpu.region"() ({
      %run_scoped3A_90 = tpu.sem_alloc : memref<!tpu.dma_semaphore, #tpu.memory_space<semaphore_mem>>
      %dma_start3A_91 = arith.constant 0 : i32
      %dma_start3A_92 = arith.constant 0 : i32
      %dma_start3A_93 = arith.constant 0 : i32
      %dma_start3A_94 = tpu.memref_slice %arg5[%add3A, %dma_start3A_91, %dma_start3A_92, %dma_start3A_93] : memref<32x2x40x125xi32, #tpu.memory_space<hbm>> -> memref<1x2x40x125xi32, #tpu.memory_space<hbm>>
      %dma_start3A_95 = tpu.memref_squeeze %dma_start3A_94 : memref<1x2x40x125xi32, #tpu.memory_space<hbm>> -> memref<2x40x125xi32, #tpu.memory_space<hbm>>
      %dma_start3A_96 = arith.constant 0 : i32
      %dma_start3A_97 = arith.constant 0 : i32
      %dma_start3A_98 = tpu.memref_slice %dma_start3A_95[%run_scoped3A_43, %dma_start3A_96, %dma_start3A_97] : memref<2x40x125xi32, #tpu.memory_space<hbm>> -> memref<1x40x125xi32, #tpu.memory_space<hbm>>
      %dma_start3A_99 = tpu.memref_squeeze %dma_start3A_98 : memref<1x40x125xi32, #tpu.memory_space<hbm>> -> memref<40x125xi32, #tpu.memory_space<hbm>>
      %dma_start3A_100 = arith.constant 0 : i32
      %dma_start3A_101 = arith.constant 0 : i32
      %dma_start3A_102 = arith.constant 0 : i32
      %dma_start3A_103 = tpu.memref_slice %arg5[%add3A, %dma_start3A_100, %dma_start3A_101, %dma_start3A_102] : memref<32x2x40x125xi32, #tpu.memory_space<hbm>> -> memref<1x2x40x125xi32, #tpu.memory_space<hbm>>
      %dma_start3A_104 = tpu.memref_squeeze %dma_start3A_103 : memref<1x2x40x125xi32, #tpu.memory_space<hbm>> -> memref<2x40x125xi32, #tpu.memory_space<hbm>>
      %dma_start3A_105 = arith.constant 0 : i32
      %dma_start3A_106 = arith.constant 0 : i32
      %dma_start3A_107 = tpu.memref_slice %dma_start3A_104[%run_scoped3A_43, %dma_start3A_105, %dma_start3A_106] : memref<2x40x125xi32, #tpu.memory_space<hbm>> -> memref<1x40x125xi32, #tpu.memory_space<hbm>>
      %dma_start3A_108 = tpu.memref_squeeze %dma_start3A_107 : memref<1x40x125xi32, #tpu.memory_space<hbm>> -> memref<40x125xi32, #tpu.memory_space<hbm>>
      tpu.enqueue_dma source(%dma_start3A_108 : memref<40x125xi32, #tpu.memory_space<hbm>>) target(%arg8 : memref<40x125xi32, #tpu.memory_space<vmem>>) target_semaphore(%run_scoped3A_90 : memref<!tpu.dma_semaphore, #tpu.memory_space<semaphore_mem>>)
      %dma_wait3A_109 = arith.constant 0 : i32
      %dma_wait3A_110 = arith.constant 0 : i32
      %dma_wait3A_111 = arith.constant 0 : i32
      %dma_wait3A_112 = tpu.memref_slice %arg5[%add3A, %dma_wait3A_109, %dma_wait3A_110, %dma_wait3A_111] : memref<32x2x40x125xi32, #tpu.memory_space<hbm>> -> memref<1x2x40x125xi32, #tpu.memory_space<hbm>>
      %dma_wait3A_113 = tpu.memref_squeeze %dma_wait3A_112 : memref<1x2x40x125xi32, #tpu.memory_space<hbm>> -> memref<2x40x125xi32, #tpu.memory_space<hbm>>
      %dma_wait3A_114 = arith.constant 0 : i32
      %dma_wait3A_115 = arith.constant 0 : i32
      %dma_wait3A_116 = tpu.memref_slice %dma_wait3A_113[%run_scoped3A_43, %dma_wait3A_114, %dma_wait3A_115] : memref<2x40x125xi32, #tpu.memory_space<hbm>> -> memref<1x40x125xi32, #tpu.memory_space<hbm>>
      %dma_wait3A_117 = tpu.memref_squeeze %dma_wait3A_116 : memref<1x40x125xi32, #tpu.memory_space<hbm>> -> memref<40x125xi32, #tpu.memory_space<hbm>>
      %dma_wait3A_118 = arith.constant 0 : i32
      %dma_wait3A_119 = arith.constant 0 : i32
      %dma_wait3A_120 = arith.constant 0 : i32
      %dma_wait3A_121 = tpu.memref_slice %arg5[%add3A, %dma_wait3A_118, %dma_wait3A_119, %dma_wait3A_120] : memref<32x2x40x125xi32, #tpu.memory_space<hbm>> -> memref<1x2x40x125xi32, #tpu.memory_space<hbm>>
      %dma_wait3A_122 = tpu.memref_squeeze %dma_wait3A_121 : memref<1x2x40x125xi32, #tpu.memory_space<hbm>> -> memref<2x40x125xi32, #tpu.memory_space<hbm>>
      %dma_wait3A_123 = arith.constant 0 : i32
      %dma_wait3A_124 = arith.constant 0 : i32
      %dma_wait3A_125 = tpu.memref_slice %dma_wait3A_122[%run_scoped3A_43, %dma_wait3A_123, %dma_wait3A_124] : memref<2x40x125xi32, #tpu.memory_space<hbm>> -> memref<1x40x125xi32, #tpu.memory_space<hbm>>
      %dma_wait3A_126 = tpu.memref_squeeze %dma_wait3A_125 : memref<1x40x125xi32, #tpu.memory_space<hbm>> -> memref<40x125xi32, #tpu.memory_space<hbm>>
      tpu.wait_dma2 semaphore(%run_scoped3A_90 : memref<!tpu.dma_semaphore, #tpu.memory_space<semaphore_mem>>) src(%dma_wait3A_126 : memref<40x125xi32, #tpu.memory_space<hbm>>) dst(%arg8 : memref<40x125xi32, #tpu.memory_space<vmem>>)
      tpu.yield
    }) : () -> ()
    %dma_start3A_44 = arith.constant 0 : i32
    %dma_start3A_45 = arith.constant 0 : i32
    %dma_start3A_46 = tpu.memref_slice %arg7[%dma_start3A_44, %dma_start3A_45] : memref<40x125xi32, #tpu.memory_space<vmem>> -> memref<1x125xi32, #tpu.memory_space<vmem>>
    %dma_start3A_47 = tpu.memref_squeeze %dma_start3A_46 : memref<1x125xi32, #tpu.memory_space<vmem>> -> memref<125xi32, #tpu.memory_space<vmem>>
    %dma_start3A_48 = arith.constant 0 : i32
    %dma_start3A_49 = arith.constant 0 : i32
    %dma_start3A_50 = tpu.memref_slice %arg2[%dma_start3A_48, %dma_start3A_49] : memref<10000x128xf32, #tpu.memory_space<hbm>> -> memref<10000x128xf32, #tpu.memory_space<hbm>>
    tpu.enqueue_indirect_dma source(%dma_start3A_50 : memref<10000x128xf32, #tpu.memory_space<hbm>>) target(%arg9 : memref<125x128xf32, #tpu.memory_space<vmem>>) offsets(%dma_start3A_47 : memref<125xi32, #tpu.memory_space<vmem>>) semaphore(%arg12 : memref<!tpu.dma_semaphore, #tpu.memory_space<semaphore_mem>>)
    %dma_start3A_51 = arith.constant 1 : i32
    %dma_start3A_52 = arith.constant 0 : i32
    %dma_start3A_53 = tpu.memref_slice %arg7[%dma_start3A_51, %dma_start3A_52] : memref<40x125xi32, #tpu.memory_space<vmem>> -> memref<1x125xi32, #tpu.memory_space<vmem>>
    %dma_start3A_54 = tpu.memref_squeeze %dma_start3A_53 : memref<1x125xi32, #tpu.memory_space<vmem>> -> memref<125xi32, #tpu.memory_space<vmem>>
    %dma_start3A_55 = arith.constant 0 : i32
    %dma_start3A_56 = arith.constant 0 : i32
    %dma_start3A_57 = tpu.memref_slice %arg2[%dma_start3A_55, %dma_start3A_56] : memref<10000x128xf32, #tpu.memory_space<hbm>> -> memref<10000x128xf32, #tpu.memory_space<hbm>>
    tpu.enqueue_indirect_dma source(%dma_start3A_57 : memref<10000x128xf32, #tpu.memory_space<hbm>>) target(%arg10 : memref<125x128xf32, #tpu.memory_space<vmem>>) offsets(%dma_start3A_54 : memref<125xi32, #tpu.memory_space<vmem>>) semaphore(%arg13 : memref<!tpu.dma_semaphore, #tpu.memory_space<semaphore_mem>>)
    %scan3A_58 = arith.constant 0 : i32
    %scan3A_59 = arith.constant 0 : i32
    %scan3A_60 = arith.constant 19 : i32
    %scan3A_61 = arith.addi %scan3A_59, %scan3A_60 : i32
    %scan3A_62 = arith.constant 1 : i32
    scf.for %scan3A_90 = %scan3A_59 to %scan3A_61 step %scan3A_62  : i32 {
      %mul3A_91 = arith.constant 2 : i32
      %mul3A_92 = arith.muli %mul3A_91, %scan3A_90 : i32
      %dma_wait3A_93 = arith.constant 0 : i32
      %dma_wait3A_94 = arith.constant 0 : i32
      %dma_wait3A_95 = tpu.memref_slice %arg7[%dma_wait3A_93, %dma_wait3A_94] : memref<40x125xi32, #tpu.memory_space<vmem>> -> memref<1x125xi32, #tpu.memory_space<vmem>>
      %dma_wait3A_96 = tpu.memref_squeeze %dma_wait3A_95 : memref<1x125xi32, #tpu.memory_space<vmem>> -> memref<125xi32, #tpu.memory_space<vmem>>
      %dma_wait3A_97 = arith.constant 0 : i32
      %dma_wait3A_98 = arith.constant 0 : i32
      %dma_wait3A_99 = tpu.memref_slice %arg2[%dma_wait3A_97, %dma_wait3A_98] : memref<10000x128xf32, #tpu.memory_space<hbm>> -> memref<10000x128xf32, #tpu.memory_space<hbm>>
      tpu.wait_indirect_dma semaphore(%arg12 : memref<!tpu.dma_semaphore, #tpu.memory_space<semaphore_mem>>) src(%dma_wait3A_99 : memref<10000x128xf32, #tpu.memory_space<hbm>>) dst(%arg9 : memref<125x128xf32, #tpu.memory_space<vmem>>)
      "tpu.region"() ({
        %run_scoped3A_125 = tpu.sem_alloc : memref<!tpu.dma_semaphore, #tpu.memory_space<semaphore_mem>>
        %dma_start3A_126 = arith.constant 0 : i32
        %dma_start3A_127 = tpu.memref_slice %arg8[%mul3A_92, %dma_start3A_126] : memref<40x125xi32, #tpu.memory_space<vmem>> -> memref<1x125xi32, #tpu.memory_space<vmem>>
        %dma_start3A_128 = tpu.memref_squeeze %dma_start3A_127 : memref<1x125xi32, #tpu.memory_space<vmem>> -> memref<125xi32, #tpu.memory_space<vmem>>
        %dma_start3A_129 = arith.constant 0 : i32
        %dma_start3A_130 = arith.constant 0 : i32
        %dma_start3A_131 = tpu.memref_slice %arg11[%dma_start3A_129, %dma_start3A_130] : memref<10000x128xf32, #tpu.memory_space<vmem_shared>> -> memref<10000x128xf32, #tpu.memory_space<vmem_shared>>
        tpu.enqueue_indirect_dma source(%arg9 : memref<125x128xf32, #tpu.memory_space<vmem>>) target(%dma_start3A_131 : memref<10000x128xf32, #tpu.memory_space<vmem_shared>>) offsets(%dma_start3A_128 : memref<125xi32, #tpu.memory_space<vmem>>) semaphore(%run_scoped3A_125 : memref<!tpu.dma_semaphore, #tpu.memory_space<semaphore_mem>>) {add = true}
        %dma_wait3A_132 = arith.constant 0 : i32
        %dma_wait3A_133 = tpu.memref_slice %arg8[%mul3A_92, %dma_wait3A_132] : memref<40x125xi32, #tpu.memory_space<vmem>> -> memref<1x125xi32, #tpu.memory_space<vmem>>
        %dma_wait3A_134 = tpu.memref_squeeze %dma_wait3A_133 : memref<1x125xi32, #tpu.memory_space<vmem>> -> memref<125xi32, #tpu.memory_space<vmem>>
        %dma_wait3A_135 = arith.constant 0 : i32
        %dma_wait3A_136 = arith.constant 0 : i32
        %dma_wait3A_137 = tpu.memref_slice %arg11[%dma_wait3A_135, %dma_wait3A_136] : memref<10000x128xf32, #tpu.memory_space<vmem_shared>> -> memref<10000x128xf32, #tpu.memory_space<vmem_shared>>
        tpu.wait_indirect_dma semaphore(%run_scoped3A_125 : memref<!tpu.dma_semaphore, #tpu.memory_space<semaphore_mem>>) src(%arg9 : memref<125x128xf32, #tpu.memory_space<vmem>>) dst(%dma_wait3A_137 : memref<10000x128xf32, #tpu.memory_space<vmem_shared>>)
        tpu.yield
      }) : () -> ()
      %add3A_100 = arith.constant 2 : i32
      %add3A_101 = arith.addi %mul3A_92, %add3A_100 : i32
      %dma_start3A_102 = arith.constant 0 : i32
      %dma_start3A_103 = tpu.memref_slice %arg7[%add3A_101, %dma_start3A_102] : memref<40x125xi32, #tpu.memory_space<vmem>> -> memref<1x125xi32, #tpu.memory_space<vmem>>
      %dma_start3A_104 = tpu.memref_squeeze %dma_start3A_103 : memref<1x125xi32, #tpu.memory_space<vmem>> -> memref<125xi32, #tpu.memory_space<vmem>>
      %dma_start3A_105 = arith.constant 0 : i32
      %dma_start3A_106 = arith.constant 0 : i32
      %dma_start3A_107 = tpu.memref_slice %arg2[%dma_start3A_105, %dma_start3A_106] : memref<10000x128xf32, #tpu.memory_space<hbm>> -> memref<10000x128xf32, #tpu.memory_space<hbm>>
      tpu.enqueue_indirect_dma source(%dma_start3A_107 : memref<10000x128xf32, #tpu.memory_space<hbm>>) target(%arg9 : memref<125x128xf32, #tpu.memory_space<vmem>>) offsets(%dma_start3A_104 : memref<125xi32, #tpu.memory_space<vmem>>) semaphore(%arg12 : memref<!tpu.dma_semaphore, #tpu.memory_space<semaphore_mem>>)
      %dma_wait3A_108 = arith.constant 0 : i32
      %dma_wait3A_109 = arith.constant 0 : i32
      %dma_wait3A_110 = tpu.memref_slice %arg7[%dma_wait3A_108, %dma_wait3A_109] : memref<40x125xi32, #tpu.memory_space<vmem>> -> memref<1x125xi32, #tpu.memory_space<vmem>>
      %dma_wait3A_111 = tpu.memref_squeeze %dma_wait3A_110 : memref<1x125xi32, #tpu.memory_space<vmem>> -> memref<125xi32, #tpu.memory_space<vmem>>
      %dma_wait3A_112 = arith.constant 0 : i32
      %dma_wait3A_113 = arith.constant 0 : i32
      %dma_wait3A_114 = tpu.memref_slice %arg2[%dma_wait3A_112, %dma_wait3A_113] : memref<10000x128xf32, #tpu.memory_space<hbm>> -> memref<10000x128xf32, #tpu.memory_space<hbm>>
      tpu.wait_indirect_dma semaphore(%arg13 : memref<!tpu.dma_semaphore, #tpu.memory_space<semaphore_mem>>) src(%dma_wait3A_114 : memref<10000x128xf32, #tpu.memory_space<hbm>>) dst(%arg10 : memref<125x128xf32, #tpu.memory_space<vmem>>)
      %add3A_115 = arith.constant 1 : i32
      %add3A_116 = arith.addi %mul3A_92, %add3A_115 : i32
      "tpu.region"() ({
        %run_scoped3A_125 = tpu.sem_alloc : memref<!tpu.dma_semaphore, #tpu.memory_space<semaphore_mem>>
        %dma_start3A_126 = arith.constant 0 : i32
        %dma_start3A_127 = tpu.memref_slice %arg8[%add3A_116, %dma_start3A_126] : memref<40x125xi32, #tpu.memory_space<vmem>> -> memref<1x125xi32, #tpu.memory_space<vmem>>
        %dma_start3A_128 = tpu.memref_squeeze %dma_start3A_127 : memref<1x125xi32, #tpu.memory_space<vmem>> -> memref<125xi32, #tpu.memory_space<vmem>>
        %dma_start3A_129 = arith.constant 0 : i32
        %dma_start3A_130 = arith.constant 0 : i32
        %dma_start3A_131 = tpu.memref_slice %arg11[%dma_start3A_129, %dma_start3A_130] : memref<10000x128xf32, #tpu.memory_space<vmem_shared>> -> memref<10000x128xf32, #tpu.memory_space<vmem_shared>>
        tpu.enqueue_indirect_dma source(%arg10 : memref<125x128xf32, #tpu.memory_space<vmem>>) target(%dma_start3A_131 : memref<10000x128xf32, #tpu.memory_space<vmem_shared>>) offsets(%dma_start3A_128 : memref<125xi32, #tpu.memory_space<vmem>>) semaphore(%run_scoped3A_125 : memref<!tpu.dma_semaphore, #tpu.memory_space<semaphore_mem>>) {add = true}
        %dma_wait3A_132 = arith.constant 0 : i32
        %dma_wait3A_133 = tpu.memref_slice %arg8[%add3A_116, %dma_wait3A_132] : memref<40x125xi32, #tpu.memory_space<vmem>> -> memref<1x125xi32, #tpu.memory_space<vmem>>
        %dma_wait3A_134 = tpu.memref_squeeze %dma_wait3A_133 : memref<1x125xi32, #tpu.memory_space<vmem>> -> memref<125xi32, #tpu.memory_space<vmem>>
        %dma_wait3A_135 = arith.constant 0 : i32
        %dma_wait3A_136 = arith.constant 0 : i32
        %dma_wait3A_137 = tpu.memref_slice %arg11[%dma_wait3A_135, %dma_wait3A_136] : memref<10000x128xf32, #tpu.memory_space<vmem_shared>> -> memref<10000x128xf32, #tpu.memory_space<vmem_shared>>
        tpu.wait_indirect_dma semaphore(%run_scoped3A_125 : memref<!tpu.dma_semaphore, #tpu.memory_space<semaphore_mem>>) src(%arg10 : memref<125x128xf32, #tpu.memory_space<vmem>>) dst(%dma_wait3A_137 : memref<10000x128xf32, #tpu.memory_space<vmem_shared>>)
        tpu.yield
      }) : () -> ()
      %add3A_117 = arith.constant 3 : i32
      %add3A_118 = arith.addi %mul3A_92, %add3A_117 : i32
      %dma_start3A_119 = arith.constant 0 : i32
      %dma_start3A_120 = tpu.memref_slice %arg7[%add3A_118, %dma_start3A_119] : memref<40x125xi32, #tpu.memory_space<vmem>> -> memref<1x125xi32, #tpu.memory_space<vmem>>
      %dma_start3A_121 = tpu.memref_squeeze %dma_start3A_120 : memref<1x125xi32, #tpu.memory_space<vmem>> -> memref<125xi32, #tpu.memory_space<vmem>>
      %dma_start3A_122 = arith.constant 0 : i32
      %dma_start3A_123 = arith.constant 0 : i32
      %dma_start3A_124 = tpu.memref_slice %arg2[%dma_start3A_122, %dma_start3A_123] : memref<10000x128xf32, #tpu.memory_space<hbm>> -> memref<10000x128xf32, #tpu.memory_space<hbm>>
      tpu.enqueue_indirect_dma source(%dma_start3A_124 : memref<10000x128xf32, #tpu.memory_space<hbm>>) target(%arg10 : memref<125x128xf32, #tpu.memory_space<vmem>>) offsets(%dma_start3A_121 : memref<125xi32, #tpu.memory_space<vmem>>) semaphore(%arg13 : memref<!tpu.dma_semaphore, #tpu.memory_space<semaphore_mem>>)
    }
    %scan3A_63 = arith.constant 19 : i32
    %dma_wait3A_64 = arith.constant 0 : i32
    %dma_wait3A_65 = arith.constant 0 : i32
    %dma_wait3A_66 = tpu.memref_slice %arg7[%dma_wait3A_64, %dma_wait3A_65] : memref<40x125xi32, #tpu.memory_space<vmem>> -> memref<1x125xi32, #tpu.memory_space<vmem>>
    %dma_wait3A_67 = tpu.memref_squeeze %dma_wait3A_66 : memref<1x125xi32, #tpu.memory_space<vmem>> -> memref<125xi32, #tpu.memory_space<vmem>>
    %dma_wait3A_68 = arith.constant 0 : i32
    %dma_wait3A_69 = arith.constant 0 : i32
    %dma_wait3A_70 = tpu.memref_slice %arg2[%dma_wait3A_68, %dma_wait3A_69] : memref<10000x128xf32, #tpu.memory_space<hbm>> -> memref<10000x128xf32, #tpu.memory_space<hbm>>
    tpu.wait_indirect_dma semaphore(%arg12 : memref<!tpu.dma_semaphore, #tpu.memory_space<semaphore_mem>>) src(%dma_wait3A_70 : memref<10000x128xf32, #tpu.memory_space<hbm>>) dst(%arg9 : memref<125x128xf32, #tpu.memory_space<vmem>>)
    %run_scoped3A_71 = arith.constant 38 : i32
    "tpu.region"() ({
      %run_scoped3A_90 = tpu.sem_alloc : memref<!tpu.dma_semaphore, #tpu.memory_space<semaphore_mem>>
      %dma_start3A_91 = arith.constant 0 : i32
      %dma_start3A_92 = tpu.memref_slice %arg8[%run_scoped3A_71, %dma_start3A_91] : memref<40x125xi32, #tpu.memory_space<vmem>> -> memref<1x125xi32, #tpu.memory_space<vmem>>
      %dma_start3A_93 = tpu.memref_squeeze %dma_start3A_92 : memref<1x125xi32, #tpu.memory_space<vmem>> -> memref<125xi32, #tpu.memory_space<vmem>>
      %dma_start3A_94 = arith.constant 0 : i32
      %dma_start3A_95 = arith.constant 0 : i32
      %dma_start3A_96 = tpu.memref_slice %arg11[%dma_start3A_94, %dma_start3A_95] : memref<10000x128xf32, #tpu.memory_space<vmem_shared>> -> memref<10000x128xf32, #tpu.memory_space<vmem_shared>>
      tpu.enqueue_indirect_dma source(%arg9 : memref<125x128xf32, #tpu.memory_space<vmem>>) target(%dma_start3A_96 : memref<10000x128xf32, #tpu.memory_space<vmem_shared>>) offsets(%dma_start3A_93 : memref<125xi32, #tpu.memory_space<vmem>>) semaphore(%run_scoped3A_90 : memref<!tpu.dma_semaphore, #tpu.memory_space<semaphore_mem>>) {add = true}
      %dma_wait3A_97 = arith.constant 0 : i32
      %dma_wait3A_98 = tpu.memref_slice %arg8[%run_scoped3A_71, %dma_wait3A_97] : memref<40x125xi32, #tpu.memory_space<vmem>> -> memref<1x125xi32, #tpu.memory_space<vmem>>
      %dma_wait3A_99 = tpu.memref_squeeze %dma_wait3A_98 : memref<1x125xi32, #tpu.memory_space<vmem>> -> memref<125xi32, #tpu.memory_space<vmem>>
      %dma_wait3A_100 = arith.constant 0 : i32
      %dma_wait3A_101 = arith.constant 0 : i32
      %dma_wait3A_102 = tpu.memref_slice %arg11[%dma_wait3A_100, %dma_wait3A_101] : memref<10000x128xf32, #tpu.memory_space<vmem_shared>> -> memref<10000x128xf32, #tpu.memory_space<vmem_shared>>
      tpu.wait_indirect_dma semaphore(%run_scoped3A_90 : memref<!tpu.dma_semaphore, #tpu.memory_space<semaphore_mem>>) src(%arg9 : memref<125x128xf32, #tpu.memory_space<vmem>>) dst(%dma_wait3A_102 : memref<10000x128xf32, #tpu.memory_space<vmem_shared>>)
      tpu.yield
    }) : () -> ()
    %dma_wait3A_72 = arith.constant 0 : i32
    %dma_wait3A_73 = arith.constant 0 : i32
    %dma_wait3A_74 = tpu.memref_slice %arg7[%dma_wait3A_72, %dma_wait3A_73] : memref<40x125xi32, #tpu.memory_space<vmem>> -> memref<1x125xi32, #tpu.memory_space<vmem>>
    %dma_wait3A_75 = tpu.memref_squeeze %dma_wait3A_74 : memref<1x125xi32, #tpu.memory_space<vmem>> -> memref<125xi32, #tpu.memory_space<vmem>>
    %dma_wait3A_76 = arith.constant 0 : i32
    %dma_wait3A_77 = arith.constant 0 : i32
    %dma_wait3A_78 = tpu.memref_slice %arg2[%dma_wait3A_76, %dma_wait3A_77] : memref<10000x128xf32, #tpu.memory_space<hbm>> -> memref<10000x128xf32, #tpu.memory_space<hbm>>
    tpu.wait_indirect_dma semaphore(%arg13 : memref<!tpu.dma_semaphore, #tpu.memory_space<semaphore_mem>>) src(%dma_wait3A_78 : memref<10000x128xf32, #tpu.memory_space<hbm>>) dst(%arg10 : memref<125x128xf32, #tpu.memory_space<vmem>>)
    %run_scoped3A_79 = arith.constant 39 : i32
    "tpu.region"() ({
      %run_scoped3A_90 = tpu.sem_alloc : memref<!tpu.dma_semaphore, #tpu.memory_space<semaphore_mem>>
      %dma_start3A_91 = arith.constant 0 : i32
      %dma_start3A_92 = tpu.memref_slice %arg8[%run_scoped3A_79, %dma_start3A_91] : memref<40x125xi32, #tpu.memory_space<vmem>> -> memref<1x125xi32, #tpu.memory_space<vmem>>
      %dma_start3A_93 = tpu.memref_squeeze %dma_start3A_92 : memref<1x125xi32, #tpu.memory_space<vmem>> -> memref<125xi32, #tpu.memory_space<vmem>>
      %dma_start3A_94 = arith.constant 0 : i32
      %dma_start3A_95 = arith.constant 0 : i32
      %dma_start3A_96 = tpu.memref_slice %arg11[%dma_start3A_94, %dma_start3A_95] : memref<10000x128xf32, #tpu.memory_space<vmem_shared>> -> memref<10000x128xf32, #tpu.memory_space<vmem_shared>>
      tpu.enqueue_indirect_dma source(%arg10 : memref<125x128xf32, #tpu.memory_space<vmem>>) target(%dma_start3A_96 : memref<10000x128xf32, #tpu.memory_space<vmem_shared>>) offsets(%dma_start3A_93 : memref<125xi32, #tpu.memory_space<vmem>>) semaphore(%run_scoped3A_90 : memref<!tpu.dma_semaphore, #tpu.memory_space<semaphore_mem>>) {add = true}
      %dma_wait3A_97 = arith.constant 0 : i32
      %dma_wait3A_98 = tpu.memref_slice %arg8[%run_scoped3A_79, %dma_wait3A_97] : memref<40x125xi32, #tpu.memory_space<vmem>> -> memref<1x125xi32, #tpu.memory_space<vmem>>
      %dma_wait3A_99 = tpu.memref_squeeze %dma_wait3A_98 : memref<1x125xi32, #tpu.memory_space<vmem>> -> memref<125xi32, #tpu.memory_space<vmem>>
      %dma_wait3A_100 = arith.constant 0 : i32
      %dma_wait3A_101 = arith.constant 0 : i32
      %dma_wait3A_102 = tpu.memref_slice %arg11[%dma_wait3A_100, %dma_wait3A_101] : memref<10000x128xf32, #tpu.memory_space<vmem_shared>> -> memref<10000x128xf32, #tpu.memory_space<vmem_shared>>
      tpu.wait_indirect_dma semaphore(%run_scoped3A_90 : memref<!tpu.dma_semaphore, #tpu.memory_space<semaphore_mem>>) src(%arg10 : memref<125x128xf32, #tpu.memory_space<vmem>>) dst(%dma_wait3A_102 : memref<10000x128xf32, #tpu.memory_space<vmem_shared>>)
      tpu.yield
    }) : () -> ()
    %barrier3A_80 = arith.constant 0 : index
    tpu.barrier barrier_id(%barrier3A_80)
    %lt3A = arith.constant 15 : i32
    %lt3A_81 = arith.cmpi slt, %arg1, %lt3A : i32
    %convert_element_type3A_82 = arith.extui %lt3A_81 : i1 to i32
    %cond3A_83 = arith.constant 0 : i32
    %cond3A_84 = arith.cmpi ne, %convert_element_type3A_82, %cond3A_83 : i32
    scf.if %cond3A_84 {
      %mul3A_90 = arith.constant 632 : i32
      %mul3A_91 = arith.muli %arg1, %mul3A_90 : i32
      %multiple_of3A = tpu.assume_multiple %mul3A_91, 8 : i32
      "tpu.region"() ({
        %run_scoped3A_92 = tpu.sem_alloc : memref<!tpu.dma_semaphore, #tpu.memory_space<semaphore_mem>>
        %dma_start3A_93 = arith.constant 0 : i32
        %dma_start3A_94 = arith.constant 0 : i32
        %dma_start3A_95 = tpu.memref_slice %arg6[%arg0, %dma_start3A_93, %dma_start3A_94] : memref<2x10000x128xf32, #tpu.memory_space<hbm>> -> memref<1x10000x128xf32, #tpu.memory_space<hbm>>
        %dma_start3A_96 = tpu.memref_squeeze %dma_start3A_95 : memref<1x10000x128xf32, #tpu.memory_space<hbm>> -> memref<10000x128xf32, #tpu.memory_space<hbm>>
        %dma_start3A_97 = arith.constant 0 : i32
        %dma_start3A_98 = tpu.memref_slice %dma_start3A_96[%multiple_of3A, %dma_start3A_97] : memref<10000x128xf32, #tpu.memory_space<hbm>> -> memref<632x128xf32, #tpu.memory_space<hbm>>
        %dma_start3A_99 = arith.constant 0 : i32
        %dma_start3A_100 = tpu.memref_slice %arg11[%multiple_of3A, %dma_start3A_99] : memref<10000x128xf32, #tpu.memory_space<vmem_shared>> -> memref<632x128xf32, #tpu.memory_space<vmem_shared>>
        tpu.enqueue_dma source(%dma_start3A_100 : memref<632x128xf32, #tpu.memory_space<vmem_shared>>) target(%dma_start3A_98 : memref<632x128xf32, #tpu.memory_space<hbm>>) target_semaphore(%run_scoped3A_92 : memref<!tpu.dma_semaphore, #tpu.memory_space<semaphore_mem>>)
        %dma_wait3A_101 = arith.constant 0 : i32
        %dma_wait3A_102 = arith.constant 0 : i32
        %dma_wait3A_103 = tpu.memref_slice %arg6[%arg0, %dma_wait3A_101, %dma_wait3A_102] : memref<2x10000x128xf32, #tpu.memory_space<hbm>> -> memref<1x10000x128xf32, #tpu.memory_space<hbm>>
        %dma_wait3A_104 = tpu.memref_squeeze %dma_wait3A_103 : memref<1x10000x128xf32, #tpu.memory_space<hbm>> -> memref<10000x128xf32, #tpu.memory_space<hbm>>
        %dma_wait3A_105 = arith.constant 0 : i32
        %dma_wait3A_106 = tpu.memref_slice %dma_wait3A_104[%multiple_of3A, %dma_wait3A_105] : memref<10000x128xf32, #tpu.memory_space<hbm>> -> memref<632x128xf32, #tpu.memory_space<hbm>>
        %dma_wait3A_107 = arith.constant 0 : i32
        %dma_wait3A_108 = tpu.memref_slice %arg11[%multiple_of3A, %dma_wait3A_107] : memref<10000x128xf32, #tpu.memory_space<vmem_shared>> -> memref<632x128xf32, #tpu.memory_space<vmem_shared>>
        tpu.wait_dma2 semaphore(%run_scoped3A_92 : memref<!tpu.dma_semaphore, #tpu.memory_space<semaphore_mem>>) src(%dma_wait3A_108 : memref<632x128xf32, #tpu.memory_space<vmem_shared>>) dst(%dma_wait3A_106 : memref<632x128xf32, #tpu.memory_space<hbm>>)
        tpu.yield
      }) : () -> ()
    } else {
    }
    %eq3A_85 = arith.constant 15 : i32
    %eq3A_86 = arith.cmpi eq, %arg1, %eq3A_85 : i32
    %convert_element_type3A_87 = arith.extui %eq3A_86 : i1 to i32
    %cond3A_88 = arith.constant 0 : i32
    %cond3A_89 = arith.cmpi ne, %convert_element_type3A_87, %cond3A_88 : i32
    scf.if %cond3A_89 {
      "tpu.region"() ({
        %run_scoped3A_90 = tpu.sem_alloc : memref<!tpu.dma_semaphore, #tpu.memory_space<semaphore_mem>>
        %dma_start3A_91 = arith.constant 0 : i32
        %dma_start3A_92 = arith.constant 0 : i32
        %dma_start3A_93 = tpu.memref_slice %arg6[%arg0, %dma_start3A_91, %dma_start3A_92] : memref<2x10000x128xf32, #tpu.memory_space<hbm>> -> memref<1x10000x128xf32, #tpu.memory_space<hbm>>
        %dma_start3A_94 = tpu.memref_squeeze %dma_start3A_93 : memref<1x10000x128xf32, #tpu.memory_space<hbm>> -> memref<10000x128xf32, #tpu.memory_space<hbm>>
        %dma_start3A_95 = arith.constant 9480 : i32
        %dma_start3A_96 = arith.constant 0 : i32
        %dma_start3A_97 = tpu.memref_slice %dma_start3A_94[%dma_start3A_95, %dma_start3A_96] : memref<10000x128xf32, #tpu.memory_space<hbm>> -> memref<520x128xf32, #tpu.memory_space<hbm>>
        %dma_start3A_98 = arith.constant 9480 : i32
        %dma_start3A_99 = arith.constant 0 : i32
        %dma_start3A_100 = tpu.memref_slice %arg11[%dma_start3A_98, %dma_start3A_99] : memref<10000x128xf32, #tpu.memory_space<vmem_shared>> -> memref<520x128xf32, #tpu.memory_space<vmem_shared>>
        tpu.enqueue_dma source(%dma_start3A_100 : memref<520x128xf32, #tpu.memory_space<vmem_shared>>) target(%dma_start3A_97 : memref<520x128xf32, #tpu.memory_space<hbm>>) target_semaphore(%run_scoped3A_90 : memref<!tpu.dma_semaphore, #tpu.memory_space<semaphore_mem>>)
        %dma_wait3A_101 = arith.constant 0 : i32
        %dma_wait3A_102 = arith.constant 0 : i32
        %dma_wait3A_103 = tpu.memref_slice %arg6[%arg0, %dma_wait3A_101, %dma_wait3A_102] : memref<2x10000x128xf32, #tpu.memory_space<hbm>> -> memref<1x10000x128xf32, #tpu.memory_space<hbm>>
        %dma_wait3A_104 = tpu.memref_squeeze %dma_wait3A_103 : memref<1x10000x128xf32, #tpu.memory_space<hbm>> -> memref<10000x128xf32, #tpu.memory_space<hbm>>
        %dma_wait3A_105 = arith.constant 9480 : i32
        %dma_wait3A_106 = arith.constant 0 : i32
        %dma_wait3A_107 = tpu.memref_slice %dma_wait3A_104[%dma_wait3A_105, %dma_wait3A_106] : memref<10000x128xf32, #tpu.memory_space<hbm>> -> memref<520x128xf32, #tpu.memory_space<hbm>>
        %dma_wait3A_108 = arith.constant 9480 : i32
        %dma_wait3A_109 = arith.constant 0 : i32
        %dma_wait3A_110 = tpu.memref_slice %arg11[%dma_wait3A_108, %dma_wait3A_109] : memref<10000x128xf32, #tpu.memory_space<vmem_shared>> -> memref<520x128xf32, #tpu.memory_space<vmem_shared>>
        tpu.wait_dma2 semaphore(%run_scoped3A_90 : memref<!tpu.dma_semaphore, #tpu.memory_space<semaphore_mem>>) src(%dma_wait3A_110 : memref<520x128xf32, #tpu.memory_space<vmem_shared>>) dst(%dma_wait3A_107 : memref<520x128xf32, #tpu.memory_space<hbm>>)
        tpu.yield
      }) : () -> ()
    } else {
    }
    return
  }
}

#map = affine_map<(d0, d1) -> (0, 0)>
#map1 = affine_map<(d0, d1) -> (0, 0, 0, 0)>
#map2 = affine_map<(d0, d1) -> (0, 0, 0)>
module attributes {stable_mosaic.version = 14 : i64} {
  func.func @_sc_agg_body(%arg0: i32, %arg1: i32, %arg2: memref<10000x128xf32, #tpu.memory_space<hbm>>, %arg3: memref<10000x128xf32, #tpu.memory_space<hbm>>, %arg4: memref<32x2x40x125xi32, #tpu.memory_space<hbm>>, %arg5: memref<32x2x40x125xi32, #tpu.memory_space<hbm>>, %arg6: memref<2x10000x128xf32, #tpu.memory_space<hbm>>, %arg7: memref<40x125xi32, #tpu.memory_space<vmem>>, %arg8: memref<40x125xi32, #tpu.memory_space<vmem>>, %arg9: memref<125x128xf32, #tpu.memory_space<vmem>>, %arg10: memref<125x128xf32, #tpu.memory_space<vmem>>, %arg11: memref<10000x128xf32, #tpu.memory_space<vmem_shared>>, %arg12: memref<!tpu.dma_semaphore, #tpu.memory_space<semaphore_mem>>, %arg13: memref<!tpu.dma_semaphore, #tpu.memory_space<semaphore_mem>>) attributes {dimension_semantics = [#tpu.dimension_semantics<core_parallel>, #tpu.dimension_semantics<subcore_parallel>], iteration_bounds = array<i64: 2, 16>, scalar_prefetch = 0 : i64, scratch_operands = 7 : i64, tpu.core_type = #tpu.core_type<sc_vector_subcore>, window_params = [{transform_indices = #map}, {transform_indices = #map}, {transform_indices = #map1}, {transform_indices = #map1}, {transform_indices = #map2}]} {
    %mul3A = arith.constant 2 : i32
    %mul3A_0 = arith.muli %arg1, %mul3A : i32
    %add3A = arith.addi %mul3A_0, %arg0 : i32
    %run_scoped3A = arith.constant 0 : i32
    "tpu.region"() ({
      %run_scoped3A_90 = tpu.sem_alloc : memref<!tpu.dma_semaphore, #tpu.memory_space<semaphore_mem>>
      %dma_start3A_91 = arith.constant 0 : i32
      %dma_start3A_92 = arith.constant 0 : i32
      %dma_start3A_93 = arith.constant 0 : i32
      %dma_start3A_94 = tpu.memref_slice %arg4[%add3A, %dma_start3A_91, %dma_start3A_92, %dma_start3A_93] : memref<32x2x40x125xi32, #tpu.memory_space<hbm>> -> memref<1x2x40x125xi32, #tpu.memory_space<hbm>>
      %dma_start3A_95 = tpu.memref_squeeze %dma_start3A_94 : memref<1x2x40x125xi32, #tpu.memory_space<hbm>> -> memref<2x40x125xi32, #tpu.memory_space<hbm>>
      %dma_start3A_96 = arith.constant 0 : i32
      %dma_start3A_97 = arith.constant 0 : i32
      %dma_start3A_98 = tpu.memref_slice %dma_start3A_95[%run_scoped3A, %dma_start3A_96, %dma_start3A_97] : memref<2x40x125xi32, #tpu.memory_space<hbm>> -> memref<1x40x125xi32, #tpu.memory_space<hbm>>
      %dma_start3A_99 = tpu.memref_squeeze %dma_start3A_98 : memref<1x40x125xi32, #tpu.memory_space<hbm>> -> memref<40x125xi32, #tpu.memory_space<hbm>>
      %dma_start3A_100 = arith.constant 0 : i32
      %dma_start3A_101 = arith.constant 0 : i32
      %dma_start3A_102 = arith.constant 0 : i32
      %dma_start3A_103 = tpu.memref_slice %arg4[%add3A, %dma_start3A_100, %dma_start3A_101, %dma_start3A_102] : memref<32x2x40x125xi32, #tpu.memory_space<hbm>> -> memref<1x2x40x125xi32, #tpu.memory_space<hbm>>
      %dma_start3A_104 = tpu.memref_squeeze %dma_start3A_103 : memref<1x2x40x125xi32, #tpu.memory_space<hbm>> -> memref<2x40x125xi32, #tpu.memory_space<hbm>>
      %dma_start3A_105 = arith.constant 0 : i32
      %dma_start3A_106 = arith.constant 0 : i32
      %dma_start3A_107 = tpu.memref_slice %dma_start3A_104[%run_scoped3A, %dma_start3A_105, %dma_start3A_106] : memref<2x40x125xi32, #tpu.memory_space<hbm>> -> memref<1x40x125xi32, #tpu.memory_space<hbm>>
      %dma_start3A_108 = tpu.memref_squeeze %dma_start3A_107 : memref<1x40x125xi32, #tpu.memory_space<hbm>> -> memref<40x125xi32, #tpu.memory_space<hbm>>
      tpu.enqueue_dma source(%dma_start3A_108 : memref<40x125xi32, #tpu.memory_space<hbm>>) target(%arg7 : memref<40x125xi32, #tpu.memory_space<vmem>>) target_semaphore(%run_scoped3A_90 : memref<!tpu.dma_semaphore, #tpu.memory_space<semaphore_mem>>)
      %dma_wait3A_109 = arith.constant 0 : i32
      %dma_wait3A_110 = arith.constant 0 : i32
      %dma_wait3A_111 = arith.constant 0 : i32
      %dma_wait3A_112 = tpu.memref_slice %arg4[%add3A, %dma_wait3A_109, %dma_wait3A_110, %dma_wait3A_111] : memref<32x2x40x125xi32, #tpu.memory_space<hbm>> -> memref<1x2x40x125xi32, #tpu.memory_space<hbm>>
      %dma_wait3A_113 = tpu.memref_squeeze %dma_wait3A_112 : memref<1x2x40x125xi32, #tpu.memory_space<hbm>> -> memref<2x40x125xi32, #tpu.memory_space<hbm>>
      %dma_wait3A_114 = arith.constant 0 : i32
      %dma_wait3A_115 = arith.constant 0 : i32
      %dma_wait3A_116 = tpu.memref_slice %dma_wait3A_113[%run_scoped3A, %dma_wait3A_114, %dma_wait3A_115] : memref<2x40x125xi32, #tpu.memory_space<hbm>> -> memref<1x40x125xi32, #tpu.memory_space<hbm>>
      %dma_wait3A_117 = tpu.memref_squeeze %dma_wait3A_116 : memref<1x40x125xi32, #tpu.memory_space<hbm>> -> memref<40x125xi32, #tpu.memory_space<hbm>>
      %dma_wait3A_118 = arith.constant 0 : i32
      %dma_wait3A_119 = arith.constant 0 : i32
      %dma_wait3A_120 = arith.constant 0 : i32
      %dma_wait3A_121 = tpu.memref_slice %arg4[%add3A, %dma_wait3A_118, %dma_wait3A_119, %dma_wait3A_120] : memref<32x2x40x125xi32, #tpu.memory_space<hbm>> -> memref<1x2x40x125xi32, #tpu.memory_space<hbm>>
      %dma_wait3A_122 = tpu.memref_squeeze %dma_wait3A_121 : memref<1x2x40x125xi32, #tpu.memory_space<hbm>> -> memref<2x40x125xi32, #tpu.memory_space<hbm>>
      %dma_wait3A_123 = arith.constant 0 : i32
      %dma_wait3A_124 = arith.constant 0 : i32
      %dma_wait3A_125 = tpu.memref_slice %dma_wait3A_122[%run_scoped3A, %dma_wait3A_123, %dma_wait3A_124] : memref<2x40x125xi32, #tpu.memory_space<hbm>> -> memref<1x40x125xi32, #tpu.memory_space<hbm>>
      %dma_wait3A_126 = tpu.memref_squeeze %dma_wait3A_125 : memref<1x40x125xi32, #tpu.memory_space<hbm>> -> memref<40x125xi32, #tpu.memory_space<hbm>>
      tpu.wait_dma2 semaphore(%run_scoped3A_90 : memref<!tpu.dma_semaphore, #tpu.memory_space<semaphore_mem>>) src(%dma_wait3A_126 : memref<40x125xi32, #tpu.memory_space<hbm>>) dst(%arg7 : memref<40x125xi32, #tpu.memory_space<vmem>>)
      tpu.yield
    }) : () -> ()
    %run_scoped3A_1 = arith.constant 0 : i32
    "tpu.region"() ({
      %run_scoped3A_90 = tpu.sem_alloc : memref<!tpu.dma_semaphore, #tpu.memory_space<semaphore_mem>>
      %dma_start3A_91 = arith.constant 0 : i32
      %dma_start3A_92 = arith.constant 0 : i32
      %dma_start3A_93 = arith.constant 0 : i32
      %dma_start3A_94 = tpu.memref_slice %arg5[%add3A, %dma_start3A_91, %dma_start3A_92, %dma_start3A_93] : memref<32x2x40x125xi32, #tpu.memory_space<hbm>> -> memref<1x2x40x125xi32, #tpu.memory_space<hbm>>
      %dma_start3A_95 = tpu.memref_squeeze %dma_start3A_94 : memref<1x2x40x125xi32, #tpu.memory_space<hbm>> -> memref<2x40x125xi32, #tpu.memory_space<hbm>>
      %dma_start3A_96 = arith.constant 0 : i32
      %dma_start3A_97 = arith.constant 0 : i32
      %dma_start3A_98 = tpu.memref_slice %dma_start3A_95[%run_scoped3A_1, %dma_start3A_96, %dma_start3A_97] : memref<2x40x125xi32, #tpu.memory_space<hbm>> -> memref<1x40x125xi32, #tpu.memory_space<hbm>>
      %dma_start3A_99 = tpu.memref_squeeze %dma_start3A_98 : memref<1x40x125xi32, #tpu.memory_space<hbm>> -> memref<40x125xi32, #tpu.memory_space<hbm>>
      %dma_start3A_100 = arith.constant 0 : i32
      %dma_start3A_101 = arith.constant 0 : i32
      %dma_start3A_102 = arith.constant 0 : i32
      %dma_start3A_103 = tpu.memref_slice %arg5[%add3A, %dma_start3A_100, %dma_start3A_101, %dma_start3A_102] : memref<32x2x40x125xi32, #tpu.memory_space<hbm>> -> memref<1x2x40x125xi32, #tpu.memory_space<hbm>>
      %dma_start3A_104 = tpu.memref_squeeze %dma_start3A_103 : memref<1x2x40x125xi32, #tpu.memory_space<hbm>> -> memref<2x40x125xi32, #tpu.memory_space<hbm>>
      %dma_start3A_105 = arith.constant 0 : i32
      %dma_start3A_106 = arith.constant 0 : i32
      %dma_start3A_107 = tpu.memref_slice %dma_start3A_104[%run_scoped3A_1, %dma_start3A_105, %dma_start3A_106] : memref<2x40x125xi32, #tpu.memory_space<hbm>> -> memref<1x40x125xi32, #tpu.memory_space<hbm>>
      %dma_start3A_108 = tpu.memref_squeeze %dma_start3A_107 : memref<1x40x125xi32, #tpu.memory_space<hbm>> -> memref<40x125xi32, #tpu.memory_space<hbm>>
      tpu.enqueue_dma source(%dma_start3A_108 : memref<40x125xi32, #tpu.memory_space<hbm>>) target(%arg8 : memref<40x125xi32, #tpu.memory_space<vmem>>) target_semaphore(%run_scoped3A_90 : memref<!tpu.dma_semaphore, #tpu.memory_space<semaphore_mem>>)
      %dma_wait3A_109 = arith.constant 0 : i32
      %dma_wait3A_110 = arith.constant 0 : i32
      %dma_wait3A_111 = arith.constant 0 : i32
      %dma_wait3A_112 = tpu.memref_slice %arg5[%add3A, %dma_wait3A_109, %dma_wait3A_110, %dma_wait3A_111] : memref<32x2x40x125xi32, #tpu.memory_space<hbm>> -> memref<1x2x40x125xi32, #tpu.memory_space<hbm>>
      %dma_wait3A_113 = tpu.memref_squeeze %dma_wait3A_112 : memref<1x2x40x125xi32, #tpu.memory_space<hbm>> -> memref<2x40x125xi32, #tpu.memory_space<hbm>>
      %dma_wait3A_114 = arith.constant 0 : i32
      %dma_wait3A_115 = arith.constant 0 : i32
      %dma_wait3A_116 = tpu.memref_slice %dma_wait3A_113[%run_scoped3A_1, %dma_wait3A_114, %dma_wait3A_115] : memref<2x40x125xi32, #tpu.memory_space<hbm>> -> memref<1x40x125xi32, #tpu.memory_space<hbm>>
      %dma_wait3A_117 = tpu.memref_squeeze %dma_wait3A_116 : memref<1x40x125xi32, #tpu.memory_space<hbm>> -> memref<40x125xi32, #tpu.memory_space<hbm>>
      %dma_wait3A_118 = arith.constant 0 : i32
      %dma_wait3A_119 = arith.constant 0 : i32
      %dma_wait3A_120 = arith.constant 0 : i32
      %dma_wait3A_121 = tpu.memref_slice %arg5[%add3A, %dma_wait3A_118, %dma_wait3A_119, %dma_wait3A_120] : memref<32x2x40x125xi32, #tpu.memory_space<hbm>> -> memref<1x2x40x125xi32, #tpu.memory_space<hbm>>
      %dma_wait3A_122 = tpu.memref_squeeze %dma_wait3A_121 : memref<1x2x40x125xi32, #tpu.memory_space<hbm>> -> memref<2x40x125xi32, #tpu.memory_space<hbm>>
      %dma_wait3A_123 = arith.constant 0 : i32
      %dma_wait3A_124 = arith.constant 0 : i32
      %dma_wait3A_125 = tpu.memref_slice %dma_wait3A_122[%run_scoped3A_1, %dma_wait3A_123, %dma_wait3A_124] : memref<2x40x125xi32, #tpu.memory_space<hbm>> -> memref<1x40x125xi32, #tpu.memory_space<hbm>>
      %dma_wait3A_126 = tpu.memref_squeeze %dma_wait3A_125 : memref<1x40x125xi32, #tpu.memory_space<hbm>> -> memref<40x125xi32, #tpu.memory_space<hbm>>
      tpu.wait_dma2 semaphore(%run_scoped3A_90 : memref<!tpu.dma_semaphore, #tpu.memory_space<semaphore_mem>>) src(%dma_wait3A_126 : memref<40x125xi32, #tpu.memory_space<hbm>>) dst(%arg8 : memref<40x125xi32, #tpu.memory_space<vmem>>)
      tpu.yield
    }) : () -> ()
    %dma_start3A = arith.constant 0 : i32
    %dma_start3A_2 = arith.constant 0 : i32
    %dma_start3A_3 = tpu.memref_slice %arg7[%dma_start3A, %dma_start3A_2] : memref<40x125xi32, #tpu.memory_space<vmem>> -> memref<1x125xi32, #tpu.memory_space<vmem>>
    %dma_start3A_4 = tpu.memref_squeeze %dma_start3A_3 : memref<1x125xi32, #tpu.memory_space<vmem>> -> memref<125xi32, #tpu.memory_space<vmem>>
    %dma_start3A_5 = arith.constant 0 : i32
    %dma_start3A_6 = arith.constant 0 : i32
    %dma_start3A_7 = tpu.memref_slice %arg2[%dma_start3A_5, %dma_start3A_6] : memref<10000x128xf32, #tpu.memory_space<hbm>> -> memref<10000x128xf32, #tpu.memory_space<hbm>>
    tpu.enqueue_indirect_dma source(%dma_start3A_7 : memref<10000x128xf32, #tpu.memory_space<hbm>>) target(%arg9 : memref<125x128xf32, #tpu.memory_space<vmem>>) offsets(%dma_start3A_4 : memref<125xi32, #tpu.memory_space<vmem>>) semaphore(%arg12 : memref<!tpu.dma_semaphore, #tpu.memory_space<semaphore_mem>>)
    %dma_start3A_8 = arith.constant 1 : i32
    %dma_start3A_9 = arith.constant 0 : i32
    %dma_start3A_10 = tpu.memref_slice %arg7[%dma_start3A_8, %dma_start3A_9] : memref<40x125xi32, #tpu.memory_space<vmem>> -> memref<1x125xi32, #tpu.memory_space<vmem>>
    %dma_start3A_11 = tpu.memref_squeeze %dma_start3A_10 : memref<1x125xi32, #tpu.memory_space<vmem>> -> memref<125xi32, #tpu.memory_space<vmem>>
    %dma_start3A_12 = arith.constant 0 : i32
    %dma_start3A_13 = arith.constant 0 : i32
    %dma_start3A_14 = tpu.memref_slice %arg2[%dma_start3A_12, %dma_start3A_13] : memref<10000x128xf32, #tpu.memory_space<hbm>> -> memref<10000x128xf32, #tpu.memory_space<hbm>>
    tpu.enqueue_indirect_dma source(%dma_start3A_14 : memref<10000x128xf32, #tpu.memory_space<hbm>>) target(%arg10 : memref<125x128xf32, #tpu.memory_space<vmem>>) offsets(%dma_start3A_11 : memref<125xi32, #tpu.memory_space<vmem>>) semaphore(%arg13 : memref<!tpu.dma_semaphore, #tpu.memory_space<semaphore_mem>>)
    %eq3A = arith.constant 0 : i32
    %eq3A_15 = arith.cmpi eq, %arg0, %eq3A : i32
    %convert_element_type3A = arith.extui %eq3A_15 : i1 to i32
    %cond3A = arith.constant 0 : i32
    %cond3A_16 = arith.cmpi ne, %convert_element_type3A, %cond3A : i32
    scf.if %cond3A_16 {
      %lt3A_90 = arith.constant 15 : i32
      %lt3A_91 = arith.cmpi slt, %arg1, %lt3A_90 : i32
      %convert_element_type3A_92 = arith.extui %lt3A_91 : i1 to i32
      %cond3A_93 = arith.constant 0 : i32
      %cond3A_94 = arith.cmpi ne, %convert_element_type3A_92, %cond3A_93 : i32
      scf.if %cond3A_94 {
        %mul3A_100 = arith.constant 632 : i32
        %mul3A_101 = arith.muli %arg1, %mul3A_100 : i32
        %multiple_of3A = tpu.assume_multiple %mul3A_101, 8 : i32
        "tpu.region"() ({
          %run_scoped3A_102 = tpu.sem_alloc : memref<!tpu.dma_semaphore, #tpu.memory_space<semaphore_mem>>
          %dma_start3A_103 = arith.constant 0 : i32
          %dma_start3A_104 = tpu.memref_slice %arg11[%multiple_of3A, %dma_start3A_103] : memref<10000x128xf32, #tpu.memory_space<vmem_shared>> -> memref<632x128xf32, #tpu.memory_space<vmem_shared>>
          %dma_start3A_105 = arith.constant 0 : i32
          %dma_start3A_106 = tpu.memref_slice %arg2[%multiple_of3A, %dma_start3A_105] : memref<10000x128xf32, #tpu.memory_space<hbm>> -> memref<632x128xf32, #tpu.memory_space<hbm>>
          tpu.enqueue_dma source(%dma_start3A_106 : memref<632x128xf32, #tpu.memory_space<hbm>>) target(%dma_start3A_104 : memref<632x128xf32, #tpu.memory_space<vmem_shared>>) target_semaphore(%run_scoped3A_102 : memref<!tpu.dma_semaphore, #tpu.memory_space<semaphore_mem>>)
          %dma_wait3A_107 = arith.constant 0 : i32
          %dma_wait3A_108 = tpu.memref_slice %arg11[%multiple_of3A, %dma_wait3A_107] : memref<10000x128xf32, #tpu.memory_space<vmem_shared>> -> memref<632x128xf32, #tpu.memory_space<vmem_shared>>
          %dma_wait3A_109 = arith.constant 0 : i32
          %dma_wait3A_110 = tpu.memref_slice %arg2[%multiple_of3A, %dma_wait3A_109] : memref<10000x128xf32, #tpu.memory_space<hbm>> -> memref<632x128xf32, #tpu.memory_space<hbm>>
          tpu.wait_dma2 semaphore(%run_scoped3A_102 : memref<!tpu.dma_semaphore, #tpu.memory_space<semaphore_mem>>) src(%dma_wait3A_110 : memref<632x128xf32, #tpu.memory_space<hbm>>) dst(%dma_wait3A_108 : memref<632x128xf32, #tpu.memory_space<vmem_shared>>)
          tpu.yield
        }) : () -> ()
      } else {
      }
      %eq3A_95 = arith.constant 15 : i32
      %eq3A_96 = arith.cmpi eq, %arg1, %eq3A_95 : i32
      %convert_element_type3A_97 = arith.extui %eq3A_96 : i1 to i32
      %cond3A_98 = arith.constant 0 : i32
      %cond3A_99 = arith.cmpi ne, %convert_element_type3A_97, %cond3A_98 : i32
      scf.if %cond3A_99 {
        "tpu.region"() ({
          %run_scoped3A_100 = tpu.sem_alloc : memref<!tpu.dma_semaphore, #tpu.memory_space<semaphore_mem>>
          %dma_start3A_101 = arith.constant 9480 : i32
          %dma_start3A_102 = arith.constant 0 : i32
          %dma_start3A_103 = tpu.memref_slice %arg11[%dma_start3A_101, %dma_start3A_102] : memref<10000x128xf32, #tpu.memory_space<vmem_shared>> -> memref<520x128xf32, #tpu.memory_space<vmem_shared>>
          %dma_start3A_104 = arith.constant 9480 : i32
          %dma_start3A_105 = arith.constant 0 : i32
          %dma_start3A_106 = tpu.memref_slice %arg2[%dma_start3A_104, %dma_start3A_105] : memref<10000x128xf32, #tpu.memory_space<hbm>> -> memref<520x128xf32, #tpu.memory_space<hbm>>
          tpu.enqueue_dma source(%dma_start3A_106 : memref<520x128xf32, #tpu.memory_space<hbm>>) target(%dma_start3A_103 : memref<520x128xf32, #tpu.memory_space<vmem_shared>>) target_semaphore(%run_scoped3A_100 : memref<!tpu.dma_semaphore, #tpu.memory_space<semaphore_mem>>)
          %dma_wait3A_107 = arith.constant 9480 : i32
          %dma_wait3A_108 = arith.constant 0 : i32
          %dma_wait3A_109 = tpu.memref_slice %arg11[%dma_wait3A_107, %dma_wait3A_108] : memref<10000x128xf32, #tpu.memory_space<vmem_shared>> -> memref<520x128xf32, #tpu.memory_space<vmem_shared>>
          %dma_wait3A_110 = arith.constant 9480 : i32
          %dma_wait3A_111 = arith.constant 0 : i32
          %dma_wait3A_112 = tpu.memref_slice %arg2[%dma_wait3A_110, %dma_wait3A_111] : memref<10000x128xf32, #tpu.memory_space<hbm>> -> memref<520x128xf32, #tpu.memory_space<hbm>>
          tpu.wait_dma2 semaphore(%run_scoped3A_100 : memref<!tpu.dma_semaphore, #tpu.memory_space<semaphore_mem>>) src(%dma_wait3A_112 : memref<520x128xf32, #tpu.memory_space<hbm>>) dst(%dma_wait3A_109 : memref<520x128xf32, #tpu.memory_space<vmem_shared>>)
          tpu.yield
        }) : () -> ()
      } else {
      }
    } else {
    }
    %eq3A_17 = arith.constant 1 : i32
    %eq3A_18 = arith.cmpi eq, %arg0, %eq3A_17 : i32
    %convert_element_type3A_19 = arith.extui %eq3A_18 : i1 to i32
    %cond3A_20 = arith.constant 0 : i32
    %cond3A_21 = arith.cmpi ne, %convert_element_type3A_19, %cond3A_20 : i32
    scf.if %cond3A_21 {
      %lt3A_90 = arith.constant 15 : i32
      %lt3A_91 = arith.cmpi slt, %arg1, %lt3A_90 : i32
      %convert_element_type3A_92 = arith.extui %lt3A_91 : i1 to i32
      %cond3A_93 = arith.constant 0 : i32
      %cond3A_94 = arith.cmpi ne, %convert_element_type3A_92, %cond3A_93 : i32
      scf.if %cond3A_94 {
        %mul3A_100 = arith.constant 632 : i32
        %mul3A_101 = arith.muli %arg1, %mul3A_100 : i32
        %multiple_of3A = tpu.assume_multiple %mul3A_101, 8 : i32
        "tpu.region"() ({
          %run_scoped3A_102 = tpu.sem_alloc : memref<!tpu.dma_semaphore, #tpu.memory_space<semaphore_mem>>
          %dma_start3A_103 = arith.constant 0 : i32
          %dma_start3A_104 = tpu.memref_slice %arg11[%multiple_of3A, %dma_start3A_103] : memref<10000x128xf32, #tpu.memory_space<vmem_shared>> -> memref<632x128xf32, #tpu.memory_space<vmem_shared>>
          %dma_start3A_105 = arith.constant 0 : i32
          %dma_start3A_106 = tpu.memref_slice %arg3[%multiple_of3A, %dma_start3A_105] : memref<10000x128xf32, #tpu.memory_space<hbm>> -> memref<632x128xf32, #tpu.memory_space<hbm>>
          tpu.enqueue_dma source(%dma_start3A_106 : memref<632x128xf32, #tpu.memory_space<hbm>>) target(%dma_start3A_104 : memref<632x128xf32, #tpu.memory_space<vmem_shared>>) target_semaphore(%run_scoped3A_102 : memref<!tpu.dma_semaphore, #tpu.memory_space<semaphore_mem>>)
          %dma_wait3A_107 = arith.constant 0 : i32
          %dma_wait3A_108 = tpu.memref_slice %arg11[%multiple_of3A, %dma_wait3A_107] : memref<10000x128xf32, #tpu.memory_space<vmem_shared>> -> memref<632x128xf32, #tpu.memory_space<vmem_shared>>
          %dma_wait3A_109 = arith.constant 0 : i32
          %dma_wait3A_110 = tpu.memref_slice %arg3[%multiple_of3A, %dma_wait3A_109] : memref<10000x128xf32, #tpu.memory_space<hbm>> -> memref<632x128xf32, #tpu.memory_space<hbm>>
          tpu.wait_dma2 semaphore(%run_scoped3A_102 : memref<!tpu.dma_semaphore, #tpu.memory_space<semaphore_mem>>) src(%dma_wait3A_110 : memref<632x128xf32, #tpu.memory_space<hbm>>) dst(%dma_wait3A_108 : memref<632x128xf32, #tpu.memory_space<vmem_shared>>)
          tpu.yield
        }) : () -> ()
      } else {
      }
      %eq3A_95 = arith.constant 15 : i32
      %eq3A_96 = arith.cmpi eq, %arg1, %eq3A_95 : i32
      %convert_element_type3A_97 = arith.extui %eq3A_96 : i1 to i32
      %cond3A_98 = arith.constant 0 : i32
      %cond3A_99 = arith.cmpi ne, %convert_element_type3A_97, %cond3A_98 : i32
      scf.if %cond3A_99 {
        "tpu.region"() ({
          %run_scoped3A_100 = tpu.sem_alloc : memref<!tpu.dma_semaphore, #tpu.memory_space<semaphore_mem>>
          %dma_start3A_101 = arith.constant 9480 : i32
          %dma_start3A_102 = arith.constant 0 : i32
          %dma_start3A_103 = tpu.memref_slice %arg11[%dma_start3A_101, %dma_start3A_102] : memref<10000x128xf32, #tpu.memory_space<vmem_shared>> -> memref<520x128xf32, #tpu.memory_space<vmem_shared>>
          %dma_start3A_104 = arith.constant 9480 : i32
          %dma_start3A_105 = arith.constant 0 : i32
          %dma_start3A_106 = tpu.memref_slice %arg3[%dma_start3A_104, %dma_start3A_105] : memref<10000x128xf32, #tpu.memory_space<hbm>> -> memref<520x128xf32, #tpu.memory_space<hbm>>
          tpu.enqueue_dma source(%dma_start3A_106 : memref<520x128xf32, #tpu.memory_space<hbm>>) target(%dma_start3A_103 : memref<520x128xf32, #tpu.memory_space<vmem_shared>>) target_semaphore(%run_scoped3A_100 : memref<!tpu.dma_semaphore, #tpu.memory_space<semaphore_mem>>)
          %dma_wait3A_107 = arith.constant 9480 : i32
          %dma_wait3A_108 = arith.constant 0 : i32
          %dma_wait3A_109 = tpu.memref_slice %arg11[%dma_wait3A_107, %dma_wait3A_108] : memref<10000x128xf32, #tpu.memory_space<vmem_shared>> -> memref<520x128xf32, #tpu.memory_space<vmem_shared>>
          %dma_wait3A_110 = arith.constant 9480 : i32
          %dma_wait3A_111 = arith.constant 0 : i32
          %dma_wait3A_112 = tpu.memref_slice %arg3[%dma_wait3A_110, %dma_wait3A_111] : memref<10000x128xf32, #tpu.memory_space<hbm>> -> memref<520x128xf32, #tpu.memory_space<hbm>>
          tpu.wait_dma2 semaphore(%run_scoped3A_100 : memref<!tpu.dma_semaphore, #tpu.memory_space<semaphore_mem>>) src(%dma_wait3A_112 : memref<520x128xf32, #tpu.memory_space<hbm>>) dst(%dma_wait3A_109 : memref<520x128xf32, #tpu.memory_space<vmem_shared>>)
          tpu.yield
        }) : () -> ()
      } else {
      }
    } else {
    }
    %barrier3A = arith.constant 0 : index
    tpu.barrier barrier_id(%barrier3A)
    %scan3A = arith.constant 0 : i32
    %scan3A_22 = arith.constant 0 : i32
    %scan3A_23 = arith.constant 19 : i32
    %scan3A_24 = arith.addi %scan3A_22, %scan3A_23 : i32
    %scan3A_25 = arith.constant 1 : i32
    scf.for %scan3A_90 = %scan3A_22 to %scan3A_24 step %scan3A_25  : i32 {
      %mul3A_91 = arith.constant 2 : i32
      %mul3A_92 = arith.muli %mul3A_91, %scan3A_90 : i32
      %dma_wait3A_93 = arith.constant 0 : i32
      %dma_wait3A_94 = arith.constant 0 : i32
      %dma_wait3A_95 = tpu.memref_slice %arg7[%dma_wait3A_93, %dma_wait3A_94] : memref<40x125xi32, #tpu.memory_space<vmem>> -> memref<1x125xi32, #tpu.memory_space<vmem>>
      %dma_wait3A_96 = tpu.memref_squeeze %dma_wait3A_95 : memref<1x125xi32, #tpu.memory_space<vmem>> -> memref<125xi32, #tpu.memory_space<vmem>>
      %dma_wait3A_97 = arith.constant 0 : i32
      %dma_wait3A_98 = arith.constant 0 : i32
      %dma_wait3A_99 = tpu.memref_slice %arg2[%dma_wait3A_97, %dma_wait3A_98] : memref<10000x128xf32, #tpu.memory_space<hbm>> -> memref<10000x128xf32, #tpu.memory_space<hbm>>
      tpu.wait_indirect_dma semaphore(%arg12 : memref<!tpu.dma_semaphore, #tpu.memory_space<semaphore_mem>>) src(%dma_wait3A_99 : memref<10000x128xf32, #tpu.memory_space<hbm>>) dst(%arg9 : memref<125x128xf32, #tpu.memory_space<vmem>>)
      "tpu.region"() ({
        %run_scoped3A_125 = tpu.sem_alloc : memref<!tpu.dma_semaphore, #tpu.memory_space<semaphore_mem>>
        %dma_start3A_126 = arith.constant 0 : i32
        %dma_start3A_127 = tpu.memref_slice %arg8[%mul3A_92, %dma_start3A_126] : memref<40x125xi32, #tpu.memory_space<vmem>> -> memref<1x125xi32, #tpu.memory_space<vmem>>
        %dma_start3A_128 = tpu.memref_squeeze %dma_start3A_127 : memref<1x125xi32, #tpu.memory_space<vmem>> -> memref<125xi32, #tpu.memory_space<vmem>>
        %dma_start3A_129 = arith.constant 0 : i32
        %dma_start3A_130 = arith.constant 0 : i32
        %dma_start3A_131 = tpu.memref_slice %arg11[%dma_start3A_129, %dma_start3A_130] : memref<10000x128xf32, #tpu.memory_space<vmem_shared>> -> memref<10000x128xf32, #tpu.memory_space<vmem_shared>>
        tpu.enqueue_indirect_dma source(%arg9 : memref<125x128xf32, #tpu.memory_space<vmem>>) target(%dma_start3A_131 : memref<10000x128xf32, #tpu.memory_space<vmem_shared>>) offsets(%dma_start3A_128 : memref<125xi32, #tpu.memory_space<vmem>>) semaphore(%run_scoped3A_125 : memref<!tpu.dma_semaphore, #tpu.memory_space<semaphore_mem>>) {add = true}
        %dma_wait3A_132 = arith.constant 0 : i32
        %dma_wait3A_133 = tpu.memref_slice %arg8[%mul3A_92, %dma_wait3A_132] : memref<40x125xi32, #tpu.memory_space<vmem>> -> memref<1x125xi32, #tpu.memory_space<vmem>>
        %dma_wait3A_134 = tpu.memref_squeeze %dma_wait3A_133 : memref<1x125xi32, #tpu.memory_space<vmem>> -> memref<125xi32, #tpu.memory_space<vmem>>
        %dma_wait3A_135 = arith.constant 0 : i32
        %dma_wait3A_136 = arith.constant 0 : i32
        %dma_wait3A_137 = tpu.memref_slice %arg11[%dma_wait3A_135, %dma_wait3A_136] : memref<10000x128xf32, #tpu.memory_space<vmem_shared>> -> memref<10000x128xf32, #tpu.memory_space<vmem_shared>>
        tpu.wait_indirect_dma semaphore(%run_scoped3A_125 : memref<!tpu.dma_semaphore, #tpu.memory_space<semaphore_mem>>) src(%arg9 : memref<125x128xf32, #tpu.memory_space<vmem>>) dst(%dma_wait3A_137 : memref<10000x128xf32, #tpu.memory_space<vmem_shared>>)
        tpu.yield
      }) : () -> ()
      %add3A_100 = arith.constant 2 : i32
      %add3A_101 = arith.addi %mul3A_92, %add3A_100 : i32
      %dma_start3A_102 = arith.constant 0 : i32
      %dma_start3A_103 = tpu.memref_slice %arg7[%add3A_101, %dma_start3A_102] : memref<40x125xi32, #tpu.memory_space<vmem>> -> memref<1x125xi32, #tpu.memory_space<vmem>>
      %dma_start3A_104 = tpu.memref_squeeze %dma_start3A_103 : memref<1x125xi32, #tpu.memory_space<vmem>> -> memref<125xi32, #tpu.memory_space<vmem>>
      %dma_start3A_105 = arith.constant 0 : i32
      %dma_start3A_106 = arith.constant 0 : i32
      %dma_start3A_107 = tpu.memref_slice %arg2[%dma_start3A_105, %dma_start3A_106] : memref<10000x128xf32, #tpu.memory_space<hbm>> -> memref<10000x128xf32, #tpu.memory_space<hbm>>
      tpu.enqueue_indirect_dma source(%dma_start3A_107 : memref<10000x128xf32, #tpu.memory_space<hbm>>) target(%arg9 : memref<125x128xf32, #tpu.memory_space<vmem>>) offsets(%dma_start3A_104 : memref<125xi32, #tpu.memory_space<vmem>>) semaphore(%arg12 : memref<!tpu.dma_semaphore, #tpu.memory_space<semaphore_mem>>)
      %dma_wait3A_108 = arith.constant 0 : i32
      %dma_wait3A_109 = arith.constant 0 : i32
      %dma_wait3A_110 = tpu.memref_slice %arg7[%dma_wait3A_108, %dma_wait3A_109] : memref<40x125xi32, #tpu.memory_space<vmem>> -> memref<1x125xi32, #tpu.memory_space<vmem>>
      %dma_wait3A_111 = tpu.memref_squeeze %dma_wait3A_110 : memref<1x125xi32, #tpu.memory_space<vmem>> -> memref<125xi32, #tpu.memory_space<vmem>>
      %dma_wait3A_112 = arith.constant 0 : i32
      %dma_wait3A_113 = arith.constant 0 : i32
      %dma_wait3A_114 = tpu.memref_slice %arg2[%dma_wait3A_112, %dma_wait3A_113] : memref<10000x128xf32, #tpu.memory_space<hbm>> -> memref<10000x128xf32, #tpu.memory_space<hbm>>
      tpu.wait_indirect_dma semaphore(%arg13 : memref<!tpu.dma_semaphore, #tpu.memory_space<semaphore_mem>>) src(%dma_wait3A_114 : memref<10000x128xf32, #tpu.memory_space<hbm>>) dst(%arg10 : memref<125x128xf32, #tpu.memory_space<vmem>>)
      %add3A_115 = arith.constant 1 : i32
      %add3A_116 = arith.addi %mul3A_92, %add3A_115 : i32
      "tpu.region"() ({
        %run_scoped3A_125 = tpu.sem_alloc : memref<!tpu.dma_semaphore, #tpu.memory_space<semaphore_mem>>
        %dma_start3A_126 = arith.constant 0 : i32
        %dma_start3A_127 = tpu.memref_slice %arg8[%add3A_116, %dma_start3A_126] : memref<40x125xi32, #tpu.memory_space<vmem>> -> memref<1x125xi32, #tpu.memory_space<vmem>>
        %dma_start3A_128 = tpu.memref_squeeze %dma_start3A_127 : memref<1x125xi32, #tpu.memory_space<vmem>> -> memref<125xi32, #tpu.memory_space<vmem>>
        %dma_start3A_129 = arith.constant 0 : i32
        %dma_start3A_130 = arith.constant 0 : i32
        %dma_start3A_131 = tpu.memref_slice %arg11[%dma_start3A_129, %dma_start3A_130] : memref<10000x128xf32, #tpu.memory_space<vmem_shared>> -> memref<10000x128xf32, #tpu.memory_space<vmem_shared>>
        tpu.enqueue_indirect_dma source(%arg10 : memref<125x128xf32, #tpu.memory_space<vmem>>) target(%dma_start3A_131 : memref<10000x128xf32, #tpu.memory_space<vmem_shared>>) offsets(%dma_start3A_128 : memref<125xi32, #tpu.memory_space<vmem>>) semaphore(%run_scoped3A_125 : memref<!tpu.dma_semaphore, #tpu.memory_space<semaphore_mem>>) {add = true}
        %dma_wait3A_132 = arith.constant 0 : i32
        %dma_wait3A_133 = tpu.memref_slice %arg8[%add3A_116, %dma_wait3A_132] : memref<40x125xi32, #tpu.memory_space<vmem>> -> memref<1x125xi32, #tpu.memory_space<vmem>>
        %dma_wait3A_134 = tpu.memref_squeeze %dma_wait3A_133 : memref<1x125xi32, #tpu.memory_space<vmem>> -> memref<125xi32, #tpu.memory_space<vmem>>
        %dma_wait3A_135 = arith.constant 0 : i32
        %dma_wait3A_136 = arith.constant 0 : i32
        %dma_wait3A_137 = tpu.memref_slice %arg11[%dma_wait3A_135, %dma_wait3A_136] : memref<10000x128xf32, #tpu.memory_space<vmem_shared>> -> memref<10000x128xf32, #tpu.memory_space<vmem_shared>>
        tpu.wait_indirect_dma semaphore(%run_scoped3A_125 : memref<!tpu.dma_semaphore, #tpu.memory_space<semaphore_mem>>) src(%arg10 : memref<125x128xf32, #tpu.memory_space<vmem>>) dst(%dma_wait3A_137 : memref<10000x128xf32, #tpu.memory_space<vmem_shared>>)
        tpu.yield
      }) : () -> ()
      %add3A_117 = arith.constant 3 : i32
      %add3A_118 = arith.addi %mul3A_92, %add3A_117 : i32
      %dma_start3A_119 = arith.constant 0 : i32
      %dma_start3A_120 = tpu.memref_slice %arg7[%add3A_118, %dma_start3A_119] : memref<40x125xi32, #tpu.memory_space<vmem>> -> memref<1x125xi32, #tpu.memory_space<vmem>>
      %dma_start3A_121 = tpu.memref_squeeze %dma_start3A_120 : memref<1x125xi32, #tpu.memory_space<vmem>> -> memref<125xi32, #tpu.memory_space<vmem>>
      %dma_start3A_122 = arith.constant 0 : i32
      %dma_start3A_123 = arith.constant 0 : i32
      %dma_start3A_124 = tpu.memref_slice %arg2[%dma_start3A_122, %dma_start3A_123] : memref<10000x128xf32, #tpu.memory_space<hbm>> -> memref<10000x128xf32, #tpu.memory_space<hbm>>
      tpu.enqueue_indirect_dma source(%dma_start3A_124 : memref<10000x128xf32, #tpu.memory_space<hbm>>) target(%arg10 : memref<125x128xf32, #tpu.memory_space<vmem>>) offsets(%dma_start3A_121 : memref<125xi32, #tpu.memory_space<vmem>>) semaphore(%arg13 : memref<!tpu.dma_semaphore, #tpu.memory_space<semaphore_mem>>)
    }
    %scan3A_26 = arith.constant 19 : i32
    %dma_wait3A = arith.constant 0 : i32
    %dma_wait3A_27 = arith.constant 0 : i32
    %dma_wait3A_28 = tpu.memref_slice %arg7[%dma_wait3A, %dma_wait3A_27] : memref<40x125xi32, #tpu.memory_space<vmem>> -> memref<1x125xi32, #tpu.memory_space<vmem>>
    %dma_wait3A_29 = tpu.memref_squeeze %dma_wait3A_28 : memref<1x125xi32, #tpu.memory_space<vmem>> -> memref<125xi32, #tpu.memory_space<vmem>>
    %dma_wait3A_30 = arith.constant 0 : i32
    %dma_wait3A_31 = arith.constant 0 : i32
    %dma_wait3A_32 = tpu.memref_slice %arg2[%dma_wait3A_30, %dma_wait3A_31] : memref<10000x128xf32, #tpu.memory_space<hbm>> -> memref<10000x128xf32, #tpu.memory_space<hbm>>
    tpu.wait_indirect_dma semaphore(%arg12 : memref<!tpu.dma_semaphore, #tpu.memory_space<semaphore_mem>>) src(%dma_wait3A_32 : memref<10000x128xf32, #tpu.memory_space<hbm>>) dst(%arg9 : memref<125x128xf32, #tpu.memory_space<vmem>>)
    %run_scoped3A_33 = arith.constant 38 : i32
    "tpu.region"() ({
      %run_scoped3A_90 = tpu.sem_alloc : memref<!tpu.dma_semaphore, #tpu.memory_space<semaphore_mem>>
      %dma_start3A_91 = arith.constant 0 : i32
      %dma_start3A_92 = tpu.memref_slice %arg8[%run_scoped3A_33, %dma_start3A_91] : memref<40x125xi32, #tpu.memory_space<vmem>> -> memref<1x125xi32, #tpu.memory_space<vmem>>
      %dma_start3A_93 = tpu.memref_squeeze %dma_start3A_92 : memref<1x125xi32, #tpu.memory_space<vmem>> -> memref<125xi32, #tpu.memory_space<vmem>>
      %dma_start3A_94 = arith.constant 0 : i32
      %dma_start3A_95 = arith.constant 0 : i32
      %dma_start3A_96 = tpu.memref_slice %arg11[%dma_start3A_94, %dma_start3A_95] : memref<10000x128xf32, #tpu.memory_space<vmem_shared>> -> memref<10000x128xf32, #tpu.memory_space<vmem_shared>>
      tpu.enqueue_indirect_dma source(%arg9 : memref<125x128xf32, #tpu.memory_space<vmem>>) target(%dma_start3A_96 : memref<10000x128xf32, #tpu.memory_space<vmem_shared>>) offsets(%dma_start3A_93 : memref<125xi32, #tpu.memory_space<vmem>>) semaphore(%run_scoped3A_90 : memref<!tpu.dma_semaphore, #tpu.memory_space<semaphore_mem>>) {add = true}
      %dma_wait3A_97 = arith.constant 0 : i32
      %dma_wait3A_98 = tpu.memref_slice %arg8[%run_scoped3A_33, %dma_wait3A_97] : memref<40x125xi32, #tpu.memory_space<vmem>> -> memref<1x125xi32, #tpu.memory_space<vmem>>
      %dma_wait3A_99 = tpu.memref_squeeze %dma_wait3A_98 : memref<1x125xi32, #tpu.memory_space<vmem>> -> memref<125xi32, #tpu.memory_space<vmem>>
      %dma_wait3A_100 = arith.constant 0 : i32
      %dma_wait3A_101 = arith.constant 0 : i32
      %dma_wait3A_102 = tpu.memref_slice %arg11[%dma_wait3A_100, %dma_wait3A_101] : memref<10000x128xf32, #tpu.memory_space<vmem_shared>> -> memref<10000x128xf32, #tpu.memory_space<vmem_shared>>
      tpu.wait_indirect_dma semaphore(%run_scoped3A_90 : memref<!tpu.dma_semaphore, #tpu.memory_space<semaphore_mem>>) src(%arg9 : memref<125x128xf32, #tpu.memory_space<vmem>>) dst(%dma_wait3A_102 : memref<10000x128xf32, #tpu.memory_space<vmem_shared>>)
      tpu.yield
    }) : () -> ()
    %dma_wait3A_34 = arith.constant 0 : i32
    %dma_wait3A_35 = arith.constant 0 : i32
    %dma_wait3A_36 = tpu.memref_slice %arg7[%dma_wait3A_34, %dma_wait3A_35] : memref<40x125xi32, #tpu.memory_space<vmem>> -> memref<1x125xi32, #tpu.memory_space<vmem>>
    %dma_wait3A_37 = tpu.memref_squeeze %dma_wait3A_36 : memref<1x125xi32, #tpu.memory_space<vmem>> -> memref<125xi32, #tpu.memory_space<vmem>>
    %dma_wait3A_38 = arith.constant 0 : i32
    %dma_wait3A_39 = arith.constant 0 : i32
    %dma_wait3A_40 = tpu.memref_slice %arg2[%dma_wait3A_38, %dma_wait3A_39] : memref<10000x128xf32, #tpu.memory_space<hbm>> -> memref<10000x128xf32, #tpu.memory_space<hbm>>
    tpu.wait_indirect_dma semaphore(%arg13 : memref<!tpu.dma_semaphore, #tpu.memory_space<semaphore_mem>>) src(%dma_wait3A_40 : memref<10000x128xf32, #tpu.memory_space<hbm>>) dst(%arg10 : memref<125x128xf32, #tpu.memory_space<vmem>>)
    %run_scoped3A_41 = arith.constant 39 : i32
    "tpu.region"() ({
      %run_scoped3A_90 = tpu.sem_alloc : memref<!tpu.dma_semaphore, #tpu.memory_space<semaphore_mem>>
      %dma_start3A_91 = arith.constant 0 : i32
      %dma_start3A_92 = tpu.memref_slice %arg8[%run_scoped3A_41, %dma_start3A_91] : memref<40x125xi32, #tpu.memory_space<vmem>> -> memref<1x125xi32, #tpu.memory_space<vmem>>
      %dma_start3A_93 = tpu.memref_squeeze %dma_start3A_92 : memref<1x125xi32, #tpu.memory_space<vmem>> -> memref<125xi32, #tpu.memory_space<vmem>>
      %dma_start3A_94 = arith.constant 0 : i32
      %dma_start3A_95 = arith.constant 0 : i32
      %dma_start3A_96 = tpu.memref_slice %arg11[%dma_start3A_94, %dma_start3A_95] : memref<10000x128xf32, #tpu.memory_space<vmem_shared>> -> memref<10000x128xf32, #tpu.memory_space<vmem_shared>>
      tpu.enqueue_indirect_dma source(%arg10 : memref<125x128xf32, #tpu.memory_space<vmem>>) target(%dma_start3A_96 : memref<10000x128xf32, #tpu.memory_space<vmem_shared>>) offsets(%dma_start3A_93 : memref<125xi32, #tpu.memory_space<vmem>>) semaphore(%run_scoped3A_90 : memref<!tpu.dma_semaphore, #tpu.memory_space<semaphore_mem>>) {add = true}
      %dma_wait3A_97 = arith.constant 0 : i32
      %dma_wait3A_98 = tpu.memref_slice %arg8[%run_scoped3A_41, %dma_wait3A_97] : memref<40x125xi32, #tpu.memory_space<vmem>> -> memref<1x125xi32, #tpu.memory_space<vmem>>
      %dma_wait3A_99 = tpu.memref_squeeze %dma_wait3A_98 : memref<1x125xi32, #tpu.memory_space<vmem>> -> memref<125xi32, #tpu.memory_space<vmem>>
      %dma_wait3A_100 = arith.constant 0 : i32
      %dma_wait3A_101 = arith.constant 0 : i32
      %dma_wait3A_102 = tpu.memref_slice %arg11[%dma_wait3A_100, %dma_wait3A_101] : memref<10000x128xf32, #tpu.memory_space<vmem_shared>> -> memref<10000x128xf32, #tpu.memory_space<vmem_shared>>
      tpu.wait_indirect_dma semaphore(%run_scoped3A_90 : memref<!tpu.dma_semaphore, #tpu.memory_space<semaphore_mem>>) src(%arg10 : memref<125x128xf32, #tpu.memory_space<vmem>>) dst(%dma_wait3A_102 : memref<10000x128xf32, #tpu.memory_space<vmem_shared>>)
      tpu.yield
    }) : () -> ()
    %run_scoped3A_42 = arith.constant 1 : i32
    "tpu.region"() ({
      %run_scoped3A_90 = tpu.sem_alloc : memref<!tpu.dma_semaphore, #tpu.memory_space<semaphore_mem>>
      %dma_start3A_91 = arith.constant 0 : i32
      %dma_start3A_92 = arith.constant 0 : i32
      %dma_start3A_93 = arith.constant 0 : i32
      %dma_start3A_94 = tpu.memref_slice %arg4[%add3A, %dma_start3A_91, %dma_start3A_92, %dma_start3A_93] : memref<32x2x40x125xi32, #tpu.memory_space<hbm>> -> memref<1x2x40x125xi32, #tpu.memory_space<hbm>>
      %dma_start3A_95 = tpu.memref_squeeze %dma_start3A_94 : memref<1x2x40x125xi32, #tpu.memory_space<hbm>> -> memref<2x40x125xi32, #tpu.memory_space<hbm>>
      %dma_start3A_96 = arith.constant 0 : i32
      %dma_start3A_97 = arith.constant 0 : i32
      %dma_start3A_98 = tpu.memref_slice %dma_start3A_95[%run_scoped3A_42, %dma_start3A_96, %dma_start3A_97] : memref<2x40x125xi32, #tpu.memory_space<hbm>> -> memref<1x40x125xi32, #tpu.memory_space<hbm>>
      %dma_start3A_99 = tpu.memref_squeeze %dma_start3A_98 : memref<1x40x125xi32, #tpu.memory_space<hbm>> -> memref<40x125xi32, #tpu.memory_space<hbm>>
      %dma_start3A_100 = arith.constant 0 : i32
      %dma_start3A_101 = arith.constant 0 : i32
      %dma_start3A_102 = arith.constant 0 : i32
      %dma_start3A_103 = tpu.memref_slice %arg4[%add3A, %dma_start3A_100, %dma_start3A_101, %dma_start3A_102] : memref<32x2x40x125xi32, #tpu.memory_space<hbm>> -> memref<1x2x40x125xi32, #tpu.memory_space<hbm>>
      %dma_start3A_104 = tpu.memref_squeeze %dma_start3A_103 : memref<1x2x40x125xi32, #tpu.memory_space<hbm>> -> memref<2x40x125xi32, #tpu.memory_space<hbm>>
      %dma_start3A_105 = arith.constant 0 : i32
      %dma_start3A_106 = arith.constant 0 : i32
      %dma_start3A_107 = tpu.memref_slice %dma_start3A_104[%run_scoped3A_42, %dma_start3A_105, %dma_start3A_106] : memref<2x40x125xi32, #tpu.memory_space<hbm>> -> memref<1x40x125xi32, #tpu.memory_space<hbm>>
      %dma_start3A_108 = tpu.memref_squeeze %dma_start3A_107 : memref<1x40x125xi32, #tpu.memory_space<hbm>> -> memref<40x125xi32, #tpu.memory_space<hbm>>
      tpu.enqueue_dma source(%dma_start3A_108 : memref<40x125xi32, #tpu.memory_space<hbm>>) target(%arg7 : memref<40x125xi32, #tpu.memory_space<vmem>>) target_semaphore(%run_scoped3A_90 : memref<!tpu.dma_semaphore, #tpu.memory_space<semaphore_mem>>)
      %dma_wait3A_109 = arith.constant 0 : i32
      %dma_wait3A_110 = arith.constant 0 : i32
      %dma_wait3A_111 = arith.constant 0 : i32
      %dma_wait3A_112 = tpu.memref_slice %arg4[%add3A, %dma_wait3A_109, %dma_wait3A_110, %dma_wait3A_111] : memref<32x2x40x125xi32, #tpu.memory_space<hbm>> -> memref<1x2x40x125xi32, #tpu.memory_space<hbm>>
      %dma_wait3A_113 = tpu.memref_squeeze %dma_wait3A_112 : memref<1x2x40x125xi32, #tpu.memory_space<hbm>> -> memref<2x40x125xi32, #tpu.memory_space<hbm>>
      %dma_wait3A_114 = arith.constant 0 : i32
      %dma_wait3A_115 = arith.constant 0 : i32
      %dma_wait3A_116 = tpu.memref_slice %dma_wait3A_113[%run_scoped3A_42, %dma_wait3A_114, %dma_wait3A_115] : memref<2x40x125xi32, #tpu.memory_space<hbm>> -> memref<1x40x125xi32, #tpu.memory_space<hbm>>
      %dma_wait3A_117 = tpu.memref_squeeze %dma_wait3A_116 : memref<1x40x125xi32, #tpu.memory_space<hbm>> -> memref<40x125xi32, #tpu.memory_space<hbm>>
      %dma_wait3A_118 = arith.constant 0 : i32
      %dma_wait3A_119 = arith.constant 0 : i32
      %dma_wait3A_120 = arith.constant 0 : i32
      %dma_wait3A_121 = tpu.memref_slice %arg4[%add3A, %dma_wait3A_118, %dma_wait3A_119, %dma_wait3A_120] : memref<32x2x40x125xi32, #tpu.memory_space<hbm>> -> memref<1x2x40x125xi32, #tpu.memory_space<hbm>>
      %dma_wait3A_122 = tpu.memref_squeeze %dma_wait3A_121 : memref<1x2x40x125xi32, #tpu.memory_space<hbm>> -> memref<2x40x125xi32, #tpu.memory_space<hbm>>
      %dma_wait3A_123 = arith.constant 0 : i32
      %dma_wait3A_124 = arith.constant 0 : i32
      %dma_wait3A_125 = tpu.memref_slice %dma_wait3A_122[%run_scoped3A_42, %dma_wait3A_123, %dma_wait3A_124] : memref<2x40x125xi32, #tpu.memory_space<hbm>> -> memref<1x40x125xi32, #tpu.memory_space<hbm>>
      %dma_wait3A_126 = tpu.memref_squeeze %dma_wait3A_125 : memref<1x40x125xi32, #tpu.memory_space<hbm>> -> memref<40x125xi32, #tpu.memory_space<hbm>>
      tpu.wait_dma2 semaphore(%run_scoped3A_90 : memref<!tpu.dma_semaphore, #tpu.memory_space<semaphore_mem>>) src(%dma_wait3A_126 : memref<40x125xi32, #tpu.memory_space<hbm>>) dst(%arg7 : memref<40x125xi32, #tpu.memory_space<vmem>>)
      tpu.yield
    }) : () -> ()
    %run_scoped3A_43 = arith.constant 1 : i32
    "tpu.region"() ({
      %run_scoped3A_90 = tpu.sem_alloc : memref<!tpu.dma_semaphore, #tpu.memory_space<semaphore_mem>>
      %dma_start3A_91 = arith.constant 0 : i32
      %dma_start3A_92 = arith.constant 0 : i32
      %dma_start3A_93 = arith.constant 0 : i32
      %dma_start3A_94 = tpu.memref_slice %arg5[%add3A, %dma_start3A_91, %dma_start3A_92, %dma_start3A_93] : memref<32x2x40x125xi32, #tpu.memory_space<hbm>> -> memref<1x2x40x125xi32, #tpu.memory_space<hbm>>
      %dma_start3A_95 = tpu.memref_squeeze %dma_start3A_94 : memref<1x2x40x125xi32, #tpu.memory_space<hbm>> -> memref<2x40x125xi32, #tpu.memory_space<hbm>>
      %dma_start3A_96 = arith.constant 0 : i32
      %dma_start3A_97 = arith.constant 0 : i32
      %dma_start3A_98 = tpu.memref_slice %dma_start3A_95[%run_scoped3A_43, %dma_start3A_96, %dma_start3A_97] : memref<2x40x125xi32, #tpu.memory_space<hbm>> -> memref<1x40x125xi32, #tpu.memory_space<hbm>>
      %dma_start3A_99 = tpu.memref_squeeze %dma_start3A_98 : memref<1x40x125xi32, #tpu.memory_space<hbm>> -> memref<40x125xi32, #tpu.memory_space<hbm>>
      %dma_start3A_100 = arith.constant 0 : i32
      %dma_start3A_101 = arith.constant 0 : i32
      %dma_start3A_102 = arith.constant 0 : i32
      %dma_start3A_103 = tpu.memref_slice %arg5[%add3A, %dma_start3A_100, %dma_start3A_101, %dma_start3A_102] : memref<32x2x40x125xi32, #tpu.memory_space<hbm>> -> memref<1x2x40x125xi32, #tpu.memory_space<hbm>>
      %dma_start3A_104 = tpu.memref_squeeze %dma_start3A_103 : memref<1x2x40x125xi32, #tpu.memory_space<hbm>> -> memref<2x40x125xi32, #tpu.memory_space<hbm>>
      %dma_start3A_105 = arith.constant 0 : i32
      %dma_start3A_106 = arith.constant 0 : i32
      %dma_start3A_107 = tpu.memref_slice %dma_start3A_104[%run_scoped3A_43, %dma_start3A_105, %dma_start3A_106] : memref<2x40x125xi32, #tpu.memory_space<hbm>> -> memref<1x40x125xi32, #tpu.memory_space<hbm>>
      %dma_start3A_108 = tpu.memref_squeeze %dma_start3A_107 : memref<1x40x125xi32, #tpu.memory_space<hbm>> -> memref<40x125xi32, #tpu.memory_space<hbm>>
      tpu.enqueue_dma source(%dma_start3A_108 : memref<40x125xi32, #tpu.memory_space<hbm>>) target(%arg8 : memref<40x125xi32, #tpu.memory_space<vmem>>) target_semaphore(%run_scoped3A_90 : memref<!tpu.dma_semaphore, #tpu.memory_space<semaphore_mem>>)
      %dma_wait3A_109 = arith.constant 0 : i32
      %dma_wait3A_110 = arith.constant 0 : i32
      %dma_wait3A_111 = arith.constant 0 : i32
      %dma_wait3A_112 = tpu.memref_slice %arg5[%add3A, %dma_wait3A_109, %dma_wait3A_110, %dma_wait3A_111] : memref<32x2x40x125xi32, #tpu.memory_space<hbm>> -> memref<1x2x40x125xi32, #tpu.memory_space<hbm>>
      %dma_wait3A_113 = tpu.memref_squeeze %dma_wait3A_112 : memref<1x2x40x125xi32, #tpu.memory_space<hbm>> -> memref<2x40x125xi32, #tpu.memory_space<hbm>>
      %dma_wait3A_114 = arith.constant 0 : i32
      %dma_wait3A_115 = arith.constant 0 : i32
      %dma_wait3A_116 = tpu.memref_slice %dma_wait3A_113[%run_scoped3A_43, %dma_wait3A_114, %dma_wait3A_115] : memref<2x40x125xi32, #tpu.memory_space<hbm>> -> memref<1x40x125xi32, #tpu.memory_space<hbm>>
      %dma_wait3A_117 = tpu.memref_squeeze %dma_wait3A_116 : memref<1x40x125xi32, #tpu.memory_space<hbm>> -> memref<40x125xi32, #tpu.memory_space<hbm>>
      %dma_wait3A_118 = arith.constant 0 : i32
      %dma_wait3A_119 = arith.constant 0 : i32
      %dma_wait3A_120 = arith.constant 0 : i32
      %dma_wait3A_121 = tpu.memref_slice %arg5[%add3A, %dma_wait3A_118, %dma_wait3A_119, %dma_wait3A_120] : memref<32x2x40x125xi32, #tpu.memory_space<hbm>> -> memref<1x2x40x125xi32, #tpu.memory_space<hbm>>
      %dma_wait3A_122 = tpu.memref_squeeze %dma_wait3A_121 : memref<1x2x40x125xi32, #tpu.memory_space<hbm>> -> memref<2x40x125xi32, #tpu.memory_space<hbm>>
      %dma_wait3A_123 = arith.constant 0 : i32
      %dma_wait3A_124 = arith.constant 0 : i32
      %dma_wait3A_125 = tpu.memref_slice %dma_wait3A_122[%run_scoped3A_43, %dma_wait3A_123, %dma_wait3A_124] : memref<2x40x125xi32, #tpu.memory_space<hbm>> -> memref<1x40x125xi32, #tpu.memory_space<hbm>>
      %dma_wait3A_126 = tpu.memref_squeeze %dma_wait3A_125 : memref<1x40x125xi32, #tpu.memory_space<hbm>> -> memref<40x125xi32, #tpu.memory_space<hbm>>
      tpu.wait_dma2 semaphore(%run_scoped3A_90 : memref<!tpu.dma_semaphore, #tpu.memory_space<semaphore_mem>>) src(%dma_wait3A_126 : memref<40x125xi32, #tpu.memory_space<hbm>>) dst(%arg8 : memref<40x125xi32, #tpu.memory_space<vmem>>)
      tpu.yield
    }) : () -> ()
    %dma_start3A_44 = arith.constant 0 : i32
    %dma_start3A_45 = arith.constant 0 : i32
    %dma_start3A_46 = tpu.memref_slice %arg7[%dma_start3A_44, %dma_start3A_45] : memref<40x125xi32, #tpu.memory_space<vmem>> -> memref<1x125xi32, #tpu.memory_space<vmem>>
    %dma_start3A_47 = tpu.memref_squeeze %dma_start3A_46 : memref<1x125xi32, #tpu.memory_space<vmem>> -> memref<125xi32, #tpu.memory_space<vmem>>
    %dma_start3A_48 = arith.constant 0 : i32
    %dma_start3A_49 = arith.constant 0 : i32
    %dma_start3A_50 = tpu.memref_slice %arg2[%dma_start3A_48, %dma_start3A_49] : memref<10000x128xf32, #tpu.memory_space<hbm>> -> memref<10000x128xf32, #tpu.memory_space<hbm>>
    tpu.enqueue_indirect_dma source(%dma_start3A_50 : memref<10000x128xf32, #tpu.memory_space<hbm>>) target(%arg9 : memref<125x128xf32, #tpu.memory_space<vmem>>) offsets(%dma_start3A_47 : memref<125xi32, #tpu.memory_space<vmem>>) semaphore(%arg12 : memref<!tpu.dma_semaphore, #tpu.memory_space<semaphore_mem>>)
    %dma_start3A_51 = arith.constant 1 : i32
    %dma_start3A_52 = arith.constant 0 : i32
    %dma_start3A_53 = tpu.memref_slice %arg7[%dma_start3A_51, %dma_start3A_52] : memref<40x125xi32, #tpu.memory_space<vmem>> -> memref<1x125xi32, #tpu.memory_space<vmem>>
    %dma_start3A_54 = tpu.memref_squeeze %dma_start3A_53 : memref<1x125xi32, #tpu.memory_space<vmem>> -> memref<125xi32, #tpu.memory_space<vmem>>
    %dma_start3A_55 = arith.constant 0 : i32
    %dma_start3A_56 = arith.constant 0 : i32
    %dma_start3A_57 = tpu.memref_slice %arg2[%dma_start3A_55, %dma_start3A_56] : memref<10000x128xf32, #tpu.memory_space<hbm>> -> memref<10000x128xf32, #tpu.memory_space<hbm>>
    tpu.enqueue_indirect_dma source(%dma_start3A_57 : memref<10000x128xf32, #tpu.memory_space<hbm>>) target(%arg10 : memref<125x128xf32, #tpu.memory_space<vmem>>) offsets(%dma_start3A_54 : memref<125xi32, #tpu.memory_space<vmem>>) semaphore(%arg13 : memref<!tpu.dma_semaphore, #tpu.memory_space<semaphore_mem>>)
    %scan3A_58 = arith.constant 0 : i32
    %scan3A_59 = arith.constant 0 : i32
    %scan3A_60 = arith.constant 19 : i32
    %scan3A_61 = arith.addi %scan3A_59, %scan3A_60 : i32
    %scan3A_62 = arith.constant 1 : i32
    scf.for %scan3A_90 = %scan3A_59 to %scan3A_61 step %scan3A_62  : i32 {
      %mul3A_91 = arith.constant 2 : i32
      %mul3A_92 = arith.muli %mul3A_91, %scan3A_90 : i32
      %dma_wait3A_93 = arith.constant 0 : i32
      %dma_wait3A_94 = arith.constant 0 : i32
      %dma_wait3A_95 = tpu.memref_slice %arg7[%dma_wait3A_93, %dma_wait3A_94] : memref<40x125xi32, #tpu.memory_space<vmem>> -> memref<1x125xi32, #tpu.memory_space<vmem>>
      %dma_wait3A_96 = tpu.memref_squeeze %dma_wait3A_95 : memref<1x125xi32, #tpu.memory_space<vmem>> -> memref<125xi32, #tpu.memory_space<vmem>>
      %dma_wait3A_97 = arith.constant 0 : i32
      %dma_wait3A_98 = arith.constant 0 : i32
      %dma_wait3A_99 = tpu.memref_slice %arg2[%dma_wait3A_97, %dma_wait3A_98] : memref<10000x128xf32, #tpu.memory_space<hbm>> -> memref<10000x128xf32, #tpu.memory_space<hbm>>
      tpu.wait_indirect_dma semaphore(%arg12 : memref<!tpu.dma_semaphore, #tpu.memory_space<semaphore_mem>>) src(%dma_wait3A_99 : memref<10000x128xf32, #tpu.memory_space<hbm>>) dst(%arg9 : memref<125x128xf32, #tpu.memory_space<vmem>>)
      "tpu.region"() ({
        %run_scoped3A_125 = tpu.sem_alloc : memref<!tpu.dma_semaphore, #tpu.memory_space<semaphore_mem>>
        %dma_start3A_126 = arith.constant 0 : i32
        %dma_start3A_127 = tpu.memref_slice %arg8[%mul3A_92, %dma_start3A_126] : memref<40x125xi32, #tpu.memory_space<vmem>> -> memref<1x125xi32, #tpu.memory_space<vmem>>
        %dma_start3A_128 = tpu.memref_squeeze %dma_start3A_127 : memref<1x125xi32, #tpu.memory_space<vmem>> -> memref<125xi32, #tpu.memory_space<vmem>>
        %dma_start3A_129 = arith.constant 0 : i32
        %dma_start3A_130 = arith.constant 0 : i32
        %dma_start3A_131 = tpu.memref_slice %arg11[%dma_start3A_129, %dma_start3A_130] : memref<10000x128xf32, #tpu.memory_space<vmem_shared>> -> memref<10000x128xf32, #tpu.memory_space<vmem_shared>>
        tpu.enqueue_indirect_dma source(%arg9 : memref<125x128xf32, #tpu.memory_space<vmem>>) target(%dma_start3A_131 : memref<10000x128xf32, #tpu.memory_space<vmem_shared>>) offsets(%dma_start3A_128 : memref<125xi32, #tpu.memory_space<vmem>>) semaphore(%run_scoped3A_125 : memref<!tpu.dma_semaphore, #tpu.memory_space<semaphore_mem>>) {add = true}
        %dma_wait3A_132 = arith.constant 0 : i32
        %dma_wait3A_133 = tpu.memref_slice %arg8[%mul3A_92, %dma_wait3A_132] : memref<40x125xi32, #tpu.memory_space<vmem>> -> memref<1x125xi32, #tpu.memory_space<vmem>>
        %dma_wait3A_134 = tpu.memref_squeeze %dma_wait3A_133 : memref<1x125xi32, #tpu.memory_space<vmem>> -> memref<125xi32, #tpu.memory_space<vmem>>
        %dma_wait3A_135 = arith.constant 0 : i32
        %dma_wait3A_136 = arith.constant 0 : i32
        %dma_wait3A_137 = tpu.memref_slice %arg11[%dma_wait3A_135, %dma_wait3A_136] : memref<10000x128xf32, #tpu.memory_space<vmem_shared>> -> memref<10000x128xf32, #tpu.memory_space<vmem_shared>>
        tpu.wait_indirect_dma semaphore(%run_scoped3A_125 : memref<!tpu.dma_semaphore, #tpu.memory_space<semaphore_mem>>) src(%arg9 : memref<125x128xf32, #tpu.memory_space<vmem>>) dst(%dma_wait3A_137 : memref<10000x128xf32, #tpu.memory_space<vmem_shared>>)
        tpu.yield
      }) : () -> ()
      %add3A_100 = arith.constant 2 : i32
      %add3A_101 = arith.addi %mul3A_92, %add3A_100 : i32
      %dma_start3A_102 = arith.constant 0 : i32
      %dma_start3A_103 = tpu.memref_slice %arg7[%add3A_101, %dma_start3A_102] : memref<40x125xi32, #tpu.memory_space<vmem>> -> memref<1x125xi32, #tpu.memory_space<vmem>>
      %dma_start3A_104 = tpu.memref_squeeze %dma_start3A_103 : memref<1x125xi32, #tpu.memory_space<vmem>> -> memref<125xi32, #tpu.memory_space<vmem>>
      %dma_start3A_105 = arith.constant 0 : i32
      %dma_start3A_106 = arith.constant 0 : i32
      %dma_start3A_107 = tpu.memref_slice %arg2[%dma_start3A_105, %dma_start3A_106] : memref<10000x128xf32, #tpu.memory_space<hbm>> -> memref<10000x128xf32, #tpu.memory_space<hbm>>
      tpu.enqueue_indirect_dma source(%dma_start3A_107 : memref<10000x128xf32, #tpu.memory_space<hbm>>) target(%arg9 : memref<125x128xf32, #tpu.memory_space<vmem>>) offsets(%dma_start3A_104 : memref<125xi32, #tpu.memory_space<vmem>>) semaphore(%arg12 : memref<!tpu.dma_semaphore, #tpu.memory_space<semaphore_mem>>)
      %dma_wait3A_108 = arith.constant 0 : i32
      %dma_wait3A_109 = arith.constant 0 : i32
      %dma_wait3A_110 = tpu.memref_slice %arg7[%dma_wait3A_108, %dma_wait3A_109] : memref<40x125xi32, #tpu.memory_space<vmem>> -> memref<1x125xi32, #tpu.memory_space<vmem>>
      %dma_wait3A_111 = tpu.memref_squeeze %dma_wait3A_110 : memref<1x125xi32, #tpu.memory_space<vmem>> -> memref<125xi32, #tpu.memory_space<vmem>>
      %dma_wait3A_112 = arith.constant 0 : i32
      %dma_wait3A_113 = arith.constant 0 : i32
      %dma_wait3A_114 = tpu.memref_slice %arg2[%dma_wait3A_112, %dma_wait3A_113] : memref<10000x128xf32, #tpu.memory_space<hbm>> -> memref<10000x128xf32, #tpu.memory_space<hbm>>
      tpu.wait_indirect_dma semaphore(%arg13 : memref<!tpu.dma_semaphore, #tpu.memory_space<semaphore_mem>>) src(%dma_wait3A_114 : memref<10000x128xf32, #tpu.memory_space<hbm>>) dst(%arg10 : memref<125x128xf32, #tpu.memory_space<vmem>>)
      %add3A_115 = arith.constant 1 : i32
      %add3A_116 = arith.addi %mul3A_92, %add3A_115 : i32
      "tpu.region"() ({
        %run_scoped3A_125 = tpu.sem_alloc : memref<!tpu.dma_semaphore, #tpu.memory_space<semaphore_mem>>
        %dma_start3A_126 = arith.constant 0 : i32
        %dma_start3A_127 = tpu.memref_slice %arg8[%add3A_116, %dma_start3A_126] : memref<40x125xi32, #tpu.memory_space<vmem>> -> memref<1x125xi32, #tpu.memory_space<vmem>>
        %dma_start3A_128 = tpu.memref_squeeze %dma_start3A_127 : memref<1x125xi32, #tpu.memory_space<vmem>> -> memref<125xi32, #tpu.memory_space<vmem>>
        %dma_start3A_129 = arith.constant 0 : i32
        %dma_start3A_130 = arith.constant 0 : i32
        %dma_start3A_131 = tpu.memref_slice %arg11[%dma_start3A_129, %dma_start3A_130] : memref<10000x128xf32, #tpu.memory_space<vmem_shared>> -> memref<10000x128xf32, #tpu.memory_space<vmem_shared>>
        tpu.enqueue_indirect_dma source(%arg10 : memref<125x128xf32, #tpu.memory_space<vmem>>) target(%dma_start3A_131 : memref<10000x128xf32, #tpu.memory_space<vmem_shared>>) offsets(%dma_start3A_128 : memref<125xi32, #tpu.memory_space<vmem>>) semaphore(%run_scoped3A_125 : memref<!tpu.dma_semaphore, #tpu.memory_space<semaphore_mem>>) {add = true}
        %dma_wait3A_132 = arith.constant 0 : i32
        %dma_wait3A_133 = tpu.memref_slice %arg8[%add3A_116, %dma_wait3A_132] : memref<40x125xi32, #tpu.memory_space<vmem>> -> memref<1x125xi32, #tpu.memory_space<vmem>>
        %dma_wait3A_134 = tpu.memref_squeeze %dma_wait3A_133 : memref<1x125xi32, #tpu.memory_space<vmem>> -> memref<125xi32, #tpu.memory_space<vmem>>
        %dma_wait3A_135 = arith.constant 0 : i32
        %dma_wait3A_136 = arith.constant 0 : i32
        %dma_wait3A_137 = tpu.memref_slice %arg11[%dma_wait3A_135, %dma_wait3A_136] : memref<10000x128xf32, #tpu.memory_space<vmem_shared>> -> memref<10000x128xf32, #tpu.memory_space<vmem_shared>>
        tpu.wait_indirect_dma semaphore(%run_scoped3A_125 : memref<!tpu.dma_semaphore, #tpu.memory_space<semaphore_mem>>) src(%arg10 : memref<125x128xf32, #tpu.memory_space<vmem>>) dst(%dma_wait3A_137 : memref<10000x128xf32, #tpu.memory_space<vmem_shared>>)
        tpu.yield
      }) : () -> ()
      %add3A_117 = arith.constant 3 : i32
      %add3A_118 = arith.addi %mul3A_92, %add3A_117 : i32
      %dma_start3A_119 = arith.constant 0 : i32
      %dma_start3A_120 = tpu.memref_slice %arg7[%add3A_118, %dma_start3A_119] : memref<40x125xi32, #tpu.memory_space<vmem>> -> memref<1x125xi32, #tpu.memory_space<vmem>>
      %dma_start3A_121 = tpu.memref_squeeze %dma_start3A_120 : memref<1x125xi32, #tpu.memory_space<vmem>> -> memref<125xi32, #tpu.memory_space<vmem>>
      %dma_start3A_122 = arith.constant 0 : i32
      %dma_start3A_123 = arith.constant 0 : i32
      %dma_start3A_124 = tpu.memref_slice %arg2[%dma_start3A_122, %dma_start3A_123] : memref<10000x128xf32, #tpu.memory_space<hbm>> -> memref<10000x128xf32, #tpu.memory_space<hbm>>
      tpu.enqueue_indirect_dma source(%dma_start3A_124 : memref<10000x128xf32, #tpu.memory_space<hbm>>) target(%arg10 : memref<125x128xf32, #tpu.memory_space<vmem>>) offsets(%dma_start3A_121 : memref<125xi32, #tpu.memory_space<vmem>>) semaphore(%arg13 : memref<!tpu.dma_semaphore, #tpu.memory_space<semaphore_mem>>)
    }
    %scan3A_63 = arith.constant 19 : i32
    %dma_wait3A_64 = arith.constant 0 : i32
    %dma_wait3A_65 = arith.constant 0 : i32
    %dma_wait3A_66 = tpu.memref_slice %arg7[%dma_wait3A_64, %dma_wait3A_65] : memref<40x125xi32, #tpu.memory_space<vmem>> -> memref<1x125xi32, #tpu.memory_space<vmem>>
    %dma_wait3A_67 = tpu.memref_squeeze %dma_wait3A_66 : memref<1x125xi32, #tpu.memory_space<vmem>> -> memref<125xi32, #tpu.memory_space<vmem>>
    %dma_wait3A_68 = arith.constant 0 : i32
    %dma_wait3A_69 = arith.constant 0 : i32
    %dma_wait3A_70 = tpu.memref_slice %arg2[%dma_wait3A_68, %dma_wait3A_69] : memref<10000x128xf32, #tpu.memory_space<hbm>> -> memref<10000x128xf32, #tpu.memory_space<hbm>>
    tpu.wait_indirect_dma semaphore(%arg12 : memref<!tpu.dma_semaphore, #tpu.memory_space<semaphore_mem>>) src(%dma_wait3A_70 : memref<10000x128xf32, #tpu.memory_space<hbm>>) dst(%arg9 : memref<125x128xf32, #tpu.memory_space<vmem>>)
    %run_scoped3A_71 = arith.constant 38 : i32
    "tpu.region"() ({
      %run_scoped3A_90 = tpu.sem_alloc : memref<!tpu.dma_semaphore, #tpu.memory_space<semaphore_mem>>
      %dma_start3A_91 = arith.constant 0 : i32
      %dma_start3A_92 = tpu.memref_slice %arg8[%run_scoped3A_71, %dma_start3A_91] : memref<40x125xi32, #tpu.memory_space<vmem>> -> memref<1x125xi32, #tpu.memory_space<vmem>>
      %dma_start3A_93 = tpu.memref_squeeze %dma_start3A_92 : memref<1x125xi32, #tpu.memory_space<vmem>> -> memref<125xi32, #tpu.memory_space<vmem>>
      %dma_start3A_94 = arith.constant 0 : i32
      %dma_start3A_95 = arith.constant 0 : i32
      %dma_start3A_96 = tpu.memref_slice %arg11[%dma_start3A_94, %dma_start3A_95] : memref<10000x128xf32, #tpu.memory_space<vmem_shared>> -> memref<10000x128xf32, #tpu.memory_space<vmem_shared>>
      tpu.enqueue_indirect_dma source(%arg9 : memref<125x128xf32, #tpu.memory_space<vmem>>) target(%dma_start3A_96 : memref<10000x128xf32, #tpu.memory_space<vmem_shared>>) offsets(%dma_start3A_93 : memref<125xi32, #tpu.memory_space<vmem>>) semaphore(%run_scoped3A_90 : memref<!tpu.dma_semaphore, #tpu.memory_space<semaphore_mem>>) {add = true}
      %dma_wait3A_97 = arith.constant 0 : i32
      %dma_wait3A_98 = tpu.memref_slice %arg8[%run_scoped3A_71, %dma_wait3A_97] : memref<40x125xi32, #tpu.memory_space<vmem>> -> memref<1x125xi32, #tpu.memory_space<vmem>>
      %dma_wait3A_99 = tpu.memref_squeeze %dma_wait3A_98 : memref<1x125xi32, #tpu.memory_space<vmem>> -> memref<125xi32, #tpu.memory_space<vmem>>
      %dma_wait3A_100 = arith.constant 0 : i32
      %dma_wait3A_101 = arith.constant 0 : i32
      %dma_wait3A_102 = tpu.memref_slice %arg11[%dma_wait3A_100, %dma_wait3A_101] : memref<10000x128xf32, #tpu.memory_space<vmem_shared>> -> memref<10000x128xf32, #tpu.memory_space<vmem_shared>>
      tpu.wait_indirect_dma semaphore(%run_scoped3A_90 : memref<!tpu.dma_semaphore, #tpu.memory_space<semaphore_mem>>) src(%arg9 : memref<125x128xf32, #tpu.memory_space<vmem>>) dst(%dma_wait3A_102 : memref<10000x128xf32, #tpu.memory_space<vmem_shared>>)
      tpu.yield
    }) : () -> ()
    %dma_wait3A_72 = arith.constant 0 : i32
    %dma_wait3A_73 = arith.constant 0 : i32
    %dma_wait3A_74 = tpu.memref_slice %arg7[%dma_wait3A_72, %dma_wait3A_73] : memref<40x125xi32, #tpu.memory_space<vmem>> -> memref<1x125xi32, #tpu.memory_space<vmem>>
    %dma_wait3A_75 = tpu.memref_squeeze %dma_wait3A_74 : memref<1x125xi32, #tpu.memory_space<vmem>> -> memref<125xi32, #tpu.memory_space<vmem>>
    %dma_wait3A_76 = arith.constant 0 : i32
    %dma_wait3A_77 = arith.constant 0 : i32
    %dma_wait3A_78 = tpu.memref_slice %arg2[%dma_wait3A_76, %dma_wait3A_77] : memref<10000x128xf32, #tpu.memory_space<hbm>> -> memref<10000x128xf32, #tpu.memory_space<hbm>>
    tpu.wait_indirect_dma semaphore(%arg13 : memref<!tpu.dma_semaphore, #tpu.memory_space<semaphore_mem>>) src(%dma_wait3A_78 : memref<10000x128xf32, #tpu.memory_space<hbm>>) dst(%arg10 : memref<125x128xf32, #tpu.memory_space<vmem>>)
    %run_scoped3A_79 = arith.constant 39 : i32
    "tpu.region"() ({
      %run_scoped3A_90 = tpu.sem_alloc : memref<!tpu.dma_semaphore, #tpu.memory_space<semaphore_mem>>
      %dma_start3A_91 = arith.constant 0 : i32
      %dma_start3A_92 = tpu.memref_slice %arg8[%run_scoped3A_79, %dma_start3A_91] : memref<40x125xi32, #tpu.memory_space<vmem>> -> memref<1x125xi32, #tpu.memory_space<vmem>>
      %dma_start3A_93 = tpu.memref_squeeze %dma_start3A_92 : memref<1x125xi32, #tpu.memory_space<vmem>> -> memref<125xi32, #tpu.memory_space<vmem>>
      %dma_start3A_94 = arith.constant 0 : i32
      %dma_start3A_95 = arith.constant 0 : i32
      %dma_start3A_96 = tpu.memref_slice %arg11[%dma_start3A_94, %dma_start3A_95] : memref<10000x128xf32, #tpu.memory_space<vmem_shared>> -> memref<10000x128xf32, #tpu.memory_space<vmem_shared>>
      tpu.enqueue_indirect_dma source(%arg10 : memref<125x128xf32, #tpu.memory_space<vmem>>) target(%dma_start3A_96 : memref<10000x128xf32, #tpu.memory_space<vmem_shared>>) offsets(%dma_start3A_93 : memref<125xi32, #tpu.memory_space<vmem>>) semaphore(%run_scoped3A_90 : memref<!tpu.dma_semaphore, #tpu.memory_space<semaphore_mem>>) {add = true}
      %dma_wait3A_97 = arith.constant 0 : i32
      %dma_wait3A_98 = tpu.memref_slice %arg8[%run_scoped3A_79, %dma_wait3A_97] : memref<40x125xi32, #tpu.memory_space<vmem>> -> memref<1x125xi32, #tpu.memory_space<vmem>>
      %dma_wait3A_99 = tpu.memref_squeeze %dma_wait3A_98 : memref<1x125xi32, #tpu.memory_space<vmem>> -> memref<125xi32, #tpu.memory_space<vmem>>
      %dma_wait3A_100 = arith.constant 0 : i32
      %dma_wait3A_101 = arith.constant 0 : i32
      %dma_wait3A_102 = tpu.memref_slice %arg11[%dma_wait3A_100, %dma_wait3A_101] : memref<10000x128xf32, #tpu.memory_space<vmem_shared>> -> memref<10000x128xf32, #tpu.memory_space<vmem_shared>>
      tpu.wait_indirect_dma semaphore(%run_scoped3A_90 : memref<!tpu.dma_semaphore, #tpu.memory_space<semaphore_mem>>) src(%arg10 : memref<125x128xf32, #tpu.memory_space<vmem>>) dst(%dma_wait3A_102 : memref<10000x128xf32, #tpu.memory_space<vmem_shared>>)
      tpu.yield
    }) : () -> ()
    %barrier3A_80 = arith.constant 0 : index
    tpu.barrier barrier_id(%barrier3A_80)
    %lt3A = arith.constant 15 : i32
    %lt3A_81 = arith.cmpi slt, %arg1, %lt3A : i32
    %convert_element_type3A_82 = arith.extui %lt3A_81 : i1 to i32
    %cond3A_83 = arith.constant 0 : i32
    %cond3A_84 = arith.cmpi ne, %convert_element_type3A_82, %cond3A_83 : i32
    scf.if %cond3A_84 {
      %mul3A_90 = arith.constant 632 : i32
      %mul3A_91 = arith.muli %arg1, %mul3A_90 : i32
      %multiple_of3A = tpu.assume_multiple %mul3A_91, 8 : i32
      "tpu.region"() ({
        %run_scoped3A_92 = tpu.sem_alloc : memref<!tpu.dma_semaphore, #tpu.memory_space<semaphore_mem>>
        %dma_start3A_93 = arith.constant 0 : i32
        %dma_start3A_94 = arith.constant 0 : i32
        %dma_start3A_95 = tpu.memref_slice %arg6[%arg0, %dma_start3A_93, %dma_start3A_94] : memref<2x10000x128xf32, #tpu.memory_space<hbm>> -> memref<1x10000x128xf32, #tpu.memory_space<hbm>>
        %dma_start3A_96 = tpu.memref_squeeze %dma_start3A_95 : memref<1x10000x128xf32, #tpu.memory_space<hbm>> -> memref<10000x128xf32, #tpu.memory_space<hbm>>
        %dma_start3A_97 = arith.constant 0 : i32
        %dma_start3A_98 = tpu.memref_slice %dma_start3A_96[%multiple_of3A, %dma_start3A_97] : memref<10000x128xf32, #tpu.memory_space<hbm>> -> memref<632x128xf32, #tpu.memory_space<hbm>>
        %dma_start3A_99 = arith.constant 0 : i32
        %dma_start3A_100 = tpu.memref_slice %arg11[%multiple_of3A, %dma_start3A_99] : memref<10000x128xf32, #tpu.memory_space<vmem_shared>> -> memref<632x128xf32, #tpu.memory_space<vmem_shared>>
        tpu.enqueue_dma source(%dma_start3A_100 : memref<632x128xf32, #tpu.memory_space<vmem_shared>>) target(%dma_start3A_98 : memref<632x128xf32, #tpu.memory_space<hbm>>) target_semaphore(%run_scoped3A_92 : memref<!tpu.dma_semaphore, #tpu.memory_space<semaphore_mem>>)
        %dma_wait3A_101 = arith.constant 0 : i32
        %dma_wait3A_102 = arith.constant 0 : i32
        %dma_wait3A_103 = tpu.memref_slice %arg6[%arg0, %dma_wait3A_101, %dma_wait3A_102] : memref<2x10000x128xf32, #tpu.memory_space<hbm>> -> memref<1x10000x128xf32, #tpu.memory_space<hbm>>
        %dma_wait3A_104 = tpu.memref_squeeze %dma_wait3A_103 : memref<1x10000x128xf32, #tpu.memory_space<hbm>> -> memref<10000x128xf32, #tpu.memory_space<hbm>>
        %dma_wait3A_105 = arith.constant 0 : i32
        %dma_wait3A_106 = tpu.memref_slice %dma_wait3A_104[%multiple_of3A, %dma_wait3A_105] : memref<10000x128xf32, #tpu.memory_space<hbm>> -> memref<632x128xf32, #tpu.memory_space<hbm>>
        %dma_wait3A_107 = arith.constant 0 : i32
        %dma_wait3A_108 = tpu.memref_slice %arg11[%multiple_of3A, %dma_wait3A_107] : memref<10000x128xf32, #tpu.memory_space<vmem_shared>> -> memref<632x128xf32, #tpu.memory_space<vmem_shared>>
        tpu.wait_dma2 semaphore(%run_scoped3A_92 : memref<!tpu.dma_semaphore, #tpu.memory_space<semaphore_mem>>) src(%dma_wait3A_108 : memref<632x128xf32, #tpu.memory_space<vmem_shared>>) dst(%dma_wait3A_106 : memref<632x128xf32, #tpu.memory_space<hbm>>)
        tpu.yield
      }) : () -> ()
    } else {
    }
    %eq3A_85 = arith.constant 15 : i32
    %eq3A_86 = arith.cmpi eq, %arg1, %eq3A_85 : i32
    %convert_element_type3A_87 = arith.extui %eq3A_86 : i1 to i32
    %cond3A_88 = arith.constant 0 : i32
    %cond3A_89 = arith.cmpi ne, %convert_element_type3A_87, %cond3A_88 : i32
    scf.if %cond3A_89 {
      "tpu.region"() ({
        %run_scoped3A_90 = tpu.sem_alloc : memref<!tpu.dma_semaphore, #tpu.memory_space<semaphore_mem>>
        %dma_start3A_91 = arith.constant 0 : i32
        %dma_start3A_92 = arith.constant 0 : i32
        %dma_start3A_93 = tpu.memref_slice %arg6[%arg0, %dma_start3A_91, %dma_start3A_92] : memref<2x10000x128xf32, #tpu.memory_space<hbm>> -> memref<1x10000x128xf32, #tpu.memory_space<hbm>>
        %dma_start3A_94 = tpu.memref_squeeze %dma_start3A_93 : memref<1x10000x128xf32, #tpu.memory_space<hbm>> -> memref<10000x128xf32, #tpu.memory_space<hbm>>
        %dma_start3A_95 = arith.constant 9480 : i32
        %dma_start3A_96 = arith.constant 0 : i32
        %dma_start3A_97 = tpu.memref_slice %dma_start3A_94[%dma_start3A_95, %dma_start3A_96] : memref<10000x128xf32, #tpu.memory_space<hbm>> -> memref<520x128xf32, #tpu.memory_space<hbm>>
        %dma_start3A_98 = arith.constant 9480 : i32
        %dma_start3A_99 = arith.constant 0 : i32
        %dma_start3A_100 = tpu.memref_slice %arg11[%dma_start3A_98, %dma_start3A_99] : memref<10000x128xf32, #tpu.memory_space<vmem_shared>> -> memref<520x128xf32, #tpu.memory_space<vmem_shared>>
        tpu.enqueue_dma source(%dma_start3A_100 : memref<520x128xf32, #tpu.memory_space<vmem_shared>>) target(%dma_start3A_97 : memref<520x128xf32, #tpu.memory_space<hbm>>) target_semaphore(%run_scoped3A_90 : memref<!tpu.dma_semaphore, #tpu.memory_space<semaphore_mem>>)
        %dma_wait3A_101 = arith.constant 0 : i32
        %dma_wait3A_102 = arith.constant 0 : i32
        %dma_wait3A_103 = tpu.memref_slice %arg6[%arg0, %dma_wait3A_101, %dma_wait3A_102] : memref<2x10000x128xf32, #tpu.memory_space<hbm>> -> memref<1x10000x128xf32, #tpu.memory_space<hbm>>
        %dma_wait3A_104 = tpu.memref_squeeze %dma_wait3A_103 : memref<1x10000x128xf32, #tpu.memory_space<hbm>> -> memref<10000x128xf32, #tpu.memory_space<hbm>>
        %dma_wait3A_105 = arith.constant 9480 : i32
        %dma_wait3A_106 = arith.constant 0 : i32
        %dma_wait3A_107 = tpu.memref_slice %dma_wait3A_104[%dma_wait3A_105, %dma_wait3A_106] : memref<10000x128xf32, #tpu.memory_space<hbm>> -> memref<520x128xf32, #tpu.memory_space<hbm>>
        %dma_wait3A_108 = arith.constant 9480 : i32
        %dma_wait3A_109 = arith.constant 0 : i32
        %dma_wait3A_110 = tpu.memref_slice %arg11[%dma_wait3A_108, %dma_wait3A_109] : memref<10000x128xf32, #tpu.memory_space<vmem_shared>> -> memref<520x128xf32, #tpu.memory_space<vmem_shared>>
        tpu.wait_dma2 semaphore(%run_scoped3A_90 : memref<!tpu.dma_semaphore, #tpu.memory_space<semaphore_mem>>) src(%dma_wait3A_110 : memref<520x128xf32, #tpu.memory_space<vmem_shared>>) dst(%dma_wait3A_107 : memref<520x128xf32, #tpu.memory_space<hbm>>)
        tpu.yield
      }) : () -> ()
    } else {
    }
    return
  }
}

#map = affine_map<(d0, d1) -> (0, 0)>
#map1 = affine_map<(d0, d1) -> (0, 0, 0, 0)>
#map2 = affine_map<(d0, d1) -> (0, 0, 0)>
module attributes {stable_mosaic.version = 14 : i64} {
  func.func @_sc_agg_body(%arg0: i32, %arg1: i32, %arg2: memref<10000x128xf32, #tpu.memory_space<hbm>>, %arg3: memref<10000x128xf32, #tpu.memory_space<hbm>>, %arg4: memref<32x2x40x125xi32, #tpu.memory_space<hbm>>, %arg5: memref<32x2x40x125xi32, #tpu.memory_space<hbm>>, %arg6: memref<2x10000x128xf32, #tpu.memory_space<hbm>>, %arg7: memref<40x125xi32, #tpu.memory_space<vmem>>, %arg8: memref<40x125xi32, #tpu.memory_space<vmem>>, %arg9: memref<125x128xf32, #tpu.memory_space<vmem>>, %arg10: memref<125x128xf32, #tpu.memory_space<vmem>>, %arg11: memref<10000x128xf32, #tpu.memory_space<vmem_shared>>, %arg12: memref<!tpu.dma_semaphore, #tpu.memory_space<semaphore_mem>>, %arg13: memref<!tpu.dma_semaphore, #tpu.memory_space<semaphore_mem>>) attributes {dimension_semantics = [#tpu.dimension_semantics<core_parallel>, #tpu.dimension_semantics<subcore_parallel>], iteration_bounds = array<i64: 2, 16>, scalar_prefetch = 0 : i64, scratch_operands = 7 : i64, tpu.core_type = #tpu.core_type<sc_vector_subcore>, window_params = [{transform_indices = #map}, {transform_indices = #map}, {transform_indices = #map1}, {transform_indices = #map1}, {transform_indices = #map2}]} {
    %mul3A = arith.constant 2 : i32
    %mul3A_0 = arith.muli %arg1, %mul3A : i32
    %add3A = arith.addi %mul3A_0, %arg0 : i32
    %run_scoped3A = arith.constant 0 : i32
    "tpu.region"() ({
      %run_scoped3A_90 = tpu.sem_alloc : memref<!tpu.dma_semaphore, #tpu.memory_space<semaphore_mem>>
      %dma_start3A_91 = arith.constant 0 : i32
      %dma_start3A_92 = arith.constant 0 : i32
      %dma_start3A_93 = arith.constant 0 : i32
      %dma_start3A_94 = tpu.memref_slice %arg4[%add3A, %dma_start3A_91, %dma_start3A_92, %dma_start3A_93] : memref<32x2x40x125xi32, #tpu.memory_space<hbm>> -> memref<1x2x40x125xi32, #tpu.memory_space<hbm>>
      %dma_start3A_95 = tpu.memref_squeeze %dma_start3A_94 : memref<1x2x40x125xi32, #tpu.memory_space<hbm>> -> memref<2x40x125xi32, #tpu.memory_space<hbm>>
      %dma_start3A_96 = arith.constant 0 : i32
      %dma_start3A_97 = arith.constant 0 : i32
      %dma_start3A_98 = tpu.memref_slice %dma_start3A_95[%run_scoped3A, %dma_start3A_96, %dma_start3A_97] : memref<2x40x125xi32, #tpu.memory_space<hbm>> -> memref<1x40x125xi32, #tpu.memory_space<hbm>>
      %dma_start3A_99 = tpu.memref_squeeze %dma_start3A_98 : memref<1x40x125xi32, #tpu.memory_space<hbm>> -> memref<40x125xi32, #tpu.memory_space<hbm>>
      %dma_start3A_100 = arith.constant 0 : i32
      %dma_start3A_101 = arith.constant 0 : i32
      %dma_start3A_102 = arith.constant 0 : i32
      %dma_start3A_103 = tpu.memref_slice %arg4[%add3A, %dma_start3A_100, %dma_start3A_101, %dma_start3A_102] : memref<32x2x40x125xi32, #tpu.memory_space<hbm>> -> memref<1x2x40x125xi32, #tpu.memory_space<hbm>>
      %dma_start3A_104 = tpu.memref_squeeze %dma_start3A_103 : memref<1x2x40x125xi32, #tpu.memory_space<hbm>> -> memref<2x40x125xi32, #tpu.memory_space<hbm>>
      %dma_start3A_105 = arith.constant 0 : i32
      %dma_start3A_106 = arith.constant 0 : i32
      %dma_start3A_107 = tpu.memref_slice %dma_start3A_104[%run_scoped3A, %dma_start3A_105, %dma_start3A_106] : memref<2x40x125xi32, #tpu.memory_space<hbm>> -> memref<1x40x125xi32, #tpu.memory_space<hbm>>
      %dma_start3A_108 = tpu.memref_squeeze %dma_start3A_107 : memref<1x40x125xi32, #tpu.memory_space<hbm>> -> memref<40x125xi32, #tpu.memory_space<hbm>>
      tpu.enqueue_dma source(%dma_start3A_108 : memref<40x125xi32, #tpu.memory_space<hbm>>) target(%arg7 : memref<40x125xi32, #tpu.memory_space<vmem>>) target_semaphore(%run_scoped3A_90 : memref<!tpu.dma_semaphore, #tpu.memory_space<semaphore_mem>>)
      %dma_wait3A_109 = arith.constant 0 : i32
      %dma_wait3A_110 = arith.constant 0 : i32
      %dma_wait3A_111 = arith.constant 0 : i32
      %dma_wait3A_112 = tpu.memref_slice %arg4[%add3A, %dma_wait3A_109, %dma_wait3A_110, %dma_wait3A_111] : memref<32x2x40x125xi32, #tpu.memory_space<hbm>> -> memref<1x2x40x125xi32, #tpu.memory_space<hbm>>
      %dma_wait3A_113 = tpu.memref_squeeze %dma_wait3A_112 : memref<1x2x40x125xi32, #tpu.memory_space<hbm>> -> memref<2x40x125xi32, #tpu.memory_space<hbm>>
      %dma_wait3A_114 = arith.constant 0 : i32
      %dma_wait3A_115 = arith.constant 0 : i32
      %dma_wait3A_116 = tpu.memref_slice %dma_wait3A_113[%run_scoped3A, %dma_wait3A_114, %dma_wait3A_115] : memref<2x40x125xi32, #tpu.memory_space<hbm>> -> memref<1x40x125xi32, #tpu.memory_space<hbm>>
      %dma_wait3A_117 = tpu.memref_squeeze %dma_wait3A_116 : memref<1x40x125xi32, #tpu.memory_space<hbm>> -> memref<40x125xi32, #tpu.memory_space<hbm>>
      %dma_wait3A_118 = arith.constant 0 : i32
      %dma_wait3A_119 = arith.constant 0 : i32
      %dma_wait3A_120 = arith.constant 0 : i32
      %dma_wait3A_121 = tpu.memref_slice %arg4[%add3A, %dma_wait3A_118, %dma_wait3A_119, %dma_wait3A_120] : memref<32x2x40x125xi32, #tpu.memory_space<hbm>> -> memref<1x2x40x125xi32, #tpu.memory_space<hbm>>
      %dma_wait3A_122 = tpu.memref_squeeze %dma_wait3A_121 : memref<1x2x40x125xi32, #tpu.memory_space<hbm>> -> memref<2x40x125xi32, #tpu.memory_space<hbm>>
      %dma_wait3A_123 = arith.constant 0 : i32
      %dma_wait3A_124 = arith.constant 0 : i32
      %dma_wait3A_125 = tpu.memref_slice %dma_wait3A_122[%run_scoped3A, %dma_wait3A_123, %dma_wait3A_124] : memref<2x40x125xi32, #tpu.memory_space<hbm>> -> memref<1x40x125xi32, #tpu.memory_space<hbm>>
      %dma_wait3A_126 = tpu.memref_squeeze %dma_wait3A_125 : memref<1x40x125xi32, #tpu.memory_space<hbm>> -> memref<40x125xi32, #tpu.memory_space<hbm>>
      tpu.wait_dma2 semaphore(%run_scoped3A_90 : memref<!tpu.dma_semaphore, #tpu.memory_space<semaphore_mem>>) src(%dma_wait3A_126 : memref<40x125xi32, #tpu.memory_space<hbm>>) dst(%arg7 : memref<40x125xi32, #tpu.memory_space<vmem>>)
      tpu.yield
    }) : () -> ()
    %run_scoped3A_1 = arith.constant 0 : i32
    "tpu.region"() ({
      %run_scoped3A_90 = tpu.sem_alloc : memref<!tpu.dma_semaphore, #tpu.memory_space<semaphore_mem>>
      %dma_start3A_91 = arith.constant 0 : i32
      %dma_start3A_92 = arith.constant 0 : i32
      %dma_start3A_93 = arith.constant 0 : i32
      %dma_start3A_94 = tpu.memref_slice %arg5[%add3A, %dma_start3A_91, %dma_start3A_92, %dma_start3A_93] : memref<32x2x40x125xi32, #tpu.memory_space<hbm>> -> memref<1x2x40x125xi32, #tpu.memory_space<hbm>>
      %dma_start3A_95 = tpu.memref_squeeze %dma_start3A_94 : memref<1x2x40x125xi32, #tpu.memory_space<hbm>> -> memref<2x40x125xi32, #tpu.memory_space<hbm>>
      %dma_start3A_96 = arith.constant 0 : i32
      %dma_start3A_97 = arith.constant 0 : i32
      %dma_start3A_98 = tpu.memref_slice %dma_start3A_95[%run_scoped3A_1, %dma_start3A_96, %dma_start3A_97] : memref<2x40x125xi32, #tpu.memory_space<hbm>> -> memref<1x40x125xi32, #tpu.memory_space<hbm>>
      %dma_start3A_99 = tpu.memref_squeeze %dma_start3A_98 : memref<1x40x125xi32, #tpu.memory_space<hbm>> -> memref<40x125xi32, #tpu.memory_space<hbm>>
      %dma_start3A_100 = arith.constant 0 : i32
      %dma_start3A_101 = arith.constant 0 : i32
      %dma_start3A_102 = arith.constant 0 : i32
      %dma_start3A_103 = tpu.memref_slice %arg5[%add3A, %dma_start3A_100, %dma_start3A_101, %dma_start3A_102] : memref<32x2x40x125xi32, #tpu.memory_space<hbm>> -> memref<1x2x40x125xi32, #tpu.memory_space<hbm>>
      %dma_start3A_104 = tpu.memref_squeeze %dma_start3A_103 : memref<1x2x40x125xi32, #tpu.memory_space<hbm>> -> memref<2x40x125xi32, #tpu.memory_space<hbm>>
      %dma_start3A_105 = arith.constant 0 : i32
      %dma_start3A_106 = arith.constant 0 : i32
      %dma_start3A_107 = tpu.memref_slice %dma_start3A_104[%run_scoped3A_1, %dma_start3A_105, %dma_start3A_106] : memref<2x40x125xi32, #tpu.memory_space<hbm>> -> memref<1x40x125xi32, #tpu.memory_space<hbm>>
      %dma_start3A_108 = tpu.memref_squeeze %dma_start3A_107 : memref<1x40x125xi32, #tpu.memory_space<hbm>> -> memref<40x125xi32, #tpu.memory_space<hbm>>
      tpu.enqueue_dma source(%dma_start3A_108 : memref<40x125xi32, #tpu.memory_space<hbm>>) target(%arg8 : memref<40x125xi32, #tpu.memory_space<vmem>>) target_semaphore(%run_scoped3A_90 : memref<!tpu.dma_semaphore, #tpu.memory_space<semaphore_mem>>)
      %dma_wait3A_109 = arith.constant 0 : i32
      %dma_wait3A_110 = arith.constant 0 : i32
      %dma_wait3A_111 = arith.constant 0 : i32
      %dma_wait3A_112 = tpu.memref_slice %arg5[%add3A, %dma_wait3A_109, %dma_wait3A_110, %dma_wait3A_111] : memref<32x2x40x125xi32, #tpu.memory_space<hbm>> -> memref<1x2x40x125xi32, #tpu.memory_space<hbm>>
      %dma_wait3A_113 = tpu.memref_squeeze %dma_wait3A_112 : memref<1x2x40x125xi32, #tpu.memory_space<hbm>> -> memref<2x40x125xi32, #tpu.memory_space<hbm>>
      %dma_wait3A_114 = arith.constant 0 : i32
      %dma_wait3A_115 = arith.constant 0 : i32
      %dma_wait3A_116 = tpu.memref_slice %dma_wait3A_113[%run_scoped3A_1, %dma_wait3A_114, %dma_wait3A_115] : memref<2x40x125xi32, #tpu.memory_space<hbm>> -> memref<1x40x125xi32, #tpu.memory_space<hbm>>
      %dma_wait3A_117 = tpu.memref_squeeze %dma_wait3A_116 : memref<1x40x125xi32, #tpu.memory_space<hbm>> -> memref<40x125xi32, #tpu.memory_space<hbm>>
      %dma_wait3A_118 = arith.constant 0 : i32
      %dma_wait3A_119 = arith.constant 0 : i32
      %dma_wait3A_120 = arith.constant 0 : i32
      %dma_wait3A_121 = tpu.memref_slice %arg5[%add3A, %dma_wait3A_118, %dma_wait3A_119, %dma_wait3A_120] : memref<32x2x40x125xi32, #tpu.memory_space<hbm>> -> memref<1x2x40x125xi32, #tpu.memory_space<hbm>>
      %dma_wait3A_122 = tpu.memref_squeeze %dma_wait3A_121 : memref<1x2x40x125xi32, #tpu.memory_space<hbm>> -> memref<2x40x125xi32, #tpu.memory_space<hbm>>
      %dma_wait3A_123 = arith.constant 0 : i32
      %dma_wait3A_124 = arith.constant 0 : i32
      %dma_wait3A_125 = tpu.memref_slice %dma_wait3A_122[%run_scoped3A_1, %dma_wait3A_123, %dma_wait3A_124] : memref<2x40x125xi32, #tpu.memory_space<hbm>> -> memref<1x40x125xi32, #tpu.memory_space<hbm>>
      %dma_wait3A_126 = tpu.memref_squeeze %dma_wait3A_125 : memref<1x40x125xi32, #tpu.memory_space<hbm>> -> memref<40x125xi32, #tpu.memory_space<hbm>>
      tpu.wait_dma2 semaphore(%run_scoped3A_90 : memref<!tpu.dma_semaphore, #tpu.memory_space<semaphore_mem>>) src(%dma_wait3A_126 : memref<40x125xi32, #tpu.memory_space<hbm>>) dst(%arg8 : memref<40x125xi32, #tpu.memory_space<vmem>>)
      tpu.yield
    }) : () -> ()
    %dma_start3A = arith.constant 0 : i32
    %dma_start3A_2 = arith.constant 0 : i32
    %dma_start3A_3 = tpu.memref_slice %arg7[%dma_start3A, %dma_start3A_2] : memref<40x125xi32, #tpu.memory_space<vmem>> -> memref<1x125xi32, #tpu.memory_space<vmem>>
    %dma_start3A_4 = tpu.memref_squeeze %dma_start3A_3 : memref<1x125xi32, #tpu.memory_space<vmem>> -> memref<125xi32, #tpu.memory_space<vmem>>
    %dma_start3A_5 = arith.constant 0 : i32
    %dma_start3A_6 = arith.constant 0 : i32
    %dma_start3A_7 = tpu.memref_slice %arg2[%dma_start3A_5, %dma_start3A_6] : memref<10000x128xf32, #tpu.memory_space<hbm>> -> memref<10000x128xf32, #tpu.memory_space<hbm>>
    tpu.enqueue_indirect_dma source(%dma_start3A_7 : memref<10000x128xf32, #tpu.memory_space<hbm>>) target(%arg9 : memref<125x128xf32, #tpu.memory_space<vmem>>) offsets(%dma_start3A_4 : memref<125xi32, #tpu.memory_space<vmem>>) semaphore(%arg12 : memref<!tpu.dma_semaphore, #tpu.memory_space<semaphore_mem>>)
    %dma_start3A_8 = arith.constant 1 : i32
    %dma_start3A_9 = arith.constant 0 : i32
    %dma_start3A_10 = tpu.memref_slice %arg7[%dma_start3A_8, %dma_start3A_9] : memref<40x125xi32, #tpu.memory_space<vmem>> -> memref<1x125xi32, #tpu.memory_space<vmem>>
    %dma_start3A_11 = tpu.memref_squeeze %dma_start3A_10 : memref<1x125xi32, #tpu.memory_space<vmem>> -> memref<125xi32, #tpu.memory_space<vmem>>
    %dma_start3A_12 = arith.constant 0 : i32
    %dma_start3A_13 = arith.constant 0 : i32
    %dma_start3A_14 = tpu.memref_slice %arg2[%dma_start3A_12, %dma_start3A_13] : memref<10000x128xf32, #tpu.memory_space<hbm>> -> memref<10000x128xf32, #tpu.memory_space<hbm>>
    tpu.enqueue_indirect_dma source(%dma_start3A_14 : memref<10000x128xf32, #tpu.memory_space<hbm>>) target(%arg10 : memref<125x128xf32, #tpu.memory_space<vmem>>) offsets(%dma_start3A_11 : memref<125xi32, #tpu.memory_space<vmem>>) semaphore(%arg13 : memref<!tpu.dma_semaphore, #tpu.memory_space<semaphore_mem>>)
    %eq3A = arith.constant 0 : i32
    %eq3A_15 = arith.cmpi eq, %arg0, %eq3A : i32
    %convert_element_type3A = arith.extui %eq3A_15 : i1 to i32
    %cond3A = arith.constant 0 : i32
    %cond3A_16 = arith.cmpi ne, %convert_element_type3A, %cond3A : i32
    scf.if %cond3A_16 {
      %lt3A_90 = arith.constant 15 : i32
      %lt3A_91 = arith.cmpi slt, %arg1, %lt3A_90 : i32
      %convert_element_type3A_92 = arith.extui %lt3A_91 : i1 to i32
      %cond3A_93 = arith.constant 0 : i32
      %cond3A_94 = arith.cmpi ne, %convert_element_type3A_92, %cond3A_93 : i32
      scf.if %cond3A_94 {
        %mul3A_100 = arith.constant 632 : i32
        %mul3A_101 = arith.muli %arg1, %mul3A_100 : i32
        %multiple_of3A = tpu.assume_multiple %mul3A_101, 8 : i32
        "tpu.region"() ({
          %run_scoped3A_102 = tpu.sem_alloc : memref<!tpu.dma_semaphore, #tpu.memory_space<semaphore_mem>>
          %dma_start3A_103 = arith.constant 0 : i32
          %dma_start3A_104 = tpu.memref_slice %arg11[%multiple_of3A, %dma_start3A_103] : memref<10000x128xf32, #tpu.memory_space<vmem_shared>> -> memref<632x128xf32, #tpu.memory_space<vmem_shared>>
          %dma_start3A_105 = arith.constant 0 : i32
          %dma_start3A_106 = tpu.memref_slice %arg2[%multiple_of3A, %dma_start3A_105] : memref<10000x128xf32, #tpu.memory_space<hbm>> -> memref<632x128xf32, #tpu.memory_space<hbm>>
          tpu.enqueue_dma source(%dma_start3A_106 : memref<632x128xf32, #tpu.memory_space<hbm>>) target(%dma_start3A_104 : memref<632x128xf32, #tpu.memory_space<vmem_shared>>) target_semaphore(%run_scoped3A_102 : memref<!tpu.dma_semaphore, #tpu.memory_space<semaphore_mem>>)
          %dma_wait3A_107 = arith.constant 0 : i32
          %dma_wait3A_108 = tpu.memref_slice %arg11[%multiple_of3A, %dma_wait3A_107] : memref<10000x128xf32, #tpu.memory_space<vmem_shared>> -> memref<632x128xf32, #tpu.memory_space<vmem_shared>>
          %dma_wait3A_109 = arith.constant 0 : i32
          %dma_wait3A_110 = tpu.memref_slice %arg2[%multiple_of3A, %dma_wait3A_109] : memref<10000x128xf32, #tpu.memory_space<hbm>> -> memref<632x128xf32, #tpu.memory_space<hbm>>
          tpu.wait_dma2 semaphore(%run_scoped3A_102 : memref<!tpu.dma_semaphore, #tpu.memory_space<semaphore_mem>>) src(%dma_wait3A_110 : memref<632x128xf32, #tpu.memory_space<hbm>>) dst(%dma_wait3A_108 : memref<632x128xf32, #tpu.memory_space<vmem_shared>>)
          tpu.yield
        }) : () -> ()
      } else {
      }
      %eq3A_95 = arith.constant 15 : i32
      %eq3A_96 = arith.cmpi eq, %arg1, %eq3A_95 : i32
      %convert_element_type3A_97 = arith.extui %eq3A_96 : i1 to i32
      %cond3A_98 = arith.constant 0 : i32
      %cond3A_99 = arith.cmpi ne, %convert_element_type3A_97, %cond3A_98 : i32
      scf.if %cond3A_99 {
        "tpu.region"() ({
          %run_scoped3A_100 = tpu.sem_alloc : memref<!tpu.dma_semaphore, #tpu.memory_space<semaphore_mem>>
          %dma_start3A_101 = arith.constant 9480 : i32
          %dma_start3A_102 = arith.constant 0 : i32
          %dma_start3A_103 = tpu.memref_slice %arg11[%dma_start3A_101, %dma_start3A_102] : memref<10000x128xf32, #tpu.memory_space<vmem_shared>> -> memref<520x128xf32, #tpu.memory_space<vmem_shared>>
          %dma_start3A_104 = arith.constant 9480 : i32
          %dma_start3A_105 = arith.constant 0 : i32
          %dma_start3A_106 = tpu.memref_slice %arg2[%dma_start3A_104, %dma_start3A_105] : memref<10000x128xf32, #tpu.memory_space<hbm>> -> memref<520x128xf32, #tpu.memory_space<hbm>>
          tpu.enqueue_dma source(%dma_start3A_106 : memref<520x128xf32, #tpu.memory_space<hbm>>) target(%dma_start3A_103 : memref<520x128xf32, #tpu.memory_space<vmem_shared>>) target_semaphore(%run_scoped3A_100 : memref<!tpu.dma_semaphore, #tpu.memory_space<semaphore_mem>>)
          %dma_wait3A_107 = arith.constant 9480 : i32
          %dma_wait3A_108 = arith.constant 0 : i32
          %dma_wait3A_109 = tpu.memref_slice %arg11[%dma_wait3A_107, %dma_wait3A_108] : memref<10000x128xf32, #tpu.memory_space<vmem_shared>> -> memref<520x128xf32, #tpu.memory_space<vmem_shared>>
          %dma_wait3A_110 = arith.constant 9480 : i32
          %dma_wait3A_111 = arith.constant 0 : i32
          %dma_wait3A_112 = tpu.memref_slice %arg2[%dma_wait3A_110, %dma_wait3A_111] : memref<10000x128xf32, #tpu.memory_space<hbm>> -> memref<520x128xf32, #tpu.memory_space<hbm>>
          tpu.wait_dma2 semaphore(%run_scoped3A_100 : memref<!tpu.dma_semaphore, #tpu.memory_space<semaphore_mem>>) src(%dma_wait3A_112 : memref<520x128xf32, #tpu.memory_space<hbm>>) dst(%dma_wait3A_109 : memref<520x128xf32, #tpu.memory_space<vmem_shared>>)
          tpu.yield
        }) : () -> ()
      } else {
      }
    } else {
    }
    %eq3A_17 = arith.constant 1 : i32
    %eq3A_18 = arith.cmpi eq, %arg0, %eq3A_17 : i32
    %convert_element_type3A_19 = arith.extui %eq3A_18 : i1 to i32
    %cond3A_20 = arith.constant 0 : i32
    %cond3A_21 = arith.cmpi ne, %convert_element_type3A_19, %cond3A_20 : i32
    scf.if %cond3A_21 {
      %lt3A_90 = arith.constant 15 : i32
      %lt3A_91 = arith.cmpi slt, %arg1, %lt3A_90 : i32
      %convert_element_type3A_92 = arith.extui %lt3A_91 : i1 to i32
      %cond3A_93 = arith.constant 0 : i32
      %cond3A_94 = arith.cmpi ne, %convert_element_type3A_92, %cond3A_93 : i32
      scf.if %cond3A_94 {
        %mul3A_100 = arith.constant 632 : i32
        %mul3A_101 = arith.muli %arg1, %mul3A_100 : i32
        %multiple_of3A = tpu.assume_multiple %mul3A_101, 8 : i32
        "tpu.region"() ({
          %run_scoped3A_102 = tpu.sem_alloc : memref<!tpu.dma_semaphore, #tpu.memory_space<semaphore_mem>>
          %dma_start3A_103 = arith.constant 0 : i32
          %dma_start3A_104 = tpu.memref_slice %arg11[%multiple_of3A, %dma_start3A_103] : memref<10000x128xf32, #tpu.memory_space<vmem_shared>> -> memref<632x128xf32, #tpu.memory_space<vmem_shared>>
          %dma_start3A_105 = arith.constant 0 : i32
          %dma_start3A_106 = tpu.memref_slice %arg3[%multiple_of3A, %dma_start3A_105] : memref<10000x128xf32, #tpu.memory_space<hbm>> -> memref<632x128xf32, #tpu.memory_space<hbm>>
          tpu.enqueue_dma source(%dma_start3A_106 : memref<632x128xf32, #tpu.memory_space<hbm>>) target(%dma_start3A_104 : memref<632x128xf32, #tpu.memory_space<vmem_shared>>) target_semaphore(%run_scoped3A_102 : memref<!tpu.dma_semaphore, #tpu.memory_space<semaphore_mem>>)
          %dma_wait3A_107 = arith.constant 0 : i32
          %dma_wait3A_108 = tpu.memref_slice %arg11[%multiple_of3A, %dma_wait3A_107] : memref<10000x128xf32, #tpu.memory_space<vmem_shared>> -> memref<632x128xf32, #tpu.memory_space<vmem_shared>>
          %dma_wait3A_109 = arith.constant 0 : i32
          %dma_wait3A_110 = tpu.memref_slice %arg3[%multiple_of3A, %dma_wait3A_109] : memref<10000x128xf32, #tpu.memory_space<hbm>> -> memref<632x128xf32, #tpu.memory_space<hbm>>
          tpu.wait_dma2 semaphore(%run_scoped3A_102 : memref<!tpu.dma_semaphore, #tpu.memory_space<semaphore_mem>>) src(%dma_wait3A_110 : memref<632x128xf32, #tpu.memory_space<hbm>>) dst(%dma_wait3A_108 : memref<632x128xf32, #tpu.memory_space<vmem_shared>>)
          tpu.yield
        }) : () -> ()
      } else {
      }
      %eq3A_95 = arith.constant 15 : i32
      %eq3A_96 = arith.cmpi eq, %arg1, %eq3A_95 : i32
      %convert_element_type3A_97 = arith.extui %eq3A_96 : i1 to i32
      %cond3A_98 = arith.constant 0 : i32
      %cond3A_99 = arith.cmpi ne, %convert_element_type3A_97, %cond3A_98 : i32
      scf.if %cond3A_99 {
        "tpu.region"() ({
          %run_scoped3A_100 = tpu.sem_alloc : memref<!tpu.dma_semaphore, #tpu.memory_space<semaphore_mem>>
          %dma_start3A_101 = arith.constant 9480 : i32
          %dma_start3A_102 = arith.constant 0 : i32
          %dma_start3A_103 = tpu.memref_slice %arg11[%dma_start3A_101, %dma_start3A_102] : memref<10000x128xf32, #tpu.memory_space<vmem_shared>> -> memref<520x128xf32, #tpu.memory_space<vmem_shared>>
          %dma_start3A_104 = arith.constant 9480 : i32
          %dma_start3A_105 = arith.constant 0 : i32
          %dma_start3A_106 = tpu.memref_slice %arg3[%dma_start3A_104, %dma_start3A_105] : memref<10000x128xf32, #tpu.memory_space<hbm>> -> memref<520x128xf32, #tpu.memory_space<hbm>>
          tpu.enqueue_dma source(%dma_start3A_106 : memref<520x128xf32, #tpu.memory_space<hbm>>) target(%dma_start3A_103 : memref<520x128xf32, #tpu.memory_space<vmem_shared>>) target_semaphore(%run_scoped3A_100 : memref<!tpu.dma_semaphore, #tpu.memory_space<semaphore_mem>>)
          %dma_wait3A_107 = arith.constant 9480 : i32
          %dma_wait3A_108 = arith.constant 0 : i32
          %dma_wait3A_109 = tpu.memref_slice %arg11[%dma_wait3A_107, %dma_wait3A_108] : memref<10000x128xf32, #tpu.memory_space<vmem_shared>> -> memref<520x128xf32, #tpu.memory_space<vmem_shared>>
          %dma_wait3A_110 = arith.constant 9480 : i32
          %dma_wait3A_111 = arith.constant 0 : i32
          %dma_wait3A_112 = tpu.memref_slice %arg3[%dma_wait3A_110, %dma_wait3A_111] : memref<10000x128xf32, #tpu.memory_space<hbm>> -> memref<520x128xf32, #tpu.memory_space<hbm>>
          tpu.wait_dma2 semaphore(%run_scoped3A_100 : memref<!tpu.dma_semaphore, #tpu.memory_space<semaphore_mem>>) src(%dma_wait3A_112 : memref<520x128xf32, #tpu.memory_space<hbm>>) dst(%dma_wait3A_109 : memref<520x128xf32, #tpu.memory_space<vmem_shared>>)
          tpu.yield
        }) : () -> ()
      } else {
      }
    } else {
    }
    %barrier3A = arith.constant 0 : index
    tpu.barrier barrier_id(%barrier3A)
    %scan3A = arith.constant 0 : i32
    %scan3A_22 = arith.constant 0 : i32
    %scan3A_23 = arith.constant 19 : i32
    %scan3A_24 = arith.addi %scan3A_22, %scan3A_23 : i32
    %scan3A_25 = arith.constant 1 : i32
    scf.for %scan3A_90 = %scan3A_22 to %scan3A_24 step %scan3A_25  : i32 {
      %mul3A_91 = arith.constant 2 : i32
      %mul3A_92 = arith.muli %mul3A_91, %scan3A_90 : i32
      %dma_wait3A_93 = arith.constant 0 : i32
      %dma_wait3A_94 = arith.constant 0 : i32
      %dma_wait3A_95 = tpu.memref_slice %arg7[%dma_wait3A_93, %dma_wait3A_94] : memref<40x125xi32, #tpu.memory_space<vmem>> -> memref<1x125xi32, #tpu.memory_space<vmem>>
      %dma_wait3A_96 = tpu.memref_squeeze %dma_wait3A_95 : memref<1x125xi32, #tpu.memory_space<vmem>> -> memref<125xi32, #tpu.memory_space<vmem>>
      %dma_wait3A_97 = arith.constant 0 : i32
      %dma_wait3A_98 = arith.constant 0 : i32
      %dma_wait3A_99 = tpu.memref_slice %arg2[%dma_wait3A_97, %dma_wait3A_98] : memref<10000x128xf32, #tpu.memory_space<hbm>> -> memref<10000x128xf32, #tpu.memory_space<hbm>>
      tpu.wait_indirect_dma semaphore(%arg12 : memref<!tpu.dma_semaphore, #tpu.memory_space<semaphore_mem>>) src(%dma_wait3A_99 : memref<10000x128xf32, #tpu.memory_space<hbm>>) dst(%arg9 : memref<125x128xf32, #tpu.memory_space<vmem>>)
      "tpu.region"() ({
        %run_scoped3A_125 = tpu.sem_alloc : memref<!tpu.dma_semaphore, #tpu.memory_space<semaphore_mem>>
        %dma_start3A_126 = arith.constant 0 : i32
        %dma_start3A_127 = tpu.memref_slice %arg8[%mul3A_92, %dma_start3A_126] : memref<40x125xi32, #tpu.memory_space<vmem>> -> memref<1x125xi32, #tpu.memory_space<vmem>>
        %dma_start3A_128 = tpu.memref_squeeze %dma_start3A_127 : memref<1x125xi32, #tpu.memory_space<vmem>> -> memref<125xi32, #tpu.memory_space<vmem>>
        %dma_start3A_129 = arith.constant 0 : i32
        %dma_start3A_130 = arith.constant 0 : i32
        %dma_start3A_131 = tpu.memref_slice %arg11[%dma_start3A_129, %dma_start3A_130] : memref<10000x128xf32, #tpu.memory_space<vmem_shared>> -> memref<10000x128xf32, #tpu.memory_space<vmem_shared>>
        tpu.enqueue_indirect_dma source(%arg9 : memref<125x128xf32, #tpu.memory_space<vmem>>) target(%dma_start3A_131 : memref<10000x128xf32, #tpu.memory_space<vmem_shared>>) offsets(%dma_start3A_128 : memref<125xi32, #tpu.memory_space<vmem>>) semaphore(%run_scoped3A_125 : memref<!tpu.dma_semaphore, #tpu.memory_space<semaphore_mem>>) {add = true}
        %dma_wait3A_132 = arith.constant 0 : i32
        %dma_wait3A_133 = tpu.memref_slice %arg8[%mul3A_92, %dma_wait3A_132] : memref<40x125xi32, #tpu.memory_space<vmem>> -> memref<1x125xi32, #tpu.memory_space<vmem>>
        %dma_wait3A_134 = tpu.memref_squeeze %dma_wait3A_133 : memref<1x125xi32, #tpu.memory_space<vmem>> -> memref<125xi32, #tpu.memory_space<vmem>>
        %dma_wait3A_135 = arith.constant 0 : i32
        %dma_wait3A_136 = arith.constant 0 : i32
        %dma_wait3A_137 = tpu.memref_slice %arg11[%dma_wait3A_135, %dma_wait3A_136] : memref<10000x128xf32, #tpu.memory_space<vmem_shared>> -> memref<10000x128xf32, #tpu.memory_space<vmem_shared>>
        tpu.wait_indirect_dma semaphore(%run_scoped3A_125 : memref<!tpu.dma_semaphore, #tpu.memory_space<semaphore_mem>>) src(%arg9 : memref<125x128xf32, #tpu.memory_space<vmem>>) dst(%dma_wait3A_137 : memref<10000x128xf32, #tpu.memory_space<vmem_shared>>)
        tpu.yield
      }) : () -> ()
      %add3A_100 = arith.constant 2 : i32
      %add3A_101 = arith.addi %mul3A_92, %add3A_100 : i32
      %dma_start3A_102 = arith.constant 0 : i32
      %dma_start3A_103 = tpu.memref_slice %arg7[%add3A_101, %dma_start3A_102] : memref<40x125xi32, #tpu.memory_space<vmem>> -> memref<1x125xi32, #tpu.memory_space<vmem>>
      %dma_start3A_104 = tpu.memref_squeeze %dma_start3A_103 : memref<1x125xi32, #tpu.memory_space<vmem>> -> memref<125xi32, #tpu.memory_space<vmem>>
      %dma_start3A_105 = arith.constant 0 : i32
      %dma_start3A_106 = arith.constant 0 : i32
      %dma_start3A_107 = tpu.memref_slice %arg2[%dma_start3A_105, %dma_start3A_106] : memref<10000x128xf32, #tpu.memory_space<hbm>> -> memref<10000x128xf32, #tpu.memory_space<hbm>>
      tpu.enqueue_indirect_dma source(%dma_start3A_107 : memref<10000x128xf32, #tpu.memory_space<hbm>>) target(%arg9 : memref<125x128xf32, #tpu.memory_space<vmem>>) offsets(%dma_start3A_104 : memref<125xi32, #tpu.memory_space<vmem>>) semaphore(%arg12 : memref<!tpu.dma_semaphore, #tpu.memory_space<semaphore_mem>>)
      %dma_wait3A_108 = arith.constant 0 : i32
      %dma_wait3A_109 = arith.constant 0 : i32
      %dma_wait3A_110 = tpu.memref_slice %arg7[%dma_wait3A_108, %dma_wait3A_109] : memref<40x125xi32, #tpu.memory_space<vmem>> -> memref<1x125xi32, #tpu.memory_space<vmem>>
      %dma_wait3A_111 = tpu.memref_squeeze %dma_wait3A_110 : memref<1x125xi32, #tpu.memory_space<vmem>> -> memref<125xi32, #tpu.memory_space<vmem>>
      %dma_wait3A_112 = arith.constant 0 : i32
      %dma_wait3A_113 = arith.constant 0 : i32
      %dma_wait3A_114 = tpu.memref_slice %arg2[%dma_wait3A_112, %dma_wait3A_113] : memref<10000x128xf32, #tpu.memory_space<hbm>> -> memref<10000x128xf32, #tpu.memory_space<hbm>>
      tpu.wait_indirect_dma semaphore(%arg13 : memref<!tpu.dma_semaphore, #tpu.memory_space<semaphore_mem>>) src(%dma_wait3A_114 : memref<10000x128xf32, #tpu.memory_space<hbm>>) dst(%arg10 : memref<125x128xf32, #tpu.memory_space<vmem>>)
      %add3A_115 = arith.constant 1 : i32
      %add3A_116 = arith.addi %mul3A_92, %add3A_115 : i32
      "tpu.region"() ({
        %run_scoped3A_125 = tpu.sem_alloc : memref<!tpu.dma_semaphore, #tpu.memory_space<semaphore_mem>>
        %dma_start3A_126 = arith.constant 0 : i32
        %dma_start3A_127 = tpu.memref_slice %arg8[%add3A_116, %dma_start3A_126] : memref<40x125xi32, #tpu.memory_space<vmem>> -> memref<1x125xi32, #tpu.memory_space<vmem>>
        %dma_start3A_128 = tpu.memref_squeeze %dma_start3A_127 : memref<1x125xi32, #tpu.memory_space<vmem>> -> memref<125xi32, #tpu.memory_space<vmem>>
        %dma_start3A_129 = arith.constant 0 : i32
        %dma_start3A_130 = arith.constant 0 : i32
        %dma_start3A_131 = tpu.memref_slice %arg11[%dma_start3A_129, %dma_start3A_130] : memref<10000x128xf32, #tpu.memory_space<vmem_shared>> -> memref<10000x128xf32, #tpu.memory_space<vmem_shared>>
        tpu.enqueue_indirect_dma source(%arg10 : memref<125x128xf32, #tpu.memory_space<vmem>>) target(%dma_start3A_131 : memref<10000x128xf32, #tpu.memory_space<vmem_shared>>) offsets(%dma_start3A_128 : memref<125xi32, #tpu.memory_space<vmem>>) semaphore(%run_scoped3A_125 : memref<!tpu.dma_semaphore, #tpu.memory_space<semaphore_mem>>) {add = true}
        %dma_wait3A_132 = arith.constant 0 : i32
        %dma_wait3A_133 = tpu.memref_slice %arg8[%add3A_116, %dma_wait3A_132] : memref<40x125xi32, #tpu.memory_space<vmem>> -> memref<1x125xi32, #tpu.memory_space<vmem>>
        %dma_wait3A_134 = tpu.memref_squeeze %dma_wait3A_133 : memref<1x125xi32, #tpu.memory_space<vmem>> -> memref<125xi32, #tpu.memory_space<vmem>>
        %dma_wait3A_135 = arith.constant 0 : i32
        %dma_wait3A_136 = arith.constant 0 : i32
        %dma_wait3A_137 = tpu.memref_slice %arg11[%dma_wait3A_135, %dma_wait3A_136] : memref<10000x128xf32, #tpu.memory_space<vmem_shared>> -> memref<10000x128xf32, #tpu.memory_space<vmem_shared>>
        tpu.wait_indirect_dma semaphore(%run_scoped3A_125 : memref<!tpu.dma_semaphore, #tpu.memory_space<semaphore_mem>>) src(%arg10 : memref<125x128xf32, #tpu.memory_space<vmem>>) dst(%dma_wait3A_137 : memref<10000x128xf32, #tpu.memory_space<vmem_shared>>)
        tpu.yield
      }) : () -> ()
      %add3A_117 = arith.constant 3 : i32
      %add3A_118 = arith.addi %mul3A_92, %add3A_117 : i32
      %dma_start3A_119 = arith.constant 0 : i32
      %dma_start3A_120 = tpu.memref_slice %arg7[%add3A_118, %dma_start3A_119] : memref<40x125xi32, #tpu.memory_space<vmem>> -> memref<1x125xi32, #tpu.memory_space<vmem>>
      %dma_start3A_121 = tpu.memref_squeeze %dma_start3A_120 : memref<1x125xi32, #tpu.memory_space<vmem>> -> memref<125xi32, #tpu.memory_space<vmem>>
      %dma_start3A_122 = arith.constant 0 : i32
      %dma_start3A_123 = arith.constant 0 : i32
      %dma_start3A_124 = tpu.memref_slice %arg2[%dma_start3A_122, %dma_start3A_123] : memref<10000x128xf32, #tpu.memory_space<hbm>> -> memref<10000x128xf32, #tpu.memory_space<hbm>>
      tpu.enqueue_indirect_dma source(%dma_start3A_124 : memref<10000x128xf32, #tpu.memory_space<hbm>>) target(%arg10 : memref<125x128xf32, #tpu.memory_space<vmem>>) offsets(%dma_start3A_121 : memref<125xi32, #tpu.memory_space<vmem>>) semaphore(%arg13 : memref<!tpu.dma_semaphore, #tpu.memory_space<semaphore_mem>>)
    }
    %scan3A_26 = arith.constant 19 : i32
    %dma_wait3A = arith.constant 0 : i32
    %dma_wait3A_27 = arith.constant 0 : i32
    %dma_wait3A_28 = tpu.memref_slice %arg7[%dma_wait3A, %dma_wait3A_27] : memref<40x125xi32, #tpu.memory_space<vmem>> -> memref<1x125xi32, #tpu.memory_space<vmem>>
    %dma_wait3A_29 = tpu.memref_squeeze %dma_wait3A_28 : memref<1x125xi32, #tpu.memory_space<vmem>> -> memref<125xi32, #tpu.memory_space<vmem>>
    %dma_wait3A_30 = arith.constant 0 : i32
    %dma_wait3A_31 = arith.constant 0 : i32
    %dma_wait3A_32 = tpu.memref_slice %arg2[%dma_wait3A_30, %dma_wait3A_31] : memref<10000x128xf32, #tpu.memory_space<hbm>> -> memref<10000x128xf32, #tpu.memory_space<hbm>>
    tpu.wait_indirect_dma semaphore(%arg12 : memref<!tpu.dma_semaphore, #tpu.memory_space<semaphore_mem>>) src(%dma_wait3A_32 : memref<10000x128xf32, #tpu.memory_space<hbm>>) dst(%arg9 : memref<125x128xf32, #tpu.memory_space<vmem>>)
    %run_scoped3A_33 = arith.constant 38 : i32
    "tpu.region"() ({
      %run_scoped3A_90 = tpu.sem_alloc : memref<!tpu.dma_semaphore, #tpu.memory_space<semaphore_mem>>
      %dma_start3A_91 = arith.constant 0 : i32
      %dma_start3A_92 = tpu.memref_slice %arg8[%run_scoped3A_33, %dma_start3A_91] : memref<40x125xi32, #tpu.memory_space<vmem>> -> memref<1x125xi32, #tpu.memory_space<vmem>>
      %dma_start3A_93 = tpu.memref_squeeze %dma_start3A_92 : memref<1x125xi32, #tpu.memory_space<vmem>> -> memref<125xi32, #tpu.memory_space<vmem>>
      %dma_start3A_94 = arith.constant 0 : i32
      %dma_start3A_95 = arith.constant 0 : i32
      %dma_start3A_96 = tpu.memref_slice %arg11[%dma_start3A_94, %dma_start3A_95] : memref<10000x128xf32, #tpu.memory_space<vmem_shared>> -> memref<10000x128xf32, #tpu.memory_space<vmem_shared>>
      tpu.enqueue_indirect_dma source(%arg9 : memref<125x128xf32, #tpu.memory_space<vmem>>) target(%dma_start3A_96 : memref<10000x128xf32, #tpu.memory_space<vmem_shared>>) offsets(%dma_start3A_93 : memref<125xi32, #tpu.memory_space<vmem>>) semaphore(%run_scoped3A_90 : memref<!tpu.dma_semaphore, #tpu.memory_space<semaphore_mem>>) {add = true}
      %dma_wait3A_97 = arith.constant 0 : i32
      %dma_wait3A_98 = tpu.memref_slice %arg8[%run_scoped3A_33, %dma_wait3A_97] : memref<40x125xi32, #tpu.memory_space<vmem>> -> memref<1x125xi32, #tpu.memory_space<vmem>>
      %dma_wait3A_99 = tpu.memref_squeeze %dma_wait3A_98 : memref<1x125xi32, #tpu.memory_space<vmem>> -> memref<125xi32, #tpu.memory_space<vmem>>
      %dma_wait3A_100 = arith.constant 0 : i32
      %dma_wait3A_101 = arith.constant 0 : i32
      %dma_wait3A_102 = tpu.memref_slice %arg11[%dma_wait3A_100, %dma_wait3A_101] : memref<10000x128xf32, #tpu.memory_space<vmem_shared>> -> memref<10000x128xf32, #tpu.memory_space<vmem_shared>>
      tpu.wait_indirect_dma semaphore(%run_scoped3A_90 : memref<!tpu.dma_semaphore, #tpu.memory_space<semaphore_mem>>) src(%arg9 : memref<125x128xf32, #tpu.memory_space<vmem>>) dst(%dma_wait3A_102 : memref<10000x128xf32, #tpu.memory_space<vmem_shared>>)
      tpu.yield
    }) : () -> ()
    %dma_wait3A_34 = arith.constant 0 : i32
    %dma_wait3A_35 = arith.constant 0 : i32
    %dma_wait3A_36 = tpu.memref_slice %arg7[%dma_wait3A_34, %dma_wait3A_35] : memref<40x125xi32, #tpu.memory_space<vmem>> -> memref<1x125xi32, #tpu.memory_space<vmem>>
    %dma_wait3A_37 = tpu.memref_squeeze %dma_wait3A_36 : memref<1x125xi32, #tpu.memory_space<vmem>> -> memref<125xi32, #tpu.memory_space<vmem>>
    %dma_wait3A_38 = arith.constant 0 : i32
    %dma_wait3A_39 = arith.constant 0 : i32
    %dma_wait3A_40 = tpu.memref_slice %arg2[%dma_wait3A_38, %dma_wait3A_39] : memref<10000x128xf32, #tpu.memory_space<hbm>> -> memref<10000x128xf32, #tpu.memory_space<hbm>>
    tpu.wait_indirect_dma semaphore(%arg13 : memref<!tpu.dma_semaphore, #tpu.memory_space<semaphore_mem>>) src(%dma_wait3A_40 : memref<10000x128xf32, #tpu.memory_space<hbm>>) dst(%arg10 : memref<125x128xf32, #tpu.memory_space<vmem>>)
    %run_scoped3A_41 = arith.constant 39 : i32
    "tpu.region"() ({
      %run_scoped3A_90 = tpu.sem_alloc : memref<!tpu.dma_semaphore, #tpu.memory_space<semaphore_mem>>
      %dma_start3A_91 = arith.constant 0 : i32
      %dma_start3A_92 = tpu.memref_slice %arg8[%run_scoped3A_41, %dma_start3A_91] : memref<40x125xi32, #tpu.memory_space<vmem>> -> memref<1x125xi32, #tpu.memory_space<vmem>>
      %dma_start3A_93 = tpu.memref_squeeze %dma_start3A_92 : memref<1x125xi32, #tpu.memory_space<vmem>> -> memref<125xi32, #tpu.memory_space<vmem>>
      %dma_start3A_94 = arith.constant 0 : i32
      %dma_start3A_95 = arith.constant 0 : i32
      %dma_start3A_96 = tpu.memref_slice %arg11[%dma_start3A_94, %dma_start3A_95] : memref<10000x128xf32, #tpu.memory_space<vmem_shared>> -> memref<10000x128xf32, #tpu.memory_space<vmem_shared>>
      tpu.enqueue_indirect_dma source(%arg10 : memref<125x128xf32, #tpu.memory_space<vmem>>) target(%dma_start3A_96 : memref<10000x128xf32, #tpu.memory_space<vmem_shared>>) offsets(%dma_start3A_93 : memref<125xi32, #tpu.memory_space<vmem>>) semaphore(%run_scoped3A_90 : memref<!tpu.dma_semaphore, #tpu.memory_space<semaphore_mem>>) {add = true}
      %dma_wait3A_97 = arith.constant 0 : i32
      %dma_wait3A_98 = tpu.memref_slice %arg8[%run_scoped3A_41, %dma_wait3A_97] : memref<40x125xi32, #tpu.memory_space<vmem>> -> memref<1x125xi32, #tpu.memory_space<vmem>>
      %dma_wait3A_99 = tpu.memref_squeeze %dma_wait3A_98 : memref<1x125xi32, #tpu.memory_space<vmem>> -> memref<125xi32, #tpu.memory_space<vmem>>
      %dma_wait3A_100 = arith.constant 0 : i32
      %dma_wait3A_101 = arith.constant 0 : i32
      %dma_wait3A_102 = tpu.memref_slice %arg11[%dma_wait3A_100, %dma_wait3A_101] : memref<10000x128xf32, #tpu.memory_space<vmem_shared>> -> memref<10000x128xf32, #tpu.memory_space<vmem_shared>>
      tpu.wait_indirect_dma semaphore(%run_scoped3A_90 : memref<!tpu.dma_semaphore, #tpu.memory_space<semaphore_mem>>) src(%arg10 : memref<125x128xf32, #tpu.memory_space<vmem>>) dst(%dma_wait3A_102 : memref<10000x128xf32, #tpu.memory_space<vmem_shared>>)
      tpu.yield
    }) : () -> ()
    %run_scoped3A_42 = arith.constant 1 : i32
    "tpu.region"() ({
      %run_scoped3A_90 = tpu.sem_alloc : memref<!tpu.dma_semaphore, #tpu.memory_space<semaphore_mem>>
      %dma_start3A_91 = arith.constant 0 : i32
      %dma_start3A_92 = arith.constant 0 : i32
      %dma_start3A_93 = arith.constant 0 : i32
      %dma_start3A_94 = tpu.memref_slice %arg4[%add3A, %dma_start3A_91, %dma_start3A_92, %dma_start3A_93] : memref<32x2x40x125xi32, #tpu.memory_space<hbm>> -> memref<1x2x40x125xi32, #tpu.memory_space<hbm>>
      %dma_start3A_95 = tpu.memref_squeeze %dma_start3A_94 : memref<1x2x40x125xi32, #tpu.memory_space<hbm>> -> memref<2x40x125xi32, #tpu.memory_space<hbm>>
      %dma_start3A_96 = arith.constant 0 : i32
      %dma_start3A_97 = arith.constant 0 : i32
      %dma_start3A_98 = tpu.memref_slice %dma_start3A_95[%run_scoped3A_42, %dma_start3A_96, %dma_start3A_97] : memref<2x40x125xi32, #tpu.memory_space<hbm>> -> memref<1x40x125xi32, #tpu.memory_space<hbm>>
      %dma_start3A_99 = tpu.memref_squeeze %dma_start3A_98 : memref<1x40x125xi32, #tpu.memory_space<hbm>> -> memref<40x125xi32, #tpu.memory_space<hbm>>
      %dma_start3A_100 = arith.constant 0 : i32
      %dma_start3A_101 = arith.constant 0 : i32
      %dma_start3A_102 = arith.constant 0 : i32
      %dma_start3A_103 = tpu.memref_slice %arg4[%add3A, %dma_start3A_100, %dma_start3A_101, %dma_start3A_102] : memref<32x2x40x125xi32, #tpu.memory_space<hbm>> -> memref<1x2x40x125xi32, #tpu.memory_space<hbm>>
      %dma_start3A_104 = tpu.memref_squeeze %dma_start3A_103 : memref<1x2x40x125xi32, #tpu.memory_space<hbm>> -> memref<2x40x125xi32, #tpu.memory_space<hbm>>
      %dma_start3A_105 = arith.constant 0 : i32
      %dma_start3A_106 = arith.constant 0 : i32
      %dma_start3A_107 = tpu.memref_slice %dma_start3A_104[%run_scoped3A_42, %dma_start3A_105, %dma_start3A_106] : memref<2x40x125xi32, #tpu.memory_space<hbm>> -> memref<1x40x125xi32, #tpu.memory_space<hbm>>
      %dma_start3A_108 = tpu.memref_squeeze %dma_start3A_107 : memref<1x40x125xi32, #tpu.memory_space<hbm>> -> memref<40x125xi32, #tpu.memory_space<hbm>>
      tpu.enqueue_dma source(%dma_start3A_108 : memref<40x125xi32, #tpu.memory_space<hbm>>) target(%arg7 : memref<40x125xi32, #tpu.memory_space<vmem>>) target_semaphore(%run_scoped3A_90 : memref<!tpu.dma_semaphore, #tpu.memory_space<semaphore_mem>>)
      %dma_wait3A_109 = arith.constant 0 : i32
      %dma_wait3A_110 = arith.constant 0 : i32
      %dma_wait3A_111 = arith.constant 0 : i32
      %dma_wait3A_112 = tpu.memref_slice %arg4[%add3A, %dma_wait3A_109, %dma_wait3A_110, %dma_wait3A_111] : memref<32x2x40x125xi32, #tpu.memory_space<hbm>> -> memref<1x2x40x125xi32, #tpu.memory_space<hbm>>
      %dma_wait3A_113 = tpu.memref_squeeze %dma_wait3A_112 : memref<1x2x40x125xi32, #tpu.memory_space<hbm>> -> memref<2x40x125xi32, #tpu.memory_space<hbm>>
      %dma_wait3A_114 = arith.constant 0 : i32
      %dma_wait3A_115 = arith.constant 0 : i32
      %dma_wait3A_116 = tpu.memref_slice %dma_wait3A_113[%run_scoped3A_42, %dma_wait3A_114, %dma_wait3A_115] : memref<2x40x125xi32, #tpu.memory_space<hbm>> -> memref<1x40x125xi32, #tpu.memory_space<hbm>>
      %dma_wait3A_117 = tpu.memref_squeeze %dma_wait3A_116 : memref<1x40x125xi32, #tpu.memory_space<hbm>> -> memref<40x125xi32, #tpu.memory_space<hbm>>
      %dma_wait3A_118 = arith.constant 0 : i32
      %dma_wait3A_119 = arith.constant 0 : i32
      %dma_wait3A_120 = arith.constant 0 : i32
      %dma_wait3A_121 = tpu.memref_slice %arg4[%add3A, %dma_wait3A_118, %dma_wait3A_119, %dma_wait3A_120] : memref<32x2x40x125xi32, #tpu.memory_space<hbm>> -> memref<1x2x40x125xi32, #tpu.memory_space<hbm>>
      %dma_wait3A_122 = tpu.memref_squeeze %dma_wait3A_121 : memref<1x2x40x125xi32, #tpu.memory_space<hbm>> -> memref<2x40x125xi32, #tpu.memory_space<hbm>>
      %dma_wait3A_123 = arith.constant 0 : i32
      %dma_wait3A_124 = arith.constant 0 : i32
      %dma_wait3A_125 = tpu.memref_slice %dma_wait3A_122[%run_scoped3A_42, %dma_wait3A_123, %dma_wait3A_124] : memref<2x40x125xi32, #tpu.memory_space<hbm>> -> memref<1x40x125xi32, #tpu.memory_space<hbm>>
      %dma_wait3A_126 = tpu.memref_squeeze %dma_wait3A_125 : memref<1x40x125xi32, #tpu.memory_space<hbm>> -> memref<40x125xi32, #tpu.memory_space<hbm>>
      tpu.wait_dma2 semaphore(%run_scoped3A_90 : memref<!tpu.dma_semaphore, #tpu.memory_space<semaphore_mem>>) src(%dma_wait3A_126 : memref<40x125xi32, #tpu.memory_space<hbm>>) dst(%arg7 : memref<40x125xi32, #tpu.memory_space<vmem>>)
      tpu.yield
    }) : () -> ()
    %run_scoped3A_43 = arith.constant 1 : i32
    "tpu.region"() ({
      %run_scoped3A_90 = tpu.sem_alloc : memref<!tpu.dma_semaphore, #tpu.memory_space<semaphore_mem>>
      %dma_start3A_91 = arith.constant 0 : i32
      %dma_start3A_92 = arith.constant 0 : i32
      %dma_start3A_93 = arith.constant 0 : i32
      %dma_start3A_94 = tpu.memref_slice %arg5[%add3A, %dma_start3A_91, %dma_start3A_92, %dma_start3A_93] : memref<32x2x40x125xi32, #tpu.memory_space<hbm>> -> memref<1x2x40x125xi32, #tpu.memory_space<hbm>>
      %dma_start3A_95 = tpu.memref_squeeze %dma_start3A_94 : memref<1x2x40x125xi32, #tpu.memory_space<hbm>> -> memref<2x40x125xi32, #tpu.memory_space<hbm>>
      %dma_start3A_96 = arith.constant 0 : i32
      %dma_start3A_97 = arith.constant 0 : i32
      %dma_start3A_98 = tpu.memref_slice %dma_start3A_95[%run_scoped3A_43, %dma_start3A_96, %dma_start3A_97] : memref<2x40x125xi32, #tpu.memory_space<hbm>> -> memref<1x40x125xi32, #tpu.memory_space<hbm>>
      %dma_start3A_99 = tpu.memref_squeeze %dma_start3A_98 : memref<1x40x125xi32, #tpu.memory_space<hbm>> -> memref<40x125xi32, #tpu.memory_space<hbm>>
      %dma_start3A_100 = arith.constant 0 : i32
      %dma_start3A_101 = arith.constant 0 : i32
      %dma_start3A_102 = arith.constant 0 : i32
      %dma_start3A_103 = tpu.memref_slice %arg5[%add3A, %dma_start3A_100, %dma_start3A_101, %dma_start3A_102] : memref<32x2x40x125xi32, #tpu.memory_space<hbm>> -> memref<1x2x40x125xi32, #tpu.memory_space<hbm>>
      %dma_start3A_104 = tpu.memref_squeeze %dma_start3A_103 : memref<1x2x40x125xi32, #tpu.memory_space<hbm>> -> memref<2x40x125xi32, #tpu.memory_space<hbm>>
      %dma_start3A_105 = arith.constant 0 : i32
      %dma_start3A_106 = arith.constant 0 : i32
      %dma_start3A_107 = tpu.memref_slice %dma_start3A_104[%run_scoped3A_43, %dma_start3A_105, %dma_start3A_106] : memref<2x40x125xi32, #tpu.memory_space<hbm>> -> memref<1x40x125xi32, #tpu.memory_space<hbm>>
      %dma_start3A_108 = tpu.memref_squeeze %dma_start3A_107 : memref<1x40x125xi32, #tpu.memory_space<hbm>> -> memref<40x125xi32, #tpu.memory_space<hbm>>
      tpu.enqueue_dma source(%dma_start3A_108 : memref<40x125xi32, #tpu.memory_space<hbm>>) target(%arg8 : memref<40x125xi32, #tpu.memory_space<vmem>>) target_semaphore(%run_scoped3A_90 : memref<!tpu.dma_semaphore, #tpu.memory_space<semaphore_mem>>)
      %dma_wait3A_109 = arith.constant 0 : i32
      %dma_wait3A_110 = arith.constant 0 : i32
      %dma_wait3A_111 = arith.constant 0 : i32
      %dma_wait3A_112 = tpu.memref_slice %arg5[%add3A, %dma_wait3A_109, %dma_wait3A_110, %dma_wait3A_111] : memref<32x2x40x125xi32, #tpu.memory_space<hbm>> -> memref<1x2x40x125xi32, #tpu.memory_space<hbm>>
      %dma_wait3A_113 = tpu.memref_squeeze %dma_wait3A_112 : memref<1x2x40x125xi32, #tpu.memory_space<hbm>> -> memref<2x40x125xi32, #tpu.memory_space<hbm>>
      %dma_wait3A_114 = arith.constant 0 : i32
      %dma_wait3A_115 = arith.constant 0 : i32
      %dma_wait3A_116 = tpu.memref_slice %dma_wait3A_113[%run_scoped3A_43, %dma_wait3A_114, %dma_wait3A_115] : memref<2x40x125xi32, #tpu.memory_space<hbm>> -> memref<1x40x125xi32, #tpu.memory_space<hbm>>
      %dma_wait3A_117 = tpu.memref_squeeze %dma_wait3A_116 : memref<1x40x125xi32, #tpu.memory_space<hbm>> -> memref<40x125xi32, #tpu.memory_space<hbm>>
      %dma_wait3A_118 = arith.constant 0 : i32
      %dma_wait3A_119 = arith.constant 0 : i32
      %dma_wait3A_120 = arith.constant 0 : i32
      %dma_wait3A_121 = tpu.memref_slice %arg5[%add3A, %dma_wait3A_118, %dma_wait3A_119, %dma_wait3A_120] : memref<32x2x40x125xi32, #tpu.memory_space<hbm>> -> memref<1x2x40x125xi32, #tpu.memory_space<hbm>>
      %dma_wait3A_122 = tpu.memref_squeeze %dma_wait3A_121 : memref<1x2x40x125xi32, #tpu.memory_space<hbm>> -> memref<2x40x125xi32, #tpu.memory_space<hbm>>
      %dma_wait3A_123 = arith.constant 0 : i32
      %dma_wait3A_124 = arith.constant 0 : i32
      %dma_wait3A_125 = tpu.memref_slice %dma_wait3A_122[%run_scoped3A_43, %dma_wait3A_123, %dma_wait3A_124] : memref<2x40x125xi32, #tpu.memory_space<hbm>> -> memref<1x40x125xi32, #tpu.memory_space<hbm>>
      %dma_wait3A_126 = tpu.memref_squeeze %dma_wait3A_125 : memref<1x40x125xi32, #tpu.memory_space<hbm>> -> memref<40x125xi32, #tpu.memory_space<hbm>>
      tpu.wait_dma2 semaphore(%run_scoped3A_90 : memref<!tpu.dma_semaphore, #tpu.memory_space<semaphore_mem>>) src(%dma_wait3A_126 : memref<40x125xi32, #tpu.memory_space<hbm>>) dst(%arg8 : memref<40x125xi32, #tpu.memory_space<vmem>>)
      tpu.yield
    }) : () -> ()
    %dma_start3A_44 = arith.constant 0 : i32
    %dma_start3A_45 = arith.constant 0 : i32
    %dma_start3A_46 = tpu.memref_slice %arg7[%dma_start3A_44, %dma_start3A_45] : memref<40x125xi32, #tpu.memory_space<vmem>> -> memref<1x125xi32, #tpu.memory_space<vmem>>
    %dma_start3A_47 = tpu.memref_squeeze %dma_start3A_46 : memref<1x125xi32, #tpu.memory_space<vmem>> -> memref<125xi32, #tpu.memory_space<vmem>>
    %dma_start3A_48 = arith.constant 0 : i32
    %dma_start3A_49 = arith.constant 0 : i32
    %dma_start3A_50 = tpu.memref_slice %arg2[%dma_start3A_48, %dma_start3A_49] : memref<10000x128xf32, #tpu.memory_space<hbm>> -> memref<10000x128xf32, #tpu.memory_space<hbm>>
    tpu.enqueue_indirect_dma source(%dma_start3A_50 : memref<10000x128xf32, #tpu.memory_space<hbm>>) target(%arg9 : memref<125x128xf32, #tpu.memory_space<vmem>>) offsets(%dma_start3A_47 : memref<125xi32, #tpu.memory_space<vmem>>) semaphore(%arg12 : memref<!tpu.dma_semaphore, #tpu.memory_space<semaphore_mem>>)
    %dma_start3A_51 = arith.constant 1 : i32
    %dma_start3A_52 = arith.constant 0 : i32
    %dma_start3A_53 = tpu.memref_slice %arg7[%dma_start3A_51, %dma_start3A_52] : memref<40x125xi32, #tpu.memory_space<vmem>> -> memref<1x125xi32, #tpu.memory_space<vmem>>
    %dma_start3A_54 = tpu.memref_squeeze %dma_start3A_53 : memref<1x125xi32, #tpu.memory_space<vmem>> -> memref<125xi32, #tpu.memory_space<vmem>>
    %dma_start3A_55 = arith.constant 0 : i32
    %dma_start3A_56 = arith.constant 0 : i32
    %dma_start3A_57 = tpu.memref_slice %arg2[%dma_start3A_55, %dma_start3A_56] : memref<10000x128xf32, #tpu.memory_space<hbm>> -> memref<10000x128xf32, #tpu.memory_space<hbm>>
    tpu.enqueue_indirect_dma source(%dma_start3A_57 : memref<10000x128xf32, #tpu.memory_space<hbm>>) target(%arg10 : memref<125x128xf32, #tpu.memory_space<vmem>>) offsets(%dma_start3A_54 : memref<125xi32, #tpu.memory_space<vmem>>) semaphore(%arg13 : memref<!tpu.dma_semaphore, #tpu.memory_space<semaphore_mem>>)
    %scan3A_58 = arith.constant 0 : i32
    %scan3A_59 = arith.constant 0 : i32
    %scan3A_60 = arith.constant 19 : i32
    %scan3A_61 = arith.addi %scan3A_59, %scan3A_60 : i32
    %scan3A_62 = arith.constant 1 : i32
    scf.for %scan3A_90 = %scan3A_59 to %scan3A_61 step %scan3A_62  : i32 {
      %mul3A_91 = arith.constant 2 : i32
      %mul3A_92 = arith.muli %mul3A_91, %scan3A_90 : i32
      %dma_wait3A_93 = arith.constant 0 : i32
      %dma_wait3A_94 = arith.constant 0 : i32
      %dma_wait3A_95 = tpu.memref_slice %arg7[%dma_wait3A_93, %dma_wait3A_94] : memref<40x125xi32, #tpu.memory_space<vmem>> -> memref<1x125xi32, #tpu.memory_space<vmem>>
      %dma_wait3A_96 = tpu.memref_squeeze %dma_wait3A_95 : memref<1x125xi32, #tpu.memory_space<vmem>> -> memref<125xi32, #tpu.memory_space<vmem>>
      %dma_wait3A_97 = arith.constant 0 : i32
      %dma_wait3A_98 = arith.constant 0 : i32
      %dma_wait3A_99 = tpu.memref_slice %arg2[%dma_wait3A_97, %dma_wait3A_98] : memref<10000x128xf32, #tpu.memory_space<hbm>> -> memref<10000x128xf32, #tpu.memory_space<hbm>>
      tpu.wait_indirect_dma semaphore(%arg12 : memref<!tpu.dma_semaphore, #tpu.memory_space<semaphore_mem>>) src(%dma_wait3A_99 : memref<10000x128xf32, #tpu.memory_space<hbm>>) dst(%arg9 : memref<125x128xf32, #tpu.memory_space<vmem>>)
      "tpu.region"() ({
        %run_scoped3A_125 = tpu.sem_alloc : memref<!tpu.dma_semaphore, #tpu.memory_space<semaphore_mem>>
        %dma_start3A_126 = arith.constant 0 : i32
        %dma_start3A_127 = tpu.memref_slice %arg8[%mul3A_92, %dma_start3A_126] : memref<40x125xi32, #tpu.memory_space<vmem>> -> memref<1x125xi32, #tpu.memory_space<vmem>>
        %dma_start3A_128 = tpu.memref_squeeze %dma_start3A_127 : memref<1x125xi32, #tpu.memory_space<vmem>> -> memref<125xi32, #tpu.memory_space<vmem>>
        %dma_start3A_129 = arith.constant 0 : i32
        %dma_start3A_130 = arith.constant 0 : i32
        %dma_start3A_131 = tpu.memref_slice %arg11[%dma_start3A_129, %dma_start3A_130] : memref<10000x128xf32, #tpu.memory_space<vmem_shared>> -> memref<10000x128xf32, #tpu.memory_space<vmem_shared>>
        tpu.enqueue_indirect_dma source(%arg9 : memref<125x128xf32, #tpu.memory_space<vmem>>) target(%dma_start3A_131 : memref<10000x128xf32, #tpu.memory_space<vmem_shared>>) offsets(%dma_start3A_128 : memref<125xi32, #tpu.memory_space<vmem>>) semaphore(%run_scoped3A_125 : memref<!tpu.dma_semaphore, #tpu.memory_space<semaphore_mem>>) {add = true}
        %dma_wait3A_132 = arith.constant 0 : i32
        %dma_wait3A_133 = tpu.memref_slice %arg8[%mul3A_92, %dma_wait3A_132] : memref<40x125xi32, #tpu.memory_space<vmem>> -> memref<1x125xi32, #tpu.memory_space<vmem>>
        %dma_wait3A_134 = tpu.memref_squeeze %dma_wait3A_133 : memref<1x125xi32, #tpu.memory_space<vmem>> -> memref<125xi32, #tpu.memory_space<vmem>>
        %dma_wait3A_135 = arith.constant 0 : i32
        %dma_wait3A_136 = arith.constant 0 : i32
        %dma_wait3A_137 = tpu.memref_slice %arg11[%dma_wait3A_135, %dma_wait3A_136] : memref<10000x128xf32, #tpu.memory_space<vmem_shared>> -> memref<10000x128xf32, #tpu.memory_space<vmem_shared>>
        tpu.wait_indirect_dma semaphore(%run_scoped3A_125 : memref<!tpu.dma_semaphore, #tpu.memory_space<semaphore_mem>>) src(%arg9 : memref<125x128xf32, #tpu.memory_space<vmem>>) dst(%dma_wait3A_137 : memref<10000x128xf32, #tpu.memory_space<vmem_shared>>)
        tpu.yield
      }) : () -> ()
      %add3A_100 = arith.constant 2 : i32
      %add3A_101 = arith.addi %mul3A_92, %add3A_100 : i32
      %dma_start3A_102 = arith.constant 0 : i32
      %dma_start3A_103 = tpu.memref_slice %arg7[%add3A_101, %dma_start3A_102] : memref<40x125xi32, #tpu.memory_space<vmem>> -> memref<1x125xi32, #tpu.memory_space<vmem>>
      %dma_start3A_104 = tpu.memref_squeeze %dma_start3A_103 : memref<1x125xi32, #tpu.memory_space<vmem>> -> memref<125xi32, #tpu.memory_space<vmem>>
      %dma_start3A_105 = arith.constant 0 : i32
      %dma_start3A_106 = arith.constant 0 : i32
      %dma_start3A_107 = tpu.memref_slice %arg2[%dma_start3A_105, %dma_start3A_106] : memref<10000x128xf32, #tpu.memory_space<hbm>> -> memref<10000x128xf32, #tpu.memory_space<hbm>>
      tpu.enqueue_indirect_dma source(%dma_start3A_107 : memref<10000x128xf32, #tpu.memory_space<hbm>>) target(%arg9 : memref<125x128xf32, #tpu.memory_space<vmem>>) offsets(%dma_start3A_104 : memref<125xi32, #tpu.memory_space<vmem>>) semaphore(%arg12 : memref<!tpu.dma_semaphore, #tpu.memory_space<semaphore_mem>>)
      %dma_wait3A_108 = arith.constant 0 : i32
      %dma_wait3A_109 = arith.constant 0 : i32
      %dma_wait3A_110 = tpu.memref_slice %arg7[%dma_wait3A_108, %dma_wait3A_109] : memref<40x125xi32, #tpu.memory_space<vmem>> -> memref<1x125xi32, #tpu.memory_space<vmem>>
      %dma_wait3A_111 = tpu.memref_squeeze %dma_wait3A_110 : memref<1x125xi32, #tpu.memory_space<vmem>> -> memref<125xi32, #tpu.memory_space<vmem>>
      %dma_wait3A_112 = arith.constant 0 : i32
      %dma_wait3A_113 = arith.constant 0 : i32
      %dma_wait3A_114 = tpu.memref_slice %arg2[%dma_wait3A_112, %dma_wait3A_113] : memref<10000x128xf32, #tpu.memory_space<hbm>> -> memref<10000x128xf32, #tpu.memory_space<hbm>>
      tpu.wait_indirect_dma semaphore(%arg13 : memref<!tpu.dma_semaphore, #tpu.memory_space<semaphore_mem>>) src(%dma_wait3A_114 : memref<10000x128xf32, #tpu.memory_space<hbm>>) dst(%arg10 : memref<125x128xf32, #tpu.memory_space<vmem>>)
      %add3A_115 = arith.constant 1 : i32
      %add3A_116 = arith.addi %mul3A_92, %add3A_115 : i32
      "tpu.region"() ({
        %run_scoped3A_125 = tpu.sem_alloc : memref<!tpu.dma_semaphore, #tpu.memory_space<semaphore_mem>>
        %dma_start3A_126 = arith.constant 0 : i32
        %dma_start3A_127 = tpu.memref_slice %arg8[%add3A_116, %dma_start3A_126] : memref<40x125xi32, #tpu.memory_space<vmem>> -> memref<1x125xi32, #tpu.memory_space<vmem>>
        %dma_start3A_128 = tpu.memref_squeeze %dma_start3A_127 : memref<1x125xi32, #tpu.memory_space<vmem>> -> memref<125xi32, #tpu.memory_space<vmem>>
        %dma_start3A_129 = arith.constant 0 : i32
        %dma_start3A_130 = arith.constant 0 : i32
        %dma_start3A_131 = tpu.memref_slice %arg11[%dma_start3A_129, %dma_start3A_130] : memref<10000x128xf32, #tpu.memory_space<vmem_shared>> -> memref<10000x128xf32, #tpu.memory_space<vmem_shared>>
        tpu.enqueue_indirect_dma source(%arg10 : memref<125x128xf32, #tpu.memory_space<vmem>>) target(%dma_start3A_131 : memref<10000x128xf32, #tpu.memory_space<vmem_shared>>) offsets(%dma_start3A_128 : memref<125xi32, #tpu.memory_space<vmem>>) semaphore(%run_scoped3A_125 : memref<!tpu.dma_semaphore, #tpu.memory_space<semaphore_mem>>) {add = true}
        %dma_wait3A_132 = arith.constant 0 : i32
        %dma_wait3A_133 = tpu.memref_slice %arg8[%add3A_116, %dma_wait3A_132] : memref<40x125xi32, #tpu.memory_space<vmem>> -> memref<1x125xi32, #tpu.memory_space<vmem>>
        %dma_wait3A_134 = tpu.memref_squeeze %dma_wait3A_133 : memref<1x125xi32, #tpu.memory_space<vmem>> -> memref<125xi32, #tpu.memory_space<vmem>>
        %dma_wait3A_135 = arith.constant 0 : i32
        %dma_wait3A_136 = arith.constant 0 : i32
        %dma_wait3A_137 = tpu.memref_slice %arg11[%dma_wait3A_135, %dma_wait3A_136] : memref<10000x128xf32, #tpu.memory_space<vmem_shared>> -> memref<10000x128xf32, #tpu.memory_space<vmem_shared>>
        tpu.wait_indirect_dma semaphore(%run_scoped3A_125 : memref<!tpu.dma_semaphore, #tpu.memory_space<semaphore_mem>>) src(%arg10 : memref<125x128xf32, #tpu.memory_space<vmem>>) dst(%dma_wait3A_137 : memref<10000x128xf32, #tpu.memory_space<vmem_shared>>)
        tpu.yield
      }) : () -> ()
      %add3A_117 = arith.constant 3 : i32
      %add3A_118 = arith.addi %mul3A_92, %add3A_117 : i32
      %dma_start3A_119 = arith.constant 0 : i32
      %dma_start3A_120 = tpu.memref_slice %arg7[%add3A_118, %dma_start3A_119] : memref<40x125xi32, #tpu.memory_space<vmem>> -> memref<1x125xi32, #tpu.memory_space<vmem>>
      %dma_start3A_121 = tpu.memref_squeeze %dma_start3A_120 : memref<1x125xi32, #tpu.memory_space<vmem>> -> memref<125xi32, #tpu.memory_space<vmem>>
      %dma_start3A_122 = arith.constant 0 : i32
      %dma_start3A_123 = arith.constant 0 : i32
      %dma_start3A_124 = tpu.memref_slice %arg2[%dma_start3A_122, %dma_start3A_123] : memref<10000x128xf32, #tpu.memory_space<hbm>> -> memref<10000x128xf32, #tpu.memory_space<hbm>>
      tpu.enqueue_indirect_dma source(%dma_start3A_124 : memref<10000x128xf32, #tpu.memory_space<hbm>>) target(%arg10 : memref<125x128xf32, #tpu.memory_space<vmem>>) offsets(%dma_start3A_121 : memref<125xi32, #tpu.memory_space<vmem>>) semaphore(%arg13 : memref<!tpu.dma_semaphore, #tpu.memory_space<semaphore_mem>>)
    }
    %scan3A_63 = arith.constant 19 : i32
    %dma_wait3A_64 = arith.constant 0 : i32
    %dma_wait3A_65 = arith.constant 0 : i32
    %dma_wait3A_66 = tpu.memref_slice %arg7[%dma_wait3A_64, %dma_wait3A_65] : memref<40x125xi32, #tpu.memory_space<vmem>> -> memref<1x125xi32, #tpu.memory_space<vmem>>
    %dma_wait3A_67 = tpu.memref_squeeze %dma_wait3A_66 : memref<1x125xi32, #tpu.memory_space<vmem>> -> memref<125xi32, #tpu.memory_space<vmem>>
    %dma_wait3A_68 = arith.constant 0 : i32
    %dma_wait3A_69 = arith.constant 0 : i32
    %dma_wait3A_70 = tpu.memref_slice %arg2[%dma_wait3A_68, %dma_wait3A_69] : memref<10000x128xf32, #tpu.memory_space<hbm>> -> memref<10000x128xf32, #tpu.memory_space<hbm>>
    tpu.wait_indirect_dma semaphore(%arg12 : memref<!tpu.dma_semaphore, #tpu.memory_space<semaphore_mem>>) src(%dma_wait3A_70 : memref<10000x128xf32, #tpu.memory_space<hbm>>) dst(%arg9 : memref<125x128xf32, #tpu.memory_space<vmem>>)
    %run_scoped3A_71 = arith.constant 38 : i32
    "tpu.region"() ({
      %run_scoped3A_90 = tpu.sem_alloc : memref<!tpu.dma_semaphore, #tpu.memory_space<semaphore_mem>>
      %dma_start3A_91 = arith.constant 0 : i32
      %dma_start3A_92 = tpu.memref_slice %arg8[%run_scoped3A_71, %dma_start3A_91] : memref<40x125xi32, #tpu.memory_space<vmem>> -> memref<1x125xi32, #tpu.memory_space<vmem>>
      %dma_start3A_93 = tpu.memref_squeeze %dma_start3A_92 : memref<1x125xi32, #tpu.memory_space<vmem>> -> memref<125xi32, #tpu.memory_space<vmem>>
      %dma_start3A_94 = arith.constant 0 : i32
      %dma_start3A_95 = arith.constant 0 : i32
      %dma_start3A_96 = tpu.memref_slice %arg11[%dma_start3A_94, %dma_start3A_95] : memref<10000x128xf32, #tpu.memory_space<vmem_shared>> -> memref<10000x128xf32, #tpu.memory_space<vmem_shared>>
      tpu.enqueue_indirect_dma source(%arg9 : memref<125x128xf32, #tpu.memory_space<vmem>>) target(%dma_start3A_96 : memref<10000x128xf32, #tpu.memory_space<vmem_shared>>) offsets(%dma_start3A_93 : memref<125xi32, #tpu.memory_space<vmem>>) semaphore(%run_scoped3A_90 : memref<!tpu.dma_semaphore, #tpu.memory_space<semaphore_mem>>) {add = true}
      %dma_wait3A_97 = arith.constant 0 : i32
      %dma_wait3A_98 = tpu.memref_slice %arg8[%run_scoped3A_71, %dma_wait3A_97] : memref<40x125xi32, #tpu.memory_space<vmem>> -> memref<1x125xi32, #tpu.memory_space<vmem>>
      %dma_wait3A_99 = tpu.memref_squeeze %dma_wait3A_98 : memref<1x125xi32, #tpu.memory_space<vmem>> -> memref<125xi32, #tpu.memory_space<vmem>>
      %dma_wait3A_100 = arith.constant 0 : i32
      %dma_wait3A_101 = arith.constant 0 : i32
      %dma_wait3A_102 = tpu.memref_slice %arg11[%dma_wait3A_100, %dma_wait3A_101] : memref<10000x128xf32, #tpu.memory_space<vmem_shared>> -> memref<10000x128xf32, #tpu.memory_space<vmem_shared>>
      tpu.wait_indirect_dma semaphore(%run_scoped3A_90 : memref<!tpu.dma_semaphore, #tpu.memory_space<semaphore_mem>>) src(%arg9 : memref<125x128xf32, #tpu.memory_space<vmem>>) dst(%dma_wait3A_102 : memref<10000x128xf32, #tpu.memory_space<vmem_shared>>)
      tpu.yield
    }) : () -> ()
    %dma_wait3A_72 = arith.constant 0 : i32
    %dma_wait3A_73 = arith.constant 0 : i32
    %dma_wait3A_74 = tpu.memref_slice %arg7[%dma_wait3A_72, %dma_wait3A_73] : memref<40x125xi32, #tpu.memory_space<vmem>> -> memref<1x125xi32, #tpu.memory_space<vmem>>
    %dma_wait3A_75 = tpu.memref_squeeze %dma_wait3A_74 : memref<1x125xi32, #tpu.memory_space<vmem>> -> memref<125xi32, #tpu.memory_space<vmem>>
    %dma_wait3A_76 = arith.constant 0 : i32
    %dma_wait3A_77 = arith.constant 0 : i32
    %dma_wait3A_78 = tpu.memref_slice %arg2[%dma_wait3A_76, %dma_wait3A_77] : memref<10000x128xf32, #tpu.memory_space<hbm>> -> memref<10000x128xf32, #tpu.memory_space<hbm>>
    tpu.wait_indirect_dma semaphore(%arg13 : memref<!tpu.dma_semaphore, #tpu.memory_space<semaphore_mem>>) src(%dma_wait3A_78 : memref<10000x128xf32, #tpu.memory_space<hbm>>) dst(%arg10 : memref<125x128xf32, #tpu.memory_space<vmem>>)
    %run_scoped3A_79 = arith.constant 39 : i32
    "tpu.region"() ({
      %run_scoped3A_90 = tpu.sem_alloc : memref<!tpu.dma_semaphore, #tpu.memory_space<semaphore_mem>>
      %dma_start3A_91 = arith.constant 0 : i32
      %dma_start3A_92 = tpu.memref_slice %arg8[%run_scoped3A_79, %dma_start3A_91] : memref<40x125xi32, #tpu.memory_space<vmem>> -> memref<1x125xi32, #tpu.memory_space<vmem>>
      %dma_start3A_93 = tpu.memref_squeeze %dma_start3A_92 : memref<1x125xi32, #tpu.memory_space<vmem>> -> memref<125xi32, #tpu.memory_space<vmem>>
      %dma_start3A_94 = arith.constant 0 : i32
      %dma_start3A_95 = arith.constant 0 : i32
      %dma_start3A_96 = tpu.memref_slice %arg11[%dma_start3A_94, %dma_start3A_95] : memref<10000x128xf32, #tpu.memory_space<vmem_shared>> -> memref<10000x128xf32, #tpu.memory_space<vmem_shared>>
      tpu.enqueue_indirect_dma source(%arg10 : memref<125x128xf32, #tpu.memory_space<vmem>>) target(%dma_start3A_96 : memref<10000x128xf32, #tpu.memory_space<vmem_shared>>) offsets(%dma_start3A_93 : memref<125xi32, #tpu.memory_space<vmem>>) semaphore(%run_scoped3A_90 : memref<!tpu.dma_semaphore, #tpu.memory_space<semaphore_mem>>) {add = true}
      %dma_wait3A_97 = arith.constant 0 : i32
      %dma_wait3A_98 = tpu.memref_slice %arg8[%run_scoped3A_79, %dma_wait3A_97] : memref<40x125xi32, #tpu.memory_space<vmem>> -> memref<1x125xi32, #tpu.memory_space<vmem>>
      %dma_wait3A_99 = tpu.memref_squeeze %dma_wait3A_98 : memref<1x125xi32, #tpu.memory_space<vmem>> -> memref<125xi32, #tpu.memory_space<vmem>>
      %dma_wait3A_100 = arith.constant 0 : i32
      %dma_wait3A_101 = arith.constant 0 : i32
      %dma_wait3A_102 = tpu.memref_slice %arg11[%dma_wait3A_100, %dma_wait3A_101] : memref<10000x128xf32, #tpu.memory_space<vmem_shared>> -> memref<10000x128xf32, #tpu.memory_space<vmem_shared>>
      tpu.wait_indirect_dma semaphore(%run_scoped3A_90 : memref<!tpu.dma_semaphore, #tpu.memory_space<semaphore_mem>>) src(%arg10 : memref<125x128xf32, #tpu.memory_space<vmem>>) dst(%dma_wait3A_102 : memref<10000x128xf32, #tpu.memory_space<vmem_shared>>)
      tpu.yield
    }) : () -> ()
    %barrier3A_80 = arith.constant 0 : index
    tpu.barrier barrier_id(%barrier3A_80)
    %lt3A = arith.constant 15 : i32
    %lt3A_81 = arith.cmpi slt, %arg1, %lt3A : i32
    %convert_element_type3A_82 = arith.extui %lt3A_81 : i1 to i32
    %cond3A_83 = arith.constant 0 : i32
    %cond3A_84 = arith.cmpi ne, %convert_element_type3A_82, %cond3A_83 : i32
    scf.if %cond3A_84 {
      %mul3A_90 = arith.constant 632 : i32
      %mul3A_91 = arith.muli %arg1, %mul3A_90 : i32
      %multiple_of3A = tpu.assume_multiple %mul3A_91, 8 : i32
      "tpu.region"() ({
        %run_scoped3A_92 = tpu.sem_alloc : memref<!tpu.dma_semaphore, #tpu.memory_space<semaphore_mem>>
        %dma_start3A_93 = arith.constant 0 : i32
        %dma_start3A_94 = arith.constant 0 : i32
        %dma_start3A_95 = tpu.memref_slice %arg6[%arg0, %dma_start3A_93, %dma_start3A_94] : memref<2x10000x128xf32, #tpu.memory_space<hbm>> -> memref<1x10000x128xf32, #tpu.memory_space<hbm>>
        %dma_start3A_96 = tpu.memref_squeeze %dma_start3A_95 : memref<1x10000x128xf32, #tpu.memory_space<hbm>> -> memref<10000x128xf32, #tpu.memory_space<hbm>>
        %dma_start3A_97 = arith.constant 0 : i32
        %dma_start3A_98 = tpu.memref_slice %dma_start3A_96[%multiple_of3A, %dma_start3A_97] : memref<10000x128xf32, #tpu.memory_space<hbm>> -> memref<632x128xf32, #tpu.memory_space<hbm>>
        %dma_start3A_99 = arith.constant 0 : i32
        %dma_start3A_100 = tpu.memref_slice %arg11[%multiple_of3A, %dma_start3A_99] : memref<10000x128xf32, #tpu.memory_space<vmem_shared>> -> memref<632x128xf32, #tpu.memory_space<vmem_shared>>
        tpu.enqueue_dma source(%dma_start3A_100 : memref<632x128xf32, #tpu.memory_space<vmem_shared>>) target(%dma_start3A_98 : memref<632x128xf32, #tpu.memory_space<hbm>>) target_semaphore(%run_scoped3A_92 : memref<!tpu.dma_semaphore, #tpu.memory_space<semaphore_mem>>)
        %dma_wait3A_101 = arith.constant 0 : i32
        %dma_wait3A_102 = arith.constant 0 : i32
        %dma_wait3A_103 = tpu.memref_slice %arg6[%arg0, %dma_wait3A_101, %dma_wait3A_102] : memref<2x10000x128xf32, #tpu.memory_space<hbm>> -> memref<1x10000x128xf32, #tpu.memory_space<hbm>>
        %dma_wait3A_104 = tpu.memref_squeeze %dma_wait3A_103 : memref<1x10000x128xf32, #tpu.memory_space<hbm>> -> memref<10000x128xf32, #tpu.memory_space<hbm>>
        %dma_wait3A_105 = arith.constant 0 : i32
        %dma_wait3A_106 = tpu.memref_slice %dma_wait3A_104[%multiple_of3A, %dma_wait3A_105] : memref<10000x128xf32, #tpu.memory_space<hbm>> -> memref<632x128xf32, #tpu.memory_space<hbm>>
        %dma_wait3A_107 = arith.constant 0 : i32
        %dma_wait3A_108 = tpu.memref_slice %arg11[%multiple_of3A, %dma_wait3A_107] : memref<10000x128xf32, #tpu.memory_space<vmem_shared>> -> memref<632x128xf32, #tpu.memory_space<vmem_shared>>
        tpu.wait_dma2 semaphore(%run_scoped3A_92 : memref<!tpu.dma_semaphore, #tpu.memory_space<semaphore_mem>>) src(%dma_wait3A_108 : memref<632x128xf32, #tpu.memory_space<vmem_shared>>) dst(%dma_wait3A_106 : memref<632x128xf32, #tpu.memory_space<hbm>>)
        tpu.yield
      }) : () -> ()
    } else {
    }
    %eq3A_85 = arith.constant 15 : i32
    %eq3A_86 = arith.cmpi eq, %arg1, %eq3A_85 : i32
    %convert_element_type3A_87 = arith.extui %eq3A_86 : i1 to i32
    %cond3A_88 = arith.constant 0 : i32
    %cond3A_89 = arith.cmpi ne, %convert_element_type3A_87, %cond3A_88 : i32
    scf.if %cond3A_89 {
      "tpu.region"() ({
        %run_scoped3A_90 = tpu.sem_alloc : memref<!tpu.dma_semaphore, #tpu.memory_space<semaphore_mem>>
        %dma_start3A_91 = arith.constant 0 : i32
        %dma_start3A_92 = arith.constant 0 : i32
        %dma_start3A_93 = tpu.memref_slice %arg6[%arg0, %dma_start3A_91, %dma_start3A_92] : memref<2x10000x128xf32, #tpu.memory_space<hbm>> -> memref<1x10000x128xf32, #tpu.memory_space<hbm>>
        %dma_start3A_94 = tpu.memref_squeeze %dma_start3A_93 : memref<1x10000x128xf32, #tpu.memory_space<hbm>> -> memref<10000x128xf32, #tpu.memory_space<hbm>>
        %dma_start3A_95 = arith.constant 9480 : i32
        %dma_start3A_96 = arith.constant 0 : i32
        %dma_start3A_97 = tpu.memref_slice %dma_start3A_94[%dma_start3A_95, %dma_start3A_96] : memref<10000x128xf32, #tpu.memory_space<hbm>> -> memref<520x128xf32, #tpu.memory_space<hbm>>
        %dma_start3A_98 = arith.constant 9480 : i32
        %dma_start3A_99 = arith.constant 0 : i32
        %dma_start3A_100 = tpu.memref_slice %arg11[%dma_start3A_98, %dma_start3A_99] : memref<10000x128xf32, #tpu.memory_space<vmem_shared>> -> memref<520x128xf32, #tpu.memory_space<vmem_shared>>
        tpu.enqueue_dma source(%dma_start3A_100 : memref<520x128xf32, #tpu.memory_space<vmem_shared>>) target(%dma_start3A_97 : memref<520x128xf32, #tpu.memory_space<hbm>>) target_semaphore(%run_scoped3A_90 : memref<!tpu.dma_semaphore, #tpu.memory_space<semaphore_mem>>)
        %dma_wait3A_101 = arith.constant 0 : i32
        %dma_wait3A_102 = arith.constant 0 : i32
        %dma_wait3A_103 = tpu.memref_slice %arg6[%arg0, %dma_wait3A_101, %dma_wait3A_102] : memref<2x10000x128xf32, #tpu.memory_space<hbm>> -> memref<1x10000x128xf32, #tpu.memory_space<hbm>>
        %dma_wait3A_104 = tpu.memref_squeeze %dma_wait3A_103 : memref<1x10000x128xf32, #tpu.memory_space<hbm>> -> memref<10000x128xf32, #tpu.memory_space<hbm>>
        %dma_wait3A_105 = arith.constant 9480 : i32
        %dma_wait3A_106 = arith.constant 0 : i32
        %dma_wait3A_107 = tpu.memref_slice %dma_wait3A_104[%dma_wait3A_105, %dma_wait3A_106] : memref<10000x128xf32, #tpu.memory_space<hbm>> -> memref<520x128xf32, #tpu.memory_space<hbm>>
        %dma_wait3A_108 = arith.constant 9480 : i32
        %dma_wait3A_109 = arith.constant 0 : i32
        %dma_wait3A_110 = tpu.memref_slice %arg11[%dma_wait3A_108, %dma_wait3A_109] : memref<10000x128xf32, #tpu.memory_space<vmem_shared>> -> memref<520x128xf32, #tpu.memory_space<vmem_shared>>
        tpu.wait_dma2 semaphore(%run_scoped3A_90 : memref<!tpu.dma_semaphore, #tpu.memory_space<semaphore_mem>>) src(%dma_wait3A_110 : memref<520x128xf32, #tpu.memory_space<vmem_shared>>) dst(%dma_wait3A_107 : memref<520x128xf32, #tpu.memory_space<hbm>>)
        tpu.yield
      }) : () -> ()
    } else {
    }
    return
  }
}

#map = affine_map<(d0, d1) -> (0, 0)>
#map1 = affine_map<(d0, d1) -> (0, 0, 0, 0)>
#map2 = affine_map<(d0, d1) -> (0, 0, 0)>
module attributes {stable_mosaic.version = 14 : i64} {
  func.func @_sc_agg_body(%arg0: i32, %arg1: i32, %arg2: memref<10000x128xf32, #tpu.memory_space<hbm>>, %arg3: memref<10000x128xf32, #tpu.memory_space<hbm>>, %arg4: memref<32x2x40x125xi32, #tpu.memory_space<hbm>>, %arg5: memref<32x2x40x125xi32, #tpu.memory_space<hbm>>, %arg6: memref<2x10000x128xf32, #tpu.memory_space<hbm>>, %arg7: memref<40x125xi32, #tpu.memory_space<vmem>>, %arg8: memref<40x125xi32, #tpu.memory_space<vmem>>, %arg9: memref<125x128xf32, #tpu.memory_space<vmem>>, %arg10: memref<125x128xf32, #tpu.memory_space<vmem>>, %arg11: memref<10000x128xf32, #tpu.memory_space<vmem_shared>>, %arg12: memref<!tpu.dma_semaphore, #tpu.memory_space<semaphore_mem>>, %arg13: memref<!tpu.dma_semaphore, #tpu.memory_space<semaphore_mem>>) attributes {dimension_semantics = [#tpu.dimension_semantics<core_parallel>, #tpu.dimension_semantics<subcore_parallel>], iteration_bounds = array<i64: 2, 16>, scalar_prefetch = 0 : i64, scratch_operands = 7 : i64, tpu.core_type = #tpu.core_type<sc_vector_subcore>, window_params = [{transform_indices = #map}, {transform_indices = #map}, {transform_indices = #map1}, {transform_indices = #map1}, {transform_indices = #map2}]} {
    %mul3A = arith.constant 2 : i32
    %mul3A_0 = arith.muli %arg1, %mul3A : i32
    %add3A = arith.addi %mul3A_0, %arg0 : i32
    %run_scoped3A = arith.constant 0 : i32
    "tpu.region"() ({
      %run_scoped3A_90 = tpu.sem_alloc : memref<!tpu.dma_semaphore, #tpu.memory_space<semaphore_mem>>
      %dma_start3A_91 = arith.constant 0 : i32
      %dma_start3A_92 = arith.constant 0 : i32
      %dma_start3A_93 = arith.constant 0 : i32
      %dma_start3A_94 = tpu.memref_slice %arg4[%add3A, %dma_start3A_91, %dma_start3A_92, %dma_start3A_93] : memref<32x2x40x125xi32, #tpu.memory_space<hbm>> -> memref<1x2x40x125xi32, #tpu.memory_space<hbm>>
      %dma_start3A_95 = tpu.memref_squeeze %dma_start3A_94 : memref<1x2x40x125xi32, #tpu.memory_space<hbm>> -> memref<2x40x125xi32, #tpu.memory_space<hbm>>
      %dma_start3A_96 = arith.constant 0 : i32
      %dma_start3A_97 = arith.constant 0 : i32
      %dma_start3A_98 = tpu.memref_slice %dma_start3A_95[%run_scoped3A, %dma_start3A_96, %dma_start3A_97] : memref<2x40x125xi32, #tpu.memory_space<hbm>> -> memref<1x40x125xi32, #tpu.memory_space<hbm>>
      %dma_start3A_99 = tpu.memref_squeeze %dma_start3A_98 : memref<1x40x125xi32, #tpu.memory_space<hbm>> -> memref<40x125xi32, #tpu.memory_space<hbm>>
      %dma_start3A_100 = arith.constant 0 : i32
      %dma_start3A_101 = arith.constant 0 : i32
      %dma_start3A_102 = arith.constant 0 : i32
      %dma_start3A_103 = tpu.memref_slice %arg4[%add3A, %dma_start3A_100, %dma_start3A_101, %dma_start3A_102] : memref<32x2x40x125xi32, #tpu.memory_space<hbm>> -> memref<1x2x40x125xi32, #tpu.memory_space<hbm>>
      %dma_start3A_104 = tpu.memref_squeeze %dma_start3A_103 : memref<1x2x40x125xi32, #tpu.memory_space<hbm>> -> memref<2x40x125xi32, #tpu.memory_space<hbm>>
      %dma_start3A_105 = arith.constant 0 : i32
      %dma_start3A_106 = arith.constant 0 : i32
      %dma_start3A_107 = tpu.memref_slice %dma_start3A_104[%run_scoped3A, %dma_start3A_105, %dma_start3A_106] : memref<2x40x125xi32, #tpu.memory_space<hbm>> -> memref<1x40x125xi32, #tpu.memory_space<hbm>>
      %dma_start3A_108 = tpu.memref_squeeze %dma_start3A_107 : memref<1x40x125xi32, #tpu.memory_space<hbm>> -> memref<40x125xi32, #tpu.memory_space<hbm>>
      tpu.enqueue_dma source(%dma_start3A_108 : memref<40x125xi32, #tpu.memory_space<hbm>>) target(%arg7 : memref<40x125xi32, #tpu.memory_space<vmem>>) target_semaphore(%run_scoped3A_90 : memref<!tpu.dma_semaphore, #tpu.memory_space<semaphore_mem>>)
      %dma_wait3A_109 = arith.constant 0 : i32
      %dma_wait3A_110 = arith.constant 0 : i32
      %dma_wait3A_111 = arith.constant 0 : i32
      %dma_wait3A_112 = tpu.memref_slice %arg4[%add3A, %dma_wait3A_109, %dma_wait3A_110, %dma_wait3A_111] : memref<32x2x40x125xi32, #tpu.memory_space<hbm>> -> memref<1x2x40x125xi32, #tpu.memory_space<hbm>>
      %dma_wait3A_113 = tpu.memref_squeeze %dma_wait3A_112 : memref<1x2x40x125xi32, #tpu.memory_space<hbm>> -> memref<2x40x125xi32, #tpu.memory_space<hbm>>
      %dma_wait3A_114 = arith.constant 0 : i32
      %dma_wait3A_115 = arith.constant 0 : i32
      %dma_wait3A_116 = tpu.memref_slice %dma_wait3A_113[%run_scoped3A, %dma_wait3A_114, %dma_wait3A_115] : memref<2x40x125xi32, #tpu.memory_space<hbm>> -> memref<1x40x125xi32, #tpu.memory_space<hbm>>
      %dma_wait3A_117 = tpu.memref_squeeze %dma_wait3A_116 : memref<1x40x125xi32, #tpu.memory_space<hbm>> -> memref<40x125xi32, #tpu.memory_space<hbm>>
      %dma_wait3A_118 = arith.constant 0 : i32
      %dma_wait3A_119 = arith.constant 0 : i32
      %dma_wait3A_120 = arith.constant 0 : i32
      %dma_wait3A_121 = tpu.memref_slice %arg4[%add3A, %dma_wait3A_118, %dma_wait3A_119, %dma_wait3A_120] : memref<32x2x40x125xi32, #tpu.memory_space<hbm>> -> memref<1x2x40x125xi32, #tpu.memory_space<hbm>>
      %dma_wait3A_122 = tpu.memref_squeeze %dma_wait3A_121 : memref<1x2x40x125xi32, #tpu.memory_space<hbm>> -> memref<2x40x125xi32, #tpu.memory_space<hbm>>
      %dma_wait3A_123 = arith.constant 0 : i32
      %dma_wait3A_124 = arith.constant 0 : i32
      %dma_wait3A_125 = tpu.memref_slice %dma_wait3A_122[%run_scoped3A, %dma_wait3A_123, %dma_wait3A_124] : memref<2x40x125xi32, #tpu.memory_space<hbm>> -> memref<1x40x125xi32, #tpu.memory_space<hbm>>
      %dma_wait3A_126 = tpu.memref_squeeze %dma_wait3A_125 : memref<1x40x125xi32, #tpu.memory_space<hbm>> -> memref<40x125xi32, #tpu.memory_space<hbm>>
      tpu.wait_dma2 semaphore(%run_scoped3A_90 : memref<!tpu.dma_semaphore, #tpu.memory_space<semaphore_mem>>) src(%dma_wait3A_126 : memref<40x125xi32, #tpu.memory_space<hbm>>) dst(%arg7 : memref<40x125xi32, #tpu.memory_space<vmem>>)
      tpu.yield
    }) : () -> ()
    %run_scoped3A_1 = arith.constant 0 : i32
    "tpu.region"() ({
      %run_scoped3A_90 = tpu.sem_alloc : memref<!tpu.dma_semaphore, #tpu.memory_space<semaphore_mem>>
      %dma_start3A_91 = arith.constant 0 : i32
      %dma_start3A_92 = arith.constant 0 : i32
      %dma_start3A_93 = arith.constant 0 : i32
      %dma_start3A_94 = tpu.memref_slice %arg5[%add3A, %dma_start3A_91, %dma_start3A_92, %dma_start3A_93] : memref<32x2x40x125xi32, #tpu.memory_space<hbm>> -> memref<1x2x40x125xi32, #tpu.memory_space<hbm>>
      %dma_start3A_95 = tpu.memref_squeeze %dma_start3A_94 : memref<1x2x40x125xi32, #tpu.memory_space<hbm>> -> memref<2x40x125xi32, #tpu.memory_space<hbm>>
      %dma_start3A_96 = arith.constant 0 : i32
      %dma_start3A_97 = arith.constant 0 : i32
      %dma_start3A_98 = tpu.memref_slice %dma_start3A_95[%run_scoped3A_1, %dma_start3A_96, %dma_start3A_97] : memref<2x40x125xi32, #tpu.memory_space<hbm>> -> memref<1x40x125xi32, #tpu.memory_space<hbm>>
      %dma_start3A_99 = tpu.memref_squeeze %dma_start3A_98 : memref<1x40x125xi32, #tpu.memory_space<hbm>> -> memref<40x125xi32, #tpu.memory_space<hbm>>
      %dma_start3A_100 = arith.constant 0 : i32
      %dma_start3A_101 = arith.constant 0 : i32
      %dma_start3A_102 = arith.constant 0 : i32
      %dma_start3A_103 = tpu.memref_slice %arg5[%add3A, %dma_start3A_100, %dma_start3A_101, %dma_start3A_102] : memref<32x2x40x125xi32, #tpu.memory_space<hbm>> -> memref<1x2x40x125xi32, #tpu.memory_space<hbm>>
      %dma_start3A_104 = tpu.memref_squeeze %dma_start3A_103 : memref<1x2x40x125xi32, #tpu.memory_space<hbm>> -> memref<2x40x125xi32, #tpu.memory_space<hbm>>
      %dma_start3A_105 = arith.constant 0 : i32
      %dma_start3A_106 = arith.constant 0 : i32
      %dma_start3A_107 = tpu.memref_slice %dma_start3A_104[%run_scoped3A_1, %dma_start3A_105, %dma_start3A_106] : memref<2x40x125xi32, #tpu.memory_space<hbm>> -> memref<1x40x125xi32, #tpu.memory_space<hbm>>
      %dma_start3A_108 = tpu.memref_squeeze %dma_start3A_107 : memref<1x40x125xi32, #tpu.memory_space<hbm>> -> memref<40x125xi32, #tpu.memory_space<hbm>>
      tpu.enqueue_dma source(%dma_start3A_108 : memref<40x125xi32, #tpu.memory_space<hbm>>) target(%arg8 : memref<40x125xi32, #tpu.memory_space<vmem>>) target_semaphore(%run_scoped3A_90 : memref<!tpu.dma_semaphore, #tpu.memory_space<semaphore_mem>>)
      %dma_wait3A_109 = arith.constant 0 : i32
      %dma_wait3A_110 = arith.constant 0 : i32
      %dma_wait3A_111 = arith.constant 0 : i32
      %dma_wait3A_112 = tpu.memref_slice %arg5[%add3A, %dma_wait3A_109, %dma_wait3A_110, %dma_wait3A_111] : memref<32x2x40x125xi32, #tpu.memory_space<hbm>> -> memref<1x2x40x125xi32, #tpu.memory_space<hbm>>
      %dma_wait3A_113 = tpu.memref_squeeze %dma_wait3A_112 : memref<1x2x40x125xi32, #tpu.memory_space<hbm>> -> memref<2x40x125xi32, #tpu.memory_space<hbm>>
      %dma_wait3A_114 = arith.constant 0 : i32
      %dma_wait3A_115 = arith.constant 0 : i32
      %dma_wait3A_116 = tpu.memref_slice %dma_wait3A_113[%run_scoped3A_1, %dma_wait3A_114, %dma_wait3A_115] : memref<2x40x125xi32, #tpu.memory_space<hbm>> -> memref<1x40x125xi32, #tpu.memory_space<hbm>>
      %dma_wait3A_117 = tpu.memref_squeeze %dma_wait3A_116 : memref<1x40x125xi32, #tpu.memory_space<hbm>> -> memref<40x125xi32, #tpu.memory_space<hbm>>
      %dma_wait3A_118 = arith.constant 0 : i32
      %dma_wait3A_119 = arith.constant 0 : i32
      %dma_wait3A_120 = arith.constant 0 : i32
      %dma_wait3A_121 = tpu.memref_slice %arg5[%add3A, %dma_wait3A_118, %dma_wait3A_119, %dma_wait3A_120] : memref<32x2x40x125xi32, #tpu.memory_space<hbm>> -> memref<1x2x40x125xi32, #tpu.memory_space<hbm>>
      %dma_wait3A_122 = tpu.memref_squeeze %dma_wait3A_121 : memref<1x2x40x125xi32, #tpu.memory_space<hbm>> -> memref<2x40x125xi32, #tpu.memory_space<hbm>>
      %dma_wait3A_123 = arith.constant 0 : i32
      %dma_wait3A_124 = arith.constant 0 : i32
      %dma_wait3A_125 = tpu.memref_slice %dma_wait3A_122[%run_scoped3A_1, %dma_wait3A_123, %dma_wait3A_124] : memref<2x40x125xi32, #tpu.memory_space<hbm>> -> memref<1x40x125xi32, #tpu.memory_space<hbm>>
      %dma_wait3A_126 = tpu.memref_squeeze %dma_wait3A_125 : memref<1x40x125xi32, #tpu.memory_space<hbm>> -> memref<40x125xi32, #tpu.memory_space<hbm>>
      tpu.wait_dma2 semaphore(%run_scoped3A_90 : memref<!tpu.dma_semaphore, #tpu.memory_space<semaphore_mem>>) src(%dma_wait3A_126 : memref<40x125xi32, #tpu.memory_space<hbm>>) dst(%arg8 : memref<40x125xi32, #tpu.memory_space<vmem>>)
      tpu.yield
    }) : () -> ()
    %dma_start3A = arith.constant 0 : i32
    %dma_start3A_2 = arith.constant 0 : i32
    %dma_start3A_3 = tpu.memref_slice %arg7[%dma_start3A, %dma_start3A_2] : memref<40x125xi32, #tpu.memory_space<vmem>> -> memref<1x125xi32, #tpu.memory_space<vmem>>
    %dma_start3A_4 = tpu.memref_squeeze %dma_start3A_3 : memref<1x125xi32, #tpu.memory_space<vmem>> -> memref<125xi32, #tpu.memory_space<vmem>>
    %dma_start3A_5 = arith.constant 0 : i32
    %dma_start3A_6 = arith.constant 0 : i32
    %dma_start3A_7 = tpu.memref_slice %arg2[%dma_start3A_5, %dma_start3A_6] : memref<10000x128xf32, #tpu.memory_space<hbm>> -> memref<10000x128xf32, #tpu.memory_space<hbm>>
    tpu.enqueue_indirect_dma source(%dma_start3A_7 : memref<10000x128xf32, #tpu.memory_space<hbm>>) target(%arg9 : memref<125x128xf32, #tpu.memory_space<vmem>>) offsets(%dma_start3A_4 : memref<125xi32, #tpu.memory_space<vmem>>) semaphore(%arg12 : memref<!tpu.dma_semaphore, #tpu.memory_space<semaphore_mem>>)
    %dma_start3A_8 = arith.constant 1 : i32
    %dma_start3A_9 = arith.constant 0 : i32
    %dma_start3A_10 = tpu.memref_slice %arg7[%dma_start3A_8, %dma_start3A_9] : memref<40x125xi32, #tpu.memory_space<vmem>> -> memref<1x125xi32, #tpu.memory_space<vmem>>
    %dma_start3A_11 = tpu.memref_squeeze %dma_start3A_10 : memref<1x125xi32, #tpu.memory_space<vmem>> -> memref<125xi32, #tpu.memory_space<vmem>>
    %dma_start3A_12 = arith.constant 0 : i32
    %dma_start3A_13 = arith.constant 0 : i32
    %dma_start3A_14 = tpu.memref_slice %arg2[%dma_start3A_12, %dma_start3A_13] : memref<10000x128xf32, #tpu.memory_space<hbm>> -> memref<10000x128xf32, #tpu.memory_space<hbm>>
    tpu.enqueue_indirect_dma source(%dma_start3A_14 : memref<10000x128xf32, #tpu.memory_space<hbm>>) target(%arg10 : memref<125x128xf32, #tpu.memory_space<vmem>>) offsets(%dma_start3A_11 : memref<125xi32, #tpu.memory_space<vmem>>) semaphore(%arg13 : memref<!tpu.dma_semaphore, #tpu.memory_space<semaphore_mem>>)
    %eq3A = arith.constant 0 : i32
    %eq3A_15 = arith.cmpi eq, %arg0, %eq3A : i32
    %convert_element_type3A = arith.extui %eq3A_15 : i1 to i32
    %cond3A = arith.constant 0 : i32
    %cond3A_16 = arith.cmpi ne, %convert_element_type3A, %cond3A : i32
    scf.if %cond3A_16 {
      %lt3A_90 = arith.constant 15 : i32
      %lt3A_91 = arith.cmpi slt, %arg1, %lt3A_90 : i32
      %convert_element_type3A_92 = arith.extui %lt3A_91 : i1 to i32
      %cond3A_93 = arith.constant 0 : i32
      %cond3A_94 = arith.cmpi ne, %convert_element_type3A_92, %cond3A_93 : i32
      scf.if %cond3A_94 {
        %mul3A_100 = arith.constant 632 : i32
        %mul3A_101 = arith.muli %arg1, %mul3A_100 : i32
        %multiple_of3A = tpu.assume_multiple %mul3A_101, 8 : i32
        "tpu.region"() ({
          %run_scoped3A_102 = tpu.sem_alloc : memref<!tpu.dma_semaphore, #tpu.memory_space<semaphore_mem>>
          %dma_start3A_103 = arith.constant 0 : i32
          %dma_start3A_104 = tpu.memref_slice %arg11[%multiple_of3A, %dma_start3A_103] : memref<10000x128xf32, #tpu.memory_space<vmem_shared>> -> memref<632x128xf32, #tpu.memory_space<vmem_shared>>
          %dma_start3A_105 = arith.constant 0 : i32
          %dma_start3A_106 = tpu.memref_slice %arg2[%multiple_of3A, %dma_start3A_105] : memref<10000x128xf32, #tpu.memory_space<hbm>> -> memref<632x128xf32, #tpu.memory_space<hbm>>
          tpu.enqueue_dma source(%dma_start3A_106 : memref<632x128xf32, #tpu.memory_space<hbm>>) target(%dma_start3A_104 : memref<632x128xf32, #tpu.memory_space<vmem_shared>>) target_semaphore(%run_scoped3A_102 : memref<!tpu.dma_semaphore, #tpu.memory_space<semaphore_mem>>)
          %dma_wait3A_107 = arith.constant 0 : i32
          %dma_wait3A_108 = tpu.memref_slice %arg11[%multiple_of3A, %dma_wait3A_107] : memref<10000x128xf32, #tpu.memory_space<vmem_shared>> -> memref<632x128xf32, #tpu.memory_space<vmem_shared>>
          %dma_wait3A_109 = arith.constant 0 : i32
          %dma_wait3A_110 = tpu.memref_slice %arg2[%multiple_of3A, %dma_wait3A_109] : memref<10000x128xf32, #tpu.memory_space<hbm>> -> memref<632x128xf32, #tpu.memory_space<hbm>>
          tpu.wait_dma2 semaphore(%run_scoped3A_102 : memref<!tpu.dma_semaphore, #tpu.memory_space<semaphore_mem>>) src(%dma_wait3A_110 : memref<632x128xf32, #tpu.memory_space<hbm>>) dst(%dma_wait3A_108 : memref<632x128xf32, #tpu.memory_space<vmem_shared>>)
          tpu.yield
        }) : () -> ()
      } else {
      }
      %eq3A_95 = arith.constant 15 : i32
      %eq3A_96 = arith.cmpi eq, %arg1, %eq3A_95 : i32
      %convert_element_type3A_97 = arith.extui %eq3A_96 : i1 to i32
      %cond3A_98 = arith.constant 0 : i32
      %cond3A_99 = arith.cmpi ne, %convert_element_type3A_97, %cond3A_98 : i32
      scf.if %cond3A_99 {
        "tpu.region"() ({
          %run_scoped3A_100 = tpu.sem_alloc : memref<!tpu.dma_semaphore, #tpu.memory_space<semaphore_mem>>
          %dma_start3A_101 = arith.constant 9480 : i32
          %dma_start3A_102 = arith.constant 0 : i32
          %dma_start3A_103 = tpu.memref_slice %arg11[%dma_start3A_101, %dma_start3A_102] : memref<10000x128xf32, #tpu.memory_space<vmem_shared>> -> memref<520x128xf32, #tpu.memory_space<vmem_shared>>
          %dma_start3A_104 = arith.constant 9480 : i32
          %dma_start3A_105 = arith.constant 0 : i32
          %dma_start3A_106 = tpu.memref_slice %arg2[%dma_start3A_104, %dma_start3A_105] : memref<10000x128xf32, #tpu.memory_space<hbm>> -> memref<520x128xf32, #tpu.memory_space<hbm>>
          tpu.enqueue_dma source(%dma_start3A_106 : memref<520x128xf32, #tpu.memory_space<hbm>>) target(%dma_start3A_103 : memref<520x128xf32, #tpu.memory_space<vmem_shared>>) target_semaphore(%run_scoped3A_100 : memref<!tpu.dma_semaphore, #tpu.memory_space<semaphore_mem>>)
          %dma_wait3A_107 = arith.constant 9480 : i32
          %dma_wait3A_108 = arith.constant 0 : i32
          %dma_wait3A_109 = tpu.memref_slice %arg11[%dma_wait3A_107, %dma_wait3A_108] : memref<10000x128xf32, #tpu.memory_space<vmem_shared>> -> memref<520x128xf32, #tpu.memory_space<vmem_shared>>
          %dma_wait3A_110 = arith.constant 9480 : i32
          %dma_wait3A_111 = arith.constant 0 : i32
          %dma_wait3A_112 = tpu.memref_slice %arg2[%dma_wait3A_110, %dma_wait3A_111] : memref<10000x128xf32, #tpu.memory_space<hbm>> -> memref<520x128xf32, #tpu.memory_space<hbm>>
          tpu.wait_dma2 semaphore(%run_scoped3A_100 : memref<!tpu.dma_semaphore, #tpu.memory_space<semaphore_mem>>) src(%dma_wait3A_112 : memref<520x128xf32, #tpu.memory_space<hbm>>) dst(%dma_wait3A_109 : memref<520x128xf32, #tpu.memory_space<vmem_shared>>)
          tpu.yield
        }) : () -> ()
      } else {
      }
    } else {
    }
    %eq3A_17 = arith.constant 1 : i32
    %eq3A_18 = arith.cmpi eq, %arg0, %eq3A_17 : i32
    %convert_element_type3A_19 = arith.extui %eq3A_18 : i1 to i32
    %cond3A_20 = arith.constant 0 : i32
    %cond3A_21 = arith.cmpi ne, %convert_element_type3A_19, %cond3A_20 : i32
    scf.if %cond3A_21 {
      %lt3A_90 = arith.constant 15 : i32
      %lt3A_91 = arith.cmpi slt, %arg1, %lt3A_90 : i32
      %convert_element_type3A_92 = arith.extui %lt3A_91 : i1 to i32
      %cond3A_93 = arith.constant 0 : i32
      %cond3A_94 = arith.cmpi ne, %convert_element_type3A_92, %cond3A_93 : i32
      scf.if %cond3A_94 {
        %mul3A_100 = arith.constant 632 : i32
        %mul3A_101 = arith.muli %arg1, %mul3A_100 : i32
        %multiple_of3A = tpu.assume_multiple %mul3A_101, 8 : i32
        "tpu.region"() ({
          %run_scoped3A_102 = tpu.sem_alloc : memref<!tpu.dma_semaphore, #tpu.memory_space<semaphore_mem>>
          %dma_start3A_103 = arith.constant 0 : i32
          %dma_start3A_104 = tpu.memref_slice %arg11[%multiple_of3A, %dma_start3A_103] : memref<10000x128xf32, #tpu.memory_space<vmem_shared>> -> memref<632x128xf32, #tpu.memory_space<vmem_shared>>
          %dma_start3A_105 = arith.constant 0 : i32
          %dma_start3A_106 = tpu.memref_slice %arg3[%multiple_of3A, %dma_start3A_105] : memref<10000x128xf32, #tpu.memory_space<hbm>> -> memref<632x128xf32, #tpu.memory_space<hbm>>
          tpu.enqueue_dma source(%dma_start3A_106 : memref<632x128xf32, #tpu.memory_space<hbm>>) target(%dma_start3A_104 : memref<632x128xf32, #tpu.memory_space<vmem_shared>>) target_semaphore(%run_scoped3A_102 : memref<!tpu.dma_semaphore, #tpu.memory_space<semaphore_mem>>)
          %dma_wait3A_107 = arith.constant 0 : i32
          %dma_wait3A_108 = tpu.memref_slice %arg11[%multiple_of3A, %dma_wait3A_107] : memref<10000x128xf32, #tpu.memory_space<vmem_shared>> -> memref<632x128xf32, #tpu.memory_space<vmem_shared>>
          %dma_wait3A_109 = arith.constant 0 : i32
          %dma_wait3A_110 = tpu.memref_slice %arg3[%multiple_of3A, %dma_wait3A_109] : memref<10000x128xf32, #tpu.memory_space<hbm>> -> memref<632x128xf32, #tpu.memory_space<hbm>>
          tpu.wait_dma2 semaphore(%run_scoped3A_102 : memref<!tpu.dma_semaphore, #tpu.memory_space<semaphore_mem>>) src(%dma_wait3A_110 : memref<632x128xf32, #tpu.memory_space<hbm>>) dst(%dma_wait3A_108 : memref<632x128xf32, #tpu.memory_space<vmem_shared>>)
          tpu.yield
        }) : () -> ()
      } else {
      }
      %eq3A_95 = arith.constant 15 : i32
      %eq3A_96 = arith.cmpi eq, %arg1, %eq3A_95 : i32
      %convert_element_type3A_97 = arith.extui %eq3A_96 : i1 to i32
      %cond3A_98 = arith.constant 0 : i32
      %cond3A_99 = arith.cmpi ne, %convert_element_type3A_97, %cond3A_98 : i32
      scf.if %cond3A_99 {
        "tpu.region"() ({
          %run_scoped3A_100 = tpu.sem_alloc : memref<!tpu.dma_semaphore, #tpu.memory_space<semaphore_mem>>
          %dma_start3A_101 = arith.constant 9480 : i32
          %dma_start3A_102 = arith.constant 0 : i32
          %dma_start3A_103 = tpu.memref_slice %arg11[%dma_start3A_101, %dma_start3A_102] : memref<10000x128xf32, #tpu.memory_space<vmem_shared>> -> memref<520x128xf32, #tpu.memory_space<vmem_shared>>
          %dma_start3A_104 = arith.constant 9480 : i32
          %dma_start3A_105 = arith.constant 0 : i32
          %dma_start3A_106 = tpu.memref_slice %arg3[%dma_start3A_104, %dma_start3A_105] : memref<10000x128xf32, #tpu.memory_space<hbm>> -> memref<520x128xf32, #tpu.memory_space<hbm>>
          tpu.enqueue_dma source(%dma_start3A_106 : memref<520x128xf32, #tpu.memory_space<hbm>>) target(%dma_start3A_103 : memref<520x128xf32, #tpu.memory_space<vmem_shared>>) target_semaphore(%run_scoped3A_100 : memref<!tpu.dma_semaphore, #tpu.memory_space<semaphore_mem>>)
          %dma_wait3A_107 = arith.constant 9480 : i32
          %dma_wait3A_108 = arith.constant 0 : i32
          %dma_wait3A_109 = tpu.memref_slice %arg11[%dma_wait3A_107, %dma_wait3A_108] : memref<10000x128xf32, #tpu.memory_space<vmem_shared>> -> memref<520x128xf32, #tpu.memory_space<vmem_shared>>
          %dma_wait3A_110 = arith.constant 9480 : i32
          %dma_wait3A_111 = arith.constant 0 : i32
          %dma_wait3A_112 = tpu.memref_slice %arg3[%dma_wait3A_110, %dma_wait3A_111] : memref<10000x128xf32, #tpu.memory_space<hbm>> -> memref<520x128xf32, #tpu.memory_space<hbm>>
          tpu.wait_dma2 semaphore(%run_scoped3A_100 : memref<!tpu.dma_semaphore, #tpu.memory_space<semaphore_mem>>) src(%dma_wait3A_112 : memref<520x128xf32, #tpu.memory_space<hbm>>) dst(%dma_wait3A_109 : memref<520x128xf32, #tpu.memory_space<vmem_shared>>)
          tpu.yield
        }) : () -> ()
      } else {
      }
    } else {
    }
    %barrier3A = arith.constant 0 : index
    tpu.barrier barrier_id(%barrier3A)
    %scan3A = arith.constant 0 : i32
    %scan3A_22 = arith.constant 0 : i32
    %scan3A_23 = arith.constant 19 : i32
    %scan3A_24 = arith.addi %scan3A_22, %scan3A_23 : i32
    %scan3A_25 = arith.constant 1 : i32
    scf.for %scan3A_90 = %scan3A_22 to %scan3A_24 step %scan3A_25  : i32 {
      %mul3A_91 = arith.constant 2 : i32
      %mul3A_92 = arith.muli %mul3A_91, %scan3A_90 : i32
      %dma_wait3A_93 = arith.constant 0 : i32
      %dma_wait3A_94 = arith.constant 0 : i32
      %dma_wait3A_95 = tpu.memref_slice %arg7[%dma_wait3A_93, %dma_wait3A_94] : memref<40x125xi32, #tpu.memory_space<vmem>> -> memref<1x125xi32, #tpu.memory_space<vmem>>
      %dma_wait3A_96 = tpu.memref_squeeze %dma_wait3A_95 : memref<1x125xi32, #tpu.memory_space<vmem>> -> memref<125xi32, #tpu.memory_space<vmem>>
      %dma_wait3A_97 = arith.constant 0 : i32
      %dma_wait3A_98 = arith.constant 0 : i32
      %dma_wait3A_99 = tpu.memref_slice %arg2[%dma_wait3A_97, %dma_wait3A_98] : memref<10000x128xf32, #tpu.memory_space<hbm>> -> memref<10000x128xf32, #tpu.memory_space<hbm>>
      tpu.wait_indirect_dma semaphore(%arg12 : memref<!tpu.dma_semaphore, #tpu.memory_space<semaphore_mem>>) src(%dma_wait3A_99 : memref<10000x128xf32, #tpu.memory_space<hbm>>) dst(%arg9 : memref<125x128xf32, #tpu.memory_space<vmem>>)
      "tpu.region"() ({
        %run_scoped3A_125 = tpu.sem_alloc : memref<!tpu.dma_semaphore, #tpu.memory_space<semaphore_mem>>
        %dma_start3A_126 = arith.constant 0 : i32
        %dma_start3A_127 = tpu.memref_slice %arg8[%mul3A_92, %dma_start3A_126] : memref<40x125xi32, #tpu.memory_space<vmem>> -> memref<1x125xi32, #tpu.memory_space<vmem>>
        %dma_start3A_128 = tpu.memref_squeeze %dma_start3A_127 : memref<1x125xi32, #tpu.memory_space<vmem>> -> memref<125xi32, #tpu.memory_space<vmem>>
        %dma_start3A_129 = arith.constant 0 : i32
        %dma_start3A_130 = arith.constant 0 : i32
        %dma_start3A_131 = tpu.memref_slice %arg11[%dma_start3A_129, %dma_start3A_130] : memref<10000x128xf32, #tpu.memory_space<vmem_shared>> -> memref<10000x128xf32, #tpu.memory_space<vmem_shared>>
        tpu.enqueue_indirect_dma source(%arg9 : memref<125x128xf32, #tpu.memory_space<vmem>>) target(%dma_start3A_131 : memref<10000x128xf32, #tpu.memory_space<vmem_shared>>) offsets(%dma_start3A_128 : memref<125xi32, #tpu.memory_space<vmem>>) semaphore(%run_scoped3A_125 : memref<!tpu.dma_semaphore, #tpu.memory_space<semaphore_mem>>) {add = true}
        %dma_wait3A_132 = arith.constant 0 : i32
        %dma_wait3A_133 = tpu.memref_slice %arg8[%mul3A_92, %dma_wait3A_132] : memref<40x125xi32, #tpu.memory_space<vmem>> -> memref<1x125xi32, #tpu.memory_space<vmem>>
        %dma_wait3A_134 = tpu.memref_squeeze %dma_wait3A_133 : memref<1x125xi32, #tpu.memory_space<vmem>> -> memref<125xi32, #tpu.memory_space<vmem>>
        %dma_wait3A_135 = arith.constant 0 : i32
        %dma_wait3A_136 = arith.constant 0 : i32
        %dma_wait3A_137 = tpu.memref_slice %arg11[%dma_wait3A_135, %dma_wait3A_136] : memref<10000x128xf32, #tpu.memory_space<vmem_shared>> -> memref<10000x128xf32, #tpu.memory_space<vmem_shared>>
        tpu.wait_indirect_dma semaphore(%run_scoped3A_125 : memref<!tpu.dma_semaphore, #tpu.memory_space<semaphore_mem>>) src(%arg9 : memref<125x128xf32, #tpu.memory_space<vmem>>) dst(%dma_wait3A_137 : memref<10000x128xf32, #tpu.memory_space<vmem_shared>>)
        tpu.yield
      }) : () -> ()
      %add3A_100 = arith.constant 2 : i32
      %add3A_101 = arith.addi %mul3A_92, %add3A_100 : i32
      %dma_start3A_102 = arith.constant 0 : i32
      %dma_start3A_103 = tpu.memref_slice %arg7[%add3A_101, %dma_start3A_102] : memref<40x125xi32, #tpu.memory_space<vmem>> -> memref<1x125xi32, #tpu.memory_space<vmem>>
      %dma_start3A_104 = tpu.memref_squeeze %dma_start3A_103 : memref<1x125xi32, #tpu.memory_space<vmem>> -> memref<125xi32, #tpu.memory_space<vmem>>
      %dma_start3A_105 = arith.constant 0 : i32
      %dma_start3A_106 = arith.constant 0 : i32
      %dma_start3A_107 = tpu.memref_slice %arg2[%dma_start3A_105, %dma_start3A_106] : memref<10000x128xf32, #tpu.memory_space<hbm>> -> memref<10000x128xf32, #tpu.memory_space<hbm>>
      tpu.enqueue_indirect_dma source(%dma_start3A_107 : memref<10000x128xf32, #tpu.memory_space<hbm>>) target(%arg9 : memref<125x128xf32, #tpu.memory_space<vmem>>) offsets(%dma_start3A_104 : memref<125xi32, #tpu.memory_space<vmem>>) semaphore(%arg12 : memref<!tpu.dma_semaphore, #tpu.memory_space<semaphore_mem>>)
      %dma_wait3A_108 = arith.constant 0 : i32
      %dma_wait3A_109 = arith.constant 0 : i32
      %dma_wait3A_110 = tpu.memref_slice %arg7[%dma_wait3A_108, %dma_wait3A_109] : memref<40x125xi32, #tpu.memory_space<vmem>> -> memref<1x125xi32, #tpu.memory_space<vmem>>
      %dma_wait3A_111 = tpu.memref_squeeze %dma_wait3A_110 : memref<1x125xi32, #tpu.memory_space<vmem>> -> memref<125xi32, #tpu.memory_space<vmem>>
      %dma_wait3A_112 = arith.constant 0 : i32
      %dma_wait3A_113 = arith.constant 0 : i32
      %dma_wait3A_114 = tpu.memref_slice %arg2[%dma_wait3A_112, %dma_wait3A_113] : memref<10000x128xf32, #tpu.memory_space<hbm>> -> memref<10000x128xf32, #tpu.memory_space<hbm>>
      tpu.wait_indirect_dma semaphore(%arg13 : memref<!tpu.dma_semaphore, #tpu.memory_space<semaphore_mem>>) src(%dma_wait3A_114 : memref<10000x128xf32, #tpu.memory_space<hbm>>) dst(%arg10 : memref<125x128xf32, #tpu.memory_space<vmem>>)
      %add3A_115 = arith.constant 1 : i32
      %add3A_116 = arith.addi %mul3A_92, %add3A_115 : i32
      "tpu.region"() ({
        %run_scoped3A_125 = tpu.sem_alloc : memref<!tpu.dma_semaphore, #tpu.memory_space<semaphore_mem>>
        %dma_start3A_126 = arith.constant 0 : i32
        %dma_start3A_127 = tpu.memref_slice %arg8[%add3A_116, %dma_start3A_126] : memref<40x125xi32, #tpu.memory_space<vmem>> -> memref<1x125xi32, #tpu.memory_space<vmem>>
        %dma_start3A_128 = tpu.memref_squeeze %dma_start3A_127 : memref<1x125xi32, #tpu.memory_space<vmem>> -> memref<125xi32, #tpu.memory_space<vmem>>
        %dma_start3A_129 = arith.constant 0 : i32
        %dma_start3A_130 = arith.constant 0 : i32
        %dma_start3A_131 = tpu.memref_slice %arg11[%dma_start3A_129, %dma_start3A_130] : memref<10000x128xf32, #tpu.memory_space<vmem_shared>> -> memref<10000x128xf32, #tpu.memory_space<vmem_shared>>
        tpu.enqueue_indirect_dma source(%arg10 : memref<125x128xf32, #tpu.memory_space<vmem>>) target(%dma_start3A_131 : memref<10000x128xf32, #tpu.memory_space<vmem_shared>>) offsets(%dma_start3A_128 : memref<125xi32, #tpu.memory_space<vmem>>) semaphore(%run_scoped3A_125 : memref<!tpu.dma_semaphore, #tpu.memory_space<semaphore_mem>>) {add = true}
        %dma_wait3A_132 = arith.constant 0 : i32
        %dma_wait3A_133 = tpu.memref_slice %arg8[%add3A_116, %dma_wait3A_132] : memref<40x125xi32, #tpu.memory_space<vmem>> -> memref<1x125xi32, #tpu.memory_space<vmem>>
        %dma_wait3A_134 = tpu.memref_squeeze %dma_wait3A_133 : memref<1x125xi32, #tpu.memory_space<vmem>> -> memref<125xi32, #tpu.memory_space<vmem>>
        %dma_wait3A_135 = arith.constant 0 : i32
        %dma_wait3A_136 = arith.constant 0 : i32
        %dma_wait3A_137 = tpu.memref_slice %arg11[%dma_wait3A_135, %dma_wait3A_136] : memref<10000x128xf32, #tpu.memory_space<vmem_shared>> -> memref<10000x128xf32, #tpu.memory_space<vmem_shared>>
        tpu.wait_indirect_dma semaphore(%run_scoped3A_125 : memref<!tpu.dma_semaphore, #tpu.memory_space<semaphore_mem>>) src(%arg10 : memref<125x128xf32, #tpu.memory_space<vmem>>) dst(%dma_wait3A_137 : memref<10000x128xf32, #tpu.memory_space<vmem_shared>>)
        tpu.yield
      }) : () -> ()
      %add3A_117 = arith.constant 3 : i32
      %add3A_118 = arith.addi %mul3A_92, %add3A_117 : i32
      %dma_start3A_119 = arith.constant 0 : i32
      %dma_start3A_120 = tpu.memref_slice %arg7[%add3A_118, %dma_start3A_119] : memref<40x125xi32, #tpu.memory_space<vmem>> -> memref<1x125xi32, #tpu.memory_space<vmem>>
      %dma_start3A_121 = tpu.memref_squeeze %dma_start3A_120 : memref<1x125xi32, #tpu.memory_space<vmem>> -> memref<125xi32, #tpu.memory_space<vmem>>
      %dma_start3A_122 = arith.constant 0 : i32
      %dma_start3A_123 = arith.constant 0 : i32
      %dma_start3A_124 = tpu.memref_slice %arg2[%dma_start3A_122, %dma_start3A_123] : memref<10000x128xf32, #tpu.memory_space<hbm>> -> memref<10000x128xf32, #tpu.memory_space<hbm>>
      tpu.enqueue_indirect_dma source(%dma_start3A_124 : memref<10000x128xf32, #tpu.memory_space<hbm>>) target(%arg10 : memref<125x128xf32, #tpu.memory_space<vmem>>) offsets(%dma_start3A_121 : memref<125xi32, #tpu.memory_space<vmem>>) semaphore(%arg13 : memref<!tpu.dma_semaphore, #tpu.memory_space<semaphore_mem>>)
    }
    %scan3A_26 = arith.constant 19 : i32
    %dma_wait3A = arith.constant 0 : i32
    %dma_wait3A_27 = arith.constant 0 : i32
    %dma_wait3A_28 = tpu.memref_slice %arg7[%dma_wait3A, %dma_wait3A_27] : memref<40x125xi32, #tpu.memory_space<vmem>> -> memref<1x125xi32, #tpu.memory_space<vmem>>
    %dma_wait3A_29 = tpu.memref_squeeze %dma_wait3A_28 : memref<1x125xi32, #tpu.memory_space<vmem>> -> memref<125xi32, #tpu.memory_space<vmem>>
    %dma_wait3A_30 = arith.constant 0 : i32
    %dma_wait3A_31 = arith.constant 0 : i32
    %dma_wait3A_32 = tpu.memref_slice %arg2[%dma_wait3A_30, %dma_wait3A_31] : memref<10000x128xf32, #tpu.memory_space<hbm>> -> memref<10000x128xf32, #tpu.memory_space<hbm>>
    tpu.wait_indirect_dma semaphore(%arg12 : memref<!tpu.dma_semaphore, #tpu.memory_space<semaphore_mem>>) src(%dma_wait3A_32 : memref<10000x128xf32, #tpu.memory_space<hbm>>) dst(%arg9 : memref<125x128xf32, #tpu.memory_space<vmem>>)
    %run_scoped3A_33 = arith.constant 38 : i32
    "tpu.region"() ({
      %run_scoped3A_90 = tpu.sem_alloc : memref<!tpu.dma_semaphore, #tpu.memory_space<semaphore_mem>>
      %dma_start3A_91 = arith.constant 0 : i32
      %dma_start3A_92 = tpu.memref_slice %arg8[%run_scoped3A_33, %dma_start3A_91] : memref<40x125xi32, #tpu.memory_space<vmem>> -> memref<1x125xi32, #tpu.memory_space<vmem>>
      %dma_start3A_93 = tpu.memref_squeeze %dma_start3A_92 : memref<1x125xi32, #tpu.memory_space<vmem>> -> memref<125xi32, #tpu.memory_space<vmem>>
      %dma_start3A_94 = arith.constant 0 : i32
      %dma_start3A_95 = arith.constant 0 : i32
      %dma_start3A_96 = tpu.memref_slice %arg11[%dma_start3A_94, %dma_start3A_95] : memref<10000x128xf32, #tpu.memory_space<vmem_shared>> -> memref<10000x128xf32, #tpu.memory_space<vmem_shared>>
      tpu.enqueue_indirect_dma source(%arg9 : memref<125x128xf32, #tpu.memory_space<vmem>>) target(%dma_start3A_96 : memref<10000x128xf32, #tpu.memory_space<vmem_shared>>) offsets(%dma_start3A_93 : memref<125xi32, #tpu.memory_space<vmem>>) semaphore(%run_scoped3A_90 : memref<!tpu.dma_semaphore, #tpu.memory_space<semaphore_mem>>) {add = true}
      %dma_wait3A_97 = arith.constant 0 : i32
      %dma_wait3A_98 = tpu.memref_slice %arg8[%run_scoped3A_33, %dma_wait3A_97] : memref<40x125xi32, #tpu.memory_space<vmem>> -> memref<1x125xi32, #tpu.memory_space<vmem>>
      %dma_wait3A_99 = tpu.memref_squeeze %dma_wait3A_98 : memref<1x125xi32, #tpu.memory_space<vmem>> -> memref<125xi32, #tpu.memory_space<vmem>>
      %dma_wait3A_100 = arith.constant 0 : i32
      %dma_wait3A_101 = arith.constant 0 : i32
      %dma_wait3A_102 = tpu.memref_slice %arg11[%dma_wait3A_100, %dma_wait3A_101] : memref<10000x128xf32, #tpu.memory_space<vmem_shared>> -> memref<10000x128xf32, #tpu.memory_space<vmem_shared>>
      tpu.wait_indirect_dma semaphore(%run_scoped3A_90 : memref<!tpu.dma_semaphore, #tpu.memory_space<semaphore_mem>>) src(%arg9 : memref<125x128xf32, #tpu.memory_space<vmem>>) dst(%dma_wait3A_102 : memref<10000x128xf32, #tpu.memory_space<vmem_shared>>)
      tpu.yield
    }) : () -> ()
    %dma_wait3A_34 = arith.constant 0 : i32
    %dma_wait3A_35 = arith.constant 0 : i32
    %dma_wait3A_36 = tpu.memref_slice %arg7[%dma_wait3A_34, %dma_wait3A_35] : memref<40x125xi32, #tpu.memory_space<vmem>> -> memref<1x125xi32, #tpu.memory_space<vmem>>
    %dma_wait3A_37 = tpu.memref_squeeze %dma_wait3A_36 : memref<1x125xi32, #tpu.memory_space<vmem>> -> memref<125xi32, #tpu.memory_space<vmem>>
    %dma_wait3A_38 = arith.constant 0 : i32
    %dma_wait3A_39 = arith.constant 0 : i32
    %dma_wait3A_40 = tpu.memref_slice %arg2[%dma_wait3A_38, %dma_wait3A_39] : memref<10000x128xf32, #tpu.memory_space<hbm>> -> memref<10000x128xf32, #tpu.memory_space<hbm>>
    tpu.wait_indirect_dma semaphore(%arg13 : memref<!tpu.dma_semaphore, #tpu.memory_space<semaphore_mem>>) src(%dma_wait3A_40 : memref<10000x128xf32, #tpu.memory_space<hbm>>) dst(%arg10 : memref<125x128xf32, #tpu.memory_space<vmem>>)
    %run_scoped3A_41 = arith.constant 39 : i32
    "tpu.region"() ({
      %run_scoped3A_90 = tpu.sem_alloc : memref<!tpu.dma_semaphore, #tpu.memory_space<semaphore_mem>>
      %dma_start3A_91 = arith.constant 0 : i32
      %dma_start3A_92 = tpu.memref_slice %arg8[%run_scoped3A_41, %dma_start3A_91] : memref<40x125xi32, #tpu.memory_space<vmem>> -> memref<1x125xi32, #tpu.memory_space<vmem>>
      %dma_start3A_93 = tpu.memref_squeeze %dma_start3A_92 : memref<1x125xi32, #tpu.memory_space<vmem>> -> memref<125xi32, #tpu.memory_space<vmem>>
      %dma_start3A_94 = arith.constant 0 : i32
      %dma_start3A_95 = arith.constant 0 : i32
      %dma_start3A_96 = tpu.memref_slice %arg11[%dma_start3A_94, %dma_start3A_95] : memref<10000x128xf32, #tpu.memory_space<vmem_shared>> -> memref<10000x128xf32, #tpu.memory_space<vmem_shared>>
      tpu.enqueue_indirect_dma source(%arg10 : memref<125x128xf32, #tpu.memory_space<vmem>>) target(%dma_start3A_96 : memref<10000x128xf32, #tpu.memory_space<vmem_shared>>) offsets(%dma_start3A_93 : memref<125xi32, #tpu.memory_space<vmem>>) semaphore(%run_scoped3A_90 : memref<!tpu.dma_semaphore, #tpu.memory_space<semaphore_mem>>) {add = true}
      %dma_wait3A_97 = arith.constant 0 : i32
      %dma_wait3A_98 = tpu.memref_slice %arg8[%run_scoped3A_41, %dma_wait3A_97] : memref<40x125xi32, #tpu.memory_space<vmem>> -> memref<1x125xi32, #tpu.memory_space<vmem>>
      %dma_wait3A_99 = tpu.memref_squeeze %dma_wait3A_98 : memref<1x125xi32, #tpu.memory_space<vmem>> -> memref<125xi32, #tpu.memory_space<vmem>>
      %dma_wait3A_100 = arith.constant 0 : i32
      %dma_wait3A_101 = arith.constant 0 : i32
      %dma_wait3A_102 = tpu.memref_slice %arg11[%dma_wait3A_100, %dma_wait3A_101] : memref<10000x128xf32, #tpu.memory_space<vmem_shared>> -> memref<10000x128xf32, #tpu.memory_space<vmem_shared>>
      tpu.wait_indirect_dma semaphore(%run_scoped3A_90 : memref<!tpu.dma_semaphore, #tpu.memory_space<semaphore_mem>>) src(%arg10 : memref<125x128xf32, #tpu.memory_space<vmem>>) dst(%dma_wait3A_102 : memref<10000x128xf32, #tpu.memory_space<vmem_shared>>)
      tpu.yield
    }) : () -> ()
    %run_scoped3A_42 = arith.constant 1 : i32
    "tpu.region"() ({
      %run_scoped3A_90 = tpu.sem_alloc : memref<!tpu.dma_semaphore, #tpu.memory_space<semaphore_mem>>
      %dma_start3A_91 = arith.constant 0 : i32
      %dma_start3A_92 = arith.constant 0 : i32
      %dma_start3A_93 = arith.constant 0 : i32
      %dma_start3A_94 = tpu.memref_slice %arg4[%add3A, %dma_start3A_91, %dma_start3A_92, %dma_start3A_93] : memref<32x2x40x125xi32, #tpu.memory_space<hbm>> -> memref<1x2x40x125xi32, #tpu.memory_space<hbm>>
      %dma_start3A_95 = tpu.memref_squeeze %dma_start3A_94 : memref<1x2x40x125xi32, #tpu.memory_space<hbm>> -> memref<2x40x125xi32, #tpu.memory_space<hbm>>
      %dma_start3A_96 = arith.constant 0 : i32
      %dma_start3A_97 = arith.constant 0 : i32
      %dma_start3A_98 = tpu.memref_slice %dma_start3A_95[%run_scoped3A_42, %dma_start3A_96, %dma_start3A_97] : memref<2x40x125xi32, #tpu.memory_space<hbm>> -> memref<1x40x125xi32, #tpu.memory_space<hbm>>
      %dma_start3A_99 = tpu.memref_squeeze %dma_start3A_98 : memref<1x40x125xi32, #tpu.memory_space<hbm>> -> memref<40x125xi32, #tpu.memory_space<hbm>>
      %dma_start3A_100 = arith.constant 0 : i32
      %dma_start3A_101 = arith.constant 0 : i32
      %dma_start3A_102 = arith.constant 0 : i32
      %dma_start3A_103 = tpu.memref_slice %arg4[%add3A, %dma_start3A_100, %dma_start3A_101, %dma_start3A_102] : memref<32x2x40x125xi32, #tpu.memory_space<hbm>> -> memref<1x2x40x125xi32, #tpu.memory_space<hbm>>
      %dma_start3A_104 = tpu.memref_squeeze %dma_start3A_103 : memref<1x2x40x125xi32, #tpu.memory_space<hbm>> -> memref<2x40x125xi32, #tpu.memory_space<hbm>>
      %dma_start3A_105 = arith.constant 0 : i32
      %dma_start3A_106 = arith.constant 0 : i32
      %dma_start3A_107 = tpu.memref_slice %dma_start3A_104[%run_scoped3A_42, %dma_start3A_105, %dma_start3A_106] : memref<2x40x125xi32, #tpu.memory_space<hbm>> -> memref<1x40x125xi32, #tpu.memory_space<hbm>>
      %dma_start3A_108 = tpu.memref_squeeze %dma_start3A_107 : memref<1x40x125xi32, #tpu.memory_space<hbm>> -> memref<40x125xi32, #tpu.memory_space<hbm>>
      tpu.enqueue_dma source(%dma_start3A_108 : memref<40x125xi32, #tpu.memory_space<hbm>>) target(%arg7 : memref<40x125xi32, #tpu.memory_space<vmem>>) target_semaphore(%run_scoped3A_90 : memref<!tpu.dma_semaphore, #tpu.memory_space<semaphore_mem>>)
      %dma_wait3A_109 = arith.constant 0 : i32
      %dma_wait3A_110 = arith.constant 0 : i32
      %dma_wait3A_111 = arith.constant 0 : i32
      %dma_wait3A_112 = tpu.memref_slice %arg4[%add3A, %dma_wait3A_109, %dma_wait3A_110, %dma_wait3A_111] : memref<32x2x40x125xi32, #tpu.memory_space<hbm>> -> memref<1x2x40x125xi32, #tpu.memory_space<hbm>>
      %dma_wait3A_113 = tpu.memref_squeeze %dma_wait3A_112 : memref<1x2x40x125xi32, #tpu.memory_space<hbm>> -> memref<2x40x125xi32, #tpu.memory_space<hbm>>
      %dma_wait3A_114 = arith.constant 0 : i32
      %dma_wait3A_115 = arith.constant 0 : i32
      %dma_wait3A_116 = tpu.memref_slice %dma_wait3A_113[%run_scoped3A_42, %dma_wait3A_114, %dma_wait3A_115] : memref<2x40x125xi32, #tpu.memory_space<hbm>> -> memref<1x40x125xi32, #tpu.memory_space<hbm>>
      %dma_wait3A_117 = tpu.memref_squeeze %dma_wait3A_116 : memref<1x40x125xi32, #tpu.memory_space<hbm>> -> memref<40x125xi32, #tpu.memory_space<hbm>>
      %dma_wait3A_118 = arith.constant 0 : i32
      %dma_wait3A_119 = arith.constant 0 : i32
      %dma_wait3A_120 = arith.constant 0 : i32
      %dma_wait3A_121 = tpu.memref_slice %arg4[%add3A, %dma_wait3A_118, %dma_wait3A_119, %dma_wait3A_120] : memref<32x2x40x125xi32, #tpu.memory_space<hbm>> -> memref<1x2x40x125xi32, #tpu.memory_space<hbm>>
      %dma_wait3A_122 = tpu.memref_squeeze %dma_wait3A_121 : memref<1x2x40x125xi32, #tpu.memory_space<hbm>> -> memref<2x40x125xi32, #tpu.memory_space<hbm>>
      %dma_wait3A_123 = arith.constant 0 : i32
      %dma_wait3A_124 = arith.constant 0 : i32
      %dma_wait3A_125 = tpu.memref_slice %dma_wait3A_122[%run_scoped3A_42, %dma_wait3A_123, %dma_wait3A_124] : memref<2x40x125xi32, #tpu.memory_space<hbm>> -> memref<1x40x125xi32, #tpu.memory_space<hbm>>
      %dma_wait3A_126 = tpu.memref_squeeze %dma_wait3A_125 : memref<1x40x125xi32, #tpu.memory_space<hbm>> -> memref<40x125xi32, #tpu.memory_space<hbm>>
      tpu.wait_dma2 semaphore(%run_scoped3A_90 : memref<!tpu.dma_semaphore, #tpu.memory_space<semaphore_mem>>) src(%dma_wait3A_126 : memref<40x125xi32, #tpu.memory_space<hbm>>) dst(%arg7 : memref<40x125xi32, #tpu.memory_space<vmem>>)
      tpu.yield
    }) : () -> ()
    %run_scoped3A_43 = arith.constant 1 : i32
    "tpu.region"() ({
      %run_scoped3A_90 = tpu.sem_alloc : memref<!tpu.dma_semaphore, #tpu.memory_space<semaphore_mem>>
      %dma_start3A_91 = arith.constant 0 : i32
      %dma_start3A_92 = arith.constant 0 : i32
      %dma_start3A_93 = arith.constant 0 : i32
      %dma_start3A_94 = tpu.memref_slice %arg5[%add3A, %dma_start3A_91, %dma_start3A_92, %dma_start3A_93] : memref<32x2x40x125xi32, #tpu.memory_space<hbm>> -> memref<1x2x40x125xi32, #tpu.memory_space<hbm>>
      %dma_start3A_95 = tpu.memref_squeeze %dma_start3A_94 : memref<1x2x40x125xi32, #tpu.memory_space<hbm>> -> memref<2x40x125xi32, #tpu.memory_space<hbm>>
      %dma_start3A_96 = arith.constant 0 : i32
      %dma_start3A_97 = arith.constant 0 : i32
      %dma_start3A_98 = tpu.memref_slice %dma_start3A_95[%run_scoped3A_43, %dma_start3A_96, %dma_start3A_97] : memref<2x40x125xi32, #tpu.memory_space<hbm>> -> memref<1x40x125xi32, #tpu.memory_space<hbm>>
      %dma_start3A_99 = tpu.memref_squeeze %dma_start3A_98 : memref<1x40x125xi32, #tpu.memory_space<hbm>> -> memref<40x125xi32, #tpu.memory_space<hbm>>
      %dma_start3A_100 = arith.constant 0 : i32
      %dma_start3A_101 = arith.constant 0 : i32
      %dma_start3A_102 = arith.constant 0 : i32
      %dma_start3A_103 = tpu.memref_slice %arg5[%add3A, %dma_start3A_100, %dma_start3A_101, %dma_start3A_102] : memref<32x2x40x125xi32, #tpu.memory_space<hbm>> -> memref<1x2x40x125xi32, #tpu.memory_space<hbm>>
      %dma_start3A_104 = tpu.memref_squeeze %dma_start3A_103 : memref<1x2x40x125xi32, #tpu.memory_space<hbm>> -> memref<2x40x125xi32, #tpu.memory_space<hbm>>
      %dma_start3A_105 = arith.constant 0 : i32
      %dma_start3A_106 = arith.constant 0 : i32
      %dma_start3A_107 = tpu.memref_slice %dma_start3A_104[%run_scoped3A_43, %dma_start3A_105, %dma_start3A_106] : memref<2x40x125xi32, #tpu.memory_space<hbm>> -> memref<1x40x125xi32, #tpu.memory_space<hbm>>
      %dma_start3A_108 = tpu.memref_squeeze %dma_start3A_107 : memref<1x40x125xi32, #tpu.memory_space<hbm>> -> memref<40x125xi32, #tpu.memory_space<hbm>>
      tpu.enqueue_dma source(%dma_start3A_108 : memref<40x125xi32, #tpu.memory_space<hbm>>) target(%arg8 : memref<40x125xi32, #tpu.memory_space<vmem>>) target_semaphore(%run_scoped3A_90 : memref<!tpu.dma_semaphore, #tpu.memory_space<semaphore_mem>>)
      %dma_wait3A_109 = arith.constant 0 : i32
      %dma_wait3A_110 = arith.constant 0 : i32
      %dma_wait3A_111 = arith.constant 0 : i32
      %dma_wait3A_112 = tpu.memref_slice %arg5[%add3A, %dma_wait3A_109, %dma_wait3A_110, %dma_wait3A_111] : memref<32x2x40x125xi32, #tpu.memory_space<hbm>> -> memref<1x2x40x125xi32, #tpu.memory_space<hbm>>
      %dma_wait3A_113 = tpu.memref_squeeze %dma_wait3A_112 : memref<1x2x40x125xi32, #tpu.memory_space<hbm>> -> memref<2x40x125xi32, #tpu.memory_space<hbm>>
      %dma_wait3A_114 = arith.constant 0 : i32
      %dma_wait3A_115 = arith.constant 0 : i32
      %dma_wait3A_116 = tpu.memref_slice %dma_wait3A_113[%run_scoped3A_43, %dma_wait3A_114, %dma_wait3A_115] : memref<2x40x125xi32, #tpu.memory_space<hbm>> -> memref<1x40x125xi32, #tpu.memory_space<hbm>>
      %dma_wait3A_117 = tpu.memref_squeeze %dma_wait3A_116 : memref<1x40x125xi32, #tpu.memory_space<hbm>> -> memref<40x125xi32, #tpu.memory_space<hbm>>
      %dma_wait3A_118 = arith.constant 0 : i32
      %dma_wait3A_119 = arith.constant 0 : i32
      %dma_wait3A_120 = arith.constant 0 : i32
      %dma_wait3A_121 = tpu.memref_slice %arg5[%add3A, %dma_wait3A_118, %dma_wait3A_119, %dma_wait3A_120] : memref<32x2x40x125xi32, #tpu.memory_space<hbm>> -> memref<1x2x40x125xi32, #tpu.memory_space<hbm>>
      %dma_wait3A_122 = tpu.memref_squeeze %dma_wait3A_121 : memref<1x2x40x125xi32, #tpu.memory_space<hbm>> -> memref<2x40x125xi32, #tpu.memory_space<hbm>>
      %dma_wait3A_123 = arith.constant 0 : i32
      %dma_wait3A_124 = arith.constant 0 : i32
      %dma_wait3A_125 = tpu.memref_slice %dma_wait3A_122[%run_scoped3A_43, %dma_wait3A_123, %dma_wait3A_124] : memref<2x40x125xi32, #tpu.memory_space<hbm>> -> memref<1x40x125xi32, #tpu.memory_space<hbm>>
      %dma_wait3A_126 = tpu.memref_squeeze %dma_wait3A_125 : memref<1x40x125xi32, #tpu.memory_space<hbm>> -> memref<40x125xi32, #tpu.memory_space<hbm>>
      tpu.wait_dma2 semaphore(%run_scoped3A_90 : memref<!tpu.dma_semaphore, #tpu.memory_space<semaphore_mem>>) src(%dma_wait3A_126 : memref<40x125xi32, #tpu.memory_space<hbm>>) dst(%arg8 : memref<40x125xi32, #tpu.memory_space<vmem>>)
      tpu.yield
    }) : () -> ()
    %dma_start3A_44 = arith.constant 0 : i32
    %dma_start3A_45 = arith.constant 0 : i32
    %dma_start3A_46 = tpu.memref_slice %arg7[%dma_start3A_44, %dma_start3A_45] : memref<40x125xi32, #tpu.memory_space<vmem>> -> memref<1x125xi32, #tpu.memory_space<vmem>>
    %dma_start3A_47 = tpu.memref_squeeze %dma_start3A_46 : memref<1x125xi32, #tpu.memory_space<vmem>> -> memref<125xi32, #tpu.memory_space<vmem>>
    %dma_start3A_48 = arith.constant 0 : i32
    %dma_start3A_49 = arith.constant 0 : i32
    %dma_start3A_50 = tpu.memref_slice %arg2[%dma_start3A_48, %dma_start3A_49] : memref<10000x128xf32, #tpu.memory_space<hbm>> -> memref<10000x128xf32, #tpu.memory_space<hbm>>
    tpu.enqueue_indirect_dma source(%dma_start3A_50 : memref<10000x128xf32, #tpu.memory_space<hbm>>) target(%arg9 : memref<125x128xf32, #tpu.memory_space<vmem>>) offsets(%dma_start3A_47 : memref<125xi32, #tpu.memory_space<vmem>>) semaphore(%arg12 : memref<!tpu.dma_semaphore, #tpu.memory_space<semaphore_mem>>)
    %dma_start3A_51 = arith.constant 1 : i32
    %dma_start3A_52 = arith.constant 0 : i32
    %dma_start3A_53 = tpu.memref_slice %arg7[%dma_start3A_51, %dma_start3A_52] : memref<40x125xi32, #tpu.memory_space<vmem>> -> memref<1x125xi32, #tpu.memory_space<vmem>>
    %dma_start3A_54 = tpu.memref_squeeze %dma_start3A_53 : memref<1x125xi32, #tpu.memory_space<vmem>> -> memref<125xi32, #tpu.memory_space<vmem>>
    %dma_start3A_55 = arith.constant 0 : i32
    %dma_start3A_56 = arith.constant 0 : i32
    %dma_start3A_57 = tpu.memref_slice %arg2[%dma_start3A_55, %dma_start3A_56] : memref<10000x128xf32, #tpu.memory_space<hbm>> -> memref<10000x128xf32, #tpu.memory_space<hbm>>
    tpu.enqueue_indirect_dma source(%dma_start3A_57 : memref<10000x128xf32, #tpu.memory_space<hbm>>) target(%arg10 : memref<125x128xf32, #tpu.memory_space<vmem>>) offsets(%dma_start3A_54 : memref<125xi32, #tpu.memory_space<vmem>>) semaphore(%arg13 : memref<!tpu.dma_semaphore, #tpu.memory_space<semaphore_mem>>)
    %scan3A_58 = arith.constant 0 : i32
    %scan3A_59 = arith.constant 0 : i32
    %scan3A_60 = arith.constant 19 : i32
    %scan3A_61 = arith.addi %scan3A_59, %scan3A_60 : i32
    %scan3A_62 = arith.constant 1 : i32
    scf.for %scan3A_90 = %scan3A_59 to %scan3A_61 step %scan3A_62  : i32 {
      %mul3A_91 = arith.constant 2 : i32
      %mul3A_92 = arith.muli %mul3A_91, %scan3A_90 : i32
      %dma_wait3A_93 = arith.constant 0 : i32
      %dma_wait3A_94 = arith.constant 0 : i32
      %dma_wait3A_95 = tpu.memref_slice %arg7[%dma_wait3A_93, %dma_wait3A_94] : memref<40x125xi32, #tpu.memory_space<vmem>> -> memref<1x125xi32, #tpu.memory_space<vmem>>
      %dma_wait3A_96 = tpu.memref_squeeze %dma_wait3A_95 : memref<1x125xi32, #tpu.memory_space<vmem>> -> memref<125xi32, #tpu.memory_space<vmem>>
      %dma_wait3A_97 = arith.constant 0 : i32
      %dma_wait3A_98 = arith.constant 0 : i32
      %dma_wait3A_99 = tpu.memref_slice %arg2[%dma_wait3A_97, %dma_wait3A_98] : memref<10000x128xf32, #tpu.memory_space<hbm>> -> memref<10000x128xf32, #tpu.memory_space<hbm>>
      tpu.wait_indirect_dma semaphore(%arg12 : memref<!tpu.dma_semaphore, #tpu.memory_space<semaphore_mem>>) src(%dma_wait3A_99 : memref<10000x128xf32, #tpu.memory_space<hbm>>) dst(%arg9 : memref<125x128xf32, #tpu.memory_space<vmem>>)
      "tpu.region"() ({
        %run_scoped3A_125 = tpu.sem_alloc : memref<!tpu.dma_semaphore, #tpu.memory_space<semaphore_mem>>
        %dma_start3A_126 = arith.constant 0 : i32
        %dma_start3A_127 = tpu.memref_slice %arg8[%mul3A_92, %dma_start3A_126] : memref<40x125xi32, #tpu.memory_space<vmem>> -> memref<1x125xi32, #tpu.memory_space<vmem>>
        %dma_start3A_128 = tpu.memref_squeeze %dma_start3A_127 : memref<1x125xi32, #tpu.memory_space<vmem>> -> memref<125xi32, #tpu.memory_space<vmem>>
        %dma_start3A_129 = arith.constant 0 : i32
        %dma_start3A_130 = arith.constant 0 : i32
        %dma_start3A_131 = tpu.memref_slice %arg11[%dma_start3A_129, %dma_start3A_130] : memref<10000x128xf32, #tpu.memory_space<vmem_shared>> -> memref<10000x128xf32, #tpu.memory_space<vmem_shared>>
        tpu.enqueue_indirect_dma source(%arg9 : memref<125x128xf32, #tpu.memory_space<vmem>>) target(%dma_start3A_131 : memref<10000x128xf32, #tpu.memory_space<vmem_shared>>) offsets(%dma_start3A_128 : memref<125xi32, #tpu.memory_space<vmem>>) semaphore(%run_scoped3A_125 : memref<!tpu.dma_semaphore, #tpu.memory_space<semaphore_mem>>) {add = true}
        %dma_wait3A_132 = arith.constant 0 : i32
        %dma_wait3A_133 = tpu.memref_slice %arg8[%mul3A_92, %dma_wait3A_132] : memref<40x125xi32, #tpu.memory_space<vmem>> -> memref<1x125xi32, #tpu.memory_space<vmem>>
        %dma_wait3A_134 = tpu.memref_squeeze %dma_wait3A_133 : memref<1x125xi32, #tpu.memory_space<vmem>> -> memref<125xi32, #tpu.memory_space<vmem>>
        %dma_wait3A_135 = arith.constant 0 : i32
        %dma_wait3A_136 = arith.constant 0 : i32
        %dma_wait3A_137 = tpu.memref_slice %arg11[%dma_wait3A_135, %dma_wait3A_136] : memref<10000x128xf32, #tpu.memory_space<vmem_shared>> -> memref<10000x128xf32, #tpu.memory_space<vmem_shared>>
        tpu.wait_indirect_dma semaphore(%run_scoped3A_125 : memref<!tpu.dma_semaphore, #tpu.memory_space<semaphore_mem>>) src(%arg9 : memref<125x128xf32, #tpu.memory_space<vmem>>) dst(%dma_wait3A_137 : memref<10000x128xf32, #tpu.memory_space<vmem_shared>>)
        tpu.yield
      }) : () -> ()
      %add3A_100 = arith.constant 2 : i32
      %add3A_101 = arith.addi %mul3A_92, %add3A_100 : i32
      %dma_start3A_102 = arith.constant 0 : i32
      %dma_start3A_103 = tpu.memref_slice %arg7[%add3A_101, %dma_start3A_102] : memref<40x125xi32, #tpu.memory_space<vmem>> -> memref<1x125xi32, #tpu.memory_space<vmem>>
      %dma_start3A_104 = tpu.memref_squeeze %dma_start3A_103 : memref<1x125xi32, #tpu.memory_space<vmem>> -> memref<125xi32, #tpu.memory_space<vmem>>
      %dma_start3A_105 = arith.constant 0 : i32
      %dma_start3A_106 = arith.constant 0 : i32
      %dma_start3A_107 = tpu.memref_slice %arg2[%dma_start3A_105, %dma_start3A_106] : memref<10000x128xf32, #tpu.memory_space<hbm>> -> memref<10000x128xf32, #tpu.memory_space<hbm>>
      tpu.enqueue_indirect_dma source(%dma_start3A_107 : memref<10000x128xf32, #tpu.memory_space<hbm>>) target(%arg9 : memref<125x128xf32, #tpu.memory_space<vmem>>) offsets(%dma_start3A_104 : memref<125xi32, #tpu.memory_space<vmem>>) semaphore(%arg12 : memref<!tpu.dma_semaphore, #tpu.memory_space<semaphore_mem>>)
      %dma_wait3A_108 = arith.constant 0 : i32
      %dma_wait3A_109 = arith.constant 0 : i32
      %dma_wait3A_110 = tpu.memref_slice %arg7[%dma_wait3A_108, %dma_wait3A_109] : memref<40x125xi32, #tpu.memory_space<vmem>> -> memref<1x125xi32, #tpu.memory_space<vmem>>
      %dma_wait3A_111 = tpu.memref_squeeze %dma_wait3A_110 : memref<1x125xi32, #tpu.memory_space<vmem>> -> memref<125xi32, #tpu.memory_space<vmem>>
      %dma_wait3A_112 = arith.constant 0 : i32
      %dma_wait3A_113 = arith.constant 0 : i32
      %dma_wait3A_114 = tpu.memref_slice %arg2[%dma_wait3A_112, %dma_wait3A_113] : memref<10000x128xf32, #tpu.memory_space<hbm>> -> memref<10000x128xf32, #tpu.memory_space<hbm>>
      tpu.wait_indirect_dma semaphore(%arg13 : memref<!tpu.dma_semaphore, #tpu.memory_space<semaphore_mem>>) src(%dma_wait3A_114 : memref<10000x128xf32, #tpu.memory_space<hbm>>) dst(%arg10 : memref<125x128xf32, #tpu.memory_space<vmem>>)
      %add3A_115 = arith.constant 1 : i32
      %add3A_116 = arith.addi %mul3A_92, %add3A_115 : i32
      "tpu.region"() ({
        %run_scoped3A_125 = tpu.sem_alloc : memref<!tpu.dma_semaphore, #tpu.memory_space<semaphore_mem>>
        %dma_start3A_126 = arith.constant 0 : i32
        %dma_start3A_127 = tpu.memref_slice %arg8[%add3A_116, %dma_start3A_126] : memref<40x125xi32, #tpu.memory_space<vmem>> -> memref<1x125xi32, #tpu.memory_space<vmem>>
        %dma_start3A_128 = tpu.memref_squeeze %dma_start3A_127 : memref<1x125xi32, #tpu.memory_space<vmem>> -> memref<125xi32, #tpu.memory_space<vmem>>
        %dma_start3A_129 = arith.constant 0 : i32
        %dma_start3A_130 = arith.constant 0 : i32
        %dma_start3A_131 = tpu.memref_slice %arg11[%dma_start3A_129, %dma_start3A_130] : memref<10000x128xf32, #tpu.memory_space<vmem_shared>> -> memref<10000x128xf32, #tpu.memory_space<vmem_shared>>
        tpu.enqueue_indirect_dma source(%arg10 : memref<125x128xf32, #tpu.memory_space<vmem>>) target(%dma_start3A_131 : memref<10000x128xf32, #tpu.memory_space<vmem_shared>>) offsets(%dma_start3A_128 : memref<125xi32, #tpu.memory_space<vmem>>) semaphore(%run_scoped3A_125 : memref<!tpu.dma_semaphore, #tpu.memory_space<semaphore_mem>>) {add = true}
        %dma_wait3A_132 = arith.constant 0 : i32
        %dma_wait3A_133 = tpu.memref_slice %arg8[%add3A_116, %dma_wait3A_132] : memref<40x125xi32, #tpu.memory_space<vmem>> -> memref<1x125xi32, #tpu.memory_space<vmem>>
        %dma_wait3A_134 = tpu.memref_squeeze %dma_wait3A_133 : memref<1x125xi32, #tpu.memory_space<vmem>> -> memref<125xi32, #tpu.memory_space<vmem>>
        %dma_wait3A_135 = arith.constant 0 : i32
        %dma_wait3A_136 = arith.constant 0 : i32
        %dma_wait3A_137 = tpu.memref_slice %arg11[%dma_wait3A_135, %dma_wait3A_136] : memref<10000x128xf32, #tpu.memory_space<vmem_shared>> -> memref<10000x128xf32, #tpu.memory_space<vmem_shared>>
        tpu.wait_indirect_dma semaphore(%run_scoped3A_125 : memref<!tpu.dma_semaphore, #tpu.memory_space<semaphore_mem>>) src(%arg10 : memref<125x128xf32, #tpu.memory_space<vmem>>) dst(%dma_wait3A_137 : memref<10000x128xf32, #tpu.memory_space<vmem_shared>>)
        tpu.yield
      }) : () -> ()
      %add3A_117 = arith.constant 3 : i32
      %add3A_118 = arith.addi %mul3A_92, %add3A_117 : i32
      %dma_start3A_119 = arith.constant 0 : i32
      %dma_start3A_120 = tpu.memref_slice %arg7[%add3A_118, %dma_start3A_119] : memref<40x125xi32, #tpu.memory_space<vmem>> -> memref<1x125xi32, #tpu.memory_space<vmem>>
      %dma_start3A_121 = tpu.memref_squeeze %dma_start3A_120 : memref<1x125xi32, #tpu.memory_space<vmem>> -> memref<125xi32, #tpu.memory_space<vmem>>
      %dma_start3A_122 = arith.constant 0 : i32
      %dma_start3A_123 = arith.constant 0 : i32
      %dma_start3A_124 = tpu.memref_slice %arg2[%dma_start3A_122, %dma_start3A_123] : memref<10000x128xf32, #tpu.memory_space<hbm>> -> memref<10000x128xf32, #tpu.memory_space<hbm>>
      tpu.enqueue_indirect_dma source(%dma_start3A_124 : memref<10000x128xf32, #tpu.memory_space<hbm>>) target(%arg10 : memref<125x128xf32, #tpu.memory_space<vmem>>) offsets(%dma_start3A_121 : memref<125xi32, #tpu.memory_space<vmem>>) semaphore(%arg13 : memref<!tpu.dma_semaphore, #tpu.memory_space<semaphore_mem>>)
    }
    %scan3A_63 = arith.constant 19 : i32
    %dma_wait3A_64 = arith.constant 0 : i32
    %dma_wait3A_65 = arith.constant 0 : i32
    %dma_wait3A_66 = tpu.memref_slice %arg7[%dma_wait3A_64, %dma_wait3A_65] : memref<40x125xi32, #tpu.memory_space<vmem>> -> memref<1x125xi32, #tpu.memory_space<vmem>>
    %dma_wait3A_67 = tpu.memref_squeeze %dma_wait3A_66 : memref<1x125xi32, #tpu.memory_space<vmem>> -> memref<125xi32, #tpu.memory_space<vmem>>
    %dma_wait3A_68 = arith.constant 0 : i32
    %dma_wait3A_69 = arith.constant 0 : i32
    %dma_wait3A_70 = tpu.memref_slice %arg2[%dma_wait3A_68, %dma_wait3A_69] : memref<10000x128xf32, #tpu.memory_space<hbm>> -> memref<10000x128xf32, #tpu.memory_space<hbm>>
    tpu.wait_indirect_dma semaphore(%arg12 : memref<!tpu.dma_semaphore, #tpu.memory_space<semaphore_mem>>) src(%dma_wait3A_70 : memref<10000x128xf32, #tpu.memory_space<hbm>>) dst(%arg9 : memref<125x128xf32, #tpu.memory_space<vmem>>)
    %run_scoped3A_71 = arith.constant 38 : i32
    "tpu.region"() ({
      %run_scoped3A_90 = tpu.sem_alloc : memref<!tpu.dma_semaphore, #tpu.memory_space<semaphore_mem>>
      %dma_start3A_91 = arith.constant 0 : i32
      %dma_start3A_92 = tpu.memref_slice %arg8[%run_scoped3A_71, %dma_start3A_91] : memref<40x125xi32, #tpu.memory_space<vmem>> -> memref<1x125xi32, #tpu.memory_space<vmem>>
      %dma_start3A_93 = tpu.memref_squeeze %dma_start3A_92 : memref<1x125xi32, #tpu.memory_space<vmem>> -> memref<125xi32, #tpu.memory_space<vmem>>
      %dma_start3A_94 = arith.constant 0 : i32
      %dma_start3A_95 = arith.constant 0 : i32
      %dma_start3A_96 = tpu.memref_slice %arg11[%dma_start3A_94, %dma_start3A_95] : memref<10000x128xf32, #tpu.memory_space<vmem_shared>> -> memref<10000x128xf32, #tpu.memory_space<vmem_shared>>
      tpu.enqueue_indirect_dma source(%arg9 : memref<125x128xf32, #tpu.memory_space<vmem>>) target(%dma_start3A_96 : memref<10000x128xf32, #tpu.memory_space<vmem_shared>>) offsets(%dma_start3A_93 : memref<125xi32, #tpu.memory_space<vmem>>) semaphore(%run_scoped3A_90 : memref<!tpu.dma_semaphore, #tpu.memory_space<semaphore_mem>>) {add = true}
      %dma_wait3A_97 = arith.constant 0 : i32
      %dma_wait3A_98 = tpu.memref_slice %arg8[%run_scoped3A_71, %dma_wait3A_97] : memref<40x125xi32, #tpu.memory_space<vmem>> -> memref<1x125xi32, #tpu.memory_space<vmem>>
      %dma_wait3A_99 = tpu.memref_squeeze %dma_wait3A_98 : memref<1x125xi32, #tpu.memory_space<vmem>> -> memref<125xi32, #tpu.memory_space<vmem>>
      %dma_wait3A_100 = arith.constant 0 : i32
      %dma_wait3A_101 = arith.constant 0 : i32
      %dma_wait3A_102 = tpu.memref_slice %arg11[%dma_wait3A_100, %dma_wait3A_101] : memref<10000x128xf32, #tpu.memory_space<vmem_shared>> -> memref<10000x128xf32, #tpu.memory_space<vmem_shared>>
      tpu.wait_indirect_dma semaphore(%run_scoped3A_90 : memref<!tpu.dma_semaphore, #tpu.memory_space<semaphore_mem>>) src(%arg9 : memref<125x128xf32, #tpu.memory_space<vmem>>) dst(%dma_wait3A_102 : memref<10000x128xf32, #tpu.memory_space<vmem_shared>>)
      tpu.yield
    }) : () -> ()
    %dma_wait3A_72 = arith.constant 0 : i32
    %dma_wait3A_73 = arith.constant 0 : i32
    %dma_wait3A_74 = tpu.memref_slice %arg7[%dma_wait3A_72, %dma_wait3A_73] : memref<40x125xi32, #tpu.memory_space<vmem>> -> memref<1x125xi32, #tpu.memory_space<vmem>>
    %dma_wait3A_75 = tpu.memref_squeeze %dma_wait3A_74 : memref<1x125xi32, #tpu.memory_space<vmem>> -> memref<125xi32, #tpu.memory_space<vmem>>
    %dma_wait3A_76 = arith.constant 0 : i32
    %dma_wait3A_77 = arith.constant 0 : i32
    %dma_wait3A_78 = tpu.memref_slice %arg2[%dma_wait3A_76, %dma_wait3A_77] : memref<10000x128xf32, #tpu.memory_space<hbm>> -> memref<10000x128xf32, #tpu.memory_space<hbm>>
    tpu.wait_indirect_dma semaphore(%arg13 : memref<!tpu.dma_semaphore, #tpu.memory_space<semaphore_mem>>) src(%dma_wait3A_78 : memref<10000x128xf32, #tpu.memory_space<hbm>>) dst(%arg10 : memref<125x128xf32, #tpu.memory_space<vmem>>)
    %run_scoped3A_79 = arith.constant 39 : i32
    "tpu.region"() ({
      %run_scoped3A_90 = tpu.sem_alloc : memref<!tpu.dma_semaphore, #tpu.memory_space<semaphore_mem>>
      %dma_start3A_91 = arith.constant 0 : i32
      %dma_start3A_92 = tpu.memref_slice %arg8[%run_scoped3A_79, %dma_start3A_91] : memref<40x125xi32, #tpu.memory_space<vmem>> -> memref<1x125xi32, #tpu.memory_space<vmem>>
      %dma_start3A_93 = tpu.memref_squeeze %dma_start3A_92 : memref<1x125xi32, #tpu.memory_space<vmem>> -> memref<125xi32, #tpu.memory_space<vmem>>
      %dma_start3A_94 = arith.constant 0 : i32
      %dma_start3A_95 = arith.constant 0 : i32
      %dma_start3A_96 = tpu.memref_slice %arg11[%dma_start3A_94, %dma_start3A_95] : memref<10000x128xf32, #tpu.memory_space<vmem_shared>> -> memref<10000x128xf32, #tpu.memory_space<vmem_shared>>
      tpu.enqueue_indirect_dma source(%arg10 : memref<125x128xf32, #tpu.memory_space<vmem>>) target(%dma_start3A_96 : memref<10000x128xf32, #tpu.memory_space<vmem_shared>>) offsets(%dma_start3A_93 : memref<125xi32, #tpu.memory_space<vmem>>) semaphore(%run_scoped3A_90 : memref<!tpu.dma_semaphore, #tpu.memory_space<semaphore_mem>>) {add = true}
      %dma_wait3A_97 = arith.constant 0 : i32
      %dma_wait3A_98 = tpu.memref_slice %arg8[%run_scoped3A_79, %dma_wait3A_97] : memref<40x125xi32, #tpu.memory_space<vmem>> -> memref<1x125xi32, #tpu.memory_space<vmem>>
      %dma_wait3A_99 = tpu.memref_squeeze %dma_wait3A_98 : memref<1x125xi32, #tpu.memory_space<vmem>> -> memref<125xi32, #tpu.memory_space<vmem>>
      %dma_wait3A_100 = arith.constant 0 : i32
      %dma_wait3A_101 = arith.constant 0 : i32
      %dma_wait3A_102 = tpu.memref_slice %arg11[%dma_wait3A_100, %dma_wait3A_101] : memref<10000x128xf32, #tpu.memory_space<vmem_shared>> -> memref<10000x128xf32, #tpu.memory_space<vmem_shared>>
      tpu.wait_indirect_dma semaphore(%run_scoped3A_90 : memref<!tpu.dma_semaphore, #tpu.memory_space<semaphore_mem>>) src(%arg10 : memref<125x128xf32, #tpu.memory_space<vmem>>) dst(%dma_wait3A_102 : memref<10000x128xf32, #tpu.memory_space<vmem_shared>>)
      tpu.yield
    }) : () -> ()
    %barrier3A_80 = arith.constant 0 : index
    tpu.barrier barrier_id(%barrier3A_80)
    %lt3A = arith.constant 15 : i32
    %lt3A_81 = arith.cmpi slt, %arg1, %lt3A : i32
    %convert_element_type3A_82 = arith.extui %lt3A_81 : i1 to i32
    %cond3A_83 = arith.constant 0 : i32
    %cond3A_84 = arith.cmpi ne, %convert_element_type3A_82, %cond3A_83 : i32
    scf.if %cond3A_84 {
      %mul3A_90 = arith.constant 632 : i32
      %mul3A_91 = arith.muli %arg1, %mul3A_90 : i32
      %multiple_of3A = tpu.assume_multiple %mul3A_91, 8 : i32
      "tpu.region"() ({
        %run_scoped3A_92 = tpu.sem_alloc : memref<!tpu.dma_semaphore, #tpu.memory_space<semaphore_mem>>
        %dma_start3A_93 = arith.constant 0 : i32
        %dma_start3A_94 = arith.constant 0 : i32
        %dma_start3A_95 = tpu.memref_slice %arg6[%arg0, %dma_start3A_93, %dma_start3A_94] : memref<2x10000x128xf32, #tpu.memory_space<hbm>> -> memref<1x10000x128xf32, #tpu.memory_space<hbm>>
        %dma_start3A_96 = tpu.memref_squeeze %dma_start3A_95 : memref<1x10000x128xf32, #tpu.memory_space<hbm>> -> memref<10000x128xf32, #tpu.memory_space<hbm>>
        %dma_start3A_97 = arith.constant 0 : i32
        %dma_start3A_98 = tpu.memref_slice %dma_start3A_96[%multiple_of3A, %dma_start3A_97] : memref<10000x128xf32, #tpu.memory_space<hbm>> -> memref<632x128xf32, #tpu.memory_space<hbm>>
        %dma_start3A_99 = arith.constant 0 : i32
        %dma_start3A_100 = tpu.memref_slice %arg11[%multiple_of3A, %dma_start3A_99] : memref<10000x128xf32, #tpu.memory_space<vmem_shared>> -> memref<632x128xf32, #tpu.memory_space<vmem_shared>>
        tpu.enqueue_dma source(%dma_start3A_100 : memref<632x128xf32, #tpu.memory_space<vmem_shared>>) target(%dma_start3A_98 : memref<632x128xf32, #tpu.memory_space<hbm>>) target_semaphore(%run_scoped3A_92 : memref<!tpu.dma_semaphore, #tpu.memory_space<semaphore_mem>>)
        %dma_wait3A_101 = arith.constant 0 : i32
        %dma_wait3A_102 = arith.constant 0 : i32
        %dma_wait3A_103 = tpu.memref_slice %arg6[%arg0, %dma_wait3A_101, %dma_wait3A_102] : memref<2x10000x128xf32, #tpu.memory_space<hbm>> -> memref<1x10000x128xf32, #tpu.memory_space<hbm>>
        %dma_wait3A_104 = tpu.memref_squeeze %dma_wait3A_103 : memref<1x10000x128xf32, #tpu.memory_space<hbm>> -> memref<10000x128xf32, #tpu.memory_space<hbm>>
        %dma_wait3A_105 = arith.constant 0 : i32
        %dma_wait3A_106 = tpu.memref_slice %dma_wait3A_104[%multiple_of3A, %dma_wait3A_105] : memref<10000x128xf32, #tpu.memory_space<hbm>> -> memref<632x128xf32, #tpu.memory_space<hbm>>
        %dma_wait3A_107 = arith.constant 0 : i32
        %dma_wait3A_108 = tpu.memref_slice %arg11[%multiple_of3A, %dma_wait3A_107] : memref<10000x128xf32, #tpu.memory_space<vmem_shared>> -> memref<632x128xf32, #tpu.memory_space<vmem_shared>>
        tpu.wait_dma2 semaphore(%run_scoped3A_92 : memref<!tpu.dma_semaphore, #tpu.memory_space<semaphore_mem>>) src(%dma_wait3A_108 : memref<632x128xf32, #tpu.memory_space<vmem_shared>>) dst(%dma_wait3A_106 : memref<632x128xf32, #tpu.memory_space<hbm>>)
        tpu.yield
      }) : () -> ()
    } else {
    }
    %eq3A_85 = arith.constant 15 : i32
    %eq3A_86 = arith.cmpi eq, %arg1, %eq3A_85 : i32
    %convert_element_type3A_87 = arith.extui %eq3A_86 : i1 to i32
    %cond3A_88 = arith.constant 0 : i32
    %cond3A_89 = arith.cmpi ne, %convert_element_type3A_87, %cond3A_88 : i32
    scf.if %cond3A_89 {
      "tpu.region"() ({
        %run_scoped3A_90 = tpu.sem_alloc : memref<!tpu.dma_semaphore, #tpu.memory_space<semaphore_mem>>
        %dma_start3A_91 = arith.constant 0 : i32
        %dma_start3A_92 = arith.constant 0 : i32
        %dma_start3A_93 = tpu.memref_slice %arg6[%arg0, %dma_start3A_91, %dma_start3A_92] : memref<2x10000x128xf32, #tpu.memory_space<hbm>> -> memref<1x10000x128xf32, #tpu.memory_space<hbm>>
        %dma_start3A_94 = tpu.memref_squeeze %dma_start3A_93 : memref<1x10000x128xf32, #tpu.memory_space<hbm>> -> memref<10000x128xf32, #tpu.memory_space<hbm>>
        %dma_start3A_95 = arith.constant 9480 : i32
        %dma_start3A_96 = arith.constant 0 : i32
        %dma_start3A_97 = tpu.memref_slice %dma_start3A_94[%dma_start3A_95, %dma_start3A_96] : memref<10000x128xf32, #tpu.memory_space<hbm>> -> memref<520x128xf32, #tpu.memory_space<hbm>>
        %dma_start3A_98 = arith.constant 9480 : i32
        %dma_start3A_99 = arith.constant 0 : i32
        %dma_start3A_100 = tpu.memref_slice %arg11[%dma_start3A_98, %dma_start3A_99] : memref<10000x128xf32, #tpu.memory_space<vmem_shared>> -> memref<520x128xf32, #tpu.memory_space<vmem_shared>>
        tpu.enqueue_dma source(%dma_start3A_100 : memref<520x128xf32, #tpu.memory_space<vmem_shared>>) target(%dma_start3A_97 : memref<520x128xf32, #tpu.memory_space<hbm>>) target_semaphore(%run_scoped3A_90 : memref<!tpu.dma_semaphore, #tpu.memory_space<semaphore_mem>>)
        %dma_wait3A_101 = arith.constant 0 : i32
        %dma_wait3A_102 = arith.constant 0 : i32
        %dma_wait3A_103 = tpu.memref_slice %arg6[%arg0, %dma_wait3A_101, %dma_wait3A_102] : memref<2x10000x128xf32, #tpu.memory_space<hbm>> -> memref<1x10000x128xf32, #tpu.memory_space<hbm>>
        %dma_wait3A_104 = tpu.memref_squeeze %dma_wait3A_103 : memref<1x10000x128xf32, #tpu.memory_space<hbm>> -> memref<10000x128xf32, #tpu.memory_space<hbm>>
        %dma_wait3A_105 = arith.constant 9480 : i32
        %dma_wait3A_106 = arith.constant 0 : i32
        %dma_wait3A_107 = tpu.memref_slice %dma_wait3A_104[%dma_wait3A_105, %dma_wait3A_106] : memref<10000x128xf32, #tpu.memory_space<hbm>> -> memref<520x128xf32, #tpu.memory_space<hbm>>
        %dma_wait3A_108 = arith.constant 9480 : i32
        %dma_wait3A_109 = arith.constant 0 : i32
        %dma_wait3A_110 = tpu.memref_slice %arg11[%dma_wait3A_108, %dma_wait3A_109] : memref<10000x128xf32, #tpu.memory_space<vmem_shared>> -> memref<520x128xf32, #tpu.memory_space<vmem_shared>>
        tpu.wait_dma2 semaphore(%run_scoped3A_90 : memref<!tpu.dma_semaphore, #tpu.memory_space<semaphore_mem>>) src(%dma_wait3A_110 : memref<520x128xf32, #tpu.memory_space<vmem_shared>>) dst(%dma_wait3A_107 : memref<520x128xf32, #tpu.memory_space<hbm>>)
        tpu.yield
      }) : () -> ()
    } else {
    }
    return
  }
}

#map = affine_map<(d0, d1) -> (0, 0)>
#map1 = affine_map<(d0, d1) -> (0, 0, 0, 0)>
#map2 = affine_map<(d0, d1) -> (0, 0, 0)>
module attributes {stable_mosaic.version = 14 : i64} {
  func.func @_sc_agg_body(%arg0: i32, %arg1: i32, %arg2: memref<10000x128xf32, #tpu.memory_space<hbm>>, %arg3: memref<10000x128xf32, #tpu.memory_space<hbm>>, %arg4: memref<32x2x40x125xi32, #tpu.memory_space<hbm>>, %arg5: memref<32x2x40x125xi32, #tpu.memory_space<hbm>>, %arg6: memref<2x10000x128xf32, #tpu.memory_space<hbm>>, %arg7: memref<40x125xi32, #tpu.memory_space<vmem>>, %arg8: memref<40x125xi32, #tpu.memory_space<vmem>>, %arg9: memref<125x128xf32, #tpu.memory_space<vmem>>, %arg10: memref<125x128xf32, #tpu.memory_space<vmem>>, %arg11: memref<10000x128xf32, #tpu.memory_space<vmem_shared>>, %arg12: memref<!tpu.dma_semaphore, #tpu.memory_space<semaphore_mem>>, %arg13: memref<!tpu.dma_semaphore, #tpu.memory_space<semaphore_mem>>) attributes {dimension_semantics = [#tpu.dimension_semantics<core_parallel>, #tpu.dimension_semantics<subcore_parallel>], iteration_bounds = array<i64: 2, 16>, scalar_prefetch = 0 : i64, scratch_operands = 7 : i64, tpu.core_type = #tpu.core_type<sc_vector_subcore>, window_params = [{transform_indices = #map}, {transform_indices = #map}, {transform_indices = #map1}, {transform_indices = #map1}, {transform_indices = #map2}]} {
    %mul3A = arith.constant 2 : i32
    %mul3A_0 = arith.muli %arg1, %mul3A : i32
    %add3A = arith.addi %mul3A_0, %arg0 : i32
    %run_scoped3A = arith.constant 0 : i32
    "tpu.region"() ({
      %run_scoped3A_90 = tpu.sem_alloc : memref<!tpu.dma_semaphore, #tpu.memory_space<semaphore_mem>>
      %dma_start3A_91 = arith.constant 0 : i32
      %dma_start3A_92 = arith.constant 0 : i32
      %dma_start3A_93 = arith.constant 0 : i32
      %dma_start3A_94 = tpu.memref_slice %arg4[%add3A, %dma_start3A_91, %dma_start3A_92, %dma_start3A_93] : memref<32x2x40x125xi32, #tpu.memory_space<hbm>> -> memref<1x2x40x125xi32, #tpu.memory_space<hbm>>
      %dma_start3A_95 = tpu.memref_squeeze %dma_start3A_94 : memref<1x2x40x125xi32, #tpu.memory_space<hbm>> -> memref<2x40x125xi32, #tpu.memory_space<hbm>>
      %dma_start3A_96 = arith.constant 0 : i32
      %dma_start3A_97 = arith.constant 0 : i32
      %dma_start3A_98 = tpu.memref_slice %dma_start3A_95[%run_scoped3A, %dma_start3A_96, %dma_start3A_97] : memref<2x40x125xi32, #tpu.memory_space<hbm>> -> memref<1x40x125xi32, #tpu.memory_space<hbm>>
      %dma_start3A_99 = tpu.memref_squeeze %dma_start3A_98 : memref<1x40x125xi32, #tpu.memory_space<hbm>> -> memref<40x125xi32, #tpu.memory_space<hbm>>
      %dma_start3A_100 = arith.constant 0 : i32
      %dma_start3A_101 = arith.constant 0 : i32
      %dma_start3A_102 = arith.constant 0 : i32
      %dma_start3A_103 = tpu.memref_slice %arg4[%add3A, %dma_start3A_100, %dma_start3A_101, %dma_start3A_102] : memref<32x2x40x125xi32, #tpu.memory_space<hbm>> -> memref<1x2x40x125xi32, #tpu.memory_space<hbm>>
      %dma_start3A_104 = tpu.memref_squeeze %dma_start3A_103 : memref<1x2x40x125xi32, #tpu.memory_space<hbm>> -> memref<2x40x125xi32, #tpu.memory_space<hbm>>
      %dma_start3A_105 = arith.constant 0 : i32
      %dma_start3A_106 = arith.constant 0 : i32
      %dma_start3A_107 = tpu.memref_slice %dma_start3A_104[%run_scoped3A, %dma_start3A_105, %dma_start3A_106] : memref<2x40x125xi32, #tpu.memory_space<hbm>> -> memref<1x40x125xi32, #tpu.memory_space<hbm>>
      %dma_start3A_108 = tpu.memref_squeeze %dma_start3A_107 : memref<1x40x125xi32, #tpu.memory_space<hbm>> -> memref<40x125xi32, #tpu.memory_space<hbm>>
      tpu.enqueue_dma source(%dma_start3A_108 : memref<40x125xi32, #tpu.memory_space<hbm>>) target(%arg7 : memref<40x125xi32, #tpu.memory_space<vmem>>) target_semaphore(%run_scoped3A_90 : memref<!tpu.dma_semaphore, #tpu.memory_space<semaphore_mem>>)
      %dma_wait3A_109 = arith.constant 0 : i32
      %dma_wait3A_110 = arith.constant 0 : i32
      %dma_wait3A_111 = arith.constant 0 : i32
      %dma_wait3A_112 = tpu.memref_slice %arg4[%add3A, %dma_wait3A_109, %dma_wait3A_110, %dma_wait3A_111] : memref<32x2x40x125xi32, #tpu.memory_space<hbm>> -> memref<1x2x40x125xi32, #tpu.memory_space<hbm>>
      %dma_wait3A_113 = tpu.memref_squeeze %dma_wait3A_112 : memref<1x2x40x125xi32, #tpu.memory_space<hbm>> -> memref<2x40x125xi32, #tpu.memory_space<hbm>>
      %dma_wait3A_114 = arith.constant 0 : i32
      %dma_wait3A_115 = arith.constant 0 : i32
      %dma_wait3A_116 = tpu.memref_slice %dma_wait3A_113[%run_scoped3A, %dma_wait3A_114, %dma_wait3A_115] : memref<2x40x125xi32, #tpu.memory_space<hbm>> -> memref<1x40x125xi32, #tpu.memory_space<hbm>>
      %dma_wait3A_117 = tpu.memref_squeeze %dma_wait3A_116 : memref<1x40x125xi32, #tpu.memory_space<hbm>> -> memref<40x125xi32, #tpu.memory_space<hbm>>
      %dma_wait3A_118 = arith.constant 0 : i32
      %dma_wait3A_119 = arith.constant 0 : i32
      %dma_wait3A_120 = arith.constant 0 : i32
      %dma_wait3A_121 = tpu.memref_slice %arg4[%add3A, %dma_wait3A_118, %dma_wait3A_119, %dma_wait3A_120] : memref<32x2x40x125xi32, #tpu.memory_space<hbm>> -> memref<1x2x40x125xi32, #tpu.memory_space<hbm>>
      %dma_wait3A_122 = tpu.memref_squeeze %dma_wait3A_121 : memref<1x2x40x125xi32, #tpu.memory_space<hbm>> -> memref<2x40x125xi32, #tpu.memory_space<hbm>>
      %dma_wait3A_123 = arith.constant 0 : i32
      %dma_wait3A_124 = arith.constant 0 : i32
      %dma_wait3A_125 = tpu.memref_slice %dma_wait3A_122[%run_scoped3A, %dma_wait3A_123, %dma_wait3A_124] : memref<2x40x125xi32, #tpu.memory_space<hbm>> -> memref<1x40x125xi32, #tpu.memory_space<hbm>>
      %dma_wait3A_126 = tpu.memref_squeeze %dma_wait3A_125 : memref<1x40x125xi32, #tpu.memory_space<hbm>> -> memref<40x125xi32, #tpu.memory_space<hbm>>
      tpu.wait_dma2 semaphore(%run_scoped3A_90 : memref<!tpu.dma_semaphore, #tpu.memory_space<semaphore_mem>>) src(%dma_wait3A_126 : memref<40x125xi32, #tpu.memory_space<hbm>>) dst(%arg7 : memref<40x125xi32, #tpu.memory_space<vmem>>)
      tpu.yield
    }) : () -> ()
    %run_scoped3A_1 = arith.constant 0 : i32
    "tpu.region"() ({
      %run_scoped3A_90 = tpu.sem_alloc : memref<!tpu.dma_semaphore, #tpu.memory_space<semaphore_mem>>
      %dma_start3A_91 = arith.constant 0 : i32
      %dma_start3A_92 = arith.constant 0 : i32
      %dma_start3A_93 = arith.constant 0 : i32
      %dma_start3A_94 = tpu.memref_slice %arg5[%add3A, %dma_start3A_91, %dma_start3A_92, %dma_start3A_93] : memref<32x2x40x125xi32, #tpu.memory_space<hbm>> -> memref<1x2x40x125xi32, #tpu.memory_space<hbm>>
      %dma_start3A_95 = tpu.memref_squeeze %dma_start3A_94 : memref<1x2x40x125xi32, #tpu.memory_space<hbm>> -> memref<2x40x125xi32, #tpu.memory_space<hbm>>
      %dma_start3A_96 = arith.constant 0 : i32
      %dma_start3A_97 = arith.constant 0 : i32
      %dma_start3A_98 = tpu.memref_slice %dma_start3A_95[%run_scoped3A_1, %dma_start3A_96, %dma_start3A_97] : memref<2x40x125xi32, #tpu.memory_space<hbm>> -> memref<1x40x125xi32, #tpu.memory_space<hbm>>
      %dma_start3A_99 = tpu.memref_squeeze %dma_start3A_98 : memref<1x40x125xi32, #tpu.memory_space<hbm>> -> memref<40x125xi32, #tpu.memory_space<hbm>>
      %dma_start3A_100 = arith.constant 0 : i32
      %dma_start3A_101 = arith.constant 0 : i32
      %dma_start3A_102 = arith.constant 0 : i32
      %dma_start3A_103 = tpu.memref_slice %arg5[%add3A, %dma_start3A_100, %dma_start3A_101, %dma_start3A_102] : memref<32x2x40x125xi32, #tpu.memory_space<hbm>> -> memref<1x2x40x125xi32, #tpu.memory_space<hbm>>
      %dma_start3A_104 = tpu.memref_squeeze %dma_start3A_103 : memref<1x2x40x125xi32, #tpu.memory_space<hbm>> -> memref<2x40x125xi32, #tpu.memory_space<hbm>>
      %dma_start3A_105 = arith.constant 0 : i32
      %dma_start3A_106 = arith.constant 0 : i32
      %dma_start3A_107 = tpu.memref_slice %dma_start3A_104[%run_scoped3A_1, %dma_start3A_105, %dma_start3A_106] : memref<2x40x125xi32, #tpu.memory_space<hbm>> -> memref<1x40x125xi32, #tpu.memory_space<hbm>>
      %dma_start3A_108 = tpu.memref_squeeze %dma_start3A_107 : memref<1x40x125xi32, #tpu.memory_space<hbm>> -> memref<40x125xi32, #tpu.memory_space<hbm>>
      tpu.enqueue_dma source(%dma_start3A_108 : memref<40x125xi32, #tpu.memory_space<hbm>>) target(%arg8 : memref<40x125xi32, #tpu.memory_space<vmem>>) target_semaphore(%run_scoped3A_90 : memref<!tpu.dma_semaphore, #tpu.memory_space<semaphore_mem>>)
      %dma_wait3A_109 = arith.constant 0 : i32
      %dma_wait3A_110 = arith.constant 0 : i32
      %dma_wait3A_111 = arith.constant 0 : i32
      %dma_wait3A_112 = tpu.memref_slice %arg5[%add3A, %dma_wait3A_109, %dma_wait3A_110, %dma_wait3A_111] : memref<32x2x40x125xi32, #tpu.memory_space<hbm>> -> memref<1x2x40x125xi32, #tpu.memory_space<hbm>>
      %dma_wait3A_113 = tpu.memref_squeeze %dma_wait3A_112 : memref<1x2x40x125xi32, #tpu.memory_space<hbm>> -> memref<2x40x125xi32, #tpu.memory_space<hbm>>
      %dma_wait3A_114 = arith.constant 0 : i32
      %dma_wait3A_115 = arith.constant 0 : i32
      %dma_wait3A_116 = tpu.memref_slice %dma_wait3A_113[%run_scoped3A_1, %dma_wait3A_114, %dma_wait3A_115] : memref<2x40x125xi32, #tpu.memory_space<hbm>> -> memref<1x40x125xi32, #tpu.memory_space<hbm>>
      %dma_wait3A_117 = tpu.memref_squeeze %dma_wait3A_116 : memref<1x40x125xi32, #tpu.memory_space<hbm>> -> memref<40x125xi32, #tpu.memory_space<hbm>>
      %dma_wait3A_118 = arith.constant 0 : i32
      %dma_wait3A_119 = arith.constant 0 : i32
      %dma_wait3A_120 = arith.constant 0 : i32
      %dma_wait3A_121 = tpu.memref_slice %arg5[%add3A, %dma_wait3A_118, %dma_wait3A_119, %dma_wait3A_120] : memref<32x2x40x125xi32, #tpu.memory_space<hbm>> -> memref<1x2x40x125xi32, #tpu.memory_space<hbm>>
      %dma_wait3A_122 = tpu.memref_squeeze %dma_wait3A_121 : memref<1x2x40x125xi32, #tpu.memory_space<hbm>> -> memref<2x40x125xi32, #tpu.memory_space<hbm>>
      %dma_wait3A_123 = arith.constant 0 : i32
      %dma_wait3A_124 = arith.constant 0 : i32
      %dma_wait3A_125 = tpu.memref_slice %dma_wait3A_122[%run_scoped3A_1, %dma_wait3A_123, %dma_wait3A_124] : memref<2x40x125xi32, #tpu.memory_space<hbm>> -> memref<1x40x125xi32, #tpu.memory_space<hbm>>
      %dma_wait3A_126 = tpu.memref_squeeze %dma_wait3A_125 : memref<1x40x125xi32, #tpu.memory_space<hbm>> -> memref<40x125xi32, #tpu.memory_space<hbm>>
      tpu.wait_dma2 semaphore(%run_scoped3A_90 : memref<!tpu.dma_semaphore, #tpu.memory_space<semaphore_mem>>) src(%dma_wait3A_126 : memref<40x125xi32, #tpu.memory_space<hbm>>) dst(%arg8 : memref<40x125xi32, #tpu.memory_space<vmem>>)
      tpu.yield
    }) : () -> ()
    %dma_start3A = arith.constant 0 : i32
    %dma_start3A_2 = arith.constant 0 : i32
    %dma_start3A_3 = tpu.memref_slice %arg7[%dma_start3A, %dma_start3A_2] : memref<40x125xi32, #tpu.memory_space<vmem>> -> memref<1x125xi32, #tpu.memory_space<vmem>>
    %dma_start3A_4 = tpu.memref_squeeze %dma_start3A_3 : memref<1x125xi32, #tpu.memory_space<vmem>> -> memref<125xi32, #tpu.memory_space<vmem>>
    %dma_start3A_5 = arith.constant 0 : i32
    %dma_start3A_6 = arith.constant 0 : i32
    %dma_start3A_7 = tpu.memref_slice %arg2[%dma_start3A_5, %dma_start3A_6] : memref<10000x128xf32, #tpu.memory_space<hbm>> -> memref<10000x128xf32, #tpu.memory_space<hbm>>
    tpu.enqueue_indirect_dma source(%dma_start3A_7 : memref<10000x128xf32, #tpu.memory_space<hbm>>) target(%arg9 : memref<125x128xf32, #tpu.memory_space<vmem>>) offsets(%dma_start3A_4 : memref<125xi32, #tpu.memory_space<vmem>>) semaphore(%arg12 : memref<!tpu.dma_semaphore, #tpu.memory_space<semaphore_mem>>)
    %dma_start3A_8 = arith.constant 1 : i32
    %dma_start3A_9 = arith.constant 0 : i32
    %dma_start3A_10 = tpu.memref_slice %arg7[%dma_start3A_8, %dma_start3A_9] : memref<40x125xi32, #tpu.memory_space<vmem>> -> memref<1x125xi32, #tpu.memory_space<vmem>>
    %dma_start3A_11 = tpu.memref_squeeze %dma_start3A_10 : memref<1x125xi32, #tpu.memory_space<vmem>> -> memref<125xi32, #tpu.memory_space<vmem>>
    %dma_start3A_12 = arith.constant 0 : i32
    %dma_start3A_13 = arith.constant 0 : i32
    %dma_start3A_14 = tpu.memref_slice %arg2[%dma_start3A_12, %dma_start3A_13] : memref<10000x128xf32, #tpu.memory_space<hbm>> -> memref<10000x128xf32, #tpu.memory_space<hbm>>
    tpu.enqueue_indirect_dma source(%dma_start3A_14 : memref<10000x128xf32, #tpu.memory_space<hbm>>) target(%arg10 : memref<125x128xf32, #tpu.memory_space<vmem>>) offsets(%dma_start3A_11 : memref<125xi32, #tpu.memory_space<vmem>>) semaphore(%arg13 : memref<!tpu.dma_semaphore, #tpu.memory_space<semaphore_mem>>)
    %eq3A = arith.constant 0 : i32
    %eq3A_15 = arith.cmpi eq, %arg0, %eq3A : i32
    %convert_element_type3A = arith.extui %eq3A_15 : i1 to i32
    %cond3A = arith.constant 0 : i32
    %cond3A_16 = arith.cmpi ne, %convert_element_type3A, %cond3A : i32
    scf.if %cond3A_16 {
      %lt3A_90 = arith.constant 15 : i32
      %lt3A_91 = arith.cmpi slt, %arg1, %lt3A_90 : i32
      %convert_element_type3A_92 = arith.extui %lt3A_91 : i1 to i32
      %cond3A_93 = arith.constant 0 : i32
      %cond3A_94 = arith.cmpi ne, %convert_element_type3A_92, %cond3A_93 : i32
      scf.if %cond3A_94 {
        %mul3A_100 = arith.constant 632 : i32
        %mul3A_101 = arith.muli %arg1, %mul3A_100 : i32
        %multiple_of3A = tpu.assume_multiple %mul3A_101, 8 : i32
        "tpu.region"() ({
          %run_scoped3A_102 = tpu.sem_alloc : memref<!tpu.dma_semaphore, #tpu.memory_space<semaphore_mem>>
          %dma_start3A_103 = arith.constant 0 : i32
          %dma_start3A_104 = tpu.memref_slice %arg11[%multiple_of3A, %dma_start3A_103] : memref<10000x128xf32, #tpu.memory_space<vmem_shared>> -> memref<632x128xf32, #tpu.memory_space<vmem_shared>>
          %dma_start3A_105 = arith.constant 0 : i32
          %dma_start3A_106 = tpu.memref_slice %arg2[%multiple_of3A, %dma_start3A_105] : memref<10000x128xf32, #tpu.memory_space<hbm>> -> memref<632x128xf32, #tpu.memory_space<hbm>>
          tpu.enqueue_dma source(%dma_start3A_106 : memref<632x128xf32, #tpu.memory_space<hbm>>) target(%dma_start3A_104 : memref<632x128xf32, #tpu.memory_space<vmem_shared>>) target_semaphore(%run_scoped3A_102 : memref<!tpu.dma_semaphore, #tpu.memory_space<semaphore_mem>>)
          %dma_wait3A_107 = arith.constant 0 : i32
          %dma_wait3A_108 = tpu.memref_slice %arg11[%multiple_of3A, %dma_wait3A_107] : memref<10000x128xf32, #tpu.memory_space<vmem_shared>> -> memref<632x128xf32, #tpu.memory_space<vmem_shared>>
          %dma_wait3A_109 = arith.constant 0 : i32
          %dma_wait3A_110 = tpu.memref_slice %arg2[%multiple_of3A, %dma_wait3A_109] : memref<10000x128xf32, #tpu.memory_space<hbm>> -> memref<632x128xf32, #tpu.memory_space<hbm>>
          tpu.wait_dma2 semaphore(%run_scoped3A_102 : memref<!tpu.dma_semaphore, #tpu.memory_space<semaphore_mem>>) src(%dma_wait3A_110 : memref<632x128xf32, #tpu.memory_space<hbm>>) dst(%dma_wait3A_108 : memref<632x128xf32, #tpu.memory_space<vmem_shared>>)
          tpu.yield
        }) : () -> ()
      } else {
      }
      %eq3A_95 = arith.constant 15 : i32
      %eq3A_96 = arith.cmpi eq, %arg1, %eq3A_95 : i32
      %convert_element_type3A_97 = arith.extui %eq3A_96 : i1 to i32
      %cond3A_98 = arith.constant 0 : i32
      %cond3A_99 = arith.cmpi ne, %convert_element_type3A_97, %cond3A_98 : i32
      scf.if %cond3A_99 {
        "tpu.region"() ({
          %run_scoped3A_100 = tpu.sem_alloc : memref<!tpu.dma_semaphore, #tpu.memory_space<semaphore_mem>>
          %dma_start3A_101 = arith.constant 9480 : i32
          %dma_start3A_102 = arith.constant 0 : i32
          %dma_start3A_103 = tpu.memref_slice %arg11[%dma_start3A_101, %dma_start3A_102] : memref<10000x128xf32, #tpu.memory_space<vmem_shared>> -> memref<520x128xf32, #tpu.memory_space<vmem_shared>>
          %dma_start3A_104 = arith.constant 9480 : i32
          %dma_start3A_105 = arith.constant 0 : i32
          %dma_start3A_106 = tpu.memref_slice %arg2[%dma_start3A_104, %dma_start3A_105] : memref<10000x128xf32, #tpu.memory_space<hbm>> -> memref<520x128xf32, #tpu.memory_space<hbm>>
          tpu.enqueue_dma source(%dma_start3A_106 : memref<520x128xf32, #tpu.memory_space<hbm>>) target(%dma_start3A_103 : memref<520x128xf32, #tpu.memory_space<vmem_shared>>) target_semaphore(%run_scoped3A_100 : memref<!tpu.dma_semaphore, #tpu.memory_space<semaphore_mem>>)
          %dma_wait3A_107 = arith.constant 9480 : i32
          %dma_wait3A_108 = arith.constant 0 : i32
          %dma_wait3A_109 = tpu.memref_slice %arg11[%dma_wait3A_107, %dma_wait3A_108] : memref<10000x128xf32, #tpu.memory_space<vmem_shared>> -> memref<520x128xf32, #tpu.memory_space<vmem_shared>>
          %dma_wait3A_110 = arith.constant 9480 : i32
          %dma_wait3A_111 = arith.constant 0 : i32
          %dma_wait3A_112 = tpu.memref_slice %arg2[%dma_wait3A_110, %dma_wait3A_111] : memref<10000x128xf32, #tpu.memory_space<hbm>> -> memref<520x128xf32, #tpu.memory_space<hbm>>
          tpu.wait_dma2 semaphore(%run_scoped3A_100 : memref<!tpu.dma_semaphore, #tpu.memory_space<semaphore_mem>>) src(%dma_wait3A_112 : memref<520x128xf32, #tpu.memory_space<hbm>>) dst(%dma_wait3A_109 : memref<520x128xf32, #tpu.memory_space<vmem_shared>>)
          tpu.yield
        }) : () -> ()
      } else {
      }
    } else {
    }
    %eq3A_17 = arith.constant 1 : i32
    %eq3A_18 = arith.cmpi eq, %arg0, %eq3A_17 : i32
    %convert_element_type3A_19 = arith.extui %eq3A_18 : i1 to i32
    %cond3A_20 = arith.constant 0 : i32
    %cond3A_21 = arith.cmpi ne, %convert_element_type3A_19, %cond3A_20 : i32
    scf.if %cond3A_21 {
      %lt3A_90 = arith.constant 15 : i32
      %lt3A_91 = arith.cmpi slt, %arg1, %lt3A_90 : i32
      %convert_element_type3A_92 = arith.extui %lt3A_91 : i1 to i32
      %cond3A_93 = arith.constant 0 : i32
      %cond3A_94 = arith.cmpi ne, %convert_element_type3A_92, %cond3A_93 : i32
      scf.if %cond3A_94 {
        %mul3A_100 = arith.constant 632 : i32
        %mul3A_101 = arith.muli %arg1, %mul3A_100 : i32
        %multiple_of3A = tpu.assume_multiple %mul3A_101, 8 : i32
        "tpu.region"() ({
          %run_scoped3A_102 = tpu.sem_alloc : memref<!tpu.dma_semaphore, #tpu.memory_space<semaphore_mem>>
          %dma_start3A_103 = arith.constant 0 : i32
          %dma_start3A_104 = tpu.memref_slice %arg11[%multiple_of3A, %dma_start3A_103] : memref<10000x128xf32, #tpu.memory_space<vmem_shared>> -> memref<632x128xf32, #tpu.memory_space<vmem_shared>>
          %dma_start3A_105 = arith.constant 0 : i32
          %dma_start3A_106 = tpu.memref_slice %arg3[%multiple_of3A, %dma_start3A_105] : memref<10000x128xf32, #tpu.memory_space<hbm>> -> memref<632x128xf32, #tpu.memory_space<hbm>>
          tpu.enqueue_dma source(%dma_start3A_106 : memref<632x128xf32, #tpu.memory_space<hbm>>) target(%dma_start3A_104 : memref<632x128xf32, #tpu.memory_space<vmem_shared>>) target_semaphore(%run_scoped3A_102 : memref<!tpu.dma_semaphore, #tpu.memory_space<semaphore_mem>>)
          %dma_wait3A_107 = arith.constant 0 : i32
          %dma_wait3A_108 = tpu.memref_slice %arg11[%multiple_of3A, %dma_wait3A_107] : memref<10000x128xf32, #tpu.memory_space<vmem_shared>> -> memref<632x128xf32, #tpu.memory_space<vmem_shared>>
          %dma_wait3A_109 = arith.constant 0 : i32
          %dma_wait3A_110 = tpu.memref_slice %arg3[%multiple_of3A, %dma_wait3A_109] : memref<10000x128xf32, #tpu.memory_space<hbm>> -> memref<632x128xf32, #tpu.memory_space<hbm>>
          tpu.wait_dma2 semaphore(%run_scoped3A_102 : memref<!tpu.dma_semaphore, #tpu.memory_space<semaphore_mem>>) src(%dma_wait3A_110 : memref<632x128xf32, #tpu.memory_space<hbm>>) dst(%dma_wait3A_108 : memref<632x128xf32, #tpu.memory_space<vmem_shared>>)
          tpu.yield
        }) : () -> ()
      } else {
      }
      %eq3A_95 = arith.constant 15 : i32
      %eq3A_96 = arith.cmpi eq, %arg1, %eq3A_95 : i32
      %convert_element_type3A_97 = arith.extui %eq3A_96 : i1 to i32
      %cond3A_98 = arith.constant 0 : i32
      %cond3A_99 = arith.cmpi ne, %convert_element_type3A_97, %cond3A_98 : i32
      scf.if %cond3A_99 {
        "tpu.region"() ({
          %run_scoped3A_100 = tpu.sem_alloc : memref<!tpu.dma_semaphore, #tpu.memory_space<semaphore_mem>>
          %dma_start3A_101 = arith.constant 9480 : i32
          %dma_start3A_102 = arith.constant 0 : i32
          %dma_start3A_103 = tpu.memref_slice %arg11[%dma_start3A_101, %dma_start3A_102] : memref<10000x128xf32, #tpu.memory_space<vmem_shared>> -> memref<520x128xf32, #tpu.memory_space<vmem_shared>>
          %dma_start3A_104 = arith.constant 9480 : i32
          %dma_start3A_105 = arith.constant 0 : i32
          %dma_start3A_106 = tpu.memref_slice %arg3[%dma_start3A_104, %dma_start3A_105] : memref<10000x128xf32, #tpu.memory_space<hbm>> -> memref<520x128xf32, #tpu.memory_space<hbm>>
          tpu.enqueue_dma source(%dma_start3A_106 : memref<520x128xf32, #tpu.memory_space<hbm>>) target(%dma_start3A_103 : memref<520x128xf32, #tpu.memory_space<vmem_shared>>) target_semaphore(%run_scoped3A_100 : memref<!tpu.dma_semaphore, #tpu.memory_space<semaphore_mem>>)
          %dma_wait3A_107 = arith.constant 9480 : i32
          %dma_wait3A_108 = arith.constant 0 : i32
          %dma_wait3A_109 = tpu.memref_slice %arg11[%dma_wait3A_107, %dma_wait3A_108] : memref<10000x128xf32, #tpu.memory_space<vmem_shared>> -> memref<520x128xf32, #tpu.memory_space<vmem_shared>>
          %dma_wait3A_110 = arith.constant 9480 : i32
          %dma_wait3A_111 = arith.constant 0 : i32
          %dma_wait3A_112 = tpu.memref_slice %arg3[%dma_wait3A_110, %dma_wait3A_111] : memref<10000x128xf32, #tpu.memory_space<hbm>> -> memref<520x128xf32, #tpu.memory_space<hbm>>
          tpu.wait_dma2 semaphore(%run_scoped3A_100 : memref<!tpu.dma_semaphore, #tpu.memory_space<semaphore_mem>>) src(%dma_wait3A_112 : memref<520x128xf32, #tpu.memory_space<hbm>>) dst(%dma_wait3A_109 : memref<520x128xf32, #tpu.memory_space<vmem_shared>>)
          tpu.yield
        }) : () -> ()
      } else {
      }
    } else {
    }
    %barrier3A = arith.constant 0 : index
    tpu.barrier barrier_id(%barrier3A)
    %scan3A = arith.constant 0 : i32
    %scan3A_22 = arith.constant 0 : i32
    %scan3A_23 = arith.constant 19 : i32
    %scan3A_24 = arith.addi %scan3A_22, %scan3A_23 : i32
    %scan3A_25 = arith.constant 1 : i32
    scf.for %scan3A_90 = %scan3A_22 to %scan3A_24 step %scan3A_25  : i32 {
      %mul3A_91 = arith.constant 2 : i32
      %mul3A_92 = arith.muli %mul3A_91, %scan3A_90 : i32
      %dma_wait3A_93 = arith.constant 0 : i32
      %dma_wait3A_94 = arith.constant 0 : i32
      %dma_wait3A_95 = tpu.memref_slice %arg7[%dma_wait3A_93, %dma_wait3A_94] : memref<40x125xi32, #tpu.memory_space<vmem>> -> memref<1x125xi32, #tpu.memory_space<vmem>>
      %dma_wait3A_96 = tpu.memref_squeeze %dma_wait3A_95 : memref<1x125xi32, #tpu.memory_space<vmem>> -> memref<125xi32, #tpu.memory_space<vmem>>
      %dma_wait3A_97 = arith.constant 0 : i32
      %dma_wait3A_98 = arith.constant 0 : i32
      %dma_wait3A_99 = tpu.memref_slice %arg2[%dma_wait3A_97, %dma_wait3A_98] : memref<10000x128xf32, #tpu.memory_space<hbm>> -> memref<10000x128xf32, #tpu.memory_space<hbm>>
      tpu.wait_indirect_dma semaphore(%arg12 : memref<!tpu.dma_semaphore, #tpu.memory_space<semaphore_mem>>) src(%dma_wait3A_99 : memref<10000x128xf32, #tpu.memory_space<hbm>>) dst(%arg9 : memref<125x128xf32, #tpu.memory_space<vmem>>)
      "tpu.region"() ({
        %run_scoped3A_125 = tpu.sem_alloc : memref<!tpu.dma_semaphore, #tpu.memory_space<semaphore_mem>>
        %dma_start3A_126 = arith.constant 0 : i32
        %dma_start3A_127 = tpu.memref_slice %arg8[%mul3A_92, %dma_start3A_126] : memref<40x125xi32, #tpu.memory_space<vmem>> -> memref<1x125xi32, #tpu.memory_space<vmem>>
        %dma_start3A_128 = tpu.memref_squeeze %dma_start3A_127 : memref<1x125xi32, #tpu.memory_space<vmem>> -> memref<125xi32, #tpu.memory_space<vmem>>
        %dma_start3A_129 = arith.constant 0 : i32
        %dma_start3A_130 = arith.constant 0 : i32
        %dma_start3A_131 = tpu.memref_slice %arg11[%dma_start3A_129, %dma_start3A_130] : memref<10000x128xf32, #tpu.memory_space<vmem_shared>> -> memref<10000x128xf32, #tpu.memory_space<vmem_shared>>
        tpu.enqueue_indirect_dma source(%arg9 : memref<125x128xf32, #tpu.memory_space<vmem>>) target(%dma_start3A_131 : memref<10000x128xf32, #tpu.memory_space<vmem_shared>>) offsets(%dma_start3A_128 : memref<125xi32, #tpu.memory_space<vmem>>) semaphore(%run_scoped3A_125 : memref<!tpu.dma_semaphore, #tpu.memory_space<semaphore_mem>>) {add = true}
        %dma_wait3A_132 = arith.constant 0 : i32
        %dma_wait3A_133 = tpu.memref_slice %arg8[%mul3A_92, %dma_wait3A_132] : memref<40x125xi32, #tpu.memory_space<vmem>> -> memref<1x125xi32, #tpu.memory_space<vmem>>
        %dma_wait3A_134 = tpu.memref_squeeze %dma_wait3A_133 : memref<1x125xi32, #tpu.memory_space<vmem>> -> memref<125xi32, #tpu.memory_space<vmem>>
        %dma_wait3A_135 = arith.constant 0 : i32
        %dma_wait3A_136 = arith.constant 0 : i32
        %dma_wait3A_137 = tpu.memref_slice %arg11[%dma_wait3A_135, %dma_wait3A_136] : memref<10000x128xf32, #tpu.memory_space<vmem_shared>> -> memref<10000x128xf32, #tpu.memory_space<vmem_shared>>
        tpu.wait_indirect_dma semaphore(%run_scoped3A_125 : memref<!tpu.dma_semaphore, #tpu.memory_space<semaphore_mem>>) src(%arg9 : memref<125x128xf32, #tpu.memory_space<vmem>>) dst(%dma_wait3A_137 : memref<10000x128xf32, #tpu.memory_space<vmem_shared>>)
        tpu.yield
      }) : () -> ()
      %add3A_100 = arith.constant 2 : i32
      %add3A_101 = arith.addi %mul3A_92, %add3A_100 : i32
      %dma_start3A_102 = arith.constant 0 : i32
      %dma_start3A_103 = tpu.memref_slice %arg7[%add3A_101, %dma_start3A_102] : memref<40x125xi32, #tpu.memory_space<vmem>> -> memref<1x125xi32, #tpu.memory_space<vmem>>
      %dma_start3A_104 = tpu.memref_squeeze %dma_start3A_103 : memref<1x125xi32, #tpu.memory_space<vmem>> -> memref<125xi32, #tpu.memory_space<vmem>>
      %dma_start3A_105 = arith.constant 0 : i32
      %dma_start3A_106 = arith.constant 0 : i32
      %dma_start3A_107 = tpu.memref_slice %arg2[%dma_start3A_105, %dma_start3A_106] : memref<10000x128xf32, #tpu.memory_space<hbm>> -> memref<10000x128xf32, #tpu.memory_space<hbm>>
      tpu.enqueue_indirect_dma source(%dma_start3A_107 : memref<10000x128xf32, #tpu.memory_space<hbm>>) target(%arg9 : memref<125x128xf32, #tpu.memory_space<vmem>>) offsets(%dma_start3A_104 : memref<125xi32, #tpu.memory_space<vmem>>) semaphore(%arg12 : memref<!tpu.dma_semaphore, #tpu.memory_space<semaphore_mem>>)
      %dma_wait3A_108 = arith.constant 0 : i32
      %dma_wait3A_109 = arith.constant 0 : i32
      %dma_wait3A_110 = tpu.memref_slice %arg7[%dma_wait3A_108, %dma_wait3A_109] : memref<40x125xi32, #tpu.memory_space<vmem>> -> memref<1x125xi32, #tpu.memory_space<vmem>>
      %dma_wait3A_111 = tpu.memref_squeeze %dma_wait3A_110 : memref<1x125xi32, #tpu.memory_space<vmem>> -> memref<125xi32, #tpu.memory_space<vmem>>
      %dma_wait3A_112 = arith.constant 0 : i32
      %dma_wait3A_113 = arith.constant 0 : i32
      %dma_wait3A_114 = tpu.memref_slice %arg2[%dma_wait3A_112, %dma_wait3A_113] : memref<10000x128xf32, #tpu.memory_space<hbm>> -> memref<10000x128xf32, #tpu.memory_space<hbm>>
      tpu.wait_indirect_dma semaphore(%arg13 : memref<!tpu.dma_semaphore, #tpu.memory_space<semaphore_mem>>) src(%dma_wait3A_114 : memref<10000x128xf32, #tpu.memory_space<hbm>>) dst(%arg10 : memref<125x128xf32, #tpu.memory_space<vmem>>)
      %add3A_115 = arith.constant 1 : i32
      %add3A_116 = arith.addi %mul3A_92, %add3A_115 : i32
      "tpu.region"() ({
        %run_scoped3A_125 = tpu.sem_alloc : memref<!tpu.dma_semaphore, #tpu.memory_space<semaphore_mem>>
        %dma_start3A_126 = arith.constant 0 : i32
        %dma_start3A_127 = tpu.memref_slice %arg8[%add3A_116, %dma_start3A_126] : memref<40x125xi32, #tpu.memory_space<vmem>> -> memref<1x125xi32, #tpu.memory_space<vmem>>
        %dma_start3A_128 = tpu.memref_squeeze %dma_start3A_127 : memref<1x125xi32, #tpu.memory_space<vmem>> -> memref<125xi32, #tpu.memory_space<vmem>>
        %dma_start3A_129 = arith.constant 0 : i32
        %dma_start3A_130 = arith.constant 0 : i32
        %dma_start3A_131 = tpu.memref_slice %arg11[%dma_start3A_129, %dma_start3A_130] : memref<10000x128xf32, #tpu.memory_space<vmem_shared>> -> memref<10000x128xf32, #tpu.memory_space<vmem_shared>>
        tpu.enqueue_indirect_dma source(%arg10 : memref<125x128xf32, #tpu.memory_space<vmem>>) target(%dma_start3A_131 : memref<10000x128xf32, #tpu.memory_space<vmem_shared>>) offsets(%dma_start3A_128 : memref<125xi32, #tpu.memory_space<vmem>>) semaphore(%run_scoped3A_125 : memref<!tpu.dma_semaphore, #tpu.memory_space<semaphore_mem>>) {add = true}
        %dma_wait3A_132 = arith.constant 0 : i32
        %dma_wait3A_133 = tpu.memref_slice %arg8[%add3A_116, %dma_wait3A_132] : memref<40x125xi32, #tpu.memory_space<vmem>> -> memref<1x125xi32, #tpu.memory_space<vmem>>
        %dma_wait3A_134 = tpu.memref_squeeze %dma_wait3A_133 : memref<1x125xi32, #tpu.memory_space<vmem>> -> memref<125xi32, #tpu.memory_space<vmem>>
        %dma_wait3A_135 = arith.constant 0 : i32
        %dma_wait3A_136 = arith.constant 0 : i32
        %dma_wait3A_137 = tpu.memref_slice %arg11[%dma_wait3A_135, %dma_wait3A_136] : memref<10000x128xf32, #tpu.memory_space<vmem_shared>> -> memref<10000x128xf32, #tpu.memory_space<vmem_shared>>
        tpu.wait_indirect_dma semaphore(%run_scoped3A_125 : memref<!tpu.dma_semaphore, #tpu.memory_space<semaphore_mem>>) src(%arg10 : memref<125x128xf32, #tpu.memory_space<vmem>>) dst(%dma_wait3A_137 : memref<10000x128xf32, #tpu.memory_space<vmem_shared>>)
        tpu.yield
      }) : () -> ()
      %add3A_117 = arith.constant 3 : i32
      %add3A_118 = arith.addi %mul3A_92, %add3A_117 : i32
      %dma_start3A_119 = arith.constant 0 : i32
      %dma_start3A_120 = tpu.memref_slice %arg7[%add3A_118, %dma_start3A_119] : memref<40x125xi32, #tpu.memory_space<vmem>> -> memref<1x125xi32, #tpu.memory_space<vmem>>
      %dma_start3A_121 = tpu.memref_squeeze %dma_start3A_120 : memref<1x125xi32, #tpu.memory_space<vmem>> -> memref<125xi32, #tpu.memory_space<vmem>>
      %dma_start3A_122 = arith.constant 0 : i32
      %dma_start3A_123 = arith.constant 0 : i32
      %dma_start3A_124 = tpu.memref_slice %arg2[%dma_start3A_122, %dma_start3A_123] : memref<10000x128xf32, #tpu.memory_space<hbm>> -> memref<10000x128xf32, #tpu.memory_space<hbm>>
      tpu.enqueue_indirect_dma source(%dma_start3A_124 : memref<10000x128xf32, #tpu.memory_space<hbm>>) target(%arg10 : memref<125x128xf32, #tpu.memory_space<vmem>>) offsets(%dma_start3A_121 : memref<125xi32, #tpu.memory_space<vmem>>) semaphore(%arg13 : memref<!tpu.dma_semaphore, #tpu.memory_space<semaphore_mem>>)
    }
    %scan3A_26 = arith.constant 19 : i32
    %dma_wait3A = arith.constant 0 : i32
    %dma_wait3A_27 = arith.constant 0 : i32
    %dma_wait3A_28 = tpu.memref_slice %arg7[%dma_wait3A, %dma_wait3A_27] : memref<40x125xi32, #tpu.memory_space<vmem>> -> memref<1x125xi32, #tpu.memory_space<vmem>>
    %dma_wait3A_29 = tpu.memref_squeeze %dma_wait3A_28 : memref<1x125xi32, #tpu.memory_space<vmem>> -> memref<125xi32, #tpu.memory_space<vmem>>
    %dma_wait3A_30 = arith.constant 0 : i32
    %dma_wait3A_31 = arith.constant 0 : i32
    %dma_wait3A_32 = tpu.memref_slice %arg2[%dma_wait3A_30, %dma_wait3A_31] : memref<10000x128xf32, #tpu.memory_space<hbm>> -> memref<10000x128xf32, #tpu.memory_space<hbm>>
    tpu.wait_indirect_dma semaphore(%arg12 : memref<!tpu.dma_semaphore, #tpu.memory_space<semaphore_mem>>) src(%dma_wait3A_32 : memref<10000x128xf32, #tpu.memory_space<hbm>>) dst(%arg9 : memref<125x128xf32, #tpu.memory_space<vmem>>)
    %run_scoped3A_33 = arith.constant 38 : i32
    "tpu.region"() ({
      %run_scoped3A_90 = tpu.sem_alloc : memref<!tpu.dma_semaphore, #tpu.memory_space<semaphore_mem>>
      %dma_start3A_91 = arith.constant 0 : i32
      %dma_start3A_92 = tpu.memref_slice %arg8[%run_scoped3A_33, %dma_start3A_91] : memref<40x125xi32, #tpu.memory_space<vmem>> -> memref<1x125xi32, #tpu.memory_space<vmem>>
      %dma_start3A_93 = tpu.memref_squeeze %dma_start3A_92 : memref<1x125xi32, #tpu.memory_space<vmem>> -> memref<125xi32, #tpu.memory_space<vmem>>
      %dma_start3A_94 = arith.constant 0 : i32
      %dma_start3A_95 = arith.constant 0 : i32
      %dma_start3A_96 = tpu.memref_slice %arg11[%dma_start3A_94, %dma_start3A_95] : memref<10000x128xf32, #tpu.memory_space<vmem_shared>> -> memref<10000x128xf32, #tpu.memory_space<vmem_shared>>
      tpu.enqueue_indirect_dma source(%arg9 : memref<125x128xf32, #tpu.memory_space<vmem>>) target(%dma_start3A_96 : memref<10000x128xf32, #tpu.memory_space<vmem_shared>>) offsets(%dma_start3A_93 : memref<125xi32, #tpu.memory_space<vmem>>) semaphore(%run_scoped3A_90 : memref<!tpu.dma_semaphore, #tpu.memory_space<semaphore_mem>>) {add = true}
      %dma_wait3A_97 = arith.constant 0 : i32
      %dma_wait3A_98 = tpu.memref_slice %arg8[%run_scoped3A_33, %dma_wait3A_97] : memref<40x125xi32, #tpu.memory_space<vmem>> -> memref<1x125xi32, #tpu.memory_space<vmem>>
      %dma_wait3A_99 = tpu.memref_squeeze %dma_wait3A_98 : memref<1x125xi32, #tpu.memory_space<vmem>> -> memref<125xi32, #tpu.memory_space<vmem>>
      %dma_wait3A_100 = arith.constant 0 : i32
      %dma_wait3A_101 = arith.constant 0 : i32
      %dma_wait3A_102 = tpu.memref_slice %arg11[%dma_wait3A_100, %dma_wait3A_101] : memref<10000x128xf32, #tpu.memory_space<vmem_shared>> -> memref<10000x128xf32, #tpu.memory_space<vmem_shared>>
      tpu.wait_indirect_dma semaphore(%run_scoped3A_90 : memref<!tpu.dma_semaphore, #tpu.memory_space<semaphore_mem>>) src(%arg9 : memref<125x128xf32, #tpu.memory_space<vmem>>) dst(%dma_wait3A_102 : memref<10000x128xf32, #tpu.memory_space<vmem_shared>>)
      tpu.yield
    }) : () -> ()
    %dma_wait3A_34 = arith.constant 0 : i32
    %dma_wait3A_35 = arith.constant 0 : i32
    %dma_wait3A_36 = tpu.memref_slice %arg7[%dma_wait3A_34, %dma_wait3A_35] : memref<40x125xi32, #tpu.memory_space<vmem>> -> memref<1x125xi32, #tpu.memory_space<vmem>>
    %dma_wait3A_37 = tpu.memref_squeeze %dma_wait3A_36 : memref<1x125xi32, #tpu.memory_space<vmem>> -> memref<125xi32, #tpu.memory_space<vmem>>
    %dma_wait3A_38 = arith.constant 0 : i32
    %dma_wait3A_39 = arith.constant 0 : i32
    %dma_wait3A_40 = tpu.memref_slice %arg2[%dma_wait3A_38, %dma_wait3A_39] : memref<10000x128xf32, #tpu.memory_space<hbm>> -> memref<10000x128xf32, #tpu.memory_space<hbm>>
    tpu.wait_indirect_dma semaphore(%arg13 : memref<!tpu.dma_semaphore, #tpu.memory_space<semaphore_mem>>) src(%dma_wait3A_40 : memref<10000x128xf32, #tpu.memory_space<hbm>>) dst(%arg10 : memref<125x128xf32, #tpu.memory_space<vmem>>)
    %run_scoped3A_41 = arith.constant 39 : i32
    "tpu.region"() ({
      %run_scoped3A_90 = tpu.sem_alloc : memref<!tpu.dma_semaphore, #tpu.memory_space<semaphore_mem>>
      %dma_start3A_91 = arith.constant 0 : i32
      %dma_start3A_92 = tpu.memref_slice %arg8[%run_scoped3A_41, %dma_start3A_91] : memref<40x125xi32, #tpu.memory_space<vmem>> -> memref<1x125xi32, #tpu.memory_space<vmem>>
      %dma_start3A_93 = tpu.memref_squeeze %dma_start3A_92 : memref<1x125xi32, #tpu.memory_space<vmem>> -> memref<125xi32, #tpu.memory_space<vmem>>
      %dma_start3A_94 = arith.constant 0 : i32
      %dma_start3A_95 = arith.constant 0 : i32
      %dma_start3A_96 = tpu.memref_slice %arg11[%dma_start3A_94, %dma_start3A_95] : memref<10000x128xf32, #tpu.memory_space<vmem_shared>> -> memref<10000x128xf32, #tpu.memory_space<vmem_shared>>
      tpu.enqueue_indirect_dma source(%arg10 : memref<125x128xf32, #tpu.memory_space<vmem>>) target(%dma_start3A_96 : memref<10000x128xf32, #tpu.memory_space<vmem_shared>>) offsets(%dma_start3A_93 : memref<125xi32, #tpu.memory_space<vmem>>) semaphore(%run_scoped3A_90 : memref<!tpu.dma_semaphore, #tpu.memory_space<semaphore_mem>>) {add = true}
      %dma_wait3A_97 = arith.constant 0 : i32
      %dma_wait3A_98 = tpu.memref_slice %arg8[%run_scoped3A_41, %dma_wait3A_97] : memref<40x125xi32, #tpu.memory_space<vmem>> -> memref<1x125xi32, #tpu.memory_space<vmem>>
      %dma_wait3A_99 = tpu.memref_squeeze %dma_wait3A_98 : memref<1x125xi32, #tpu.memory_space<vmem>> -> memref<125xi32, #tpu.memory_space<vmem>>
      %dma_wait3A_100 = arith.constant 0 : i32
      %dma_wait3A_101 = arith.constant 0 : i32
      %dma_wait3A_102 = tpu.memref_slice %arg11[%dma_wait3A_100, %dma_wait3A_101] : memref<10000x128xf32, #tpu.memory_space<vmem_shared>> -> memref<10000x128xf32, #tpu.memory_space<vmem_shared>>
      tpu.wait_indirect_dma semaphore(%run_scoped3A_90 : memref<!tpu.dma_semaphore, #tpu.memory_space<semaphore_mem>>) src(%arg10 : memref<125x128xf32, #tpu.memory_space<vmem>>) dst(%dma_wait3A_102 : memref<10000x128xf32, #tpu.memory_space<vmem_shared>>)
      tpu.yield
    }) : () -> ()
    %run_scoped3A_42 = arith.constant 1 : i32
    "tpu.region"() ({
      %run_scoped3A_90 = tpu.sem_alloc : memref<!tpu.dma_semaphore, #tpu.memory_space<semaphore_mem>>
      %dma_start3A_91 = arith.constant 0 : i32
      %dma_start3A_92 = arith.constant 0 : i32
      %dma_start3A_93 = arith.constant 0 : i32
      %dma_start3A_94 = tpu.memref_slice %arg4[%add3A, %dma_start3A_91, %dma_start3A_92, %dma_start3A_93] : memref<32x2x40x125xi32, #tpu.memory_space<hbm>> -> memref<1x2x40x125xi32, #tpu.memory_space<hbm>>
      %dma_start3A_95 = tpu.memref_squeeze %dma_start3A_94 : memref<1x2x40x125xi32, #tpu.memory_space<hbm>> -> memref<2x40x125xi32, #tpu.memory_space<hbm>>
      %dma_start3A_96 = arith.constant 0 : i32
      %dma_start3A_97 = arith.constant 0 : i32
      %dma_start3A_98 = tpu.memref_slice %dma_start3A_95[%run_scoped3A_42, %dma_start3A_96, %dma_start3A_97] : memref<2x40x125xi32, #tpu.memory_space<hbm>> -> memref<1x40x125xi32, #tpu.memory_space<hbm>>
      %dma_start3A_99 = tpu.memref_squeeze %dma_start3A_98 : memref<1x40x125xi32, #tpu.memory_space<hbm>> -> memref<40x125xi32, #tpu.memory_space<hbm>>
      %dma_start3A_100 = arith.constant 0 : i32
      %dma_start3A_101 = arith.constant 0 : i32
      %dma_start3A_102 = arith.constant 0 : i32
      %dma_start3A_103 = tpu.memref_slice %arg4[%add3A, %dma_start3A_100, %dma_start3A_101, %dma_start3A_102] : memref<32x2x40x125xi32, #tpu.memory_space<hbm>> -> memref<1x2x40x125xi32, #tpu.memory_space<hbm>>
      %dma_start3A_104 = tpu.memref_squeeze %dma_start3A_103 : memref<1x2x40x125xi32, #tpu.memory_space<hbm>> -> memref<2x40x125xi32, #tpu.memory_space<hbm>>
      %dma_start3A_105 = arith.constant 0 : i32
      %dma_start3A_106 = arith.constant 0 : i32
      %dma_start3A_107 = tpu.memref_slice %dma_start3A_104[%run_scoped3A_42, %dma_start3A_105, %dma_start3A_106] : memref<2x40x125xi32, #tpu.memory_space<hbm>> -> memref<1x40x125xi32, #tpu.memory_space<hbm>>
      %dma_start3A_108 = tpu.memref_squeeze %dma_start3A_107 : memref<1x40x125xi32, #tpu.memory_space<hbm>> -> memref<40x125xi32, #tpu.memory_space<hbm>>
      tpu.enqueue_dma source(%dma_start3A_108 : memref<40x125xi32, #tpu.memory_space<hbm>>) target(%arg7 : memref<40x125xi32, #tpu.memory_space<vmem>>) target_semaphore(%run_scoped3A_90 : memref<!tpu.dma_semaphore, #tpu.memory_space<semaphore_mem>>)
      %dma_wait3A_109 = arith.constant 0 : i32
      %dma_wait3A_110 = arith.constant 0 : i32
      %dma_wait3A_111 = arith.constant 0 : i32
      %dma_wait3A_112 = tpu.memref_slice %arg4[%add3A, %dma_wait3A_109, %dma_wait3A_110, %dma_wait3A_111] : memref<32x2x40x125xi32, #tpu.memory_space<hbm>> -> memref<1x2x40x125xi32, #tpu.memory_space<hbm>>
      %dma_wait3A_113 = tpu.memref_squeeze %dma_wait3A_112 : memref<1x2x40x125xi32, #tpu.memory_space<hbm>> -> memref<2x40x125xi32, #tpu.memory_space<hbm>>
      %dma_wait3A_114 = arith.constant 0 : i32
      %dma_wait3A_115 = arith.constant 0 : i32
      %dma_wait3A_116 = tpu.memref_slice %dma_wait3A_113[%run_scoped3A_42, %dma_wait3A_114, %dma_wait3A_115] : memref<2x40x125xi32, #tpu.memory_space<hbm>> -> memref<1x40x125xi32, #tpu.memory_space<hbm>>
      %dma_wait3A_117 = tpu.memref_squeeze %dma_wait3A_116 : memref<1x40x125xi32, #tpu.memory_space<hbm>> -> memref<40x125xi32, #tpu.memory_space<hbm>>
      %dma_wait3A_118 = arith.constant 0 : i32
      %dma_wait3A_119 = arith.constant 0 : i32
      %dma_wait3A_120 = arith.constant 0 : i32
      %dma_wait3A_121 = tpu.memref_slice %arg4[%add3A, %dma_wait3A_118, %dma_wait3A_119, %dma_wait3A_120] : memref<32x2x40x125xi32, #tpu.memory_space<hbm>> -> memref<1x2x40x125xi32, #tpu.memory_space<hbm>>
      %dma_wait3A_122 = tpu.memref_squeeze %dma_wait3A_121 : memref<1x2x40x125xi32, #tpu.memory_space<hbm>> -> memref<2x40x125xi32, #tpu.memory_space<hbm>>
      %dma_wait3A_123 = arith.constant 0 : i32
      %dma_wait3A_124 = arith.constant 0 : i32
      %dma_wait3A_125 = tpu.memref_slice %dma_wait3A_122[%run_scoped3A_42, %dma_wait3A_123, %dma_wait3A_124] : memref<2x40x125xi32, #tpu.memory_space<hbm>> -> memref<1x40x125xi32, #tpu.memory_space<hbm>>
      %dma_wait3A_126 = tpu.memref_squeeze %dma_wait3A_125 : memref<1x40x125xi32, #tpu.memory_space<hbm>> -> memref<40x125xi32, #tpu.memory_space<hbm>>
      tpu.wait_dma2 semaphore(%run_scoped3A_90 : memref<!tpu.dma_semaphore, #tpu.memory_space<semaphore_mem>>) src(%dma_wait3A_126 : memref<40x125xi32, #tpu.memory_space<hbm>>) dst(%arg7 : memref<40x125xi32, #tpu.memory_space<vmem>>)
      tpu.yield
    }) : () -> ()
    %run_scoped3A_43 = arith.constant 1 : i32
    "tpu.region"() ({
      %run_scoped3A_90 = tpu.sem_alloc : memref<!tpu.dma_semaphore, #tpu.memory_space<semaphore_mem>>
      %dma_start3A_91 = arith.constant 0 : i32
      %dma_start3A_92 = arith.constant 0 : i32
      %dma_start3A_93 = arith.constant 0 : i32
      %dma_start3A_94 = tpu.memref_slice %arg5[%add3A, %dma_start3A_91, %dma_start3A_92, %dma_start3A_93] : memref<32x2x40x125xi32, #tpu.memory_space<hbm>> -> memref<1x2x40x125xi32, #tpu.memory_space<hbm>>
      %dma_start3A_95 = tpu.memref_squeeze %dma_start3A_94 : memref<1x2x40x125xi32, #tpu.memory_space<hbm>> -> memref<2x40x125xi32, #tpu.memory_space<hbm>>
      %dma_start3A_96 = arith.constant 0 : i32
      %dma_start3A_97 = arith.constant 0 : i32
      %dma_start3A_98 = tpu.memref_slice %dma_start3A_95[%run_scoped3A_43, %dma_start3A_96, %dma_start3A_97] : memref<2x40x125xi32, #tpu.memory_space<hbm>> -> memref<1x40x125xi32, #tpu.memory_space<hbm>>
      %dma_start3A_99 = tpu.memref_squeeze %dma_start3A_98 : memref<1x40x125xi32, #tpu.memory_space<hbm>> -> memref<40x125xi32, #tpu.memory_space<hbm>>
      %dma_start3A_100 = arith.constant 0 : i32
      %dma_start3A_101 = arith.constant 0 : i32
      %dma_start3A_102 = arith.constant 0 : i32
      %dma_start3A_103 = tpu.memref_slice %arg5[%add3A, %dma_start3A_100, %dma_start3A_101, %dma_start3A_102] : memref<32x2x40x125xi32, #tpu.memory_space<hbm>> -> memref<1x2x40x125xi32, #tpu.memory_space<hbm>>
      %dma_start3A_104 = tpu.memref_squeeze %dma_start3A_103 : memref<1x2x40x125xi32, #tpu.memory_space<hbm>> -> memref<2x40x125xi32, #tpu.memory_space<hbm>>
      %dma_start3A_105 = arith.constant 0 : i32
      %dma_start3A_106 = arith.constant 0 : i32
      %dma_start3A_107 = tpu.memref_slice %dma_start3A_104[%run_scoped3A_43, %dma_start3A_105, %dma_start3A_106] : memref<2x40x125xi32, #tpu.memory_space<hbm>> -> memref<1x40x125xi32, #tpu.memory_space<hbm>>
      %dma_start3A_108 = tpu.memref_squeeze %dma_start3A_107 : memref<1x40x125xi32, #tpu.memory_space<hbm>> -> memref<40x125xi32, #tpu.memory_space<hbm>>
      tpu.enqueue_dma source(%dma_start3A_108 : memref<40x125xi32, #tpu.memory_space<hbm>>) target(%arg8 : memref<40x125xi32, #tpu.memory_space<vmem>>) target_semaphore(%run_scoped3A_90 : memref<!tpu.dma_semaphore, #tpu.memory_space<semaphore_mem>>)
      %dma_wait3A_109 = arith.constant 0 : i32
      %dma_wait3A_110 = arith.constant 0 : i32
      %dma_wait3A_111 = arith.constant 0 : i32
      %dma_wait3A_112 = tpu.memref_slice %arg5[%add3A, %dma_wait3A_109, %dma_wait3A_110, %dma_wait3A_111] : memref<32x2x40x125xi32, #tpu.memory_space<hbm>> -> memref<1x2x40x125xi32, #tpu.memory_space<hbm>>
      %dma_wait3A_113 = tpu.memref_squeeze %dma_wait3A_112 : memref<1x2x40x125xi32, #tpu.memory_space<hbm>> -> memref<2x40x125xi32, #tpu.memory_space<hbm>>
      %dma_wait3A_114 = arith.constant 0 : i32
      %dma_wait3A_115 = arith.constant 0 : i32
      %dma_wait3A_116 = tpu.memref_slice %dma_wait3A_113[%run_scoped3A_43, %dma_wait3A_114, %dma_wait3A_115] : memref<2x40x125xi32, #tpu.memory_space<hbm>> -> memref<1x40x125xi32, #tpu.memory_space<hbm>>
      %dma_wait3A_117 = tpu.memref_squeeze %dma_wait3A_116 : memref<1x40x125xi32, #tpu.memory_space<hbm>> -> memref<40x125xi32, #tpu.memory_space<hbm>>
      %dma_wait3A_118 = arith.constant 0 : i32
      %dma_wait3A_119 = arith.constant 0 : i32
      %dma_wait3A_120 = arith.constant 0 : i32
      %dma_wait3A_121 = tpu.memref_slice %arg5[%add3A, %dma_wait3A_118, %dma_wait3A_119, %dma_wait3A_120] : memref<32x2x40x125xi32, #tpu.memory_space<hbm>> -> memref<1x2x40x125xi32, #tpu.memory_space<hbm>>
      %dma_wait3A_122 = tpu.memref_squeeze %dma_wait3A_121 : memref<1x2x40x125xi32, #tpu.memory_space<hbm>> -> memref<2x40x125xi32, #tpu.memory_space<hbm>>
      %dma_wait3A_123 = arith.constant 0 : i32
      %dma_wait3A_124 = arith.constant 0 : i32
      %dma_wait3A_125 = tpu.memref_slice %dma_wait3A_122[%run_scoped3A_43, %dma_wait3A_123, %dma_wait3A_124] : memref<2x40x125xi32, #tpu.memory_space<hbm>> -> memref<1x40x125xi32, #tpu.memory_space<hbm>>
      %dma_wait3A_126 = tpu.memref_squeeze %dma_wait3A_125 : memref<1x40x125xi32, #tpu.memory_space<hbm>> -> memref<40x125xi32, #tpu.memory_space<hbm>>
      tpu.wait_dma2 semaphore(%run_scoped3A_90 : memref<!tpu.dma_semaphore, #tpu.memory_space<semaphore_mem>>) src(%dma_wait3A_126 : memref<40x125xi32, #tpu.memory_space<hbm>>) dst(%arg8 : memref<40x125xi32, #tpu.memory_space<vmem>>)
      tpu.yield
    }) : () -> ()
    %dma_start3A_44 = arith.constant 0 : i32
    %dma_start3A_45 = arith.constant 0 : i32
    %dma_start3A_46 = tpu.memref_slice %arg7[%dma_start3A_44, %dma_start3A_45] : memref<40x125xi32, #tpu.memory_space<vmem>> -> memref<1x125xi32, #tpu.memory_space<vmem>>
    %dma_start3A_47 = tpu.memref_squeeze %dma_start3A_46 : memref<1x125xi32, #tpu.memory_space<vmem>> -> memref<125xi32, #tpu.memory_space<vmem>>
    %dma_start3A_48 = arith.constant 0 : i32
    %dma_start3A_49 = arith.constant 0 : i32
    %dma_start3A_50 = tpu.memref_slice %arg2[%dma_start3A_48, %dma_start3A_49] : memref<10000x128xf32, #tpu.memory_space<hbm>> -> memref<10000x128xf32, #tpu.memory_space<hbm>>
    tpu.enqueue_indirect_dma source(%dma_start3A_50 : memref<10000x128xf32, #tpu.memory_space<hbm>>) target(%arg9 : memref<125x128xf32, #tpu.memory_space<vmem>>) offsets(%dma_start3A_47 : memref<125xi32, #tpu.memory_space<vmem>>) semaphore(%arg12 : memref<!tpu.dma_semaphore, #tpu.memory_space<semaphore_mem>>)
    %dma_start3A_51 = arith.constant 1 : i32
    %dma_start3A_52 = arith.constant 0 : i32
    %dma_start3A_53 = tpu.memref_slice %arg7[%dma_start3A_51, %dma_start3A_52] : memref<40x125xi32, #tpu.memory_space<vmem>> -> memref<1x125xi32, #tpu.memory_space<vmem>>
    %dma_start3A_54 = tpu.memref_squeeze %dma_start3A_53 : memref<1x125xi32, #tpu.memory_space<vmem>> -> memref<125xi32, #tpu.memory_space<vmem>>
    %dma_start3A_55 = arith.constant 0 : i32
    %dma_start3A_56 = arith.constant 0 : i32
    %dma_start3A_57 = tpu.memref_slice %arg2[%dma_start3A_55, %dma_start3A_56] : memref<10000x128xf32, #tpu.memory_space<hbm>> -> memref<10000x128xf32, #tpu.memory_space<hbm>>
    tpu.enqueue_indirect_dma source(%dma_start3A_57 : memref<10000x128xf32, #tpu.memory_space<hbm>>) target(%arg10 : memref<125x128xf32, #tpu.memory_space<vmem>>) offsets(%dma_start3A_54 : memref<125xi32, #tpu.memory_space<vmem>>) semaphore(%arg13 : memref<!tpu.dma_semaphore, #tpu.memory_space<semaphore_mem>>)
    %scan3A_58 = arith.constant 0 : i32
    %scan3A_59 = arith.constant 0 : i32
    %scan3A_60 = arith.constant 19 : i32
    %scan3A_61 = arith.addi %scan3A_59, %scan3A_60 : i32
    %scan3A_62 = arith.constant 1 : i32
    scf.for %scan3A_90 = %scan3A_59 to %scan3A_61 step %scan3A_62  : i32 {
      %mul3A_91 = arith.constant 2 : i32
      %mul3A_92 = arith.muli %mul3A_91, %scan3A_90 : i32
      %dma_wait3A_93 = arith.constant 0 : i32
      %dma_wait3A_94 = arith.constant 0 : i32
      %dma_wait3A_95 = tpu.memref_slice %arg7[%dma_wait3A_93, %dma_wait3A_94] : memref<40x125xi32, #tpu.memory_space<vmem>> -> memref<1x125xi32, #tpu.memory_space<vmem>>
      %dma_wait3A_96 = tpu.memref_squeeze %dma_wait3A_95 : memref<1x125xi32, #tpu.memory_space<vmem>> -> memref<125xi32, #tpu.memory_space<vmem>>
      %dma_wait3A_97 = arith.constant 0 : i32
      %dma_wait3A_98 = arith.constant 0 : i32
      %dma_wait3A_99 = tpu.memref_slice %arg2[%dma_wait3A_97, %dma_wait3A_98] : memref<10000x128xf32, #tpu.memory_space<hbm>> -> memref<10000x128xf32, #tpu.memory_space<hbm>>
      tpu.wait_indirect_dma semaphore(%arg12 : memref<!tpu.dma_semaphore, #tpu.memory_space<semaphore_mem>>) src(%dma_wait3A_99 : memref<10000x128xf32, #tpu.memory_space<hbm>>) dst(%arg9 : memref<125x128xf32, #tpu.memory_space<vmem>>)
      "tpu.region"() ({
        %run_scoped3A_125 = tpu.sem_alloc : memref<!tpu.dma_semaphore, #tpu.memory_space<semaphore_mem>>
        %dma_start3A_126 = arith.constant 0 : i32
        %dma_start3A_127 = tpu.memref_slice %arg8[%mul3A_92, %dma_start3A_126] : memref<40x125xi32, #tpu.memory_space<vmem>> -> memref<1x125xi32, #tpu.memory_space<vmem>>
        %dma_start3A_128 = tpu.memref_squeeze %dma_start3A_127 : memref<1x125xi32, #tpu.memory_space<vmem>> -> memref<125xi32, #tpu.memory_space<vmem>>
        %dma_start3A_129 = arith.constant 0 : i32
        %dma_start3A_130 = arith.constant 0 : i32
        %dma_start3A_131 = tpu.memref_slice %arg11[%dma_start3A_129, %dma_start3A_130] : memref<10000x128xf32, #tpu.memory_space<vmem_shared>> -> memref<10000x128xf32, #tpu.memory_space<vmem_shared>>
        tpu.enqueue_indirect_dma source(%arg9 : memref<125x128xf32, #tpu.memory_space<vmem>>) target(%dma_start3A_131 : memref<10000x128xf32, #tpu.memory_space<vmem_shared>>) offsets(%dma_start3A_128 : memref<125xi32, #tpu.memory_space<vmem>>) semaphore(%run_scoped3A_125 : memref<!tpu.dma_semaphore, #tpu.memory_space<semaphore_mem>>) {add = true}
        %dma_wait3A_132 = arith.constant 0 : i32
        %dma_wait3A_133 = tpu.memref_slice %arg8[%mul3A_92, %dma_wait3A_132] : memref<40x125xi32, #tpu.memory_space<vmem>> -> memref<1x125xi32, #tpu.memory_space<vmem>>
        %dma_wait3A_134 = tpu.memref_squeeze %dma_wait3A_133 : memref<1x125xi32, #tpu.memory_space<vmem>> -> memref<125xi32, #tpu.memory_space<vmem>>
        %dma_wait3A_135 = arith.constant 0 : i32
        %dma_wait3A_136 = arith.constant 0 : i32
        %dma_wait3A_137 = tpu.memref_slice %arg11[%dma_wait3A_135, %dma_wait3A_136] : memref<10000x128xf32, #tpu.memory_space<vmem_shared>> -> memref<10000x128xf32, #tpu.memory_space<vmem_shared>>
        tpu.wait_indirect_dma semaphore(%run_scoped3A_125 : memref<!tpu.dma_semaphore, #tpu.memory_space<semaphore_mem>>) src(%arg9 : memref<125x128xf32, #tpu.memory_space<vmem>>) dst(%dma_wait3A_137 : memref<10000x128xf32, #tpu.memory_space<vmem_shared>>)
        tpu.yield
      }) : () -> ()
      %add3A_100 = arith.constant 2 : i32
      %add3A_101 = arith.addi %mul3A_92, %add3A_100 : i32
      %dma_start3A_102 = arith.constant 0 : i32
      %dma_start3A_103 = tpu.memref_slice %arg7[%add3A_101, %dma_start3A_102] : memref<40x125xi32, #tpu.memory_space<vmem>> -> memref<1x125xi32, #tpu.memory_space<vmem>>
      %dma_start3A_104 = tpu.memref_squeeze %dma_start3A_103 : memref<1x125xi32, #tpu.memory_space<vmem>> -> memref<125xi32, #tpu.memory_space<vmem>>
      %dma_start3A_105 = arith.constant 0 : i32
      %dma_start3A_106 = arith.constant 0 : i32
      %dma_start3A_107 = tpu.memref_slice %arg2[%dma_start3A_105, %dma_start3A_106] : memref<10000x128xf32, #tpu.memory_space<hbm>> -> memref<10000x128xf32, #tpu.memory_space<hbm>>
      tpu.enqueue_indirect_dma source(%dma_start3A_107 : memref<10000x128xf32, #tpu.memory_space<hbm>>) target(%arg9 : memref<125x128xf32, #tpu.memory_space<vmem>>) offsets(%dma_start3A_104 : memref<125xi32, #tpu.memory_space<vmem>>) semaphore(%arg12 : memref<!tpu.dma_semaphore, #tpu.memory_space<semaphore_mem>>)
      %dma_wait3A_108 = arith.constant 0 : i32
      %dma_wait3A_109 = arith.constant 0 : i32
      %dma_wait3A_110 = tpu.memref_slice %arg7[%dma_wait3A_108, %dma_wait3A_109] : memref<40x125xi32, #tpu.memory_space<vmem>> -> memref<1x125xi32, #tpu.memory_space<vmem>>
      %dma_wait3A_111 = tpu.memref_squeeze %dma_wait3A_110 : memref<1x125xi32, #tpu.memory_space<vmem>> -> memref<125xi32, #tpu.memory_space<vmem>>
      %dma_wait3A_112 = arith.constant 0 : i32
      %dma_wait3A_113 = arith.constant 0 : i32
      %dma_wait3A_114 = tpu.memref_slice %arg2[%dma_wait3A_112, %dma_wait3A_113] : memref<10000x128xf32, #tpu.memory_space<hbm>> -> memref<10000x128xf32, #tpu.memory_space<hbm>>
      tpu.wait_indirect_dma semaphore(%arg13 : memref<!tpu.dma_semaphore, #tpu.memory_space<semaphore_mem>>) src(%dma_wait3A_114 : memref<10000x128xf32, #tpu.memory_space<hbm>>) dst(%arg10 : memref<125x128xf32, #tpu.memory_space<vmem>>)
      %add3A_115 = arith.constant 1 : i32
      %add3A_116 = arith.addi %mul3A_92, %add3A_115 : i32
      "tpu.region"() ({
        %run_scoped3A_125 = tpu.sem_alloc : memref<!tpu.dma_semaphore, #tpu.memory_space<semaphore_mem>>
        %dma_start3A_126 = arith.constant 0 : i32
        %dma_start3A_127 = tpu.memref_slice %arg8[%add3A_116, %dma_start3A_126] : memref<40x125xi32, #tpu.memory_space<vmem>> -> memref<1x125xi32, #tpu.memory_space<vmem>>
        %dma_start3A_128 = tpu.memref_squeeze %dma_start3A_127 : memref<1x125xi32, #tpu.memory_space<vmem>> -> memref<125xi32, #tpu.memory_space<vmem>>
        %dma_start3A_129 = arith.constant 0 : i32
        %dma_start3A_130 = arith.constant 0 : i32
        %dma_start3A_131 = tpu.memref_slice %arg11[%dma_start3A_129, %dma_start3A_130] : memref<10000x128xf32, #tpu.memory_space<vmem_shared>> -> memref<10000x128xf32, #tpu.memory_space<vmem_shared>>
        tpu.enqueue_indirect_dma source(%arg10 : memref<125x128xf32, #tpu.memory_space<vmem>>) target(%dma_start3A_131 : memref<10000x128xf32, #tpu.memory_space<vmem_shared>>) offsets(%dma_start3A_128 : memref<125xi32, #tpu.memory_space<vmem>>) semaphore(%run_scoped3A_125 : memref<!tpu.dma_semaphore, #tpu.memory_space<semaphore_mem>>) {add = true}
        %dma_wait3A_132 = arith.constant 0 : i32
        %dma_wait3A_133 = tpu.memref_slice %arg8[%add3A_116, %dma_wait3A_132] : memref<40x125xi32, #tpu.memory_space<vmem>> -> memref<1x125xi32, #tpu.memory_space<vmem>>
        %dma_wait3A_134 = tpu.memref_squeeze %dma_wait3A_133 : memref<1x125xi32, #tpu.memory_space<vmem>> -> memref<125xi32, #tpu.memory_space<vmem>>
        %dma_wait3A_135 = arith.constant 0 : i32
        %dma_wait3A_136 = arith.constant 0 : i32
        %dma_wait3A_137 = tpu.memref_slice %arg11[%dma_wait3A_135, %dma_wait3A_136] : memref<10000x128xf32, #tpu.memory_space<vmem_shared>> -> memref<10000x128xf32, #tpu.memory_space<vmem_shared>>
        tpu.wait_indirect_dma semaphore(%run_scoped3A_125 : memref<!tpu.dma_semaphore, #tpu.memory_space<semaphore_mem>>) src(%arg10 : memref<125x128xf32, #tpu.memory_space<vmem>>) dst(%dma_wait3A_137 : memref<10000x128xf32, #tpu.memory_space<vmem_shared>>)
        tpu.yield
      }) : () -> ()
      %add3A_117 = arith.constant 3 : i32
      %add3A_118 = arith.addi %mul3A_92, %add3A_117 : i32
      %dma_start3A_119 = arith.constant 0 : i32
      %dma_start3A_120 = tpu.memref_slice %arg7[%add3A_118, %dma_start3A_119] : memref<40x125xi32, #tpu.memory_space<vmem>> -> memref<1x125xi32, #tpu.memory_space<vmem>>
      %dma_start3A_121 = tpu.memref_squeeze %dma_start3A_120 : memref<1x125xi32, #tpu.memory_space<vmem>> -> memref<125xi32, #tpu.memory_space<vmem>>
      %dma_start3A_122 = arith.constant 0 : i32
      %dma_start3A_123 = arith.constant 0 : i32
      %dma_start3A_124 = tpu.memref_slice %arg2[%dma_start3A_122, %dma_start3A_123] : memref<10000x128xf32, #tpu.memory_space<hbm>> -> memref<10000x128xf32, #tpu.memory_space<hbm>>
      tpu.enqueue_indirect_dma source(%dma_start3A_124 : memref<10000x128xf32, #tpu.memory_space<hbm>>) target(%arg10 : memref<125x128xf32, #tpu.memory_space<vmem>>) offsets(%dma_start3A_121 : memref<125xi32, #tpu.memory_space<vmem>>) semaphore(%arg13 : memref<!tpu.dma_semaphore, #tpu.memory_space<semaphore_mem>>)
    }
    %scan3A_63 = arith.constant 19 : i32
    %dma_wait3A_64 = arith.constant 0 : i32
    %dma_wait3A_65 = arith.constant 0 : i32
    %dma_wait3A_66 = tpu.memref_slice %arg7[%dma_wait3A_64, %dma_wait3A_65] : memref<40x125xi32, #tpu.memory_space<vmem>> -> memref<1x125xi32, #tpu.memory_space<vmem>>
    %dma_wait3A_67 = tpu.memref_squeeze %dma_wait3A_66 : memref<1x125xi32, #tpu.memory_space<vmem>> -> memref<125xi32, #tpu.memory_space<vmem>>
    %dma_wait3A_68 = arith.constant 0 : i32
    %dma_wait3A_69 = arith.constant 0 : i32
    %dma_wait3A_70 = tpu.memref_slice %arg2[%dma_wait3A_68, %dma_wait3A_69] : memref<10000x128xf32, #tpu.memory_space<hbm>> -> memref<10000x128xf32, #tpu.memory_space<hbm>>
    tpu.wait_indirect_dma semaphore(%arg12 : memref<!tpu.dma_semaphore, #tpu.memory_space<semaphore_mem>>) src(%dma_wait3A_70 : memref<10000x128xf32, #tpu.memory_space<hbm>>) dst(%arg9 : memref<125x128xf32, #tpu.memory_space<vmem>>)
    %run_scoped3A_71 = arith.constant 38 : i32
    "tpu.region"() ({
      %run_scoped3A_90 = tpu.sem_alloc : memref<!tpu.dma_semaphore, #tpu.memory_space<semaphore_mem>>
      %dma_start3A_91 = arith.constant 0 : i32
      %dma_start3A_92 = tpu.memref_slice %arg8[%run_scoped3A_71, %dma_start3A_91] : memref<40x125xi32, #tpu.memory_space<vmem>> -> memref<1x125xi32, #tpu.memory_space<vmem>>
      %dma_start3A_93 = tpu.memref_squeeze %dma_start3A_92 : memref<1x125xi32, #tpu.memory_space<vmem>> -> memref<125xi32, #tpu.memory_space<vmem>>
      %dma_start3A_94 = arith.constant 0 : i32
      %dma_start3A_95 = arith.constant 0 : i32
      %dma_start3A_96 = tpu.memref_slice %arg11[%dma_start3A_94, %dma_start3A_95] : memref<10000x128xf32, #tpu.memory_space<vmem_shared>> -> memref<10000x128xf32, #tpu.memory_space<vmem_shared>>
      tpu.enqueue_indirect_dma source(%arg9 : memref<125x128xf32, #tpu.memory_space<vmem>>) target(%dma_start3A_96 : memref<10000x128xf32, #tpu.memory_space<vmem_shared>>) offsets(%dma_start3A_93 : memref<125xi32, #tpu.memory_space<vmem>>) semaphore(%run_scoped3A_90 : memref<!tpu.dma_semaphore, #tpu.memory_space<semaphore_mem>>) {add = true}
      %dma_wait3A_97 = arith.constant 0 : i32
      %dma_wait3A_98 = tpu.memref_slice %arg8[%run_scoped3A_71, %dma_wait3A_97] : memref<40x125xi32, #tpu.memory_space<vmem>> -> memref<1x125xi32, #tpu.memory_space<vmem>>
      %dma_wait3A_99 = tpu.memref_squeeze %dma_wait3A_98 : memref<1x125xi32, #tpu.memory_space<vmem>> -> memref<125xi32, #tpu.memory_space<vmem>>
      %dma_wait3A_100 = arith.constant 0 : i32
      %dma_wait3A_101 = arith.constant 0 : i32
      %dma_wait3A_102 = tpu.memref_slice %arg11[%dma_wait3A_100, %dma_wait3A_101] : memref<10000x128xf32, #tpu.memory_space<vmem_shared>> -> memref<10000x128xf32, #tpu.memory_space<vmem_shared>>
      tpu.wait_indirect_dma semaphore(%run_scoped3A_90 : memref<!tpu.dma_semaphore, #tpu.memory_space<semaphore_mem>>) src(%arg9 : memref<125x128xf32, #tpu.memory_space<vmem>>) dst(%dma_wait3A_102 : memref<10000x128xf32, #tpu.memory_space<vmem_shared>>)
      tpu.yield
    }) : () -> ()
    %dma_wait3A_72 = arith.constant 0 : i32
    %dma_wait3A_73 = arith.constant 0 : i32
    %dma_wait3A_74 = tpu.memref_slice %arg7[%dma_wait3A_72, %dma_wait3A_73] : memref<40x125xi32, #tpu.memory_space<vmem>> -> memref<1x125xi32, #tpu.memory_space<vmem>>
    %dma_wait3A_75 = tpu.memref_squeeze %dma_wait3A_74 : memref<1x125xi32, #tpu.memory_space<vmem>> -> memref<125xi32, #tpu.memory_space<vmem>>
    %dma_wait3A_76 = arith.constant 0 : i32
    %dma_wait3A_77 = arith.constant 0 : i32
    %dma_wait3A_78 = tpu.memref_slice %arg2[%dma_wait3A_76, %dma_wait3A_77] : memref<10000x128xf32, #tpu.memory_space<hbm>> -> memref<10000x128xf32, #tpu.memory_space<hbm>>
    tpu.wait_indirect_dma semaphore(%arg13 : memref<!tpu.dma_semaphore, #tpu.memory_space<semaphore_mem>>) src(%dma_wait3A_78 : memref<10000x128xf32, #tpu.memory_space<hbm>>) dst(%arg10 : memref<125x128xf32, #tpu.memory_space<vmem>>)
    %run_scoped3A_79 = arith.constant 39 : i32
    "tpu.region"() ({
      %run_scoped3A_90 = tpu.sem_alloc : memref<!tpu.dma_semaphore, #tpu.memory_space<semaphore_mem>>
      %dma_start3A_91 = arith.constant 0 : i32
      %dma_start3A_92 = tpu.memref_slice %arg8[%run_scoped3A_79, %dma_start3A_91] : memref<40x125xi32, #tpu.memory_space<vmem>> -> memref<1x125xi32, #tpu.memory_space<vmem>>
      %dma_start3A_93 = tpu.memref_squeeze %dma_start3A_92 : memref<1x125xi32, #tpu.memory_space<vmem>> -> memref<125xi32, #tpu.memory_space<vmem>>
      %dma_start3A_94 = arith.constant 0 : i32
      %dma_start3A_95 = arith.constant 0 : i32
      %dma_start3A_96 = tpu.memref_slice %arg11[%dma_start3A_94, %dma_start3A_95] : memref<10000x128xf32, #tpu.memory_space<vmem_shared>> -> memref<10000x128xf32, #tpu.memory_space<vmem_shared>>
      tpu.enqueue_indirect_dma source(%arg10 : memref<125x128xf32, #tpu.memory_space<vmem>>) target(%dma_start3A_96 : memref<10000x128xf32, #tpu.memory_space<vmem_shared>>) offsets(%dma_start3A_93 : memref<125xi32, #tpu.memory_space<vmem>>) semaphore(%run_scoped3A_90 : memref<!tpu.dma_semaphore, #tpu.memory_space<semaphore_mem>>) {add = true}
      %dma_wait3A_97 = arith.constant 0 : i32
      %dma_wait3A_98 = tpu.memref_slice %arg8[%run_scoped3A_79, %dma_wait3A_97] : memref<40x125xi32, #tpu.memory_space<vmem>> -> memref<1x125xi32, #tpu.memory_space<vmem>>
      %dma_wait3A_99 = tpu.memref_squeeze %dma_wait3A_98 : memref<1x125xi32, #tpu.memory_space<vmem>> -> memref<125xi32, #tpu.memory_space<vmem>>
      %dma_wait3A_100 = arith.constant 0 : i32
      %dma_wait3A_101 = arith.constant 0 : i32
      %dma_wait3A_102 = tpu.memref_slice %arg11[%dma_wait3A_100, %dma_wait3A_101] : memref<10000x128xf32, #tpu.memory_space<vmem_shared>> -> memref<10000x128xf32, #tpu.memory_space<vmem_shared>>
      tpu.wait_indirect_dma semaphore(%run_scoped3A_90 : memref<!tpu.dma_semaphore, #tpu.memory_space<semaphore_mem>>) src(%arg10 : memref<125x128xf32, #tpu.memory_space<vmem>>) dst(%dma_wait3A_102 : memref<10000x128xf32, #tpu.memory_space<vmem_shared>>)
      tpu.yield
    }) : () -> ()
    %barrier3A_80 = arith.constant 0 : index
    tpu.barrier barrier_id(%barrier3A_80)
    %lt3A = arith.constant 15 : i32
    %lt3A_81 = arith.cmpi slt, %arg1, %lt3A : i32
    %convert_element_type3A_82 = arith.extui %lt3A_81 : i1 to i32
    %cond3A_83 = arith.constant 0 : i32
    %cond3A_84 = arith.cmpi ne, %convert_element_type3A_82, %cond3A_83 : i32
    scf.if %cond3A_84 {
      %mul3A_90 = arith.constant 632 : i32
      %mul3A_91 = arith.muli %arg1, %mul3A_90 : i32
      %multiple_of3A = tpu.assume_multiple %mul3A_91, 8 : i32
      "tpu.region"() ({
        %run_scoped3A_92 = tpu.sem_alloc : memref<!tpu.dma_semaphore, #tpu.memory_space<semaphore_mem>>
        %dma_start3A_93 = arith.constant 0 : i32
        %dma_start3A_94 = arith.constant 0 : i32
        %dma_start3A_95 = tpu.memref_slice %arg6[%arg0, %dma_start3A_93, %dma_start3A_94] : memref<2x10000x128xf32, #tpu.memory_space<hbm>> -> memref<1x10000x128xf32, #tpu.memory_space<hbm>>
        %dma_start3A_96 = tpu.memref_squeeze %dma_start3A_95 : memref<1x10000x128xf32, #tpu.memory_space<hbm>> -> memref<10000x128xf32, #tpu.memory_space<hbm>>
        %dma_start3A_97 = arith.constant 0 : i32
        %dma_start3A_98 = tpu.memref_slice %dma_start3A_96[%multiple_of3A, %dma_start3A_97] : memref<10000x128xf32, #tpu.memory_space<hbm>> -> memref<632x128xf32, #tpu.memory_space<hbm>>
        %dma_start3A_99 = arith.constant 0 : i32
        %dma_start3A_100 = tpu.memref_slice %arg11[%multiple_of3A, %dma_start3A_99] : memref<10000x128xf32, #tpu.memory_space<vmem_shared>> -> memref<632x128xf32, #tpu.memory_space<vmem_shared>>
        tpu.enqueue_dma source(%dma_start3A_100 : memref<632x128xf32, #tpu.memory_space<vmem_shared>>) target(%dma_start3A_98 : memref<632x128xf32, #tpu.memory_space<hbm>>) target_semaphore(%run_scoped3A_92 : memref<!tpu.dma_semaphore, #tpu.memory_space<semaphore_mem>>)
        %dma_wait3A_101 = arith.constant 0 : i32
        %dma_wait3A_102 = arith.constant 0 : i32
        %dma_wait3A_103 = tpu.memref_slice %arg6[%arg0, %dma_wait3A_101, %dma_wait3A_102] : memref<2x10000x128xf32, #tpu.memory_space<hbm>> -> memref<1x10000x128xf32, #tpu.memory_space<hbm>>
        %dma_wait3A_104 = tpu.memref_squeeze %dma_wait3A_103 : memref<1x10000x128xf32, #tpu.memory_space<hbm>> -> memref<10000x128xf32, #tpu.memory_space<hbm>>
        %dma_wait3A_105 = arith.constant 0 : i32
        %dma_wait3A_106 = tpu.memref_slice %dma_wait3A_104[%multiple_of3A, %dma_wait3A_105] : memref<10000x128xf32, #tpu.memory_space<hbm>> -> memref<632x128xf32, #tpu.memory_space<hbm>>
        %dma_wait3A_107 = arith.constant 0 : i32
        %dma_wait3A_108 = tpu.memref_slice %arg11[%multiple_of3A, %dma_wait3A_107] : memref<10000x128xf32, #tpu.memory_space<vmem_shared>> -> memref<632x128xf32, #tpu.memory_space<vmem_shared>>
        tpu.wait_dma2 semaphore(%run_scoped3A_92 : memref<!tpu.dma_semaphore, #tpu.memory_space<semaphore_mem>>) src(%dma_wait3A_108 : memref<632x128xf32, #tpu.memory_space<vmem_shared>>) dst(%dma_wait3A_106 : memref<632x128xf32, #tpu.memory_space<hbm>>)
        tpu.yield
      }) : () -> ()
    } else {
    }
    %eq3A_85 = arith.constant 15 : i32
    %eq3A_86 = arith.cmpi eq, %arg1, %eq3A_85 : i32
    %convert_element_type3A_87 = arith.extui %eq3A_86 : i1 to i32
    %cond3A_88 = arith.constant 0 : i32
    %cond3A_89 = arith.cmpi ne, %convert_element_type3A_87, %cond3A_88 : i32
    scf.if %cond3A_89 {
      "tpu.region"() ({
        %run_scoped3A_90 = tpu.sem_alloc : memref<!tpu.dma_semaphore, #tpu.memory_space<semaphore_mem>>
        %dma_start3A_91 = arith.constant 0 : i32
        %dma_start3A_92 = arith.constant 0 : i32
        %dma_start3A_93 = tpu.memref_slice %arg6[%arg0, %dma_start3A_91, %dma_start3A_92] : memref<2x10000x128xf32, #tpu.memory_space<hbm>> -> memref<1x10000x128xf32, #tpu.memory_space<hbm>>
        %dma_start3A_94 = tpu.memref_squeeze %dma_start3A_93 : memref<1x10000x128xf32, #tpu.memory_space<hbm>> -> memref<10000x128xf32, #tpu.memory_space<hbm>>
        %dma_start3A_95 = arith.constant 9480 : i32
        %dma_start3A_96 = arith.constant 0 : i32
        %dma_start3A_97 = tpu.memref_slice %dma_start3A_94[%dma_start3A_95, %dma_start3A_96] : memref<10000x128xf32, #tpu.memory_space<hbm>> -> memref<520x128xf32, #tpu.memory_space<hbm>>
        %dma_start3A_98 = arith.constant 9480 : i32
        %dma_start3A_99 = arith.constant 0 : i32
        %dma_start3A_100 = tpu.memref_slice %arg11[%dma_start3A_98, %dma_start3A_99] : memref<10000x128xf32, #tpu.memory_space<vmem_shared>> -> memref<520x128xf32, #tpu.memory_space<vmem_shared>>
        tpu.enqueue_dma source(%dma_start3A_100 : memref<520x128xf32, #tpu.memory_space<vmem_shared>>) target(%dma_start3A_97 : memref<520x128xf32, #tpu.memory_space<hbm>>) target_semaphore(%run_scoped3A_90 : memref<!tpu.dma_semaphore, #tpu.memory_space<semaphore_mem>>)
        %dma_wait3A_101 = arith.constant 0 : i32
        %dma_wait3A_102 = arith.constant 0 : i32
        %dma_wait3A_103 = tpu.memref_slice %arg6[%arg0, %dma_wait3A_101, %dma_wait3A_102] : memref<2x10000x128xf32, #tpu.memory_space<hbm>> -> memref<1x10000x128xf32, #tpu.memory_space<hbm>>
        %dma_wait3A_104 = tpu.memref_squeeze %dma_wait3A_103 : memref<1x10000x128xf32, #tpu.memory_space<hbm>> -> memref<10000x128xf32, #tpu.memory_space<hbm>>
        %dma_wait3A_105 = arith.constant 9480 : i32
        %dma_wait3A_106 = arith.constant 0 : i32
        %dma_wait3A_107 = tpu.memref_slice %dma_wait3A_104[%dma_wait3A_105, %dma_wait3A_106] : memref<10000x128xf32, #tpu.memory_space<hbm>> -> memref<520x128xf32, #tpu.memory_space<hbm>>
        %dma_wait3A_108 = arith.constant 9480 : i32
        %dma_wait3A_109 = arith.constant 0 : i32
        %dma_wait3A_110 = tpu.memref_slice %arg11[%dma_wait3A_108, %dma_wait3A_109] : memref<10000x128xf32, #tpu.memory_space<vmem_shared>> -> memref<520x128xf32, #tpu.memory_space<vmem_shared>>
        tpu.wait_dma2 semaphore(%run_scoped3A_90 : memref<!tpu.dma_semaphore, #tpu.memory_space<semaphore_mem>>) src(%dma_wait3A_110 : memref<520x128xf32, #tpu.memory_space<vmem_shared>>) dst(%dma_wait3A_107 : memref<520x128xf32, #tpu.memory_space<hbm>>)
        tpu.yield
      }) : () -> ()
    } else {
    }
    return
  }
}

module attributes {stable_mosaic.version = 14 : i64} {
  func.func @_mlpbn_body(%arg0: i32, %arg1: i32, %arg2: memref<2x2048x128xf32, #tpu.memory_space<vmem>>, %arg3: memref<128x128xf32, #tpu.memory_space<vmem>>, %arg4: memref<1x128xf32, #tpu.memory_space<vmem>>, %arg5: memref<128x128xf32, #tpu.memory_space<vmem>>, %arg6: memref<1x128xf32, #tpu.memory_space<vmem>>, %arg7: memref<1x128xf32, #tpu.memory_space<vmem>>, %arg8: memref<1x128xf32, #tpu.memory_space<vmem>>, %arg9: memref<2048x128xf32, #tpu.memory_space<vmem>>, %arg10: memref<10240x128xf32, #tpu.memory_space<vmem>>, %arg11: memref<2x128xf32, #tpu.memory_space<vmem>>) attributes {dimension_semantics = [#tpu.dimension_semantics<arbitrary>, #tpu.dimension_semantics<arbitrary>], iteration_bounds = array<i64: 2, 5>, scalar_prefetch = 0 : i64, scratch_operands = 2 : i64, tpu.core_type = #tpu.core_type<tc>, window_params = [{transform_indices = @transform_0, window_bounds = array<i64: 2, 2048, 128>}, {pipeline_mode = #tpu.pipeline_mode<synchronous>, transform_indices = @transform_1, window_bounds = array<i64: 128, 128>}, {pipeline_mode = #tpu.pipeline_mode<synchronous>, transform_indices = @transform_2, window_bounds = array<i64: 1, 128>}, {pipeline_mode = #tpu.pipeline_mode<synchronous>, transform_indices = @transform_3, window_bounds = array<i64: 128, 128>}, {pipeline_mode = #tpu.pipeline_mode<synchronous>, transform_indices = @transform_4, window_bounds = array<i64: 1, 128>}, {pipeline_mode = #tpu.pipeline_mode<synchronous>, transform_indices = @transform_5, window_bounds = array<i64: 1, 128>}, {pipeline_mode = #tpu.pipeline_mode<synchronous>, transform_indices = @transform_6, window_bounds = array<i64: 1, 128>}, {transform_indices = @transform_7, window_bounds = array<i64: 2048, 128>}]} {
    %eq3A = arith.constant 0 : i32
    %eq3A_0 = arith.cmpi eq, %arg0, %eq3A : i32
    %convert_element_type3A = arith.extui %eq3A_0 : i1 to i32
    %cond3A = arith.constant 0 : i32
    %cond3A_1 = arith.cmpi ne, %convert_element_type3A, %cond3A : i32
    scf.if %cond3A_1 {
      %iota3A = tpu.iota {dimensions = array<i32: 0>} : vector<2048x1xi32>
      %mul3A = arith.constant 2048 : i32
      %mul3A_7 = arith.muli %arg1, %mul3A : i32
      %add3A = vector.broadcast %mul3A_7 : i32 to vector<2048x1xi32>
      %add3A_8 = arith.addi %iota3A, %add3A : vector<2048x1xi32>
      %lt3A = arith.constant 10000 : i32
      %lt3A_9 = vector.broadcast %lt3A : i32 to vector<2048x1xi32>
      %lt3A_10 = arith.cmpi slt, %add3A_8, %lt3A_9 : vector<2048x1xi32>
      %get3A = arith.constant 0 : index
      %get3A_11 = arith.constant 0 : index
      %get3A_12 = arith.constant 0 : index
      %get3A_13 = vector.load %arg2[%get3A, %get3A_11, %get3A_12] : memref<2x2048x128xf32, #tpu.memory_space<vmem>>, vector<1x2048x128xf32>
      %get3A_14 = vector.shape_cast %get3A_13 : vector<1x2048x128xf32> to vector<2048x128xf32>
      %get3A_15 = arith.constant 1 : index
      %get3A_16 = arith.constant 0 : index
      %get3A_17 = arith.constant 0 : index
      %get3A_18 = vector.load %arg2[%get3A_15, %get3A_16, %get3A_17] : memref<2x2048x128xf32, #tpu.memory_space<vmem>>, vector<1x2048x128xf32>
      %get3A_19 = vector.shape_cast %get3A_18 : vector<1x2048x128xf32> to vector<2048x128xf32>
      %add3A_20 = arith.addf %get3A_14, %get3A_19 : vector<2048x128xf32>
      %jit3A = arith.constant 0.000000e+00 : f32
      %broadcast_in_dim3A = vector.shape_cast %lt3A_10 : vector<2048x1xi1> to vector<2048x1xi1>
      %broadcast_in_dim3A_21 = vector.broadcast %broadcast_in_dim3A : vector<2048x1xi1> to vector<2048x128xi1>
      %broadcast_in_dim3A_22 = vector.broadcast %jit3A : f32 to vector<2048x128xf32>
      %select_n3A = arith.select %broadcast_in_dim3A_21, %add3A_20, %broadcast_in_dim3A_22 : vector<2048x128xi1>, vector<2048x128xf32>
      %get3A_23 = arith.constant 0 : index
      %get3A_24 = arith.constant 0 : index
      %get3A_25 = vector.load %arg3[%get3A_23, %get3A_24] : memref<128x128xf32, #tpu.memory_space<vmem>>, vector<128x128xf32>
      %dot_general3A = arith.constant dense<0.000000e+00> : vector<2048x128xf32>
      %dot_general3A_26 = tpu.matmul %select_n3A, %get3A_25, %dot_general3A {dimension_numbers = #tpu.dot_dimension_numbers<[1], [0], [0], [1], [0, 0, 1, 1], [], []>, transpose_lhs_hint = false} : vector<2048x128xf32>, vector<128x128xf32>, vector<2048x128xf32> -> vector<2048x128xf32>
      %get3A_27 = arith.constant 0 : index
      %get3A_28 = arith.constant 0 : index
      %get3A_29 = vector.load %arg4[%get3A_27, %get3A_28] : memref<1x128xf32, #tpu.memory_space<vmem>>, vector<1x128xf32>
      %add3A_30 = vector.broadcast %get3A_29 : vector<1x128xf32> to vector<2048x128xf32>
      %add3A_31 = arith.addf %dot_general3A_26, %add3A_30 : vector<2048x128xf32>
      %max3A = arith.constant 0.000000e+00 : f32
      %max3A_32 = vector.broadcast %max3A : f32 to vector<2048x128xf32>
      %max3A_33 = arith.maximumf %add3A_31, %max3A_32 : vector<2048x128xf32>
      %get3A_34 = arith.constant 0 : index
      %get3A_35 = arith.constant 0 : index
      %get3A_36 = vector.load %arg5[%get3A_34, %get3A_35] : memref<128x128xf32, #tpu.memory_space<vmem>>, vector<128x128xf32>
      %dot_general3A_37 = arith.constant dense<0.000000e+00> : vector<2048x128xf32>
      %dot_general3A_38 = tpu.matmul %max3A_33, %get3A_36, %dot_general3A_37 {dimension_numbers = #tpu.dot_dimension_numbers<[1], [0], [0], [1], [0, 0, 1, 1], [], []>, transpose_lhs_hint = false} : vector<2048x128xf32>, vector<128x128xf32>, vector<2048x128xf32> -> vector<2048x128xf32>
      %get3A_39 = arith.constant 0 : index
      %get3A_40 = arith.constant 0 : index
      %get3A_41 = vector.load %arg6[%get3A_39, %get3A_40] : memref<1x128xf32, #tpu.memory_space<vmem>>, vector<1x128xf32>
      %add3A_42 = vector.broadcast %get3A_41 : vector<1x128xf32> to vector<2048x128xf32>
      %add3A_43 = arith.addf %dot_general3A_38, %add3A_42 : vector<2048x128xf32>
      %max3A_44 = arith.constant 0.000000e+00 : f32
      %max3A_45 = vector.broadcast %max3A_44 : f32 to vector<2048x128xf32>
      %max3A_46 = arith.maximumf %add3A_43, %max3A_45 : vector<2048x128xf32>
      %mul3A_47 = arith.constant 2048 : i32
      %mul3A_48 = arith.muli %arg1, %mul3A_47 : i32
      %swap3A = arith.index_cast %mul3A_48 : i32 to index
      %swap3A_49 = arith.constant 0 : index
      %swap3A_50 = vector.load %arg10[%swap3A, %swap3A_49] : memref<10240x128xf32, #tpu.memory_space<vmem>>, vector<2048x128xf32>
      tpu.vector_store %arg10[%swap3A, %swap3A_49], %max3A_46 {strides = array<i32>} : memref<10240x128xf32, #tpu.memory_space<vmem>>, vector<2048x128xf32>,
      %jit3A_51 = arith.constant 0.000000e+00 : f32
      %broadcast_in_dim3A_52 = vector.shape_cast %lt3A_10 : vector<2048x1xi1> to vector<2048x1xi1>
      %broadcast_in_dim3A_53 = vector.broadcast %broadcast_in_dim3A_52 : vector<2048x1xi1> to vector<2048x128xi1>
      %broadcast_in_dim3A_54 = vector.broadcast %jit3A_51 : f32 to vector<2048x128xf32>
      %select_n3A_55 = arith.select %broadcast_in_dim3A_53, %max3A_46, %broadcast_in_dim3A_54 : vector<2048x128xi1>, vector<2048x128xf32>
      %reduce_sum3A = arith.constant dense<0.000000e+00> : vector<128xf32>
      %reduce_sum3A_56 = vector.multi_reduction <add>, %select_n3A_55, %reduce_sum3A [0] : vector<2048x128xf32> to vector<128xf32>
      %broadcast_in_dim3A_57 = vector.shape_cast %reduce_sum3A_56 : vector<128xf32> to vector<1x128xf32>
      %mul3A_58 = arith.mulf %select_n3A_55, %select_n3A_55 : vector<2048x128xf32>
      %reduce_sum3A_59 = arith.constant dense<0.000000e+00> : vector<128xf32>
      %reduce_sum3A_60 = vector.multi_reduction <add>, %mul3A_58, %reduce_sum3A_59 [0] : vector<2048x128xf32> to vector<128xf32>
      %broadcast_in_dim3A_61 = vector.shape_cast %reduce_sum3A_60 : vector<128xf32> to vector<1x128xf32>
      %concatenate3A = tpu.concatenate %broadcast_in_dim3A_57, %broadcast_in_dim3A_61 in 0 : vector<1x128xf32>, vector<1x128xf32> -> vector<2x128xf32>
      %eq3A_62 = arith.constant 0 : i32
      %eq3A_63 = arith.cmpi eq, %arg1, %eq3A_62 : i32
      %convert_element_type3A_64 = arith.extui %eq3A_63 : i1 to i32
      %cond3A_65 = arith.constant 0 : i32
      %cond3A_66 = arith.cmpi ne, %convert_element_type3A_64, %cond3A_65 : i32
      scf.if %cond3A_66 {
        %swap3A_71 = arith.constant 0 : index
        %swap3A_72 = arith.constant 0 : index
        %swap3A_73 = vector.load %arg11[%swap3A_71, %swap3A_72] : memref<2x128xf32, #tpu.memory_space<vmem>>, vector<2x128xf32>
        tpu.vector_store %arg11[%swap3A_71, %swap3A_72], %concatenate3A {strides = array<i32>} : memref<2x128xf32, #tpu.memory_space<vmem>>, vector<2x128xf32>,
      } else {
      }
      %gt3A = arith.constant 0 : i32
      %gt3A_67 = arith.cmpi sgt, %arg1, %gt3A : i32
      %convert_element_type3A_68 = arith.extui %gt3A_67 : i1 to i32
      %cond3A_69 = arith.constant 0 : i32
      %cond3A_70 = arith.cmpi ne, %convert_element_type3A_68, %cond3A_69 : i32
      scf.if %cond3A_70 {
        %get3A_71 = arith.constant 0 : index
        %get3A_72 = arith.constant 0 : index
        %get3A_73 = vector.load %arg11[%get3A_71, %get3A_72] : memref<2x128xf32, #tpu.memory_space<vmem>>, vector<2x128xf32>
        %add3A_74 = arith.addf %get3A_73, %concatenate3A : vector<2x128xf32>
        %swap3A_75 = arith.constant 0 : index
        %swap3A_76 = arith.constant 0 : index
        %swap3A_77 = vector.load %arg11[%swap3A_75, %swap3A_76] : memref<2x128xf32, #tpu.memory_space<vmem>>, vector<2x128xf32>
        tpu.vector_store %arg11[%swap3A_75, %swap3A_76], %add3A_74 {strides = array<i32>} : memref<2x128xf32, #tpu.memory_space<vmem>>, vector<2x128xf32>,
      } else {
      }
    } else {
    }
    %eq3A_2 = arith.constant 1 : i32
    %eq3A_3 = arith.cmpi eq, %arg0, %eq3A_2 : i32
    %convert_element_type3A_4 = arith.extui %eq3A_3 : i1 to i32
    %cond3A_5 = arith.constant 0 : i32
    %cond3A_6 = arith.cmpi ne, %convert_element_type3A_4, %cond3A_5 : i32
    scf.if %cond3A_6 {
      %mul3A = arith.constant 2048 : i32
      %mul3A_7 = arith.muli %arg1, %mul3A : i32
      %get3A = arith.index_cast %mul3A_7 : i32 to index
      %get3A_8 = arith.constant 0 : index
      %get3A_9 = vector.load %arg10[%get3A, %get3A_8] : memref<10240x128xf32, #tpu.memory_space<vmem>>, vector<2048x128xf32>
      %get3A_10 = arith.constant 0 : index
      %get3A_11 = arith.constant 0 : index
      %get3A_12 = vector.load %arg11[%get3A_10, %get3A_11] : memref<2x128xf32, #tpu.memory_space<vmem>>, vector<1x128xf32>
      %mul3A_13 = arith.constant 9.99999974E-5 : f32
      %mul3A_14 = vector.broadcast %mul3A_13 : f32 to vector<1x128xf32>
      %mul3A_15 = arith.mulf %get3A_12, %mul3A_14 : vector<1x128xf32>
      %get3A_16 = arith.constant 1 : index
      %get3A_17 = arith.constant 0 : index
      %get3A_18 = vector.load %arg11[%get3A_16, %get3A_17] : memref<2x128xf32, #tpu.memory_space<vmem>>, vector<1x128xf32>
      %mul3A_19 = arith.constant 9.99999974E-5 : f32
      %mul3A_20 = vector.broadcast %mul3A_19 : f32 to vector<1x128xf32>
      %mul3A_21 = arith.mulf %get3A_18, %mul3A_20 : vector<1x128xf32>
      %mul3A_22 = arith.mulf %mul3A_15, %mul3A_15 : vector<1x128xf32>
      %sub3A = arith.subf %mul3A_21, %mul3A_22 : vector<1x128xf32>
      %add3A = arith.constant 9.99999974E-6 : f32
      %add3A_23 = vector.broadcast %add3A : f32 to vector<1x128xf32>
      %add3A_24 = arith.addf %sub3A, %add3A_23 : vector<1x128xf32>
      %rsqrt3A = math.rsqrt %add3A_24 : vector<1x128xf32>
      %get3A_25 = arith.constant 0 : index
      %get3A_26 = arith.constant 0 : index
      %get3A_27 = vector.load %arg7[%get3A_25, %get3A_26] : memref<1x128xf32, #tpu.memory_space<vmem>>, vector<1x128xf32>
      %sub3A_28 = vector.broadcast %mul3A_15 : vector<1x128xf32> to vector<2048x128xf32>
      %sub3A_29 = arith.subf %get3A_9, %sub3A_28 : vector<2048x128xf32>
      %mul3A_30 = vector.broadcast %get3A_27 : vector<1x128xf32> to vector<2048x128xf32>
      %mul3A_31 = arith.mulf %mul3A_30, %sub3A_29 : vector<2048x128xf32>
      %mul3A_32 = vector.broadcast %rsqrt3A : vector<1x128xf32> to vector<2048x128xf32>
      %mul3A_33 = arith.mulf %mul3A_31, %mul3A_32 : vector<2048x128xf32>
      %get3A_34 = arith.constant 0 : index
      %get3A_35 = arith.constant 0 : index
      %get3A_36 = vector.load %arg8[%get3A_34, %get3A_35] : memref<1x128xf32, #tpu.memory_space<vmem>>, vector<1x128xf32>
      %add3A_37 = vector.broadcast %get3A_36 : vector<1x128xf32> to vector<2048x128xf32>
      %add3A_38 = arith.addf %mul3A_33, %add3A_37 : vector<2048x128xf32>
      %swap3A = arith.constant 0 : index
      %swap3A_39 = arith.constant 0 : index
      %swap3A_40 = vector.load %arg9[%swap3A, %swap3A_39] : memref<2048x128xf32, #tpu.memory_space<vmem>>, vector<2048x128xf32>
      tpu.vector_store %arg9[%swap3A, %swap3A_39], %add3A_38 {strides = array<i32>} : memref<2048x128xf32, #tpu.memory_space<vmem>>, vector<2048x128xf32>,
    } else {
    }
    return
  }
  func.func @transform_0(%arg0: i32, %arg1: i32) -> (i32, i32, i32) {
    %sub3A = arith.constant 1 : i32
    %sub3A_0 = arith.subi %sub3A, %arg0 : i32
    %mul3A = arith.muli %arg1, %sub3A_0 : i32
    %c0_i32 = arith.constant 0 : i32
    %c0_i32_1 = arith.constant 0 : i32
    %c0_i32_2 = arith.constant 0 : i32
    return %c0_i32, %mul3A, %c0_i32_1 : i32, i32, i32
  }
  func.func @transform_1(%arg0: i32, %arg1: i32) -> (i32, i32) {
    %c0_i32 = arith.constant 0 : i32
    %c0_i32_0 = arith.constant 0 : i32
    %c0_i32_1 = arith.constant 0 : i32
    return %c0_i32, %c0_i32_0 : i32, i32
  }
  func.func @transform_2(%arg0: i32, %arg1: i32) -> (i32, i32) {
    %c0_i32 = arith.constant 0 : i32
    %c0_i32_0 = arith.constant 0 : i32
    %c0_i32_1 = arith.constant 0 : i32
    return %c0_i32, %c0_i32_0 : i32, i32
  }
  func.func @transform_3(%arg0: i32, %arg1: i32) -> (i32, i32) {
    %c0_i32 = arith.constant 0 : i32
    %c0_i32_0 = arith.constant 0 : i32
    %c0_i32_1 = arith.constant 0 : i32
    return %c0_i32, %c0_i32_0 : i32, i32
  }
  func.func @transform_4(%arg0: i32, %arg1: i32) -> (i32, i32) {
    %c0_i32 = arith.constant 0 : i32
    %c0_i32_0 = arith.constant 0 : i32
    %c0_i32_1 = arith.constant 0 : i32
    return %c0_i32, %c0_i32_0 : i32, i32
  }
  func.func @transform_5(%arg0: i32, %arg1: i32) -> (i32, i32) {
    %c0_i32 = arith.constant 0 : i32
    %c0_i32_0 = arith.constant 0 : i32
    %c0_i32_1 = arith.constant 0 : i32
    return %c0_i32, %c0_i32_0 : i32, i32
  }
  func.func @transform_6(%arg0: i32, %arg1: i32) -> (i32, i32) {
    %c0_i32 = arith.constant 0 : i32
    %c0_i32_0 = arith.constant 0 : i32
    %c0_i32_1 = arith.constant 0 : i32
    return %c0_i32, %c0_i32_0 : i32, i32
  }
  func.func @transform_7(%arg0: i32, %arg1: i32) -> (i32, i32) {
    %mul3A = arith.muli %arg1, %arg0 : i32
    %c0_i32 = arith.constant 0 : i32
    %c0_i32_0 = arith.constant 0 : i32
    return %mul3A, %c0_i32 : i32, i32
  }
}

module attributes {stable_mosaic.version = 14 : i64} {
  func.func @_mlpbn_head_body(%arg0: i32, %arg1: i32, %arg2: memref<2x2048x128xf32, #tpu.memory_space<vmem>>, %arg3: memref<128x128xf32, #tpu.memory_space<vmem>>, %arg4: memref<1x128xf32, #tpu.memory_space<vmem>>, %arg5: memref<128x128xf32, #tpu.memory_space<vmem>>, %arg6: memref<1x128xf32, #tpu.memory_space<vmem>>, %arg7: memref<1x128xf32, #tpu.memory_space<vmem>>, %arg8: memref<1x128xf32, #tpu.memory_space<vmem>>, %arg9: memref<128x128xf32, #tpu.memory_space<vmem>>, %arg10: memref<1x128xf32, #tpu.memory_space<vmem>>, %arg11: memref<128x128xf32, #tpu.memory_space<vmem>>, %arg12: memref<1x128xf32, #tpu.memory_space<vmem>>, %arg13: memref<2048x128xf32, #tpu.memory_space<vmem>>, %arg14: memref<10240x128xf32, #tpu.memory_space<vmem>>, %arg15: memref<2x128xf32, #tpu.memory_space<vmem>>) attributes {dimension_semantics = [#tpu.dimension_semantics<arbitrary>, #tpu.dimension_semantics<arbitrary>], iteration_bounds = array<i64: 2, 5>, scalar_prefetch = 0 : i64, scratch_operands = 2 : i64, tpu.core_type = #tpu.core_type<tc>, window_params = [{transform_indices = @transform_0, window_bounds = array<i64: 2, 2048, 128>}, {pipeline_mode = #tpu.pipeline_mode<synchronous>, transform_indices = @transform_1, window_bounds = array<i64: 128, 128>}, {pipeline_mode = #tpu.pipeline_mode<synchronous>, transform_indices = @transform_2, window_bounds = array<i64: 1, 128>}, {pipeline_mode = #tpu.pipeline_mode<synchronous>, transform_indices = @transform_3, window_bounds = array<i64: 128, 128>}, {pipeline_mode = #tpu.pipeline_mode<synchronous>, transform_indices = @transform_4, window_bounds = array<i64: 1, 128>}, {pipeline_mode = #tpu.pipeline_mode<synchronous>, transform_indices = @transform_5, window_bounds = array<i64: 1, 128>}, {pipeline_mode = #tpu.pipeline_mode<synchronous>, transform_indices = @transform_6, window_bounds = array<i64: 1, 128>}, {pipeline_mode = #tpu.pipeline_mode<synchronous>, transform_indices = @transform_7, window_bounds = array<i64: 128, 128>}, {pipeline_mode = #tpu.pipeline_mode<synchronous>, transform_indices = @transform_8, window_bounds = array<i64: 1, 128>}, {pipeline_mode = #tpu.pipeline_mode<synchronous>, transform_indices = @transform_9, window_bounds = array<i64: 128, 128>}, {pipeline_mode = #tpu.pipeline_mode<synchronous>, transform_indices = @transform_10, window_bounds = array<i64: 1, 128>}, {transform_indices = @transform_11, window_bounds = array<i64: 2048, 128>}]} {
    %eq3A = arith.constant 0 : i32
    %eq3A_0 = arith.cmpi eq, %arg0, %eq3A : i32
    %convert_element_type3A = arith.extui %eq3A_0 : i1 to i32
    %cond3A = arith.constant 0 : i32
    %cond3A_1 = arith.cmpi ne, %convert_element_type3A, %cond3A : i32
    scf.if %cond3A_1 {
      %iota3A = tpu.iota {dimensions = array<i32: 0>} : vector<2048x1xi32>
      %mul3A = arith.constant 2048 : i32
      %mul3A_7 = arith.muli %arg1, %mul3A : i32
      %add3A = vector.broadcast %mul3A_7 : i32 to vector<2048x1xi32>
      %add3A_8 = arith.addi %iota3A, %add3A : vector<2048x1xi32>
      %lt3A = arith.constant 10000 : i32
      %lt3A_9 = vector.broadcast %lt3A : i32 to vector<2048x1xi32>
      %lt3A_10 = arith.cmpi slt, %add3A_8, %lt3A_9 : vector<2048x1xi32>
      %get3A = arith.constant 0 : index
      %get3A_11 = arith.constant 0 : index
      %get3A_12 = arith.constant 0 : index
      %get3A_13 = vector.load %arg2[%get3A, %get3A_11, %get3A_12] : memref<2x2048x128xf32, #tpu.memory_space<vmem>>, vector<1x2048x128xf32>
      %get3A_14 = vector.shape_cast %get3A_13 : vector<1x2048x128xf32> to vector<2048x128xf32>
      %get3A_15 = arith.constant 1 : index
      %get3A_16 = arith.constant 0 : index
      %get3A_17 = arith.constant 0 : index
      %get3A_18 = vector.load %arg2[%get3A_15, %get3A_16, %get3A_17] : memref<2x2048x128xf32, #tpu.memory_space<vmem>>, vector<1x2048x128xf32>
      %get3A_19 = vector.shape_cast %get3A_18 : vector<1x2048x128xf32> to vector<2048x128xf32>
      %add3A_20 = arith.addf %get3A_14, %get3A_19 : vector<2048x128xf32>
      %jit3A = arith.constant 0.000000e+00 : f32
      %broadcast_in_dim3A = vector.shape_cast %lt3A_10 : vector<2048x1xi1> to vector<2048x1xi1>
      %broadcast_in_dim3A_21 = vector.broadcast %broadcast_in_dim3A : vector<2048x1xi1> to vector<2048x128xi1>
      %broadcast_in_dim3A_22 = vector.broadcast %jit3A : f32 to vector<2048x128xf32>
      %select_n3A = arith.select %broadcast_in_dim3A_21, %add3A_20, %broadcast_in_dim3A_22 : vector<2048x128xi1>, vector<2048x128xf32>
      %get3A_23 = arith.constant 0 : index
      %get3A_24 = arith.constant 0 : index
      %get3A_25 = vector.load %arg3[%get3A_23, %get3A_24] : memref<128x128xf32, #tpu.memory_space<vmem>>, vector<128x128xf32>
      %dot_general3A = arith.constant dense<0.000000e+00> : vector<2048x128xf32>
      %dot_general3A_26 = tpu.matmul %select_n3A, %get3A_25, %dot_general3A {dimension_numbers = #tpu.dot_dimension_numbers<[1], [0], [0], [1], [0, 0, 1, 1], [], []>, transpose_lhs_hint = false} : vector<2048x128xf32>, vector<128x128xf32>, vector<2048x128xf32> -> vector<2048x128xf32>
      %get3A_27 = arith.constant 0 : index
      %get3A_28 = arith.constant 0 : index
      %get3A_29 = vector.load %arg4[%get3A_27, %get3A_28] : memref<1x128xf32, #tpu.memory_space<vmem>>, vector<1x128xf32>
      %add3A_30 = vector.broadcast %get3A_29 : vector<1x128xf32> to vector<2048x128xf32>
      %add3A_31 = arith.addf %dot_general3A_26, %add3A_30 : vector<2048x128xf32>
      %max3A = arith.constant 0.000000e+00 : f32
      %max3A_32 = vector.broadcast %max3A : f32 to vector<2048x128xf32>
      %max3A_33 = arith.maximumf %add3A_31, %max3A_32 : vector<2048x128xf32>
      %get3A_34 = arith.constant 0 : index
      %get3A_35 = arith.constant 0 : index
      %get3A_36 = vector.load %arg5[%get3A_34, %get3A_35] : memref<128x128xf32, #tpu.memory_space<vmem>>, vector<128x128xf32>
      %dot_general3A_37 = arith.constant dense<0.000000e+00> : vector<2048x128xf32>
      %dot_general3A_38 = tpu.matmul %max3A_33, %get3A_36, %dot_general3A_37 {dimension_numbers = #tpu.dot_dimension_numbers<[1], [0], [0], [1], [0, 0, 1, 1], [], []>, transpose_lhs_hint = false} : vector<2048x128xf32>, vector<128x128xf32>, vector<2048x128xf32> -> vector<2048x128xf32>
      %get3A_39 = arith.constant 0 : index
      %get3A_40 = arith.constant 0 : index
      %get3A_41 = vector.load %arg6[%get3A_39, %get3A_40] : memref<1x128xf32, #tpu.memory_space<vmem>>, vector<1x128xf32>
      %add3A_42 = vector.broadcast %get3A_41 : vector<1x128xf32> to vector<2048x128xf32>
      %add3A_43 = arith.addf %dot_general3A_38, %add3A_42 : vector<2048x128xf32>
      %max3A_44 = arith.constant 0.000000e+00 : f32
      %max3A_45 = vector.broadcast %max3A_44 : f32 to vector<2048x128xf32>
      %max3A_46 = arith.maximumf %add3A_43, %max3A_45 : vector<2048x128xf32>
      %mul3A_47 = arith.constant 2048 : i32
      %mul3A_48 = arith.muli %arg1, %mul3A_47 : i32
      %swap3A = arith.index_cast %mul3A_48 : i32 to index
      %swap3A_49 = arith.constant 0 : index
      %swap3A_50 = vector.load %arg14[%swap3A, %swap3A_49] : memref<10240x128xf32, #tpu.memory_space<vmem>>, vector<2048x128xf32>
      tpu.vector_store %arg14[%swap3A, %swap3A_49], %max3A_46 {strides = array<i32>} : memref<10240x128xf32, #tpu.memory_space<vmem>>, vector<2048x128xf32>,
      %jit3A_51 = arith.constant 0.000000e+00 : f32
      %broadcast_in_dim3A_52 = vector.shape_cast %lt3A_10 : vector<2048x1xi1> to vector<2048x1xi1>
      %broadcast_in_dim3A_53 = vector.broadcast %broadcast_in_dim3A_52 : vector<2048x1xi1> to vector<2048x128xi1>
      %broadcast_in_dim3A_54 = vector.broadcast %jit3A_51 : f32 to vector<2048x128xf32>
      %select_n3A_55 = arith.select %broadcast_in_dim3A_53, %max3A_46, %broadcast_in_dim3A_54 : vector<2048x128xi1>, vector<2048x128xf32>
      %reduce_sum3A = arith.constant dense<0.000000e+00> : vector<128xf32>
      %reduce_sum3A_56 = vector.multi_reduction <add>, %select_n3A_55, %reduce_sum3A [0] : vector<2048x128xf32> to vector<128xf32>
      %broadcast_in_dim3A_57 = vector.shape_cast %reduce_sum3A_56 : vector<128xf32> to vector<1x128xf32>
      %mul3A_58 = arith.mulf %select_n3A_55, %select_n3A_55 : vector<2048x128xf32>
      %reduce_sum3A_59 = arith.constant dense<0.000000e+00> : vector<128xf32>
      %reduce_sum3A_60 = vector.multi_reduction <add>, %mul3A_58, %reduce_sum3A_59 [0] : vector<2048x128xf32> to vector<128xf32>
      %broadcast_in_dim3A_61 = vector.shape_cast %reduce_sum3A_60 : vector<128xf32> to vector<1x128xf32>
      %concatenate3A = tpu.concatenate %broadcast_in_dim3A_57, %broadcast_in_dim3A_61 in 0 : vector<1x128xf32>, vector<1x128xf32> -> vector<2x128xf32>
      %eq3A_62 = arith.constant 0 : i32
      %eq3A_63 = arith.cmpi eq, %arg1, %eq3A_62 : i32
      %convert_element_type3A_64 = arith.extui %eq3A_63 : i1 to i32
      %cond3A_65 = arith.constant 0 : i32
      %cond3A_66 = arith.cmpi ne, %convert_element_type3A_64, %cond3A_65 : i32
      scf.if %cond3A_66 {
        %swap3A_71 = arith.constant 0 : index
        %swap3A_72 = arith.constant 0 : index
        %swap3A_73 = vector.load %arg15[%swap3A_71, %swap3A_72] : memref<2x128xf32, #tpu.memory_space<vmem>>, vector<2x128xf32>
        tpu.vector_store %arg15[%swap3A_71, %swap3A_72], %concatenate3A {strides = array<i32>} : memref<2x128xf32, #tpu.memory_space<vmem>>, vector<2x128xf32>,
      } else {
      }
      %gt3A = arith.constant 0 : i32
      %gt3A_67 = arith.cmpi sgt, %arg1, %gt3A : i32
      %convert_element_type3A_68 = arith.extui %gt3A_67 : i1 to i32
      %cond3A_69 = arith.constant 0 : i32
      %cond3A_70 = arith.cmpi ne, %convert_element_type3A_68, %cond3A_69 : i32
      scf.if %cond3A_70 {
        %get3A_71 = arith.constant 0 : index
        %get3A_72 = arith.constant 0 : index
        %get3A_73 = vector.load %arg15[%get3A_71, %get3A_72] : memref<2x128xf32, #tpu.memory_space<vmem>>, vector<2x128xf32>
        %add3A_74 = arith.addf %get3A_73, %concatenate3A : vector<2x128xf32>
        %swap3A_75 = arith.constant 0 : index
        %swap3A_76 = arith.constant 0 : index
        %swap3A_77 = vector.load %arg15[%swap3A_75, %swap3A_76] : memref<2x128xf32, #tpu.memory_space<vmem>>, vector<2x128xf32>
        tpu.vector_store %arg15[%swap3A_75, %swap3A_76], %add3A_74 {strides = array<i32>} : memref<2x128xf32, #tpu.memory_space<vmem>>, vector<2x128xf32>,
      } else {
      }
    } else {
    }
    %eq3A_2 = arith.constant 1 : i32
    %eq3A_3 = arith.cmpi eq, %arg0, %eq3A_2 : i32
    %convert_element_type3A_4 = arith.extui %eq3A_3 : i1 to i32
    %cond3A_5 = arith.constant 0 : i32
    %cond3A_6 = arith.cmpi ne, %convert_element_type3A_4, %cond3A_5 : i32
    scf.if %cond3A_6 {
      %mul3A = arith.constant 2048 : i32
      %mul3A_7 = arith.muli %arg1, %mul3A : i32
      %get3A = arith.index_cast %mul3A_7 : i32 to index
      %get3A_8 = arith.constant 0 : index
      %get3A_9 = vector.load %arg14[%get3A, %get3A_8] : memref<10240x128xf32, #tpu.memory_space<vmem>>, vector<2048x128xf32>
      %get3A_10 = arith.constant 0 : index
      %get3A_11 = arith.constant 0 : index
      %get3A_12 = vector.load %arg15[%get3A_10, %get3A_11] : memref<2x128xf32, #tpu.memory_space<vmem>>, vector<1x128xf32>
      %mul3A_13 = arith.constant 9.99999974E-5 : f32
      %mul3A_14 = vector.broadcast %mul3A_13 : f32 to vector<1x128xf32>
      %mul3A_15 = arith.mulf %get3A_12, %mul3A_14 : vector<1x128xf32>
      %get3A_16 = arith.constant 1 : index
      %get3A_17 = arith.constant 0 : index
      %get3A_18 = vector.load %arg15[%get3A_16, %get3A_17] : memref<2x128xf32, #tpu.memory_space<vmem>>, vector<1x128xf32>
      %mul3A_19 = arith.constant 9.99999974E-5 : f32
      %mul3A_20 = vector.broadcast %mul3A_19 : f32 to vector<1x128xf32>
      %mul3A_21 = arith.mulf %get3A_18, %mul3A_20 : vector<1x128xf32>
      %mul3A_22 = arith.mulf %mul3A_15, %mul3A_15 : vector<1x128xf32>
      %sub3A = arith.subf %mul3A_21, %mul3A_22 : vector<1x128xf32>
      %add3A = arith.constant 9.99999974E-6 : f32
      %add3A_23 = vector.broadcast %add3A : f32 to vector<1x128xf32>
      %add3A_24 = arith.addf %sub3A, %add3A_23 : vector<1x128xf32>
      %rsqrt3A = math.rsqrt %add3A_24 : vector<1x128xf32>
      %get3A_25 = arith.constant 0 : index
      %get3A_26 = arith.constant 0 : index
      %get3A_27 = vector.load %arg7[%get3A_25, %get3A_26] : memref<1x128xf32, #tpu.memory_space<vmem>>, vector<1x128xf32>
      %sub3A_28 = vector.broadcast %mul3A_15 : vector<1x128xf32> to vector<2048x128xf32>
      %sub3A_29 = arith.subf %get3A_9, %sub3A_28 : vector<2048x128xf32>
      %mul3A_30 = vector.broadcast %get3A_27 : vector<1x128xf32> to vector<2048x128xf32>
      %mul3A_31 = arith.mulf %mul3A_30, %sub3A_29 : vector<2048x128xf32>
      %mul3A_32 = vector.broadcast %rsqrt3A : vector<1x128xf32> to vector<2048x128xf32>
      %mul3A_33 = arith.mulf %mul3A_31, %mul3A_32 : vector<2048x128xf32>
      %get3A_34 = arith.constant 0 : index
      %get3A_35 = arith.constant 0 : index
      %get3A_36 = vector.load %arg8[%get3A_34, %get3A_35] : memref<1x128xf32, #tpu.memory_space<vmem>>, vector<1x128xf32>
      %add3A_37 = vector.broadcast %get3A_36 : vector<1x128xf32> to vector<2048x128xf32>
      %add3A_38 = arith.addf %mul3A_33, %add3A_37 : vector<2048x128xf32>
      %get3A_39 = arith.constant 0 : index
      %get3A_40 = arith.constant 0 : index
      %get3A_41 = vector.load %arg9[%get3A_39, %get3A_40] : memref<128x128xf32, #tpu.memory_space<vmem>>, vector<128x128xf32>
      %dot_general3A = arith.constant dense<0.000000e+00> : vector<2048x128xf32>
      %dot_general3A_42 = tpu.matmul %add3A_38, %get3A_41, %dot_general3A {dimension_numbers = #tpu.dot_dimension_numbers<[1], [0], [0], [1], [0, 0, 1, 1], [], []>, transpose_lhs_hint = false} : vector<2048x128xf32>, vector<128x128xf32>, vector<2048x128xf32> -> vector<2048x128xf32>
      %get3A_43 = arith.constant 0 : index
      %get3A_44 = arith.constant 0 : index
      %get3A_45 = vector.load %arg10[%get3A_43, %get3A_44] : memref<1x128xf32, #tpu.memory_space<vmem>>, vector<1x128xf32>
      %add3A_46 = vector.broadcast %get3A_45 : vector<1x128xf32> to vector<2048x128xf32>
      %add3A_47 = arith.addf %dot_general3A_42, %add3A_46 : vector<2048x128xf32>
      %max3A = arith.constant 0.000000e+00 : f32
      %max3A_48 = vector.broadcast %max3A : f32 to vector<2048x128xf32>
      %max3A_49 = arith.maximumf %add3A_47, %max3A_48 : vector<2048x128xf32>
      %get3A_50 = arith.constant 0 : index
      %get3A_51 = arith.constant 0 : index
      %get3A_52 = vector.load %arg11[%get3A_50, %get3A_51] : memref<128x128xf32, #tpu.memory_space<vmem>>, vector<128x128xf32>
      %dot_general3A_53 = arith.constant dense<0.000000e+00> : vector<2048x128xf32>
      %dot_general3A_54 = tpu.matmul %max3A_49, %get3A_52, %dot_general3A_53 {dimension_numbers = #tpu.dot_dimension_numbers<[1], [0], [0], [1], [0, 0, 1, 1], [], []>, transpose_lhs_hint = false} : vector<2048x128xf32>, vector<128x128xf32>, vector<2048x128xf32> -> vector<2048x128xf32>
      %get3A_55 = arith.constant 0 : index
      %get3A_56 = arith.constant 0 : index
      %get3A_57 = vector.load %arg12[%get3A_55, %get3A_56] : memref<1x128xf32, #tpu.memory_space<vmem>>, vector<1x128xf32>
      %add3A_58 = vector.broadcast %get3A_57 : vector<1x128xf32> to vector<2048x128xf32>
      %add3A_59 = arith.addf %dot_general3A_54, %add3A_58 : vector<2048x128xf32>
      %reduce_max3A = arith.constant dense<0xFF800000> : vector<2048xf32>
      %reduce_max3A_60 = vector.multi_reduction <maximumf>, %add3A_59, %reduce_max3A [1] : vector<2048x128xf32> to vector<2048xf32>
      %broadcast_in_dim3A = vector.shape_cast %reduce_max3A_60 : vector<2048xf32> to vector<2048x1xf32>
      %sub3A_61 = vector.broadcast %broadcast_in_dim3A : vector<2048x1xf32> to vector<2048x128xf32>
      %sub3A_62 = arith.subf %add3A_59, %sub3A_61 : vector<2048x128xf32>
      %exp3A = math.exp %sub3A_62 : vector<2048x128xf32>
      %reduce_sum3A = arith.constant dense<0.000000e+00> : vector<2048xf32>
      %reduce_sum3A_63 = vector.multi_reduction <add>, %exp3A, %reduce_sum3A [1] : vector<2048x128xf32> to vector<2048xf32>
      %broadcast_in_dim3A_64 = vector.shape_cast %reduce_sum3A_63 : vector<2048xf32> to vector<2048x1xf32>
      %log3A = math.log %broadcast_in_dim3A_64 : vector<2048x1xf32>
      %add3A_65 = arith.addf %log3A, %broadcast_in_dim3A : vector<2048x1xf32>
      %sub3A_66 = vector.broadcast %add3A_65 : vector<2048x1xf32> to vector<2048x128xf32>
      %sub3A_67 = arith.subf %add3A_59, %sub3A_66 : vector<2048x128xf32>
      %swap3A = arith.constant 0 : index
      %swap3A_68 = arith.constant 0 : index
      %swap3A_69 = vector.load %arg13[%swap3A, %swap3A_68] : memref<2048x128xf32, #tpu.memory_space<vmem>>, vector<2048x128xf32>
      tpu.vector_store %arg13[%swap3A, %swap3A_68], %sub3A_67 {strides = array<i32>} : memref<2048x128xf32, #tpu.memory_space<vmem>>, vector<2048x128xf32>,
    } else {
    }
    return
  }
  func.func @transform_0(%arg0: i32, %arg1: i32) -> (i32, i32, i32) {
    %sub3A = arith.constant 1 : i32
    %sub3A_0 = arith.subi %sub3A, %arg0 : i32
    %mul3A = arith.muli %arg1, %sub3A_0 : i32
    %c0_i32 = arith.constant 0 : i32
    %c0_i32_1 = arith.constant 0 : i32
    %c0_i32_2 = arith.constant 0 : i32
    return %c0_i32, %mul3A, %c0_i32_1 : i32, i32, i32
  }
  func.func @transform_1(%arg0: i32, %arg1: i32) -> (i32, i32) {
    %c0_i32 = arith.constant 0 : i32
    %c0_i32_0 = arith.constant 0 : i32
    %c0_i32_1 = arith.constant 0 : i32
    return %c0_i32, %c0_i32_0 : i32, i32
  }
  func.func @transform_2(%arg0: i32, %arg1: i32) -> (i32, i32) {
    %c0_i32 = arith.constant 0 : i32
    %c0_i32_0 = arith.constant 0 : i32
    %c0_i32_1 = arith.constant 0 : i32
    return %c0_i32, %c0_i32_0 : i32, i32
  }
  func.func @transform_3(%arg0: i32, %arg1: i32) -> (i32, i32) {
    %c0_i32 = arith.constant 0 : i32
    %c0_i32_0 = arith.constant 0 : i32
    %c0_i32_1 = arith.constant 0 : i32
    return %c0_i32, %c0_i32_0 : i32, i32
  }
  func.func @transform_4(%arg0: i32, %arg1: i32) -> (i32, i32) {
    %c0_i32 = arith.constant 0 : i32
    %c0_i32_0 = arith.constant 0 : i32
    %c0_i32_1 = arith.constant 0 : i32
    return %c0_i32, %c0_i32_0 : i32, i32
  }
  func.func @transform_5(%arg0: i32, %arg1: i32) -> (i32, i32) {
    %c0_i32 = arith.constant 0 : i32
    %c0_i32_0 = arith.constant 0 : i32
    %c0_i32_1 = arith.constant 0 : i32
    return %c0_i32, %c0_i32_0 : i32, i32
  }
  func.func @transform_6(%arg0: i32, %arg1: i32) -> (i32, i32) {
    %c0_i32 = arith.constant 0 : i32
    %c0_i32_0 = arith.constant 0 : i32
    %c0_i32_1 = arith.constant 0 : i32
    return %c0_i32, %c0_i32_0 : i32, i32
  }
  func.func @transform_7(%arg0: i32, %arg1: i32) -> (i32, i32) {
    %c0_i32 = arith.constant 0 : i32
    %c0_i32_0 = arith.constant 0 : i32
    %c0_i32_1 = arith.constant 0 : i32
    return %c0_i32, %c0_i32_0 : i32, i32
  }
  func.func @transform_8(%arg0: i32, %arg1: i32) -> (i32, i32) {
    %c0_i32 = arith.constant 0 : i32
    %c0_i32_0 = arith.constant 0 : i32
    %c0_i32_1 = arith.constant 0 : i32
    return %c0_i32, %c0_i32_0 : i32, i32
  }
  func.func @transform_9(%arg0: i32, %arg1: i32) -> (i32, i32) {
    %c0_i32 = arith.constant 0 : i32
    %c0_i32_0 = arith.constant 0 : i32
    %c0_i32_1 = arith.constant 0 : i32
    return %c0_i32, %c0_i32_0 : i32, i32
  }
  func.func @transform_10(%arg0: i32, %arg1: i32) -> (i32, i32) {
    %c0_i32 = arith.constant 0 : i32
    %c0_i32_0 = arith.constant 0 : i32
    %c0_i32_1 = arith.constant 0 : i32
    return %c0_i32, %c0_i32_0 : i32, i32
  }
  func.func @transform_11(%arg0: i32, %arg1: i32) -> (i32, i32) {
    %mul3A = arith.muli %arg1, %arg0 : i32
    %c0_i32 = arith.constant 0 : i32
    %c0_i32_0 = arith.constant 0 : i32
    return %mul3A, %c0_i32 : i32, i32
  }
}

</mosaic_0001>

<sc_bundles>
// kernel: kernel.12.cloned.1.call-start
scs
__scs_entry_jumppad:
0x0: {  	(pc) =	sbr.rel $0x88, $3  }
0x1: {  	(tag) =	ssettag $0x0;
	lr =	simm.s32 $0x1  }
0x2: {  	[smem:$0x3F7D] =	sst lr;
	_ =	strace $0xD0000000  }
0x3: {  	_ = 	snop  }
0x4: {  	_ = 	snop  }
0x5: {  	_ = 	snop  }
0x6: {  	_ = 	snop  }
0x7: {  	_ = 	snop  }
__scs_overlays_trampoline_lowered:
0x8: {  	[smem:$0x3F8C] =	sst s0  }
0x9: {  	[smem:$0x3F8D] =	sst s1  }
0xa: {  	[smem:$0x3F8E] =	sst s2  }
0xb: {  	[smem:$0x3F8F] =	sst s3  }
0xc: {  	[smem:$0x3F90] =	sst s4  }
0xd: {  	[smem:$0x3F91] =	sst s5  }
0xe: {  	[smem:$0x3F92] =	sst s6  }
0xf: {  	[smem:$0x3F93] =	sst s7  }
0x10: {  	[smem:$0x3F94] =	sst s8  }
0x11: {  	[smem:$0x3F95] =	sst s9;
	s0 =	simm.s32 @!p0 $0x0  }
0x12: {  	s1 =	sld [smem:$0x3F7B];
	s0 =	simm.s32 @p0 $0x1  }
0x13: {  	[smem:$0x3F96] =	sst s0;
	s0 =	simm.s32 @!p1 $0x0  }
0x14: {  	s2 =	sld [smem:$0x3F7A];
	s0 =	simm.s32 @p1 $0x1  }
0x15: {  	[smem:$0x3F97] =	sst s0;
	s0 =	simm.s32 @!p2 $0x0  }
0x16: {  	s3 =	sld [smem:$0x3FDB];
	s0 =	simm.s32 @p2 $0x1  }
0x17: {  	s4 =	simm.s32 $0x1BF5;
	[smem:$0x3F99] =	sst s0  }
0x18: {  	s0 =	sld [smem:$0x3F7C];
	_ =	swait.ge [sflag:s4], $0x0  }
0x19: {  	s7 =	sld [smem:$0x3F7D]  }
0x1a: {  	s8 =	sadd.s32 $0xFFFFE003, lr  }
0x1b: {  	s9 =	sadd.s32 $0xFFFFFEF7, lr;
	s5 =	simm.s32 $0xFFFFFFFF;
	p2 =	slt.u32 s8, $0xFFFFF086  }
0x1c: {  	p1 =	slt.u32 s9, $0xF7A;
	s5 =	simm.s32 @!p2 $0x0  }
0x1d: {  	s5 =	simm.s32 @p1 $0x1;
	p0 =	seq.s32 s7, s2  }
0x1e: {  	s7 =	smul.u32 @!p0 $0xF7A, s2;
	p2 =	seq.s32 @!p0 s5, $0x0  }
0x1f: {  	s9 =	smul.u32 $0xF7A, s1;
	s8 =	simm.s32 @!p0 $0x1BF5;
	p2 =	por !p2, p0  }
0x20: {  	[sflag:s8] =	ssyncset.s32 @!p0 $0xFFFFF086;
	s6 =	sadd.s32 @!p0 s3, s7;
	s7 =	simm.s32 @!p0 $0x108  }
0x21: {  	s3 =	sadd.s32 s3, s9;
	s6 =	sadd.s32 @!p0 $0x88, s6;
	s7 =	simm.s32 @p2 $0x1082  }
0x22: {  	[simem:s7], [sflag:s8] =	dma.local @!p0 [hbm:s6], $0xF7A  }
0x23: {  	s9 =	sor.u32 $0xD0000000, s2;
	s6 =	simm.s32 $0x108;
	_ =	swait.ge @!p0 [sflag:s8], $0x0  }
0x24: {  	s3 =	sadd.s32 $0x88, s3;
	s6 =	simm.s32 @!p1 $0x1082;
	[sflag:s4] =	ssyncset.s32 $0xFFFFF086  }
0x25: {  	[simem:s6], [sflag:s4] =	dma.local [hbm:s3], $0xF7A  }
0x26: {  	[smem:$0x3F7D] =	sst s1;
	(tag) =	ssettag s2;
	_ =	strace s9  }
0x27: {  	s1 =	sld [smem:$0x3F8D]  }
0x28: {  	s2 =	sld [smem:$0x3F8E]  }
0x29: {  	s4 =	sld [smem:$0x3F90]  }
0x2a: {  	p0 =	seq.s32 s5, $0x0;
	s5 =	sld [smem:$0x3F91]  }
0x2b: {  	s6 =	sld [smem:$0x3F92]  }
0x2c: {  	s7 =	sld [smem:$0x3F93]  }
0x2d: {  	s3 =	simm.s32 $0x108;
	s8 =	sld [smem:$0x3F94]  }
0x2e: {  	s3 =	simm.s32 @!p0 $0x1082;
	s9 =	sld [smem:$0x3F95]  }
0x2f: {  	lr =	sadd.s32 s0, s3;
	s0 =	sld [smem:$0x3F8C]  }
0x30: {  	s3 =	sld [smem:$0x3F8F]  }
0x31: {  	[smem:$0x3F98] =	sst s10  }
0x32: {  	s10 =	sld [smem:$0x3F96];
	_ =	sdelay $0x3  }
0x33: {  	p0 =	seq.s32 s10, $0x1;
	s10 =	sld [smem:$0x3F98];
	_ =	sdelay $0x3  }
0x34: {  	[smem:$0x3F98] =	sst s10  }
0x35: {  	s10 =	sld [smem:$0x3F97];
	_ =	sdelay $0x3  }
0x36: {  	p1 =	seq.s32 s10, $0x1;
	s10 =	sld [smem:$0x3F98];
	_ =	sdelay $0x3  }
0x37: {  	[smem:$0x3F98] =	sst s10  }
0x38: {  	s10 =	sld [smem:$0x3F99]  }
0x39: {  	_ = 	snop;
	(pc) =	sbr.ind lr, $3  }
0x3a: {  	_ = 	snop  }
0x3b: {  	_ = 	snop  }
0x3c: {  	p2 =	seq.s32 s10, $0x1;
	s10 =	sld [smem:$0x3F98]  }
0x3d: {  	_ =	shalt  }
0x3e: {  	_ =	shalt  }
0x3f: {  	_ =	shalt  }
0x40: {  	_ =	shalt  }
0x41: {  	_ =	shalt  }
0x42: {  	_ =	shalt  }
0x43: {  	_ =	shalt  }
0x44: {  	_ =	shalt  }
0x45: {  	_ =	shalt  }
0x46: {  	_ =	shalt  }
0x47: {  	_ =	shalt  }
0x48: {  	_ =	shalt  }
0x49: {  	_ =	shalt  }
0x4a: {  	_ =	shalt  }
0x4b: {  	_ =	shalt  }
0x4c: {  	_ =	shalt  }
0x4d: {  	_ =	shalt  }
0x4e: {  	_ =	shalt  }
0x4f: {  	_ =	shalt  }
0x50: {  	_ =	shalt  }
0x51: {  	_ =	shalt  }
0x52: {  	_ =	shalt  }
0x53: {  	_ =	shalt  }
0x54: {  	_ =	shalt  }
0x55: {  	_ =	shalt  }
0x56: {  	_ =	shalt  }
0x57: {  	_ =	shalt  }
0x58: {  	_ =	shalt  }
0x59: {  	_ =	shalt  }
0x5a: {  	_ =	shalt  }
0x5b: {  	_ =	shalt  }
0x5c: {  	_ =	shalt  }
0x5d: {  	_ =	shalt  }
0x5e: {  	_ =	shalt  }
0x5f: {  	_ =	shalt  }
0x60: {  	_ =	shalt  }
0x61: {  	_ =	shalt  }
0x62: {  	_ =	shalt  }
0x63: {  	_ =	shalt  }
0x64: {  	_ =	shalt  }
0x65: {  	_ =	shalt  }
0x66: {  	_ =	shalt  }
0x67: {  	_ =	shalt  }
0x68: {  	_ =	shalt  }
0x69: {  	_ =	shalt  }
0x6a: {  	_ =	shalt  }
0x6b: {  	_ =	shalt  }
0x6c: {  	_ =	shalt  }
0x6d: {  	_ =	shalt  }
0x6e: {  	_ =	shalt  }
0x6f: {  	_ =	shalt  }
0x70: {  	_ =	shalt  }
0x71: {  	_ =	shalt  }
0x72: {  	_ =	shalt  }
0x73: {  	_ =	shalt  }
0x74: {  	_ =	shalt  }
0x75: {  	_ =	shalt  }
0x76: {  	_ =	shalt  }
0x77: {  	_ =	shalt  }
0x78: {  	_ =	shalt  }
0x79: {  	_ =	shalt  }
0x7a: {  	_ =	shalt  }
0x7b: {  	_ =	shalt  }
0x7c: {  	_ =	shalt  }
0x7d: {  	_ =	shalt  }
0x7e: {  	_ =	shalt  }
0x7f: {  	_ =	shalt  }
0x80: {  	_ =	shalt  }
0x81: {  	_ =	shalt  }
0x82: {  	_ =	shalt  }
0x83: {  	_ =	shalt  }
0x84: {  	_ =	shalt  }
0x85: {  	_ =	shalt  }
0x86: {  	_ =	shalt  }
0x87: {  	_ =	shalt  }
.Lfunc_end0:
.L_simem_size_0:
called_computation_lowered:
.L_overlay_start_0:
0x88: {  	s2 =	sld [smem:$0x3FD9]  }
0x89: {  	s3 =	sld [smem:$0x3FFE];
	_ =	sdelay $0x1  }
0x8a: {  	s1 =	srdreg.scid  }
0x8b: {  	s0 =	sand.u32 $0x1, s1  }
0x8c: {  	s17 =	sshll.u32 s0, $0xA;
	s2 =	sadd.s32 s3, s2  }
0x8d: {  	s2 =	sadd.s32 s2, s17  }
0x8e: {  	[smem:$0x3FA4] =	sst s2  }
0x8f: {  	_ = 	snop  }
0x90: {  	s2 =	sld [smem:$0x3FC9]  }
0x91: {  	s18 =	sld [smem:$0x3FD0];
	(tm) =	ssettm $0x1  }
0x92: {  	s4 =	sld [smem:$0x3FFB];
	_ =	sdelay $0x3  }
0x93: {  	_ =	strace s4  }
0x94: {  	s4 =	sld [smem:$0x3FFC];
	_ =	sdelay $0x3  }
0x95: {  	_ =	strace s4  }
0x96: {  	s4 =	sld [smem:$0x3FFD];
	_ =	sdelay $0x3  }
0x97: {  	_ =	strace s4  }
0x98: {  	_ =	strace $0x8FFFFFFF  }
0x99: {  	s19 =	sld [smem:$0x3FDB];
	_ =	sdelay $0x1  }
0x9a: {  	s5 =	simm.s32 $_scs_section_size  }
0x9b: {  	s6 =	simm.s32 $_size__tile_overlayer_lowered;
	s7 =	simm.s32 $_tile_overlayer_lowered  }
0x9c: {  	s22 =	simm.s32 $0x1BFF;
	s21 =	sshll.u32 s7, $0x1;
	s4 =	sadd.s32 s5, s19  }
0x9d: {  	s8 =	simm.s32 $0x0;
	s20 =	sshll.u32 s6, $0x1;
	s6 =	sadd.s32 s21, s4  }
0x9e: {  	[timem:s8], [sflag:s22] =	dma.local [hbm:s6], s20  }
0x9f: {  	_ =	swait.ge [sflag:s22], s20  }
0xa0: {  	s5 =	ssub.s32 $0x0, s20;
	[sflag:s22] =	ssyncset.done $0x0  }
0xa1: {  	[sflag:s22] =	ssyncadd.s32 s5;
	_ =	sdelay $0x1  }
0xa2: {  	s23 =	simm.s32 $0x1B8B  }
0xa3: {  	_ =	swait.ge [sflag:s23], $0x1  }
0xa4: {  	[sflag:s23] =	ssyncset.done $0x0  }
0xa5: {  	s25 =	simm.s32 $0x1B8E;
	s24 =	sld [smem:$0x3FFE];
	[sflag:s23] =	ssyncadd.s32 $0xFFFFFFFF  }
0xa6: {  	s26 =	simm.s32 $execute0_lowered;
	[smem:$0x3FD2] =	sst s25  }
0xa7: {  	s6 =	sshll.u32 s26, $0x1;
	_ =	strace $0x80000046;
	[dreg:$0x1] =	wrdreg $0xFFFFFFFF  }
0xa8: {  	s28 =	simm.s32 $_size_execute0_lowered;
	s4 =	sadd.s32 s4, s6;
	[dreg:$0x0] =	wrdreg $0x0  }
0xa9: {  	s6 =	sshll.u32 s28, $0x1;
	[dreg:$0x2] =	wrdreg s4  }
0xaa: {  	[dreg:$0x3] =	wrdreg s6  }
0xab: {  	[dreg:$0x4] =	wrdreg $0xC0  }
0xac: {  	_ =	task [dreg:s8], $0x5FFFF  }
0xad: {  	[dreg:$0x1] =	wrdreg $0xFFFFFFFF  }
0xae: {  	[dreg:$0x0] =	wrdreg $0x60  }
0xaf: {  	[dreg:$0x2] =	wrdreg s2  }
0xb0: {  	[dreg:$0x3] =	wrdreg s24  }
0xb1: {  	[dreg:$0x4] =	wrdreg s18  }
0xb2: {  	[dreg:$0x5] =	wrdreg $0xA8000  }
0xb3: {  	[dreg:$0x6] =	wrdreg $0x9  }
0xb4: {  	_ =	task.clear_ibuf [dreg:s8], $0x7FFFF;
	_ =	strace $0x90000046  }
0xb5: {  	s29 =	simm.s32 $0x9;
	_ =	strace $0x80000048  }
0xb6: {  	_ =	swait.ge [sflag:s29], $0x1  }
0xb7: {  	[sflag:s29] =	ssyncadd.s32 $0xFFFFFFFF  }
0xb8: {  	_ =	strace $0x90000048  }
0xb9: {  	_ =	sfence  }
0xba: {  	s30 =	sld [smem:$0x0];
	_ =	sdelay $0x2  }
0xbb: {  	s31 =	sshll.u32 s1, $0xD;
	s1 =	sshrl.u32 s1, $0x2  }
0xbc: {  	s3 =	sand.u32 $0x4000, s31;
	s1 =	sadd.s32 s1, s30  }
0xbd: {  	s0 =	sor.u32 s3, s0;
	s1 =	sshll.u32 s1, $0x11  }
0xbe: {  	s0 =	sor.u32 s1, s0  }
0xbf: {  	s0 =	sadd.s32 $0x8F2B, s0  }
0xc0: {  	[sflag:s0] =	ssyncadd.remote.s32 $0x1  }
0xc1: {  	_ =	sfence.sel $0xFFFF  }
0xc2: {  	[dreg:$0x0] =	wrdreg $0xFFFFFFFF;
	(pc) =	sbr.abs _section_cstart, $3  }
0xc3: {  	[dreg:$0x1] =	wrdreg $0xFFFFFFFF  }
0xc4: {  	_ =	task.clear_ibuf [dreg:s8], $0x2FFFF;
	_ =	strace $0x9FFFFFFF  }
0xc5: {  	(tm) =	ssettm $0x7FFFFFFF  }
tec
execute0_lowered:
.L_overlay_start_1:
0x0: {  	(tag) =	ssettag $0x1  }
0x1: {  	s2 =	rddreg [dreg:$0x0]  }
0x2: {  	s0 =	rddreg [dreg:$0x1]  }
0x3: {  	s5 =	rddreg [dreg:$0x2]  }
0x4: {  	s3 =	rddreg [dreg:$0x3]  }
0x5: {  	s1 =	stileid.u32;
	s4 =	srdreg.scid  }
0x6: {  	s17 =	simm.s32 $0x3;
	s18 =	simm.s32 $0x1400;
	s19 =	simm.s32 $0x7D  }
0x7: {  	s20 =	simm.s32 $0x2800;
	s21 =	simm.s32 $0x80;
	s22 =	simm.s32 $0x6800  }
0x8: {  	s28 =	simm.s32 $0x2;
	s29 =	simm.s32 $0x2700;
	s30 =	simm.s32 $0x2780  }
0x9: {  	s31 =	simm.s32 $0x0;
	s8 =	sand.u32 $0x1, s4;
	s13 =	smul.u32 $0x2780, s1  }
0xa: {  	s6 =	sshll.u32 s1, $0x1;
	s4 =	simm.s32 $0x0;
	s10 =	smul.u32 $0x4F000, s1  }
0xb: {  	s6 =	sor.u32 s8, s6;
	[smem:$0x7FF] =	sst s4;
	s7 =	smul.u32 $0x27100, s8  }
0xc: {  	s9 =	ssub.s32 $0x2, s8;
	p3 =	seq.s32 s8, $0x1;
	s6 =	smul.u32 $0x500, s6  }
0xd: {  	_ =	strace $0x80000047;
	s12 =	sadd.s32 s13, s0;
	s24 =	sshrl.u32 s9, $0x1  }
0xe: {  	s25 =	sshrl.u32 s10, $0x2;
	s1 =	smov.u32 s13;
	s26 =	sadd.s32 s2, s13  }
0xf: {  	s10 =	sadd.s32 $0x128400, s3;
	s13 =	sadd.s32 $0x34C80, s0;
	s15 =	sadd.s32 s7, s0  }
0x10: {  	s16 =	ssub.s32 s9, s24;
	s9 =	stileid.u32;
	s8 =	sadd.s32 s25, s3  }
0x11: {  	[dreg:$0x5] =	wrdreg s26;
	s12 =	sadd.s32 $0xFC00, s12;
	s26 =	simm.s32 $0x1  }
0x12: {  	s11 =	sadd.s32 s6, s0;
	s6 =	sadd.s32 s5, s6;
	s15 =	sadd.s32 $0x36E00, s15  }
0x13: {  	s16 =	smax.u32 s16, $0x1;
	p1 =	seq.s32 @p3 s9, $0xF;
	p4 =	seq.s32 @!p3 s9, $0xF  }
0x14: {  	s7 =	sadd.s32 $0x5C00, s11;
	s11 =	sadd.s32 $0x25080, s2;
	s14 =	sadd.s32 $0x280, s6  }
0x15: {  	p0 =	por p1, !p3;
	p1 =	por !p1, !p3;
	p2 =	por !p4, p3  }
0x16: {  	p3 =	por p4, p3;
	p4 =	seq.s32 s9, $0xF;
	s0 =	sshll.u32 @!p0 s9, $0x6  }
0x17: {  	s23 =	sshrl.u32 @!p1 s10, $0x3;
	s25 =	sshrl.u32 @!p0 s8, $0x3;
	s24 =	sor.u32 @!p0 $0x1C03, s0  }
.LBB2_1:
0x18: {  	[tilespmem:s4], [sflag:$0x3] =	stream.linear.gather [hbm4b:s6+s4], $0x1400, $0x38;
	[tilespmem:$0x1E080] =	vst v63  }
0x19: {  	_ =	swait.ge [sflag:s17], $0x1400  }
0x1a: {  	[sflag:s17] =	ssyncset.done $0x0  }
0x1b: {  	[sflag:s17] =	ssyncadd.s32 $0xFFFFEC00  }
0x1c: {  	[tilespmem:s18], [sflag:$0x3] =	stream.linear.gather [hbm4b:s7+s4], $0x1400, $0x38;
	[tilespmem:$0x1E080] =	vst v63  }
0x1d: {  	_ =	swait.ge [sflag:s17], $0x1400  }
0x1e: {  	[sflag:s17] =	ssyncset.done $0x0  }
0x1f: {  	[sflag:s17] =	ssyncadd.s32 $0xFFFFEC00  }
0x20: {  	[tilespmem:s20], [sflag:$0x1] =	stream.indirect.gather [hbm4b:s2+s19], $0x80, s4, s19, $0xb8;
	[tilespmem:$0x1E080] =	vst v63  }
0x21: {  	s0 =	simm.s32 @!p1 $0x1FC3  }
0x22: {  	[tilespmem:s22], [sflag:$0x2] =	stream.indirect.gather [hbm4b:s2+s19], $0x80, s21, s19, $0xb8;
	[tilespmem:$0x1E080] =	vst v63  }
0x23: {  	[spmem:s23], [sflag:s0] =	dma.local @!p1 [hbm:s13], $0x2080  }
0x24: {  	s0 =	simm.s32 @!p1 $0x3  }
0x25: {  	_ =	swait.ge @!p1 [sflag:s0], $0x2080  }
0x26: {  	[sflag:s0] =	ssyncset.done @!p1 $0x0  }
0x27: {  	[sflag:s0] =	ssyncadd.s32 @!p1 $0xFFFFDF80;
	s0 =	simm.s32 @!p0 $0x3  }
0x28: {  	[spmem:s25], [sflag:s24] =	dma.local @!p0 [hbm:s12], $0x2780  }
0x29: {  	_ =	swait.ge @!p0 [sflag:s0], $0x2780  }
0x2a: {  	[sflag:s0] =	ssyncset.done @!p0 $0x0  }
0x2b: {  	s5 =	simm.s32 @!p2 $0x1FC3;
	[sflag:s0] =	ssyncadd.s32 @!p0 $0xFFFFD880;
	s0 =	sshrl.u32 @!p2 s10, $0x3  }
0x2c: {  	[spmem:s0], [sflag:s5] =	dma.local @!p2 [hbm:s11], $0x2080  }
0x2d: {  	s0 =	simm.s32 @!p2 $0x3  }
0x2e: {  	_ =	swait.ge @!p2 [sflag:s0], $0x2080  }
0x2f: {  	s5 =	sshll.u32 @!p3 s9, $0x6;
	[sflag:s0] =	ssyncset.done @!p2 $0x0;
	s9 =	rddreg [dreg:$0x5]  }
0x30: {  	[sflag:s0] =	ssyncadd.s32 @!p2 $0xFFFFDF80;
	s0 =	sor.u32 @!p3 $0x1C03, s5;
	s5 =	sshrl.u32 @!p3 s8, $0x3  }
0x31: {  	[spmem:s5], [sflag:s0] =	dma.local @!p3 [hbm:s9], $0x2780  }
0x32: {  	s0 =	simm.s32 @!p3 $0x3  }
0x33: {  	_ =	swait.ge @!p3 [sflag:s0], $0x2780  }
0x34: {  	[sflag:s0] =	ssyncset.done @!p3 $0x0  }
0x35: {  	[sflag:s0] =	ssyncadd.s32 @!p3 $0xFFFFD880  }
0x36: {  	[bflag:$0x0] =	sbarrier.arrive $0xFFFF  }
0x37: {  	_ =	swait.ge [sflag:s26], $0x3E80  }
0x38: {  	[sflag:s26] =	ssyncset.done $0x0  }
0x39: {  	s9 =	simm.s32 $0x1400;
	[sflag:s26] =	ssyncadd.s32 $0xFFFFC180  }
0x3a: {  	[spmem:s3] =	stream.indirect.scatter.add.f32 [tilespmem:s20], [sflag:$0x3], $0x80, s9, s19, $0xb8;
	[tilespmem:$0x1E080] =	vst v63  }
0x3b: {  	_ =	swait.ge [sflag:s17], $0x3E80  }
0x3c: {  	[sflag:s17] =	ssyncset.done $0x0  }
0x3d: {  	s5 =	simm.s32 $0x100;
	[sflag:s17] =	ssyncadd.s32 $0xFFFFC180  }
0x3e: {  	[tilespmem:s20], [sflag:$0x1] =	stream.indirect.gather [hbm4b:s2+s19], $0x80, s5, s19, $0xb8;
	[tilespmem:$0x1E080] =	vst v63  }
0x3f: {  	_ =	swait.ge [sflag:s28], $0x3E80  }
0x40: {  	[sflag:s28] =	ssyncset.done $0x0  }
0x41: {  	s9 =	simm.s32 $0x1480;
	[sflag:s28] =	ssyncadd.s32 $0xFFFFC180  }
0x42: {  	[spmem:s3] =	stream.indirect.scatter.add.f32 [tilespmem:s22], [sflag:$0x3], $0x80, s9, s19, $0xb8;
	[tilespmem:$0x1E080] =	vst v63  }
0x43: {  	_ =	swait.ge [sflag:s17], $0x3E80  }
0x44: {  	[sflag:s17] =	ssyncset.done $0x0  }
0x45: {  	s0 =	simm.s32 $0x400;
	s5 =	simm.s32 $0x180;
	[sflag:s17] =	ssyncadd.s32 $0xFFFFC180  }
.LBB2_2:
0x46: {  	[tilespmem:s22], [sflag:$0x2] =	stream.indirect.gather [hbm4b:s2+s19], $0x80, s5, s19, $0xb8;
	[tilespmem:$0x1E080] =	vst v63  }
0x47: {  	s5 =	smov.u32 s0  }
0x48: {  	p5 =	sne.s32 s0, $0x4800;
	s0 =	sadd.s32 $0x400, s0;
	_ =	swait.ge [sflag:s26], $0x3E80  }
0x49: {  	s5 =	sshra.s32 s5, $0x2;
	[sflag:s26] =	ssyncset.done $0x0  }
0x4a: {  	s9 =	sadd.s32 $0x1400, s5;
	[sflag:s26] =	ssyncadd.s32 $0xFFFFC180  }
0x4b: {  	[spmem:s3] =	stream.indirect.scatter.add.f32 [tilespmem:s20], [sflag:$0x3], $0x80, s9, s19, $0xb8;
	[tilespmem:$0x1E080] =	vst v63  }
0x4c: {  	_ =	swait.ge [sflag:s17], $0x3E80  }
0x4d: {  	[sflag:s17] =	ssyncset.done $0x0  }
0x4e: {  	s9 =	sadd.s32 $0x100, s5;
	[sflag:s17] =	ssyncadd.s32 $0xFFFFC180  }
0x4f: {  	[tilespmem:s20], [sflag:$0x1] =	stream.indirect.gather [hbm4b:s2+s19], $0x80, s9, s19, $0xb8;
	[tilespmem:$0x1E080] =	vst v63  }
0x50: {  	_ =	swait.ge [sflag:s28], $0x3E80  }
0x51: {  	[sflag:s28] =	ssyncset.done $0x0  }
.Ltmp0:
0x52: {  	s9 =	sadd.s32 $0x1480, s5;
	[sflag:s28] =	ssyncadd.s32 $0xFFFFC180;
	(pc) =	sbr.rel @p5 .LBB2_2-.Ltmp0, $4  }
0x53: {  	[spmem:s3] =	stream.indirect.scatter.add.f32 [tilespmem:s22], [sflag:$0x3], $0x80, s9, s19, $0xb8;
	[tilespmem:$0x1E080] =	vst v63  }
0x54: {  	_ =	swait.ge [sflag:s17], $0x3E80  }
0x55: {  	[sflag:s17] =	ssyncset.done $0x0  }
0x56: {  	s5 =	sadd.s32 $0x180, s5;
	[sflag:s17] =	ssyncadd.s32 $0xFFFFC180  }
0x57: {  	[tilespmem:s22], [sflag:$0x2] =	stream.indirect.gather [hbm4b:s2+s19], $0x80, s5, s19, $0xb8;
	[tilespmem:$0x1E080] =	vst v63  }
0x58: {  	_ =	swait.ge [sflag:s26], $0x3E80  }
0x59: {  	[sflag:s26] =	ssyncset.done $0x0  }
0x5a: {  	[sflag:s26] =	ssyncadd.s32 $0xFFFFC180  }
0x5b: {  	[spmem:s3] =	stream.indirect.scatter.add.f32 [tilespmem:s20], [sflag:$0x3], $0x80, s29, s19, $0xb8;
	[tilespmem:$0x1E080] =	vst v63  }
0x5c: {  	_ =	swait.ge [sflag:s17], $0x3E80  }
0x5d: {  	[sflag:s17] =	ssyncset.done $0x0  }
0x5e: {  	[sflag:s17] =	ssyncadd.s32 $0xFFFFC180  }
0x5f: {  	_ =	swait.ge [sflag:s28], $0x3E80  }
0x60: {  	[sflag:s28] =	ssyncset.done $0x0  }
0x61: {  	[sflag:s28] =	ssyncadd.s32 $0xFFFFC180  }
0x62: {  	[spmem:s3] =	stream.indirect.scatter.add.f32 [tilespmem:s22], [sflag:$0x3], $0x80, s30, s19, $0xb8;
	[tilespmem:$0x1E080] =	vst v63  }
0x63: {  	_ =	swait.ge [sflag:s17], $0x3E80  }
0x64: {  	[sflag:s17] =	ssyncset.done $0x0  }
0x65: {  	s0 =	simm.s32 $0x0;
	[sflag:s17] =	ssyncadd.s32 $0xFFFFC180  }
0x66: {  	[tilespmem:s0], [sflag:$0x3] =	stream.linear.gather [hbm4b:s14+s0], $0x1400, $0x38;
	[tilespmem:$0x1E080] =	vst v63  }
0x67: {  	_ =	swait.ge [sflag:s17], $0x1400  }
0x68: {  	[sflag:s17] =	ssyncset.done $0x0  }
0x69: {  	s9 =	sadd.s32 $0x280, s7;
	[sflag:s17] =	ssyncadd.s32 $0xFFFFEC00  }
0x6a: {  	[tilespmem:s18], [sflag:$0x3] =	stream.linear.gather [hbm4b:s9+s0], $0x1400, $0x38;
	[tilespmem:$0x1E080] =	vst v63  }
0x6b: {  	_ =	swait.ge [sflag:s17], $0x1400  }
0x6c: {  	[sflag:s17] =	ssyncset.done $0x0  }
0x6d: {  	[sflag:s17] =	ssyncadd.s32 $0xFFFFEC00  }
0x6e: {  	[tilespmem:s20], [sflag:$0x1] =	stream.indirect.gather [hbm4b:s2+s19], $0x80, s0, s19, $0xb8;
	[tilespmem:$0x1E080] =	vst v63  }
0x6f: {  	_ = 	snop  }
0x70: {  	[tilespmem:s22], [sflag:$0x2] =	stream.indirect.gather [hbm4b:s2+s19], $0x80, s21, s19, $0xb8;
	[tilespmem:$0x1E080] =	vst v63  }
0x71: {  	_ =	swait.ge [sflag:s26], $0x3E80  }
0x72: {  	[sflag:s26] =	ssyncset.done $0x0  }
0x73: {  	s9 =	simm.s32 $0x1400;
	[sflag:s26] =	ssyncadd.s32 $0xFFFFC180  }
0x74: {  	[spmem:s3] =	stream.indirect.scatter.add.f32 [tilespmem:s20], [sflag:$0x3], $0x80, s9, s19, $0xb8;
	[tilespmem:$0x1E080] =	vst v63  }
0x75: {  	_ =	swait.ge [sflag:s17], $0x3E80  }
0x76: {  	[sflag:s17] =	ssyncset.done $0x0  }
0x77: {  	s5 =	simm.s32 $0x100;
	[sflag:s17] =	ssyncadd.s32 $0xFFFFC180  }
0x78: {  	[tilespmem:s20], [sflag:$0x1] =	stream.indirect.gather [hbm4b:s2+s19], $0x80, s5, s19, $0xb8;
	[tilespmem:$0x1E080] =	vst v63  }
0x79: {  	_ =	swait.ge [sflag:s28], $0x3E80  }
0x7a: {  	[sflag:s28] =	ssyncset.done $0x0  }
0x7b: {  	s9 =	simm.s32 $0x1480;
	[sflag:s28] =	ssyncadd.s32 $0xFFFFC180  }
0x7c: {  	[spmem:s3] =	stream.indirect.scatter.add.f32 [tilespmem:s22], [sflag:$0x3], $0x80, s9, s19, $0xb8;
	[tilespmem:$0x1E080] =	vst v63  }
0x7d: {  	_ =	swait.ge [sflag:s17], $0x3E80  }
0x7e: {  	[sflag:s17] =	ssyncset.done $0x0  }
0x7f: {  	s0 =	simm.s32 $0x400;
	s5 =	simm.s32 $0x180;
	[sflag:s17] =	ssyncadd.s32 $0xFFFFC180  }
.LBB2_4:
0x80: {  	[tilespmem:s22], [sflag:$0x2] =	stream.indirect.gather [hbm4b:s2+s19], $0x80, s5, s19, $0xb8;
	[tilespmem:$0x1E080] =	vst v63  }
0x81: {  	s5 =	smov.u32 s0  }
0x82: {  	p5 =	sne.s32 s0, $0x4800;
	s0 =	sadd.s32 $0x400, s0;
	_ =	swait.ge [sflag:s26], $0x3E80  }
0x83: {  	s5 =	sshra.s32 s5, $0x2;
	[sflag:s26] =	ssyncset.done $0x0  }
0x84: {  	s9 =	sadd.s32 $0x1400, s5;
	[sflag:s26] =	ssyncadd.s32 $0xFFFFC180  }
0x85: {  	[spmem:s3] =	stream.indirect.scatter.add.f32 [tilespmem:s20], [sflag:$0x3], $0x80, s9, s19, $0xb8;
	[tilespmem:$0x1E080] =	vst v63  }
0x86: {  	_ =	swait.ge [sflag:s17], $0x3E80  }
0x87: {  	[sflag:s17] =	ssyncset.done $0x0  }
0x88: {  	s9 =	sadd.s32 $0x100, s5;
	[sflag:s17] =	ssyncadd.s32 $0xFFFFC180  }
0x89: {  	[tilespmem:s20], [sflag:$0x1] =	stream.indirect.gather [hbm4b:s2+s19], $0x80, s9, s19, $0xb8;
	[tilespmem:$0x1E080] =	vst v63  }
0x8a: {  	_ =	swait.ge [sflag:s28], $0x3E80  }
0x8b: {  	[sflag:s28] =	ssyncset.done $0x0  }
.Ltmp1:
0x8c: {  	s9 =	sadd.s32 $0x1480, s5;
	[sflag:s28] =	ssyncadd.s32 $0xFFFFC180;
	(pc) =	sbr.rel @p5 .LBB2_4-.Ltmp1, $4  }
0x8d: {  	[spmem:s3] =	stream.indirect.scatter.add.f32 [tilespmem:s22], [sflag:$0x3], $0x80, s9, s19, $0xb8;
	[tilespmem:$0x1E080] =	vst v63  }
0x8e: {  	_ =	swait.ge [sflag:s17], $0x3E80  }
0x8f: {  	[sflag:s17] =	ssyncset.done $0x0  }
0x90: {  	s5 =	sadd.s32 $0x180, s5;
	[sflag:s17] =	ssyncadd.s32 $0xFFFFC180  }
0x91: {  	[tilespmem:s22], [sflag:$0x2] =	stream.indirect.gather [hbm4b:s2+s19], $0x80, s5, s19, $0xb8;
	[tilespmem:$0x1E080] =	vst v63  }
0x92: {  	_ =	swait.ge [sflag:s26], $0x3E80  }
0x93: {  	[sflag:s26] =	ssyncset.done $0x0  }
0x94: {  	[sflag:s26] =	ssyncadd.s32 $0xFFFFC180  }
0x95: {  	[spmem:s3] =	stream.indirect.scatter.add.f32 [tilespmem:s20], [sflag:$0x3], $0x80, s29, s19, $0xb8;
	[tilespmem:$0x1E080] =	vst v63  }
0x96: {  	_ =	swait.ge [sflag:s17], $0x3E80  }
0x97: {  	[sflag:s17] =	ssyncset.done $0x0  }
0x98: {  	[sflag:s17] =	ssyncadd.s32 $0xFFFFC180  }
0x99: {  	_ =	swait.ge [sflag:s28], $0x3E80  }
0x9a: {  	[sflag:s28] =	ssyncset.done $0x0  }
0x9b: {  	[sflag:s28] =	ssyncadd.s32 $0xFFFFC180  }
0x9c: {  	[spmem:s3] =	stream.indirect.scatter.add.f32 [tilespmem:s22], [sflag:$0x3], $0x80, s30, s19, $0xb8;
	[tilespmem:$0x1E080] =	vst v63  }
0x9d: {  	_ =	swait.ge [sflag:s17], $0x3E80  }
0x9e: {  	[sflag:s17] =	ssyncset.done $0x0  }
0x9f: {  	s0 =	sadd.s32 @p4 $0x25080, s15;
	[sflag:s17] =	ssyncadd.s32 $0xFFFFC180  }
0xa0: {  	s5 =	sshrl.u32 @p4 s10, $0x3;
	s9 =	simm.s32 @p4 $0x1FC3;
	[bflag:$0x0] =	sbarrier.arrive $0xFFFF  }
0xa1: {  	[hbm:s0], [sflag:s9] =	dma.local @p4 [spmem:s5], $0x2080  }
0xa2: {  	s0 =	simm.s32 @p4 $0x3  }
0xa3: {  	_ =	swait.ge @p4 [sflag:s0], $0x2080  }
0xa4: {  	[sflag:s0] =	ssyncset.done @p4 $0x0  }
0xa5: {  	s31 =	sadd.s32 $0x1, s31;
	[sflag:s0] =	ssyncadd.s32 @p4 $0xFFFFDF80;
	s0 =	stileid.u32  }
0xa6: {  	p5 =	sne.s32 s31, s16;
	s0 =	sshll.u32 @!p4 s0, $0x6  }
0xa7: {  	s5 =	sadd.s32 @!p4 s1, s15;
	s9 =	sshrl.u32 @!p4 s8, $0x3;
	s0 =	sor.u32 @!p4 $0x1C03, s0  }
0xa8: {  	[hbm:s5], [sflag:s0] =	dma.local @!p4 [spmem:s9], $0x2780  }
.Ltmp2:
0xa9: {  	_ = 	snop;
	(pc) =	sbr.rel @p5 .LBB2_1-.Ltmp2, $4  }
0xaa: {  	s0 =	simm.s32 @!p4 $0x3  }
0xab: {  	_ =	swait.ge @!p4 [sflag:s0], $0x2780  }
0xac: {  	[sflag:s0] =	ssyncset.done @!p4 $0x0  }
0xad: {  	s9 =	stileid.u32;
	[sflag:s0] =	ssyncadd.s32 @!p4 $0xFFFFD880  }
0xae: {  	_ =	sfence.sel $0x180000  }
0xaf: {  	[bflag:$0x0] =	sbarrier.arrive $0xFFFF  }
0xb0: {  	_ =	strace $0x90000047  }
0xb1: {  	[bflag:$0x2] =	sbarrier.arrive $0xFFFF  }
0xb2: {  	p0 =	sne.s32 s9, $0x0;
	s0 =	rddreg [dreg:$0x4]  }
0xb3: {  	s0 =	sadd.s32 @!p0 $0x100000, s0  }
0xb4: {  	[sflag:s0] =	ssyncadd.tile.s32 @!p0 $0x1;
	_ =	shalt  }
.Lfunc_end2:
_tile_overlayer_lowered:
.L_overlay_start_2:
0xb5: {  	(tag) =	ssettag $0x2  }
0xb6: {  	s0 =	rddreg [dreg:$0x0];
	s2 =	stileid.u32  }
0xb7: {  	s1 =	rddreg [dreg:$0x1];
	p0 =	sne.s32 s2, $0x0  }
0xb8: {  	s3 =	rddreg [dreg:$0x2];
	[bflag:$0x3] =	sbarrier.arrive $0xFFFF;
	s2 =	simm.s32 @!p0 $0x1C03  }
0xb9: {  	[timem:s3], [sflag:s2] =	dma.local @!p0 [hbm:s0], s1  }
0xba: {  	s0 =	simm.s32 @!p0 $0x3  }
0xbb: {  	_ =	swait.ge @!p0 [sflag:s0], s1  }
0xbc: {  	s1 =	ssub.s32 @!p0 $0x0, s1;
	[sflag:s0] =	ssyncset.done @!p0 $0x0  }
0xbd: {  	[sflag:s0] =	ssyncadd.s32 @!p0 s1  }
0xbe: {  	[bflag:$0x3] =	sbarrier.arrive $0xFFFF  }
0xbf: {  	_ =	shalt  }

// kernel: kernel.15.cloned.1.call-start
scs
__scs_entry_jumppad:
0x0: {  	(pc) =	sbr.rel $0x88, $3  }
0x1: {  	(tag) =	ssettag $0x0;
	lr =	simm.s32 $0x1  }
0x2: {  	[smem:$0x3F7D] =	sst lr;
	_ =	strace $0xD0000000  }
0x3: {  	_ = 	snop  }
0x4: {  	_ = 	snop  }
0x5: {  	_ = 	snop  }
0x6: {  	_ = 	snop  }
0x7: {  	_ = 	snop  }
__scs_overlays_trampoline_lowered:
0x8: {  	[smem:$0x3F8C] =	sst s0  }
0x9: {  	[smem:$0x3F8D] =	sst s1  }
0xa: {  	[smem:$0x3F8E] =	sst s2  }
0xb: {  	[smem:$0x3F8F] =	sst s3  }
0xc: {  	[smem:$0x3F90] =	sst s4  }
0xd: {  	[smem:$0x3F91] =	sst s5  }
0xe: {  	[smem:$0x3F92] =	sst s6  }
0xf: {  	[smem:$0x3F93] =	sst s7  }
0x10: {  	[smem:$0x3F94] =	sst s8  }
0x11: {  	[smem:$0x3F95] =	sst s9;
	s0 =	simm.s32 @!p0 $0x0  }
0x12: {  	s1 =	sld [smem:$0x3F7B];
	s0 =	simm.s32 @p0 $0x1  }
0x13: {  	[smem:$0x3F96] =	sst s0;
	s0 =	simm.s32 @!p1 $0x0  }
0x14: {  	s2 =	sld [smem:$0x3F7A];
	s0 =	simm.s32 @p1 $0x1  }
0x15: {  	[smem:$0x3F97] =	sst s0;
	s0 =	simm.s32 @!p2 $0x0  }
0x16: {  	s3 =	sld [smem:$0x3FDB];
	s0 =	simm.s32 @p2 $0x1  }
0x17: {  	s4 =	simm.s32 $0x1BF5;
	[smem:$0x3F99] =	sst s0  }
0x18: {  	s0 =	sld [smem:$0x3F7C];
	_ =	swait.ge [sflag:s4], $0x0  }
0x19: {  	s7 =	sld [smem:$0x3F7D]  }
0x1a: {  	s8 =	sadd.s32 $0xFFFFE003, lr  }
0x1b: {  	s9 =	sadd.s32 $0xFFFFFEF7, lr;
	s5 =	simm.s32 $0xFFFFFFFF;
	p2 =	slt.u32 s8, $0xFFFFF086  }
0x1c: {  	p1 =	slt.u32 s9, $0xF7A;
	s5 =	simm.s32 @!p2 $0x0  }
0x1d: {  	s5 =	simm.s32 @p1 $0x1;
	p0 =	seq.s32 s7, s2  }
0x1e: {  	s7 =	smul.u32 @!p0 $0xF7A, s2;
	p2 =	seq.s32 @!p0 s5, $0x0  }
0x1f: {  	s9 =	smul.u32 $0xF7A, s1;
	s8 =	simm.s32 @!p0 $0x1BF5;
	p2 =	por !p2, p0  }
0x20: {  	[sflag:s8] =	ssyncset.s32 @!p0 $0xFFFFF086;
	s6 =	sadd.s32 @!p0 s3, s7;
	s7 =	simm.s32 @!p0 $0x108  }
0x21: {  	s3 =	sadd.s32 s3, s9;
	s6 =	sadd.s32 @!p0 $0x88, s6;
	s7 =	simm.s32 @p2 $0x1082  }
0x22: {  	[simem:s7], [sflag:s8] =	dma.local @!p0 [hbm:s6], $0xF7A  }
0x23: {  	s9 =	sor.u32 $0xD0000000, s2;
	s6 =	simm.s32 $0x108;
	_ =	swait.ge @!p0 [sflag:s8], $0x0  }
0x24: {  	s3 =	sadd.s32 $0x88, s3;
	s6 =	simm.s32 @!p1 $0x1082;
	[sflag:s4] =	ssyncset.s32 $0xFFFFF086  }
0x25: {  	[simem:s6], [sflag:s4] =	dma.local [hbm:s3], $0xF7A  }
0x26: {  	[smem:$0x3F7D] =	sst s1;
	(tag) =	ssettag s2;
	_ =	strace s9  }
0x27: {  	s1 =	sld [smem:$0x3F8D]  }
0x28: {  	s2 =	sld [smem:$0x3F8E]  }
0x29: {  	s4 =	sld [smem:$0x3F90]  }
0x2a: {  	p0 =	seq.s32 s5, $0x0;
	s5 =	sld [smem:$0x3F91]  }
0x2b: {  	s6 =	sld [smem:$0x3F92]  }
0x2c: {  	s7 =	sld [smem:$0x3F93]  }
0x2d: {  	s3 =	simm.s32 $0x108;
	s8 =	sld [smem:$0x3F94]  }
0x2e: {  	s3 =	simm.s32 @!p0 $0x1082;
	s9 =	sld [smem:$0x3F95]  }
0x2f: {  	lr =	sadd.s32 s0, s3;
	s0 =	sld [smem:$0x3F8C]  }
0x30: {  	s3 =	sld [smem:$0x3F8F]  }
0x31: {  	[smem:$0x3F98] =	sst s10  }
0x32: {  	s10 =	sld [smem:$0x3F96];
	_ =	sdelay $0x3  }
0x33: {  	p0 =	seq.s32 s10, $0x1;
	s10 =	sld [smem:$0x3F98];
	_ =	sdelay $0x3  }
0x34: {  	[smem:$0x3F98] =	sst s10  }
0x35: {  	s10 =	sld [smem:$0x3F97];
	_ =	sdelay $0x3  }
0x36: {  	p1 =	seq.s32 s10, $0x1;
	s10 =	sld [smem:$0x3F98];
	_ =	sdelay $0x3  }
0x37: {  	[smem:$0x3F98] =	sst s10  }
0x38: {  	s10 =	sld [smem:$0x3F99]  }
0x39: {  	_ = 	snop;
	(pc) =	sbr.ind lr, $3  }
0x3a: {  	_ = 	snop  }
0x3b: {  	_ = 	snop  }
0x3c: {  	p2 =	seq.s32 s10, $0x1;
	s10 =	sld [smem:$0x3F98]  }
0x3d: {  	_ =	shalt  }
0x3e: {  	_ =	shalt  }
0x3f: {  	_ =	shalt  }
0x40: {  	_ =	shalt  }
0x41: {  	_ =	shalt  }
0x42: {  	_ =	shalt  }
0x43: {  	_ =	shalt  }
0x44: {  	_ =	shalt  }
0x45: {  	_ =	shalt  }
0x46: {  	_ =	shalt  }
0x47: {  	_ =	shalt  }
0x48: {  	_ =	shalt  }
0x49: {  	_ =	shalt  }
0x4a: {  	_ =	shalt  }
0x4b: {  	_ =	shalt  }
0x4c: {  	_ =	shalt  }
0x4d: {  	_ =	shalt  }
0x4e: {  	_ =	shalt  }
0x4f: {  	_ =	shalt  }
0x50: {  	_ =	shalt  }
0x51: {  	_ =	shalt  }
0x52: {  	_ =	shalt  }
0x53: {  	_ =	shalt  }
0x54: {  	_ =	shalt  }
0x55: {  	_ =	shalt  }
0x56: {  	_ =	shalt  }
0x57: {  	_ =	shalt  }
0x58: {  	_ =	shalt  }
0x59: {  	_ =	shalt  }
0x5a: {  	_ =	shalt  }
0x5b: {  	_ =	shalt  }
0x5c: {  	_ =	shalt  }
0x5d: {  	_ =	shalt  }
0x5e: {  	_ =	shalt  }
0x5f: {  	_ =	shalt  }
0x60: {  	_ =	shalt  }
0x61: {  	_ =	shalt  }
0x62: {  	_ =	shalt  }
0x63: {  	_ =	shalt  }
0x64: {  	_ =	shalt  }
0x65: {  	_ =	shalt  }
0x66: {  	_ =	shalt  }
0x67: {  	_ =	shalt  }
0x68: {  	_ =	shalt  }
0x69: {  	_ =	shalt  }
0x6a: {  	_ =	shalt  }
0x6b: {  	_ =	shalt  }
0x6c: {  	_ =	shalt  }
0x6d: {  	_ =	shalt  }
0x6e: {  	_ =	shalt  }
0x6f: {  	_ =	shalt  }
0x70: {  	_ =	shalt  }
0x71: {  	_ =	shalt  }
0x72: {  	_ =	shalt  }
0x73: {  	_ =	shalt  }
0x74: {  	_ =	shalt  }
0x75: {  	_ =	shalt  }
0x76: {  	_ =	shalt  }
0x77: {  	_ =	shalt  }
0x78: {  	_ =	shalt  }
0x79: {  	_ =	shalt  }
0x7a: {  	_ =	shalt  }
0x7b: {  	_ =	shalt  }
0x7c: {  	_ =	shalt  }
0x7d: {  	_ =	shalt  }
0x7e: {  	_ =	shalt  }
0x7f: {  	_ =	shalt  }
0x80: {  	_ =	shalt  }
0x81: {  	_ =	shalt  }
0x82: {  	_ =	shalt  }
0x83: {  	_ =	shalt  }
0x84: {  	_ =	shalt  }
0x85: {  	_ =	shalt  }
0x86: {  	_ =	shalt  }
0x87: {  	_ =	shalt  }
.Lfunc_end0:
.L_simem_size_0:
called_computation.1_lowered:
.L_overlay_start_0:
0x88: {  	s2 =	sld [smem:$0x3FD9]  }
0x89: {  	s3 =	sld [smem:$0x3FFE];
	_ =	sdelay $0x1  }
0x8a: {  	s1 =	srdreg.scid  }
0x8b: {  	s0 =	sand.u32 $0x1, s1  }
0x8c: {  	s17 =	sshll.u32 s0, $0xA;
	s2 =	sadd.s32 s3, s2  }
0x8d: {  	s2 =	sadd.s32 s2, s17  }
0x8e: {  	[smem:$0x3FA4] =	sst s2  }
0x8f: {  	_ = 	snop  }
0x90: {  	s2 =	sld [smem:$0x3FD0];
	(tm) =	ssettm $0x1  }
0x91: {  	s18 =	sld [smem:$0x3FFB];
	_ =	sdelay $0x3  }
0x92: {  	_ =	strace s18  }
0x93: {  	s3 =	sld [smem:$0x3FFC];
	_ =	sdelay $0x3  }
0x94: {  	_ =	strace s3  }
0x95: {  	s3 =	sld [smem:$0x3FFD];
	_ =	sdelay $0x3  }
0x96: {  	_ =	strace s3  }
0x97: {  	_ =	strace $0x8FFFFFFF  }
0x98: {  	s19 =	sld [smem:$0x3FDB];
	_ =	sdelay $0x1  }
0x99: {  	s4 =	simm.s32 $_scs_section_size  }
0x9a: {  	s5 =	simm.s32 $_size__tile_overlayer_lowered;
	s6 =	simm.s32 $_tile_overlayer_lowered  }
0x9b: {  	s22 =	simm.s32 $0x1BFF;
	s21 =	sshll.u32 s6, $0x1;
	s3 =	sadd.s32 s4, s19  }
0x9c: {  	s7 =	simm.s32 $0x0;
	s20 =	sshll.u32 s5, $0x1;
	s5 =	sadd.s32 s21, s3  }
0x9d: {  	[timem:s7], [sflag:s22] =	dma.local [hbm:s5], s20  }
0x9e: {  	_ =	swait.ge [sflag:s22], s20  }
0x9f: {  	s4 =	ssub.s32 $0x0, s20;
	[sflag:s22] =	ssyncset.done $0x0  }
0xa0: {  	[sflag:s22] =	ssyncadd.s32 s4;
	_ =	sdelay $0x1  }
0xa1: {  	s23 =	simm.s32 $0x1B8B  }
0xa2: {  	_ =	swait.ge [sflag:s23], $0x1  }
0xa3: {  	[sflag:s23] =	ssyncset.done $0x0  }
0xa4: {  	s25 =	simm.s32 $0x1B8E;
	s24 =	sld [smem:$0x3FFE];
	[sflag:s23] =	ssyncadd.s32 $0xFFFFFFFF  }
0xa5: {  	s26 =	simm.s32 $execute0_lowered;
	[smem:$0x3FD2] =	sst s25  }
0xa6: {  	s5 =	sshll.u32 s26, $0x1;
	_ =	strace $0x80000049;
	[dreg:$0x1] =	wrdreg $0xFFFFFFFF  }
0xa7: {  	s28 =	simm.s32 $_size_execute0_lowered;
	s3 =	sadd.s32 s3, s5;
	[dreg:$0x0] =	wrdreg $0x0  }
0xa8: {  	s5 =	sshll.u32 s28, $0x1;
	[dreg:$0x2] =	wrdreg s3  }
0xa9: {  	[dreg:$0x3] =	wrdreg s5  }
0xaa: {  	[dreg:$0x4] =	wrdreg $0xC0  }
0xab: {  	_ =	task [dreg:s7], $0x5FFFF  }
0xac: {  	[dreg:$0x1] =	wrdreg $0xFFFFFFFF  }
0xad: {  	[dreg:$0x0] =	wrdreg $0x60  }
0xae: {  	[dreg:$0x2] =	wrdreg s24  }
0xaf: {  	[dreg:$0x3] =	wrdreg s2  }
0xb0: {  	[dreg:$0x4] =	wrdreg $0xA8000  }
0xb1: {  	[dreg:$0x5] =	wrdreg $0x9  }
0xb2: {  	_ =	task.clear_ibuf [dreg:s7], $0x6FFFF;
	_ =	strace $0x90000049  }
0xb3: {  	s29 =	simm.s32 $0x9;
	_ =	strace $0x8000004B  }
0xb4: {  	_ =	swait.ge [sflag:s29], $0x1  }
0xb5: {  	[sflag:s29] =	ssyncadd.s32 $0xFFFFFFFF  }
0xb6: {  	_ =	strace $0x9000004B  }
0xb7: {  	_ =	sfence  }
0xb8: {  	s30 =	sld [smem:$0x0];
	_ =	sdelay $0x2  }
0xb9: {  	s31 =	sshll.u32 s1, $0xD;
	s1 =	sshrl.u32 s1, $0x2  }
0xba: {  	s3 =	sand.u32 $0x4000, s31;
	s1 =	sadd.s32 s1, s30  }
0xbb: {  	s0 =	sor.u32 s3, s0;
	s1 =	sshll.u32 s1, $0x11  }
0xbc: {  	s0 =	sor.u32 s1, s0  }
0xbd: {  	s0 =	sadd.s32 $0x8F2B, s0  }
0xbe: {  	[sflag:s0] =	ssyncadd.remote.s32 $0x1  }
0xbf: {  	_ =	sfence.sel $0xFFFF  }
0xc0: {  	[dreg:$0x0] =	wrdreg $0xFFFFFFFF;
	(pc) =	sbr.abs _section_cstart, $3  }
0xc1: {  	[dreg:$0x1] =	wrdreg $0xFFFFFFFF  }
0xc2: {  	_ =	task.clear_ibuf [dreg:s7], $0x2FFFF;
	_ =	strace $0x9FFFFFFF  }
0xc3: {  	(tm) =	ssettm $0x7FFFFFFF  }
tec
execute0_lowered:
.L_overlay_start_1:
0x0: {  	(tag) =	ssettag $0x1  }
0x1: {  	s0 =	rddreg [dreg:$0x0]  }
0x2: {  	s4 =	rddreg [dreg:$0x1]  }
0x3: {  	s2 =	rddreg [dreg:$0x2]  }
0x4: {  	s1 =	stileid.u32;
	s3 =	srdreg.scid;
	s17 =	simm.s32 $0x3  }
0x5: {  	s18 =	simm.s32 $0x1400;
	s19 =	simm.s32 $0x7D;
	s20 =	simm.s32 $0x2800  }
0x6: {  	s21 =	simm.s32 $0x80;
	s22 =	simm.s32 $0x6800;
	s28 =	simm.s32 $0x2  }
0x7: {  	s29 =	simm.s32 $0x2700;
	s30 =	simm.s32 $0x2780;
	s31 =	simm.s32 $0x0  }
0x8: {  	s8 =	sand.u32 $0x1, s3;
	s5 =	sshll.u32 s1, $0x1;
	s13 =	smul.u32 $0x2780, s1  }
0x9: {  	s3 =	simm.s32 $0x0;
	s10 =	smul.u32 $0x4F000, s1;
	s5 =	sor.u32 s8, s5  }
0xa: {  	[smem:$0x7FF] =	sst s3;
	s7 =	smul.u32 $0x27100, s8;
	s9 =	ssub.s32 $0x2, s8  }
0xb: {  	p3 =	seq.s32 s8, $0x1;
	s6 =	smul.u32 $0x500, s5;
	_ =	strace $0x8000004A  }
0xc: {  	s5 =	sadd.s32 $0x36E00, s0;
	s12 =	sadd.s32 s13, s0;
	s24 =	sshrl.u32 s9, $0x1  }
0xd: {  	s25 =	sshrl.u32 s10, $0x2;
	s1 =	smov.u32 s13;
	s10 =	sadd.s32 $0x128400, s2  }
0xe: {  	s15 =	sadd.s32 s7, s0;
	s16 =	ssub.s32 s9, s24;
	s9 =	stileid.u32  }
0xf: {  	s8 =	sadd.s32 s25, s2;
	s26 =	sadd.s32 s5, s13;
	s12 =	sadd.s32 $0xFC00, s12  }
0x10: {  	s13 =	sadd.s32 $0x34C80, s0;
	s11 =	sadd.s32 s6, s0;
	s6 =	sadd.s32 s4, s6  }
0x11: {  	[dreg:$0x4] =	wrdreg s26;
	s15 =	sadd.s32 $0x5E000, s15;
	s16 =	smax.u32 s16, $0x1  }
0x12: {  	p1 =	seq.s32 @p3 s9, $0xF;
	p4 =	seq.s32 @!p3 s9, $0xF;
	s26 =	simm.s32 $0x1  }
0x13: {  	s7 =	sadd.s32 $0x5C00, s11;
	s11 =	sadd.s32 $0x5BE80, s0;
	s14 =	sadd.s32 $0x280, s6  }
0x14: {  	p0 =	por p1, !p3;
	p1 =	por !p1, !p3;
	p2 =	por !p4, p3  }
0x15: {  	p3 =	por p4, p3;
	p4 =	seq.s32 s9, $0xF;
	s0 =	sshll.u32 @!p0 s9, $0x6  }
0x16: {  	s23 =	sshrl.u32 @!p1 s10, $0x3;
	s25 =	sshrl.u32 @!p0 s8, $0x3;
	s24 =	sor.u32 @!p0 $0x1C03, s0  }
.LBB2_1:
0x17: {  	[tilespmem:s3], [sflag:$0x3] =	stream.linear.gather [hbm4b:s6+s3], $0x1400, $0x38;
	[tilespmem:$0x1E080] =	vst v63  }
0x18: {  	_ =	swait.ge [sflag:s17], $0x1400  }
0x19: {  	[sflag:s17] =	ssyncset.done $0x0  }
0x1a: {  	[sflag:s17] =	ssyncadd.s32 $0xFFFFEC00  }
0x1b: {  	[tilespmem:s18], [sflag:$0x3] =	stream.linear.gather [hbm4b:s7+s3], $0x1400, $0x38;
	[tilespmem:$0x1E080] =	vst v63  }
0x1c: {  	_ =	swait.ge [sflag:s17], $0x1400  }
0x1d: {  	[sflag:s17] =	ssyncset.done $0x0  }
0x1e: {  	[sflag:s17] =	ssyncadd.s32 $0xFFFFEC00  }
0x1f: {  	[tilespmem:s20], [sflag:$0x1] =	stream.indirect.gather [hbm4b:s5+s19], $0x80, s3, s19, $0xb8;
	[tilespmem:$0x1E080] =	vst v63  }
0x20: {  	s0 =	simm.s32 @!p1 $0x1FC3  }
0x21: {  	[tilespmem:s22], [sflag:$0x2] =	stream.indirect.gather [hbm4b:s5+s19], $0x80, s21, s19, $0xb8;
	[tilespmem:$0x1E080] =	vst v63  }
0x22: {  	[spmem:s23], [sflag:s0] =	dma.local @!p1 [hbm:s13], $0x2080  }
0x23: {  	s0 =	simm.s32 @!p1 $0x3  }
0x24: {  	_ =	swait.ge @!p1 [sflag:s0], $0x2080  }
0x25: {  	[sflag:s0] =	ssyncset.done @!p1 $0x0  }
0x26: {  	[sflag:s0] =	ssyncadd.s32 @!p1 $0xFFFFDF80;
	s0 =	simm.s32 @!p0 $0x3  }
0x27: {  	[spmem:s25], [sflag:s24] =	dma.local @!p0 [hbm:s12], $0x2780  }
0x28: {  	_ =	swait.ge @!p0 [sflag:s0], $0x2780  }
0x29: {  	[sflag:s0] =	ssyncset.done @!p0 $0x0  }
0x2a: {  	s4 =	simm.s32 @!p2 $0x1FC3;
	[sflag:s0] =	ssyncadd.s32 @!p0 $0xFFFFD880;
	s0 =	sshrl.u32 @!p2 s10, $0x3  }
0x2b: {  	[spmem:s0], [sflag:s4] =	dma.local @!p2 [hbm:s11], $0x2080  }
0x2c: {  	s0 =	simm.s32 @!p2 $0x3  }
0x2d: {  	_ =	swait.ge @!p2 [sflag:s0], $0x2080  }
0x2e: {  	s4 =	sshll.u32 @!p3 s9, $0x6;
	[sflag:s0] =	ssyncset.done @!p2 $0x0;
	s9 =	rddreg [dreg:$0x4]  }
0x2f: {  	[sflag:s0] =	ssyncadd.s32 @!p2 $0xFFFFDF80;
	s0 =	sor.u32 @!p3 $0x1C03, s4;
	s4 =	sshrl.u32 @!p3 s8, $0x3  }
0x30: {  	[spmem:s4], [sflag:s0] =	dma.local @!p3 [hbm:s9], $0x2780  }
0x31: {  	s0 =	simm.s32 @!p3 $0x3  }
0x32: {  	_ =	swait.ge @!p3 [sflag:s0], $0x2780  }
0x33: {  	[sflag:s0] =	ssyncset.done @!p3 $0x0  }
0x34: {  	[sflag:s0] =	ssyncadd.s32 @!p3 $0xFFFFD880  }
0x35: {  	[bflag:$0x0] =	sbarrier.arrive $0xFFFF  }
0x36: {  	_ =	swait.ge [sflag:s26], $0x3E80  }
0x37: {  	[sflag:s26] =	ssyncset.done $0x0  }
0x38: {  	s9 =	simm.s32 $0x1400;
	[sflag:s26] =	ssyncadd.s32 $0xFFFFC180  }
0x39: {  	[spmem:s2] =	stream.indirect.scatter.add.f32 [tilespmem:s20], [sflag:$0x3], $0x80, s9, s19, $0xb8;
	[tilespmem:$0x1E080] =	vst v63  }
0x3a: {  	_ =	swait.ge [sflag:s17], $0x3E80  }
0x3b: {  	[sflag:s17] =	ssyncset.done $0x0  }
0x3c: {  	s4 =	simm.s32 $0x100;
	[sflag:s17] =	ssyncadd.s32 $0xFFFFC180  }
0x3d: {  	[tilespmem:s20], [sflag:$0x1] =	stream.indirect.gather [hbm4b:s5+s19], $0x80, s4, s19, $0xb8;
	[tilespmem:$0x1E080] =	vst v63  }
0x3e: {  	_ =	swait.ge [sflag:s28], $0x3E80  }
0x3f: {  	[sflag:s28] =	ssyncset.done $0x0  }
0x40: {  	s9 =	simm.s32 $0x1480;
	[sflag:s28] =	ssyncadd.s32 $0xFFFFC180  }
0x41: {  	[spmem:s2] =	stream.indirect.scatter.add.f32 [tilespmem:s22], [sflag:$0x3], $0x80, s9, s19, $0xb8;
	[tilespmem:$0x1E080] =	vst v63  }
0x42: {  	_ =	swait.ge [sflag:s17], $0x3E80  }
0x43: {  	[sflag:s17] =	ssyncset.done $0x0  }
0x44: {  	s0 =	simm.s32 $0x400;
	s4 =	simm.s32 $0x180;
	[sflag:s17] =	ssyncadd.s32 $0xFFFFC180  }
.LBB2_2:
0x45: {  	[tilespmem:s22], [sflag:$0x2] =	stream.indirect.gather [hbm4b:s5+s19], $0x80, s4, s19, $0xb8;
	[tilespmem:$0x1E080] =	vst v63  }
0x46: {  	s4 =	smov.u32 s0  }
0x47: {  	p5 =	sne.s32 s0, $0x4800;
	s0 =	sadd.s32 $0x400, s0;
	_ =	swait.ge [sflag:s26], $0x3E80  }
0x48: {  	s4 =	sshra.s32 s4, $0x2;
	[sflag:s26] =	ssyncset.done $0x0  }
0x49: {  	s9 =	sadd.s32 $0x1400, s4;
	[sflag:s26] =	ssyncadd.s32 $0xFFFFC180  }
0x4a: {  	[spmem:s2] =	stream.indirect.scatter.add.f32 [tilespmem:s20], [sflag:$0x3], $0x80, s9, s19, $0xb8;
	[tilespmem:$0x1E080] =	vst v63  }
0x4b: {  	_ =	swait.ge [sflag:s17], $0x3E80  }
0x4c: {  	[sflag:s17] =	ssyncset.done $0x0  }
0x4d: {  	s9 =	sadd.s32 $0x100, s4;
	[sflag:s17] =	ssyncadd.s32 $0xFFFFC180  }
0x4e: {  	[tilespmem:s20], [sflag:$0x1] =	stream.indirect.gather [hbm4b:s5+s19], $0x80, s9, s19, $0xb8;
	[tilespmem:$0x1E080] =	vst v63  }
0x4f: {  	_ =	swait.ge [sflag:s28], $0x3E80  }
0x50: {  	[sflag:s28] =	ssyncset.done $0x0  }
.Ltmp0:
0x51: {  	s9 =	sadd.s32 $0x1480, s4;
	[sflag:s28] =	ssyncadd.s32 $0xFFFFC180;
	(pc) =	sbr.rel @p5 .LBB2_2-.Ltmp0, $4  }
0x52: {  	[spmem:s2] =	stream.indirect.scatter.add.f32 [tilespmem:s22], [sflag:$0x3], $0x80, s9, s19, $0xb8;
	[tilespmem:$0x1E080] =	vst v63  }
0x53: {  	_ =	swait.ge [sflag:s17], $0x3E80  }
0x54: {  	[sflag:s17] =	ssyncset.done $0x0  }
0x55: {  	s4 =	sadd.s32 $0x180, s4;
	[sflag:s17] =	ssyncadd.s32 $0xFFFFC180  }
0x56: {  	[tilespmem:s22], [sflag:$0x2] =	stream.indirect.gather [hbm4b:s5+s19], $0x80, s4, s19, $0xb8;
	[tilespmem:$0x1E080] =	vst v63  }
0x57: {  	_ =	swait.ge [sflag:s26], $0x3E80  }
0x58: {  	[sflag:s26] =	ssyncset.done $0x0  }
0x59: {  	[sflag:s26] =	ssyncadd.s32 $0xFFFFC180  }
0x5a: {  	[spmem:s2] =	stream.indirect.scatter.add.f32 [tilespmem:s20], [sflag:$0x3], $0x80, s29, s19, $0xb8;
	[tilespmem:$0x1E080] =	vst v63  }
0x5b: {  	_ =	swait.ge [sflag:s17], $0x3E80  }
0x5c: {  	[sflag:s17] =	ssyncset.done $0x0  }
0x5d: {  	[sflag:s17] =	ssyncadd.s32 $0xFFFFC180  }
0x5e: {  	_ =	swait.ge [sflag:s28], $0x3E80  }
0x5f: {  	[sflag:s28] =	ssyncset.done $0x0  }
0x60: {  	[sflag:s28] =	ssyncadd.s32 $0xFFFFC180  }
0x61: {  	[spmem:s2] =	stream.indirect.scatter.add.f32 [tilespmem:s22], [sflag:$0x3], $0x80, s30, s19, $0xb8;
	[tilespmem:$0x1E080] =	vst v63  }
0x62: {  	_ =	swait.ge [sflag:s17], $0x3E80  }
0x63: {  	[sflag:s17] =	ssyncset.done $0x0  }
0x64: {  	s0 =	simm.s32 $0x0;
	[sflag:s17] =	ssyncadd.s32 $0xFFFFC180  }
0x65: {  	[tilespmem:s0], [sflag:$0x3] =	stream.linear.gather [hbm4b:s14+s0], $0x1400, $0x38;
	[tilespmem:$0x1E080] =	vst v63  }
0x66: {  	_ =	swait.ge [sflag:s17], $0x1400  }
0x67: {  	[sflag:s17] =	ssyncset.done $0x0  }
0x68: {  	s9 =	sadd.s32 $0x280, s7;
	[sflag:s17] =	ssyncadd.s32 $0xFFFFEC00  }
0x69: {  	[tilespmem:s18], [sflag:$0x3] =	stream.linear.gather [hbm4b:s9+s0], $0x1400, $0x38;
	[tilespmem:$0x1E080] =	vst v63  }
0x6a: {  	_ =	swait.ge [sflag:s17], $0x1400  }
0x6b: {  	[sflag:s17] =	ssyncset.done $0x0  }
0x6c: {  	[sflag:s17] =	ssyncadd.s32 $0xFFFFEC00  }
0x6d: {  	[tilespmem:s20], [sflag:$0x1] =	stream.indirect.gather [hbm4b:s5+s19], $0x80, s0, s19, $0xb8;
	[tilespmem:$0x1E080] =	vst v63  }
0x6e: {  	_ = 	snop  }
0x6f: {  	[tilespmem:s22], [sflag:$0x2] =	stream.indirect.gather [hbm4b:s5+s19], $0x80, s21, s19, $0xb8;
	[tilespmem:$0x1E080] =	vst v63  }
0x70: {  	_ =	swait.ge [sflag:s26], $0x3E80  }
0x71: {  	[sflag:s26] =	ssyncset.done $0x0  }
0x72: {  	s9 =	simm.s32 $0x1400;
	[sflag:s26] =	ssyncadd.s32 $0xFFFFC180  }
0x73: {  	[spmem:s2] =	stream.indirect.scatter.add.f32 [tilespmem:s20], [sflag:$0x3], $0x80, s9, s19, $0xb8;
	[tilespmem:$0x1E080] =	vst v63  }
0x74: {  	_ =	swait.ge [sflag:s17], $0x3E80  }
0x75: {  	[sflag:s17] =	ssyncset.done $0x0  }
0x76: {  	s4 =	simm.s32 $0x100;
	[sflag:s17] =	ssyncadd.s32 $0xFFFFC180  }
0x77: {  	[tilespmem:s20], [sflag:$0x1] =	stream.indirect.gather [hbm4b:s5+s19], $0x80, s4, s19, $0xb8;
	[tilespmem:$0x1E080] =	vst v63  }
0x78: {  	_ =	swait.ge [sflag:s28], $0x3E80  }
0x79: {  	[sflag:s28] =	ssyncset.done $0x0  }
0x7a: {  	s9 =	simm.s32 $0x1480;
	[sflag:s28] =	ssyncadd.s32 $0xFFFFC180  }
0x7b: {  	[spmem:s2] =	stream.indirect.scatter.add.f32 [tilespmem:s22], [sflag:$0x3], $0x80, s9, s19, $0xb8;
	[tilespmem:$0x1E080] =	vst v63  }
0x7c: {  	_ =	swait.ge [sflag:s17], $0x3E80  }
0x7d: {  	[sflag:s17] =	ssyncset.done $0x0  }
0x7e: {  	s0 =	simm.s32 $0x400;
	s4 =	simm.s32 $0x180;
	[sflag:s17] =	ssyncadd.s32 $0xFFFFC180  }
.LBB2_4:
0x7f: {  	[tilespmem:s22], [sflag:$0x2] =	stream.indirect.gather [hbm4b:s5+s19], $0x80, s4, s19, $0xb8;
	[tilespmem:$0x1E080] =	vst v63  }
0x80: {  	s4 =	smov.u32 s0  }
0x81: {  	p5 =	sne.s32 s0, $0x4800;
	s0 =	sadd.s32 $0x400, s0;
	_ =	swait.ge [sflag:s26], $0x3E80  }
0x82: {  	s4 =	sshra.s32 s4, $0x2;
	[sflag:s26] =	ssyncset.done $0x0  }
0x83: {  	s9 =	sadd.s32 $0x1400, s4;
	[sflag:s26] =	ssyncadd.s32 $0xFFFFC180  }
0x84: {  	[spmem:s2] =	stream.indirect.scatter.add.f32 [tilespmem:s20], [sflag:$0x3], $0x80, s9, s19, $0xb8;
	[tilespmem:$0x1E080] =	vst v63  }
0x85: {  	_ =	swait.ge [sflag:s17], $0x3E80  }
0x86: {  	[sflag:s17] =	ssyncset.done $0x0  }
0x87: {  	s9 =	sadd.s32 $0x100, s4;
	[sflag:s17] =	ssyncadd.s32 $0xFFFFC180  }
0x88: {  	[tilespmem:s20], [sflag:$0x1] =	stream.indirect.gather [hbm4b:s5+s19], $0x80, s9, s19, $0xb8;
	[tilespmem:$0x1E080] =	vst v63  }
0x89: {  	_ =	swait.ge [sflag:s28], $0x3E80  }
0x8a: {  	[sflag:s28] =	ssyncset.done $0x0  }
.Ltmp1:
0x8b: {  	s9 =	sadd.s32 $0x1480, s4;
	[sflag:s28] =	ssyncadd.s32 $0xFFFFC180;
	(pc) =	sbr.rel @p5 .LBB2_4-.Ltmp1, $4  }
0x8c: {  	[spmem:s2] =	stream.indirect.scatter.add.f32 [tilespmem:s22], [sflag:$0x3], $0x80, s9, s19, $0xb8;
	[tilespmem:$0x1E080] =	vst v63  }
0x8d: {  	_ =	swait.ge [sflag:s17], $0x3E80  }
0x8e: {  	[sflag:s17] =	ssyncset.done $0x0  }
0x8f: {  	s4 =	sadd.s32 $0x180, s4;
	[sflag:s17] =	ssyncadd.s32 $0xFFFFC180  }
0x90: {  	[tilespmem:s22], [sflag:$0x2] =	stream.indirect.gather [hbm4b:s5+s19], $0x80, s4, s19, $0xb8;
	[tilespmem:$0x1E080] =	vst v63  }
0x91: {  	_ =	swait.ge [sflag:s26], $0x3E80  }
0x92: {  	[sflag:s26] =	ssyncset.done $0x0  }
0x93: {  	[sflag:s26] =	ssyncadd.s32 $0xFFFFC180  }
0x94: {  	[spmem:s2] =	stream.indirect.scatter.add.f32 [tilespmem:s20], [sflag:$0x3], $0x80, s29, s19, $0xb8;
	[tilespmem:$0x1E080] =	vst v63  }
0x95: {  	_ =	swait.ge [sflag:s17], $0x3E80  }
0x96: {  	[sflag:s17] =	ssyncset.done $0x0  }
0x97: {  	[sflag:s17] =	ssyncadd.s32 $0xFFFFC180  }
0x98: {  	_ =	swait.ge [sflag:s28], $0x3E80  }
0x99: {  	[sflag:s28] =	ssyncset.done $0x0  }
0x9a: {  	[sflag:s28] =	ssyncadd.s32 $0xFFFFC180  }
0x9b: {  	[spmem:s2] =	stream.indirect.scatter.add.f32 [tilespmem:s22], [sflag:$0x3], $0x80, s30, s19, $0xb8;
	[tilespmem:$0x1E080] =	vst v63  }
0x9c: {  	_ =	swait.ge [sflag:s17], $0x3E80  }
0x9d: {  	[sflag:s17] =	ssyncset.done $0x0  }
0x9e: {  	s0 =	sadd.s32 @p4 $0x25080, s15;
	[sflag:s17] =	ssyncadd.s32 $0xFFFFC180  }
0x9f: {  	s4 =	sshrl.u32 @p4 s10, $0x3;
	s9 =	simm.s32 @p4 $0x1FC3;
	[bflag:$0x0] =	sbarrier.arrive $0xFFFF  }
0xa0: {  	[hbm:s0], [sflag:s9] =	dma.local @p4 [spmem:s4], $0x2080  }
0xa1: {  	s0 =	simm.s32 @p4 $0x3  }
0xa2: {  	_ =	swait.ge @p4 [sflag:s0], $0x2080  }
0xa3: {  	[sflag:s0] =	ssyncset.done @p4 $0x0  }
0xa4: {  	s31 =	sadd.s32 $0x1, s31;
	[sflag:s0] =	ssyncadd.s32 @p4 $0xFFFFDF80;
	s0 =	stileid.u32  }
0xa5: {  	p5 =	sne.s32 s31, s16;
	s0 =	sshll.u32 @!p4 s0, $0x6  }
0xa6: {  	s4 =	sadd.s32 @!p4 s1, s15;
	s9 =	sshrl.u32 @!p4 s8, $0x3;
	s0 =	sor.u32 @!p4 $0x1C03, s0  }
0xa7: {  	[hbm:s4], [sflag:s0] =	dma.local @!p4 [spmem:s9], $0x2780  }
.Ltmp2:
0xa8: {  	_ = 	snop;
	(pc) =	sbr.rel @p5 .LBB2_1-.Ltmp2, $4  }
0xa9: {  	s0 =	simm.s32 @!p4 $0x3  }
0xaa: {  	_ =	swait.ge @!p4 [sflag:s0], $0x2780  }
0xab: {  	[sflag:s0] =	ssyncset.done @!p4 $0x0  }
0xac: {  	s9 =	stileid.u32;
	[sflag:s0] =	ssyncadd.s32 @!p4 $0xFFFFD880  }
0xad: {  	_ =	sfence.sel $0x180000  }
0xae: {  	[bflag:$0x0] =	sbarrier.arrive $0xFFFF  }
0xaf: {  	_ =	strace $0x9000004A  }
0xb0: {  	[bflag:$0x2] =	sbarrier.arrive $0xFFFF  }
0xb1: {  	p0 =	sne.s32 s9, $0x0;
	s0 =	rddreg [dreg:$0x3]  }
0xb2: {  	s0 =	sadd.s32 @!p0 $0x100000, s0  }
0xb3: {  	[sflag:s0] =	ssyncadd.tile.s32 @!p0 $0x1;
	_ =	shalt  }
.Lfunc_end2:
_tile_overlayer_lowered:
.L_overlay_start_2:
0xb4: {  	(tag) =	ssettag $0x2  }
0xb5: {  	s0 =	rddreg [dreg:$0x0];
	s2 =	stileid.u32  }
0xb6: {  	s1 =	rddreg [dreg:$0x1];
	p0 =	sne.s32 s2, $0x0  }
0xb7: {  	s3 =	rddreg [dreg:$0x2];
	[bflag:$0x3] =	sbarrier.arrive $0xFFFF;
	s2 =	simm.s32 @!p0 $0x1C03  }
0xb8: {  	[timem:s3], [sflag:s2] =	dma.local @!p0 [hbm:s0], s1  }
0xb9: {  	s0 =	simm.s32 @!p0 $0x3  }
0xba: {  	_ =	swait.ge @!p0 [sflag:s0], s1  }
0xbb: {  	s1 =	ssub.s32 @!p0 $0x0, s1;
	[sflag:s0] =	ssyncset.done @!p0 $0x0  }
0xbc: {  	[sflag:s0] =	ssyncadd.s32 @!p0 s1  }
0xbd: {  	[bflag:$0x3] =	sbarrier.arrive $0xFFFF  }
0xbe: {  	_ =	shalt  }

// kernel: kernel.18.cloned.1.call-start
scs
__scs_entry_jumppad:
0x0: {  	(pc) =	sbr.rel $0x88, $3  }
0x1: {  	(tag) =	ssettag $0x0;
	lr =	simm.s32 $0x1  }
0x2: {  	[smem:$0x3F7D] =	sst lr;
	_ =	strace $0xD0000000  }
0x3: {  	_ = 	snop  }
0x4: {  	_ = 	snop  }
0x5: {  	_ = 	snop  }
0x6: {  	_ = 	snop  }
0x7: {  	_ = 	snop  }
__scs_overlays_trampoline_lowered:
0x8: {  	[smem:$0x3F8C] =	sst s0  }
0x9: {  	[smem:$0x3F8D] =	sst s1  }
0xa: {  	[smem:$0x3F8E] =	sst s2  }
0xb: {  	[smem:$0x3F8F] =	sst s3  }
0xc: {  	[smem:$0x3F90] =	sst s4  }
0xd: {  	[smem:$0x3F91] =	sst s5  }
0xe: {  	[smem:$0x3F92] =	sst s6  }
0xf: {  	[smem:$0x3F93] =	sst s7  }
0x10: {  	[smem:$0x3F94] =	sst s8  }
0x11: {  	[smem:$0x3F95] =	sst s9;
	s0 =	simm.s32 @!p0 $0x0  }
0x12: {  	s1 =	sld [smem:$0x3F7B];
	s0 =	simm.s32 @p0 $0x1  }
0x13: {  	[smem:$0x3F96] =	sst s0;
	s0 =	simm.s32 @!p1 $0x0  }
0x14: {  	s2 =	sld [smem:$0x3F7A];
	s0 =	simm.s32 @p1 $0x1  }
0x15: {  	[smem:$0x3F97] =	sst s0;
	s0 =	simm.s32 @!p2 $0x0  }
0x16: {  	s3 =	sld [smem:$0x3FDB];
	s0 =	simm.s32 @p2 $0x1  }
0x17: {  	s4 =	simm.s32 $0x1BF5;
	[smem:$0x3F99] =	sst s0  }
0x18: {  	s0 =	sld [smem:$0x3F7C];
	_ =	swait.ge [sflag:s4], $0x0  }
0x19: {  	s7 =	sld [smem:$0x3F7D]  }
0x1a: {  	s8 =	sadd.s32 $0xFFFFE003, lr  }
0x1b: {  	s9 =	sadd.s32 $0xFFFFFEF7, lr;
	s5 =	simm.s32 $0xFFFFFFFF;
	p2 =	slt.u32 s8, $0xFFFFF086  }
0x1c: {  	p1 =	slt.u32 s9, $0xF7A;
	s5 =	simm.s32 @!p2 $0x0  }
0x1d: {  	s5 =	simm.s32 @p1 $0x1;
	p0 =	seq.s32 s7, s2  }
0x1e: {  	s7 =	smul.u32 @!p0 $0xF7A, s2;
	p2 =	seq.s32 @!p0 s5, $0x0  }
0x1f: {  	s9 =	smul.u32 $0xF7A, s1;
	s8 =	simm.s32 @!p0 $0x1BF5;
	p2 =	por !p2, p0  }
0x20: {  	[sflag:s8] =	ssyncset.s32 @!p0 $0xFFFFF086;
	s6 =	sadd.s32 @!p0 s3, s7;
	s7 =	simm.s32 @!p0 $0x108  }
0x21: {  	s3 =	sadd.s32 s3, s9;
	s6 =	sadd.s32 @!p0 $0x88, s6;
	s7 =	simm.s32 @p2 $0x1082  }
0x22: {  	[simem:s7], [sflag:s8] =	dma.local @!p0 [hbm:s6], $0xF7A  }
0x23: {  	s9 =	sor.u32 $0xD0000000, s2;
	s6 =	simm.s32 $0x108;
	_ =	swait.ge @!p0 [sflag:s8], $0x0  }
0x24: {  	s3 =	sadd.s32 $0x88, s3;
	s6 =	simm.s32 @!p1 $0x1082;
	[sflag:s4] =	ssyncset.s32 $0xFFFFF086  }
0x25: {  	[simem:s6], [sflag:s4] =	dma.local [hbm:s3], $0xF7A  }
0x26: {  	[smem:$0x3F7D] =	sst s1;
	(tag) =	ssettag s2;
	_ =	strace s9  }
0x27: {  	s1 =	sld [smem:$0x3F8D]  }
0x28: {  	s2 =	sld [smem:$0x3F8E]  }
0x29: {  	s4 =	sld [smem:$0x3F90]  }
0x2a: {  	p0 =	seq.s32 s5, $0x0;
	s5 =	sld [smem:$0x3F91]  }
0x2b: {  	s6 =	sld [smem:$0x3F92]  }
0x2c: {  	s7 =	sld [smem:$0x3F93]  }
0x2d: {  	s3 =	simm.s32 $0x108;
	s8 =	sld [smem:$0x3F94]  }
0x2e: {  	s3 =	simm.s32 @!p0 $0x1082;
	s9 =	sld [smem:$0x3F95]  }
0x2f: {  	lr =	sadd.s32 s0, s3;
	s0 =	sld [smem:$0x3F8C]  }
0x30: {  	s3 =	sld [smem:$0x3F8F]  }
0x31: {  	[smem:$0x3F98] =	sst s10  }
0x32: {  	s10 =	sld [smem:$0x3F96];
	_ =	sdelay $0x3  }
0x33: {  	p0 =	seq.s32 s10, $0x1;
	s10 =	sld [smem:$0x3F98];
	_ =	sdelay $0x3  }
0x34: {  	[smem:$0x3F98] =	sst s10  }
0x35: {  	s10 =	sld [smem:$0x3F97];
	_ =	sdelay $0x3  }
0x36: {  	p1 =	seq.s32 s10, $0x1;
	s10 =	sld [smem:$0x3F98];
	_ =	sdelay $0x3  }
0x37: {  	[smem:$0x3F98] =	sst s10  }
0x38: {  	s10 =	sld [smem:$0x3F99]  }
0x39: {  	_ = 	snop;
	(pc) =	sbr.ind lr, $3  }
0x3a: {  	_ = 	snop  }
0x3b: {  	_ = 	snop  }
0x3c: {  	p2 =	seq.s32 s10, $0x1;
	s10 =	sld [smem:$0x3F98]  }
0x3d: {  	_ =	shalt  }
0x3e: {  	_ =	shalt  }
0x3f: {  	_ =	shalt  }
0x40: {  	_ =	shalt  }
0x41: {  	_ =	shalt  }
0x42: {  	_ =	shalt  }
0x43: {  	_ =	shalt  }
0x44: {  	_ =	shalt  }
0x45: {  	_ =	shalt  }
0x46: {  	_ =	shalt  }
0x47: {  	_ =	shalt  }
0x48: {  	_ =	shalt  }
0x49: {  	_ =	shalt  }
0x4a: {  	_ =	shalt  }
0x4b: {  	_ =	shalt  }
0x4c: {  	_ =	shalt  }
0x4d: {  	_ =	shalt  }
0x4e: {  	_ =	shalt  }
0x4f: {  	_ =	shalt  }
0x50: {  	_ =	shalt  }
0x51: {  	_ =	shalt  }
0x52: {  	_ =	shalt  }
0x53: {  	_ =	shalt  }
0x54: {  	_ =	shalt  }
0x55: {  	_ =	shalt  }
0x56: {  	_ =	shalt  }
0x57: {  	_ =	shalt  }
0x58: {  	_ =	shalt  }
0x59: {  	_ =	shalt  }
0x5a: {  	_ =	shalt  }
0x5b: {  	_ =	shalt  }
0x5c: {  	_ =	shalt  }
0x5d: {  	_ =	shalt  }
0x5e: {  	_ =	shalt  }
0x5f: {  	_ =	shalt  }
0x60: {  	_ =	shalt  }
0x61: {  	_ =	shalt  }
0x62: {  	_ =	shalt  }
0x63: {  	_ =	shalt  }
0x64: {  	_ =	shalt  }
0x65: {  	_ =	shalt  }
0x66: {  	_ =	shalt  }
0x67: {  	_ =	shalt  }
0x68: {  	_ =	shalt  }
0x69: {  	_ =	shalt  }
0x6a: {  	_ =	shalt  }
0x6b: {  	_ =	shalt  }
0x6c: {  	_ =	shalt  }
0x6d: {  	_ =	shalt  }
0x6e: {  	_ =	shalt  }
0x6f: {  	_ =	shalt  }
0x70: {  	_ =	shalt  }
0x71: {  	_ =	shalt  }
0x72: {  	_ =	shalt  }
0x73: {  	_ =	shalt  }
0x74: {  	_ =	shalt  }
0x75: {  	_ =	shalt  }
0x76: {  	_ =	shalt  }
0x77: {  	_ =	shalt  }
0x78: {  	_ =	shalt  }
0x79: {  	_ =	shalt  }
0x7a: {  	_ =	shalt  }
0x7b: {  	_ =	shalt  }
0x7c: {  	_ =	shalt  }
0x7d: {  	_ =	shalt  }
0x7e: {  	_ =	shalt  }
0x7f: {  	_ =	shalt  }
0x80: {  	_ =	shalt  }
0x81: {  	_ =	shalt  }
0x82: {  	_ =	shalt  }
0x83: {  	_ =	shalt  }
0x84: {  	_ =	shalt  }
0x85: {  	_ =	shalt  }
0x86: {  	_ =	shalt  }
0x87: {  	_ =	shalt  }
.Lfunc_end0:
.L_simem_size_0:
called_computation.2_lowered:
.L_overlay_start_0:
0x88: {  	s2 =	sld [smem:$0x3FD9]  }
0x89: {  	s3 =	sld [smem:$0x3FFE];
	_ =	sdelay $0x1  }
0x8a: {  	s1 =	srdreg.scid  }
0x8b: {  	s0 =	sand.u32 $0x1, s1  }
0x8c: {  	s17 =	sshll.u32 s0, $0xA;
	s2 =	sadd.s32 s3, s2  }
0x8d: {  	s2 =	sadd.s32 s2, s17  }
0x8e: {  	[smem:$0x3FA4] =	sst s2  }
0x8f: {  	_ = 	snop  }
0x90: {  	s2 =	sld [smem:$0x3FD0];
	(tm) =	ssettm $0x1  }
0x91: {  	s18 =	sld [smem:$0x3FFB];
	_ =	sdelay $0x3  }
0x92: {  	_ =	strace s18  }
0x93: {  	s3 =	sld [smem:$0x3FFC];
	_ =	sdelay $0x3  }
0x94: {  	_ =	strace s3  }
0x95: {  	s3 =	sld [smem:$0x3FFD];
	_ =	sdelay $0x3  }
0x96: {  	_ =	strace s3  }
0x97: {  	_ =	strace $0x8FFFFFFF  }
0x98: {  	s19 =	sld [smem:$0x3FDB];
	_ =	sdelay $0x1  }
0x99: {  	s4 =	simm.s32 $_scs_section_size  }
0x9a: {  	s5 =	simm.s32 $_size__tile_overlayer_lowered;
	s6 =	simm.s32 $_tile_overlayer_lowered  }
0x9b: {  	s22 =	simm.s32 $0x1BFF;
	s21 =	sshll.u32 s6, $0x1;
	s3 =	sadd.s32 s4, s19  }
0x9c: {  	s7 =	simm.s32 $0x0;
	s20 =	sshll.u32 s5, $0x1;
	s5 =	sadd.s32 s21, s3  }
0x9d: {  	[timem:s7], [sflag:s22] =	dma.local [hbm:s5], s20  }
0x9e: {  	_ =	swait.ge [sflag:s22], s20  }
0x9f: {  	s4 =	ssub.s32 $0x0, s20;
	[sflag:s22] =	ssyncset.done $0x0  }
0xa0: {  	[sflag:s22] =	ssyncadd.s32 s4;
	_ =	sdelay $0x1  }
0xa1: {  	s23 =	simm.s32 $0x1B8B  }
0xa2: {  	_ =	swait.ge [sflag:s23], $0x1  }
0xa3: {  	[sflag:s23] =	ssyncset.done $0x0  }
0xa4: {  	s25 =	simm.s32 $0x1B8E;
	s24 =	sld [smem:$0x3FFE];
	[sflag:s23] =	ssyncadd.s32 $0xFFFFFFFF  }
0xa5: {  	s26 =	simm.s32 $execute0_lowered;
	[smem:$0x3FD2] =	sst s25  }
0xa6: {  	s5 =	sshll.u32 s26, $0x1;
	_ =	strace $0x8000004C;
	[dreg:$0x1] =	wrdreg $0xFFFFFFFF  }
0xa7: {  	s28 =	simm.s32 $_size_execute0_lowered;
	s3 =	sadd.s32 s3, s5;
	[dreg:$0x0] =	wrdreg $0x0  }
0xa8: {  	s5 =	sshll.u32 s28, $0x1;
	[dreg:$0x2] =	wrdreg s3  }
0xa9: {  	[dreg:$0x3] =	wrdreg s5  }
0xaa: {  	[dreg:$0x4] =	wrdreg $0xC0  }
0xab: {  	_ =	task [dreg:s7], $0x5FFFF  }
0xac: {  	[dreg:$0x1] =	wrdreg $0xFFFFFFFF  }
0xad: {  	[dreg:$0x0] =	wrdreg $0x60  }
0xae: {  	[dreg:$0x2] =	wrdreg s24  }
0xaf: {  	[dreg:$0x3] =	wrdreg s2  }
0xb0: {  	[dreg:$0x4] =	wrdreg $0xA8000  }
0xb1: {  	[dreg:$0x5] =	wrdreg $0x9  }
0xb2: {  	_ =	task.clear_ibuf [dreg:s7], $0x6FFFF;
	_ =	strace $0x9000004C  }
0xb3: {  	s29 =	simm.s32 $0x9;
	_ =	strace $0x8000004E  }
0xb4: {  	_ =	swait.ge [sflag:s29], $0x1  }
0xb5: {  	[sflag:s29] =	ssyncadd.s32 $0xFFFFFFFF  }
0xb6: {  	_ =	strace $0x9000004E  }
0xb7: {  	_ =	sfence  }
0xb8: {  	s30 =	sld [smem:$0x0];
	_ =	sdelay $0x2  }
0xb9: {  	s31 =	sshll.u32 s1, $0xD;
	s1 =	sshrl.u32 s1, $0x2  }
0xba: {  	s3 =	sand.u32 $0x4000, s31;
	s1 =	sadd.s32 s1, s30  }
0xbb: {  	s0 =	sor.u32 s3, s0;
	s1 =	sshll.u32 s1, $0x11  }
0xbc: {  	s0 =	sor.u32 s1, s0  }
0xbd: {  	s0 =	sadd.s32 $0x8F2B, s0  }
0xbe: {  	[sflag:s0] =	ssyncadd.remote.s32 $0x1  }
0xbf: {  	_ =	sfence.sel $0xFFFF  }
0xc0: {  	[dreg:$0x0] =	wrdreg $0xFFFFFFFF;
	(pc) =	sbr.abs _section_cstart, $3  }
0xc1: {  	[dreg:$0x1] =	wrdreg $0xFFFFFFFF  }
0xc2: {  	_ =	task.clear_ibuf [dreg:s7], $0x2FFFF;
	_ =	strace $0x9FFFFFFF  }
0xc3: {  	(tm) =	ssettm $0x7FFFFFFF  }
tec
execute0_lowered:
.L_overlay_start_1:
0x0: {  	(tag) =	ssettag $0x1  }
0x1: {  	s0 =	rddreg [dreg:$0x0]  }
0x2: {  	s4 =	rddreg [dreg:$0x1]  }
0x3: {  	s2 =	rddreg [dreg:$0x2]  }
0x4: {  	s1 =	stileid.u32;
	s3 =	srdreg.scid;
	s17 =	simm.s32 $0x3  }
0x5: {  	s18 =	simm.s32 $0x1400;
	s19 =	simm.s32 $0x7D;
	s20 =	simm.s32 $0x2800  }
0x6: {  	s21 =	simm.s32 $0x80;
	s22 =	simm.s32 $0x6800;
	s28 =	simm.s32 $0x2  }
0x7: {  	s29 =	simm.s32 $0x2700;
	s30 =	simm.s32 $0x2780;
	s31 =	simm.s32 $0x0  }
0x8: {  	s8 =	sand.u32 $0x1, s3;
	s5 =	sshll.u32 s1, $0x1;
	s13 =	smul.u32 $0x2780, s1  }
0x9: {  	s3 =	simm.s32 $0x0;
	s10 =	smul.u32 $0x4F000, s1;
	s5 =	sor.u32 s8, s5  }
0xa: {  	[smem:$0x7FF] =	sst s3;
	s7 =	smul.u32 $0x27100, s8;
	s9 =	ssub.s32 $0x2, s8  }
0xb: {  	p3 =	seq.s32 s8, $0x1;
	s6 =	smul.u32 $0x500, s5;
	_ =	strace $0x8000004D  }
0xc: {  	s5 =	sadd.s32 $0x36E00, s0;
	s12 =	sadd.s32 s13, s0;
	s24 =	sshrl.u32 s9, $0x1  }
0xd: {  	s25 =	sshrl.u32 s10, $0x2;
	s1 =	smov.u32 s13;
	s10 =	sadd.s32 $0x128400, s2  }
0xe: {  	s15 =	sadd.s32 s7, s0;
	s16 =	ssub.s32 s9, s24;
	s9 =	stileid.u32  }
0xf: {  	s8 =	sadd.s32 s25, s2;
	s26 =	sadd.s32 s5, s13;
	s12 =	sadd.s32 $0xFC00, s12  }
0x10: {  	s13 =	sadd.s32 $0x34C80, s0;
	s11 =	sadd.s32 s6, s0;
	s6 =	sadd.s32 s4, s6  }
0x11: {  	[dreg:$0x4] =	wrdreg s26;
	s15 =	sadd.s32 $0x5E000, s15;
	s16 =	smax.u32 s16, $0x1  }
0x12: {  	p1 =	seq.s32 @p3 s9, $0xF;
	p4 =	seq.s32 @!p3 s9, $0xF;
	s26 =	simm.s32 $0x1  }
0x13: {  	s7 =	sadd.s32 $0x5C00, s11;
	s11 =	sadd.s32 $0x5BE80, s0;
	s14 =	sadd.s32 $0x280, s6  }
0x14: {  	p0 =	por p1, !p3;
	p1 =	por !p1, !p3;
	p2 =	por !p4, p3  }
0x15: {  	p3 =	por p4, p3;
	p4 =	seq.s32 s9, $0xF;
	s0 =	sshll.u32 @!p0 s9, $0x6  }
0x16: {  	s23 =	sshrl.u32 @!p1 s10, $0x3;
	s25 =	sshrl.u32 @!p0 s8, $0x3;
	s24 =	sor.u32 @!p0 $0x1C03, s0  }
.LBB2_1:
0x17: {  	[tilespmem:s3], [sflag:$0x3] =	stream.linear.gather [hbm4b:s6+s3], $0x1400, $0x38;
	[tilespmem:$0x1E080] =	vst v63  }
0x18: {  	_ =	swait.ge [sflag:s17], $0x1400  }
0x19: {  	[sflag:s17] =	ssyncset.done $0x0  }
0x1a: {  	[sflag:s17] =	ssyncadd.s32 $0xFFFFEC00  }
0x1b: {  	[tilespmem:s18], [sflag:$0x3] =	stream.linear.gather [hbm4b:s7+s3], $0x1400, $0x38;
	[tilespmem:$0x1E080] =	vst v63  }
0x1c: {  	_ =	swait.ge [sflag:s17], $0x1400  }
0x1d: {  	[sflag:s17] =	ssyncset.done $0x0  }
0x1e: {  	[sflag:s17] =	ssyncadd.s32 $0xFFFFEC00  }
0x1f: {  	[tilespmem:s20], [sflag:$0x1] =	stream.indirect.gather [hbm4b:s5+s19], $0x80, s3, s19, $0xb8;
	[tilespmem:$0x1E080] =	vst v63  }
0x20: {  	s0 =	simm.s32 @!p1 $0x1FC3  }
0x21: {  	[tilespmem:s22], [sflag:$0x2] =	stream.indirect.gather [hbm4b:s5+s19], $0x80, s21, s19, $0xb8;
	[tilespmem:$0x1E080] =	vst v63  }
0x22: {  	[spmem:s23], [sflag:s0] =	dma.local @!p1 [hbm:s13], $0x2080  }
0x23: {  	s0 =	simm.s32 @!p1 $0x3  }
0x24: {  	_ =	swait.ge @!p1 [sflag:s0], $0x2080  }
0x25: {  	[sflag:s0] =	ssyncset.done @!p1 $0x0  }
0x26: {  	[sflag:s0] =	ssyncadd.s32 @!p1 $0xFFFFDF80;
	s0 =	simm.s32 @!p0 $0x3  }
0x27: {  	[spmem:s25], [sflag:s24] =	dma.local @!p0 [hbm:s12], $0x2780  }
0x28: {  	_ =	swait.ge @!p0 [sflag:s0], $0x2780  }
0x29: {  	[sflag:s0] =	ssyncset.done @!p0 $0x0  }
0x2a: {  	s4 =	simm.s32 @!p2 $0x1FC3;
	[sflag:s0] =	ssyncadd.s32 @!p0 $0xFFFFD880;
	s0 =	sshrl.u32 @!p2 s10, $0x3  }
0x2b: {  	[spmem:s0], [sflag:s4] =	dma.local @!p2 [hbm:s11], $0x2080  }
0x2c: {  	s0 =	simm.s32 @!p2 $0x3  }
0x2d: {  	_ =	swait.ge @!p2 [sflag:s0], $0x2080  }
0x2e: {  	s4 =	sshll.u32 @!p3 s9, $0x6;
	[sflag:s0] =	ssyncset.done @!p2 $0x0;
	s9 =	rddreg [dreg:$0x4]  }
0x2f: {  	[sflag:s0] =	ssyncadd.s32 @!p2 $0xFFFFDF80;
	s0 =	sor.u32 @!p3 $0x1C03, s4;
	s4 =	sshrl.u32 @!p3 s8, $0x3  }
0x30: {  	[spmem:s4], [sflag:s0] =	dma.local @!p3 [hbm:s9], $0x2780  }
0x31: {  	s0 =	simm.s32 @!p3 $0x3  }
0x32: {  	_ =	swait.ge @!p3 [sflag:s0], $0x2780  }
0x33: {  	[sflag:s0] =	ssyncset.done @!p3 $0x0  }
0x34: {  	[sflag:s0] =	ssyncadd.s32 @!p3 $0xFFFFD880  }
0x35: {  	[bflag:$0x0] =	sbarrier.arrive $0xFFFF  }
0x36: {  	_ =	swait.ge [sflag:s26], $0x3E80  }
0x37: {  	[sflag:s26] =	ssyncset.done $0x0  }
0x38: {  	s9 =	simm.s32 $0x1400;
	[sflag:s26] =	ssyncadd.s32 $0xFFFFC180  }
0x39: {  	[spmem:s2] =	stream.indirect.scatter.add.f32 [tilespmem:s20], [sflag:$0x3], $0x80, s9, s19, $0xb8;
	[tilespmem:$0x1E080] =	vst v63  }
0x3a: {  	_ =	swait.ge [sflag:s17], $0x3E80  }
0x3b: {  	[sflag:s17] =	ssyncset.done $0x0  }
0x3c: {  	s4 =	simm.s32 $0x100;
	[sflag:s17] =	ssyncadd.s32 $0xFFFFC180  }
0x3d: {  	[tilespmem:s20], [sflag:$0x1] =	stream.indirect.gather [hbm4b:s5+s19], $0x80, s4, s19, $0xb8;
	[tilespmem:$0x1E080] =	vst v63  }
0x3e: {  	_ =	swait.ge [sflag:s28], $0x3E80  }
0x3f: {  	[sflag:s28] =	ssyncset.done $0x0  }
0x40: {  	s9 =	simm.s32 $0x1480;
	[sflag:s28] =	ssyncadd.s32 $0xFFFFC180  }
0x41: {  	[spmem:s2] =	stream.indirect.scatter.add.f32 [tilespmem:s22], [sflag:$0x3], $0x80, s9, s19, $0xb8;
	[tilespmem:$0x1E080] =	vst v63  }
0x42: {  	_ =	swait.ge [sflag:s17], $0x3E80  }
0x43: {  	[sflag:s17] =	ssyncset.done $0x0  }
0x44: {  	s0 =	simm.s32 $0x400;
	s4 =	simm.s32 $0x180;
	[sflag:s17] =	ssyncadd.s32 $0xFFFFC180  }
.LBB2_2:
0x45: {  	[tilespmem:s22], [sflag:$0x2] =	stream.indirect.gather [hbm4b:s5+s19], $0x80, s4, s19, $0xb8;
	[tilespmem:$0x1E080] =	vst v63  }
0x46: {  	s4 =	smov.u32 s0  }
0x47: {  	p5 =	sne.s32 s0, $0x4800;
	s0 =	sadd.s32 $0x400, s0;
	_ =	swait.ge [sflag:s26], $0x3E80  }
0x48: {  	s4 =	sshra.s32 s4, $0x2;
	[sflag:s26] =	ssyncset.done $0x0  }
0x49: {  	s9 =	sadd.s32 $0x1400, s4;
	[sflag:s26] =	ssyncadd.s32 $0xFFFFC180  }
0x4a: {  	[spmem:s2] =	stream.indirect.scatter.add.f32 [tilespmem:s20], [sflag:$0x3], $0x80, s9, s19, $0xb8;
	[tilespmem:$0x1E080] =	vst v63  }
0x4b: {  	_ =	swait.ge [sflag:s17], $0x3E80  }
0x4c: {  	[sflag:s17] =	ssyncset.done $0x0  }
0x4d: {  	s9 =	sadd.s32 $0x100, s4;
	[sflag:s17] =	ssyncadd.s32 $0xFFFFC180  }
0x4e: {  	[tilespmem:s20], [sflag:$0x1] =	stream.indirect.gather [hbm4b:s5+s19], $0x80, s9, s19, $0xb8;
	[tilespmem:$0x1E080] =	vst v63  }
0x4f: {  	_ =	swait.ge [sflag:s28], $0x3E80  }
0x50: {  	[sflag:s28] =	ssyncset.done $0x0  }
.Ltmp0:
0x51: {  	s9 =	sadd.s32 $0x1480, s4;
	[sflag:s28] =	ssyncadd.s32 $0xFFFFC180;
	(pc) =	sbr.rel @p5 .LBB2_2-.Ltmp0, $4  }
0x52: {  	[spmem:s2] =	stream.indirect.scatter.add.f32 [tilespmem:s22], [sflag:$0x3], $0x80, s9, s19, $0xb8;
	[tilespmem:$0x1E080] =	vst v63  }
0x53: {  	_ =	swait.ge [sflag:s17], $0x3E80  }
0x54: {  	[sflag:s17] =	ssyncset.done $0x0  }
0x55: {  	s4 =	sadd.s32 $0x180, s4;
	[sflag:s17] =	ssyncadd.s32 $0xFFFFC180  }
0x56: {  	[tilespmem:s22], [sflag:$0x2] =	stream.indirect.gather [hbm4b:s5+s19], $0x80, s4, s19, $0xb8;
	[tilespmem:$0x1E080] =	vst v63  }
0x57: {  	_ =	swait.ge [sflag:s26], $0x3E80  }
0x58: {  	[sflag:s26] =	ssyncset.done $0x0  }
0x59: {  	[sflag:s26] =	ssyncadd.s32 $0xFFFFC180  }
0x5a: {  	[spmem:s2] =	stream.indirect.scatter.add.f32 [tilespmem:s20], [sflag:$0x3], $0x80, s29, s19, $0xb8;
	[tilespmem:$0x1E080] =	vst v63  }
0x5b: {  	_ =	swait.ge [sflag:s17], $0x3E80  }
0x5c: {  	[sflag:s17] =	ssyncset.done $0x0  }
0x5d: {  	[sflag:s17] =	ssyncadd.s32 $0xFFFFC180  }
0x5e: {  	_ =	swait.ge [sflag:s28], $0x3E80  }
0x5f: {  	[sflag:s28] =	ssyncset.done $0x0  }
0x60: {  	[sflag:s28] =	ssyncadd.s32 $0xFFFFC180  }
0x61: {  	[spmem:s2] =	stream.indirect.scatter.add.f32 [tilespmem:s22], [sflag:$0x3], $0x80, s30, s19, $0xb8;
	[tilespmem:$0x1E080] =	vst v63  }
0x62: {  	_ =	swait.ge [sflag:s17], $0x3E80  }
0x63: {  	[sflag:s17] =	ssyncset.done $0x0  }
0x64: {  	s0 =	simm.s32 $0x0;
	[sflag:s17] =	ssyncadd.s32 $0xFFFFC180  }
0x65: {  	[tilespmem:s0], [sflag:$0x3] =	stream.linear.gather [hbm4b:s14+s0], $0x1400, $0x38;
	[tilespmem:$0x1E080] =	vst v63  }
0x66: {  	_ =	swait.ge [sflag:s17], $0x1400  }
0x67: {  	[sflag:s17] =	ssyncset.done $0x0  }
0x68: {  	s9 =	sadd.s32 $0x280, s7;
	[sflag:s17] =	ssyncadd.s32 $0xFFFFEC00  }
0x69: {  	[tilespmem:s18], [sflag:$0x3] =	stream.linear.gather [hbm4b:s9+s0], $0x1400, $0x38;
	[tilespmem:$0x1E080] =	vst v63  }
0x6a: {  	_ =	swait.ge [sflag:s17], $0x1400  }
0x6b: {  	[sflag:s17] =	ssyncset.done $0x0  }
0x6c: {  	[sflag:s17] =	ssyncadd.s32 $0xFFFFEC00  }
0x6d: {  	[tilespmem:s20], [sflag:$0x1] =	stream.indirect.gather [hbm4b:s5+s19], $0x80, s0, s19, $0xb8;
	[tilespmem:$0x1E080] =	vst v63  }
0x6e: {  	_ = 	snop  }
0x6f: {  	[tilespmem:s22], [sflag:$0x2] =	stream.indirect.gather [hbm4b:s5+s19], $0x80, s21, s19, $0xb8;
	[tilespmem:$0x1E080] =	vst v63  }
0x70: {  	_ =	swait.ge [sflag:s26], $0x3E80  }
0x71: {  	[sflag:s26] =	ssyncset.done $0x0  }
0x72: {  	s9 =	simm.s32 $0x1400;
	[sflag:s26] =	ssyncadd.s32 $0xFFFFC180  }
0x73: {  	[spmem:s2] =	stream.indirect.scatter.add.f32 [tilespmem:s20], [sflag:$0x3], $0x80, s9, s19, $0xb8;
	[tilespmem:$0x1E080] =	vst v63  }
0x74: {  	_ =	swait.ge [sflag:s17], $0x3E80  }
0x75: {  	[sflag:s17] =	ssyncset.done $0x0  }
0x76: {  	s4 =	simm.s32 $0x100;
	[sflag:s17] =	ssyncadd.s32 $0xFFFFC180  }
0x77: {  	[tilespmem:s20], [sflag:$0x1] =	stream.indirect.gather [hbm4b:s5+s19], $0x80, s4, s19, $0xb8;
	[tilespmem:$0x1E080] =	vst v63  }
0x78: {  	_ =	swait.ge [sflag:s28], $0x3E80  }
0x79: {  	[sflag:s28] =	ssyncset.done $0x0  }
0x7a: {  	s9 =	simm.s32 $0x1480;
	[sflag:s28] =	ssyncadd.s32 $0xFFFFC180  }
0x7b: {  	[spmem:s2] =	stream.indirect.scatter.add.f32 [tilespmem:s22], [sflag:$0x3], $0x80, s9, s19, $0xb8;
	[tilespmem:$0x1E080] =	vst v63  }
0x7c: {  	_ =	swait.ge [sflag:s17], $0x3E80  }
0x7d: {  	[sflag:s17] =	ssyncset.done $0x0  }
0x7e: {  	s0 =	simm.s32 $0x400;
	s4 =	simm.s32 $0x180;
	[sflag:s17] =	ssyncadd.s32 $0xFFFFC180  }
.LBB2_4:
0x7f: {  	[tilespmem:s22], [sflag:$0x2] =	stream.indirect.gather [hbm4b:s5+s19], $0x80, s4, s19, $0xb8;
	[tilespmem:$0x1E080] =	vst v63  }
0x80: {  	s4 =	smov.u32 s0  }
0x81: {  	p5 =	sne.s32 s0, $0x4800;
	s0 =	sadd.s32 $0x400, s0;
	_ =	swait.ge [sflag:s26], $0x3E80  }
0x82: {  	s4 =	sshra.s32 s4, $0x2;
	[sflag:s26] =	ssyncset.done $0x0  }
0x83: {  	s9 =	sadd.s32 $0x1400, s4;
	[sflag:s26] =	ssyncadd.s32 $0xFFFFC180  }
0x84: {  	[spmem:s2] =	stream.indirect.scatter.add.f32 [tilespmem:s20], [sflag:$0x3], $0x80, s9, s19, $0xb8;
	[tilespmem:$0x1E080] =	vst v63  }
0x85: {  	_ =	swait.ge [sflag:s17], $0x3E80  }
0x86: {  	[sflag:s17] =	ssyncset.done $0x0  }
0x87: {  	s9 =	sadd.s32 $0x100, s4;
	[sflag:s17] =	ssyncadd.s32 $0xFFFFC180  }
0x88: {  	[tilespmem:s20], [sflag:$0x1] =	stream.indirect.gather [hbm4b:s5+s19], $0x80, s9, s19, $0xb8;
	[tilespmem:$0x1E080] =	vst v63  }
0x89: {  	_ =	swait.ge [sflag:s28], $0x3E80  }
0x8a: {  	[sflag:s28] =	ssyncset.done $0x0  }
.Ltmp1:
0x8b: {  	s9 =	sadd.s32 $0x1480, s4;
	[sflag:s28] =	ssyncadd.s32 $0xFFFFC180;
	(pc) =	sbr.rel @p5 .LBB2_4-.Ltmp1, $4  }
0x8c: {  	[spmem:s2] =	stream.indirect.scatter.add.f32 [tilespmem:s22], [sflag:$0x3], $0x80, s9, s19, $0xb8;
	[tilespmem:$0x1E080] =	vst v63  }
0x8d: {  	_ =	swait.ge [sflag:s17], $0x3E80  }
0x8e: {  	[sflag:s17] =	ssyncset.done $0x0  }
0x8f: {  	s4 =	sadd.s32 $0x180, s4;
	[sflag:s17] =	ssyncadd.s32 $0xFFFFC180  }
0x90: {  	[tilespmem:s22], [sflag:$0x2] =	stream.indirect.gather [hbm4b:s5+s19], $0x80, s4, s19, $0xb8;
	[tilespmem:$0x1E080] =	vst v63  }
0x91: {  	_ =	swait.ge [sflag:s26], $0x3E80  }
0x92: {  	[sflag:s26] =	ssyncset.done $0x0  }
0x93: {  	[sflag:s26] =	ssyncadd.s32 $0xFFFFC180  }
0x94: {  	[spmem:s2] =	stream.indirect.scatter.add.f32 [tilespmem:s20], [sflag:$0x3], $0x80, s29, s19, $0xb8;
	[tilespmem:$0x1E080] =	vst v63  }
0x95: {  	_ =	swait.ge [sflag:s17], $0x3E80  }
0x96: {  	[sflag:s17] =	ssyncset.done $0x0  }
0x97: {  	[sflag:s17] =	ssyncadd.s32 $0xFFFFC180  }
0x98: {  	_ =	swait.ge [sflag:s28], $0x3E80  }
0x99: {  	[sflag:s28] =	ssyncset.done $0x0  }
0x9a: {  	[sflag:s28] =	ssyncadd.s32 $0xFFFFC180  }
0x9b: {  	[spmem:s2] =	stream.indirect.scatter.add.f32 [tilespmem:s22], [sflag:$0x3], $0x80, s30, s19, $0xb8;
	[tilespmem:$0x1E080] =	vst v63  }
0x9c: {  	_ =	swait.ge [sflag:s17], $0x3E80  }
0x9d: {  	[sflag:s17] =	ssyncset.done $0x0  }
0x9e: {  	s0 =	sadd.s32 @p4 $0x25080, s15;
	[sflag:s17] =	ssyncadd.s32 $0xFFFFC180  }
0x9f: {  	s4 =	sshrl.u32 @p4 s10, $0x3;
	s9 =	simm.s32 @p4 $0x1FC3;
	[bflag:$0x0] =	sbarrier.arrive $0xFFFF  }
0xa0: {  	[hbm:s0], [sflag:s9] =	dma.local @p4 [spmem:s4], $0x2080  }
0xa1: {  	s0 =	simm.s32 @p4 $0x3  }
0xa2: {  	_ =	swait.ge @p4 [sflag:s0], $0x2080  }
0xa3: {  	[sflag:s0] =	ssyncset.done @p4 $0x0  }
0xa4: {  	s31 =	sadd.s32 $0x1, s31;
	[sflag:s0] =	ssyncadd.s32 @p4 $0xFFFFDF80;
	s0 =	stileid.u32  }
0xa5: {  	p5 =	sne.s32 s31, s16;
	s0 =	sshll.u32 @!p4 s0, $0x6  }
0xa6: {  	s4 =	sadd.s32 @!p4 s1, s15;
	s9 =	sshrl.u32 @!p4 s8, $0x3;
	s0 =	sor.u32 @!p4 $0x1C03, s0  }
0xa7: {  	[hbm:s4], [sflag:s0] =	dma.local @!p4 [spmem:s9], $0x2780  }
.Ltmp2:
0xa8: {  	_ = 	snop;
	(pc) =	sbr.rel @p5 .LBB2_1-.Ltmp2, $4  }
0xa9: {  	s0 =	simm.s32 @!p4 $0x3  }
0xaa: {  	_ =	swait.ge @!p4 [sflag:s0], $0x2780  }
0xab: {  	[sflag:s0] =	ssyncset.done @!p4 $0x0  }
0xac: {  	s9 =	stileid.u32;
	[sflag:s0] =	ssyncadd.s32 @!p4 $0xFFFFD880  }
0xad: {  	_ =	sfence.sel $0x180000  }
0xae: {  	[bflag:$0x0] =	sbarrier.arrive $0xFFFF  }
0xaf: {  	_ =	strace $0x9000004D  }
0xb0: {  	[bflag:$0x2] =	sbarrier.arrive $0xFFFF  }
0xb1: {  	p0 =	sne.s32 s9, $0x0;
	s0 =	rddreg [dreg:$0x3]  }
0xb2: {  	s0 =	sadd.s32 @!p0 $0x100000, s0  }
0xb3: {  	[sflag:s0] =	ssyncadd.tile.s32 @!p0 $0x1;
	_ =	shalt  }
.Lfunc_end2:
_tile_overlayer_lowered:
.L_overlay_start_2:
0xb4: {  	(tag) =	ssettag $0x2  }
0xb5: {  	s0 =	rddreg [dreg:$0x0];
	s2 =	stileid.u32  }
0xb6: {  	s1 =	rddreg [dreg:$0x1];
	p0 =	sne.s32 s2, $0x0  }
0xb7: {  	s3 =	rddreg [dreg:$0x2];
	[bflag:$0x3] =	sbarrier.arrive $0xFFFF;
	s2 =	simm.s32 @!p0 $0x1C03  }
0xb8: {  	[timem:s3], [sflag:s2] =	dma.local @!p0 [hbm:s0], s1  }
0xb9: {  	s0 =	simm.s32 @!p0 $0x3  }
0xba: {  	_ =	swait.ge @!p0 [sflag:s0], s1  }
0xbb: {  	s1 =	ssub.s32 @!p0 $0x0, s1;
	[sflag:s0] =	ssyncset.done @!p0 $0x0  }
0xbc: {  	[sflag:s0] =	ssyncadd.s32 @!p0 s1  }
0xbd: {  	[bflag:$0x3] =	sbarrier.arrive $0xFFFF  }
0xbe: {  	_ =	shalt  }

// kernel: kernel.21.cloned.1.call-start
scs
__scs_entry_jumppad:
0x0: {  	(pc) =	sbr.rel $0x88, $3  }
0x1: {  	(tag) =	ssettag $0x0;
	lr =	simm.s32 $0x1  }
0x2: {  	[smem:$0x3F7D] =	sst lr;
	_ =	strace $0xD0000000  }
0x3: {  	_ = 	snop  }
0x4: {  	_ = 	snop  }
0x5: {  	_ = 	snop  }
0x6: {  	_ = 	snop  }
0x7: {  	_ = 	snop  }
__scs_overlays_trampoline_lowered:
0x8: {  	[smem:$0x3F8C] =	sst s0  }
0x9: {  	[smem:$0x3F8D] =	sst s1  }
0xa: {  	[smem:$0x3F8E] =	sst s2  }
0xb: {  	[smem:$0x3F8F] =	sst s3  }
0xc: {  	[smem:$0x3F90] =	sst s4  }
0xd: {  	[smem:$0x3F91] =	sst s5  }
0xe: {  	[smem:$0x3F92] =	sst s6  }
0xf: {  	[smem:$0x3F93] =	sst s7  }
0x10: {  	[smem:$0x3F94] =	sst s8  }
0x11: {  	[smem:$0x3F95] =	sst s9;
	s0 =	simm.s32 @!p0 $0x0  }
0x12: {  	s1 =	sld [smem:$0x3F7B];
	s0 =	simm.s32 @p0 $0x1  }
0x13: {  	[smem:$0x3F96] =	sst s0;
	s0 =	simm.s32 @!p1 $0x0  }
0x14: {  	s2 =	sld [smem:$0x3F7A];
	s0 =	simm.s32 @p1 $0x1  }
0x15: {  	[smem:$0x3F97] =	sst s0;
	s0 =	simm.s32 @!p2 $0x0  }
0x16: {  	s3 =	sld [smem:$0x3FDB];
	s0 =	simm.s32 @p2 $0x1  }
0x17: {  	s4 =	simm.s32 $0x1BF5;
	[smem:$0x3F99] =	sst s0  }
0x18: {  	s0 =	sld [smem:$0x3F7C];
	_ =	swait.ge [sflag:s4], $0x0  }
0x19: {  	s7 =	sld [smem:$0x3F7D]  }
0x1a: {  	s8 =	sadd.s32 $0xFFFFE003, lr  }
0x1b: {  	s9 =	sadd.s32 $0xFFFFFEF7, lr;
	s5 =	simm.s32 $0xFFFFFFFF;
	p2 =	slt.u32 s8, $0xFFFFF086  }
0x1c: {  	p1 =	slt.u32 s9, $0xF7A;
	s5 =	simm.s32 @!p2 $0x0  }
0x1d: {  	s5 =	simm.s32 @p1 $0x1;
	p0 =	seq.s32 s7, s2  }
0x1e: {  	s7 =	smul.u32 @!p0 $0xF7A, s2;
	p2 =	seq.s32 @!p0 s5, $0x0  }
0x1f: {  	s9 =	smul.u32 $0xF7A, s1;
	s8 =	simm.s32 @!p0 $0x1BF5;
	p2 =	por !p2, p0  }
0x20: {  	[sflag:s8] =	ssyncset.s32 @!p0 $0xFFFFF086;
	s6 =	sadd.s32 @!p0 s3, s7;
	s7 =	simm.s32 @!p0 $0x108  }
0x21: {  	s3 =	sadd.s32 s3, s9;
	s6 =	sadd.s32 @!p0 $0x88, s6;
	s7 =	simm.s32 @p2 $0x1082  }
0x22: {  	[simem:s7], [sflag:s8] =	dma.local @!p0 [hbm:s6], $0xF7A  }
0x23: {  	s9 =	sor.u32 $0xD0000000, s2;
	s6 =	simm.s32 $0x108;
	_ =	swait.ge @!p0 [sflag:s8], $0x0  }
0x24: {  	s3 =	sadd.s32 $0x88, s3;
	s6 =	simm.s32 @!p1 $0x1082;
	[sflag:s4] =	ssyncset.s32 $0xFFFFF086  }
0x25: {  	[simem:s6], [sflag:s4] =	dma.local [hbm:s3], $0xF7A  }
0x26: {  	[smem:$0x3F7D] =	sst s1;
	(tag) =	ssettag s2;
	_ =	strace s9  }
0x27: {  	s1 =	sld [smem:$0x3F8D]  }
0x28: {  	s2 =	sld [smem:$0x3F8E]  }
0x29: {  	s4 =	sld [smem:$0x3F90]  }
0x2a: {  	p0 =	seq.s32 s5, $0x0;
	s5 =	sld [smem:$0x3F91]  }
0x2b: {  	s6 =	sld [smem:$0x3F92]  }
0x2c: {  	s7 =	sld [smem:$0x3F93]  }
0x2d: {  	s3 =	simm.s32 $0x108;
	s8 =	sld [smem:$0x3F94]  }
0x2e: {  	s3 =	simm.s32 @!p0 $0x1082;
	s9 =	sld [smem:$0x3F95]  }
0x2f: {  	lr =	sadd.s32 s0, s3;
	s0 =	sld [smem:$0x3F8C]  }
0x30: {  	s3 =	sld [smem:$0x3F8F]  }
0x31: {  	[smem:$0x3F98] =	sst s10  }
0x32: {  	s10 =	sld [smem:$0x3F96];
	_ =	sdelay $0x3  }
0x33: {  	p0 =	seq.s32 s10, $0x1;
	s10 =	sld [smem:$0x3F98];
	_ =	sdelay $0x3  }
0x34: {  	[smem:$0x3F98] =	sst s10  }
0x35: {  	s10 =	sld [smem:$0x3F97];
	_ =	sdelay $0x3  }
0x36: {  	p1 =	seq.s32 s10, $0x1;
	s10 =	sld [smem:$0x3F98];
	_ =	sdelay $0x3  }
0x37: {  	[smem:$0x3F98] =	sst s10  }
0x38: {  	s10 =	sld [smem:$0x3F99]  }
0x39: {  	_ = 	snop;
	(pc) =	sbr.ind lr, $3  }
0x3a: {  	_ = 	snop  }
0x3b: {  	_ = 	snop  }
0x3c: {  	p2 =	seq.s32 s10, $0x1;
	s10 =	sld [smem:$0x3F98]  }
0x3d: {  	_ =	shalt  }
0x3e: {  	_ =	shalt  }
0x3f: {  	_ =	shalt  }
0x40: {  	_ =	shalt  }
0x41: {  	_ =	shalt  }
0x42: {  	_ =	shalt  }
0x43: {  	_ =	shalt  }
0x44: {  	_ =	shalt  }
0x45: {  	_ =	shalt  }
0x46: {  	_ =	shalt  }
0x47: {  	_ =	shalt  }
0x48: {  	_ =	shalt  }
0x49: {  	_ =	shalt  }
0x4a: {  	_ =	shalt  }
0x4b: {  	_ =	shalt  }
0x4c: {  	_ =	shalt  }
0x4d: {  	_ =	shalt  }
0x4e: {  	_ =	shalt  }
0x4f: {  	_ =	shalt  }
0x50: {  	_ =	shalt  }
0x51: {  	_ =	shalt  }
0x52: {  	_ =	shalt  }
0x53: {  	_ =	shalt  }
0x54: {  	_ =	shalt  }
0x55: {  	_ =	shalt  }
0x56: {  	_ =	shalt  }
0x57: {  	_ =	shalt  }
0x58: {  	_ =	shalt  }
0x59: {  	_ =	shalt  }
0x5a: {  	_ =	shalt  }
0x5b: {  	_ =	shalt  }
0x5c: {  	_ =	shalt  }
0x5d: {  	_ =	shalt  }
0x5e: {  	_ =	shalt  }
0x5f: {  	_ =	shalt  }
0x60: {  	_ =	shalt  }
0x61: {  	_ =	shalt  }
0x62: {  	_ =	shalt  }
0x63: {  	_ =	shalt  }
0x64: {  	_ =	shalt  }
0x65: {  	_ =	shalt  }
0x66: {  	_ =	shalt  }
0x67: {  	_ =	shalt  }
0x68: {  	_ =	shalt  }
0x69: {  	_ =	shalt  }
0x6a: {  	_ =	shalt  }
0x6b: {  	_ =	shalt  }
0x6c: {  	_ =	shalt  }
0x6d: {  	_ =	shalt  }
0x6e: {  	_ =	shalt  }
0x6f: {  	_ =	shalt  }
0x70: {  	_ =	shalt  }
0x71: {  	_ =	shalt  }
0x72: {  	_ =	shalt  }
0x73: {  	_ =	shalt  }
0x74: {  	_ =	shalt  }
0x75: {  	_ =	shalt  }
0x76: {  	_ =	shalt  }
0x77: {  	_ =	shalt  }
0x78: {  	_ =	shalt  }
0x79: {  	_ =	shalt  }
0x7a: {  	_ =	shalt  }
0x7b: {  	_ =	shalt  }
0x7c: {  	_ =	shalt  }
0x7d: {  	_ =	shalt  }
0x7e: {  	_ =	shalt  }
0x7f: {  	_ =	shalt  }
0x80: {  	_ =	shalt  }
0x81: {  	_ =	shalt  }
0x82: {  	_ =	shalt  }
0x83: {  	_ =	shalt  }
0x84: {  	_ =	shalt  }
0x85: {  	_ =	shalt  }
0x86: {  	_ =	shalt  }
0x87: {  	_ =	shalt  }
.Lfunc_end0:
.L_simem_size_0:
called_computation.3_lowered:
.L_overlay_start_0:
0x88: {  	s2 =	sld [smem:$0x3FD9]  }
0x89: {  	s3 =	sld [smem:$0x3FFE];
	_ =	sdelay $0x1  }
0x8a: {  	s1 =	srdreg.scid  }
0x8b: {  	s0 =	sand.u32 $0x1, s1  }
0x8c: {  	s17 =	sshll.u32 s0, $0xA;
	s2 =	sadd.s32 s3, s2  }
0x8d: {  	s2 =	sadd.s32 s2, s17  }
0x8e: {  	[smem:$0x3FA4] =	sst s2  }
0x8f: {  	_ = 	snop  }
0x90: {  	s2 =	sld [smem:$0x3FD0];
	(tm) =	ssettm $0x1  }
0x91: {  	s18 =	sld [smem:$0x3FFB];
	_ =	sdelay $0x3  }
0x92: {  	_ =	strace s18  }
0x93: {  	s3 =	sld [smem:$0x3FFC];
	_ =	sdelay $0x3  }
0x94: {  	_ =	strace s3  }
0x95: {  	s3 =	sld [smem:$0x3FFD];
	_ =	sdelay $0x3  }
0x96: {  	_ =	strace s3  }
0x97: {  	_ =	strace $0x8FFFFFFF  }
0x98: {  	s19 =	sld [smem:$0x3FDB];
	_ =	sdelay $0x1  }
0x99: {  	s4 =	simm.s32 $_scs_section_size  }
0x9a: {  	s5 =	simm.s32 $_size__tile_overlayer_lowered;
	s6 =	simm.s32 $_tile_overlayer_lowered  }
0x9b: {  	s22 =	simm.s32 $0x1BFF;
	s21 =	sshll.u32 s6, $0x1;
	s3 =	sadd.s32 s4, s19  }
0x9c: {  	s7 =	simm.s32 $0x0;
	s20 =	sshll.u32 s5, $0x1;
	s5 =	sadd.s32 s21, s3  }
0x9d: {  	[timem:s7], [sflag:s22] =	dma.local [hbm:s5], s20  }
0x9e: {  	_ =	swait.ge [sflag:s22], s20  }
0x9f: {  	s4 =	ssub.s32 $0x0, s20;
	[sflag:s22] =	ssyncset.done $0x0  }
0xa0: {  	[sflag:s22] =	ssyncadd.s32 s4;
	_ =	sdelay $0x1  }
0xa1: {  	s23 =	simm.s32 $0x1B8B  }
0xa2: {  	_ =	swait.ge [sflag:s23], $0x1  }
0xa3: {  	[sflag:s23] =	ssyncset.done $0x0  }
0xa4: {  	s25 =	simm.s32 $0x1B8E;
	s24 =	sld [smem:$0x3FFE];
	[sflag:s23] =	ssyncadd.s32 $0xFFFFFFFF  }
0xa5: {  	s26 =	simm.s32 $execute0_lowered;
	[smem:$0x3FD2] =	sst s25  }
0xa6: {  	s5 =	sshll.u32 s26, $0x1;
	_ =	strace $0x8000004F;
	[dreg:$0x1] =	wrdreg $0xFFFFFFFF  }
0xa7: {  	s28 =	simm.s32 $_size_execute0_lowered;
	s3 =	sadd.s32 s3, s5;
	[dreg:$0x0] =	wrdreg $0x0  }
0xa8: {  	s5 =	sshll.u32 s28, $0x1;
	[dreg:$0x2] =	wrdreg s3  }
0xa9: {  	[dreg:$0x3] =	wrdreg s5  }
0xaa: {  	[dreg:$0x4] =	wrdreg $0xC0  }
0xab: {  	_ =	task [dreg:s7], $0x5FFFF  }
0xac: {  	[dreg:$0x1] =	wrdreg $0xFFFFFFFF  }
0xad: {  	[dreg:$0x0] =	wrdreg $0x60  }
0xae: {  	[dreg:$0x2] =	wrdreg s24  }
0xaf: {  	[dreg:$0x3] =	wrdreg s2  }
0xb0: {  	[dreg:$0x4] =	wrdreg $0xA8000  }
0xb1: {  	[dreg:$0x5] =	wrdreg $0x9  }
0xb2: {  	_ =	task.clear_ibuf [dreg:s7], $0x6FFFF;
	_ =	strace $0x9000004F  }
0xb3: {  	s29 =	simm.s32 $0x9;
	_ =	strace $0x80000051  }
0xb4: {  	_ =	swait.ge [sflag:s29], $0x1  }
0xb5: {  	[sflag:s29] =	ssyncadd.s32 $0xFFFFFFFF  }
0xb6: {  	_ =	strace $0x90000051  }
0xb7: {  	_ =	sfence  }
0xb8: {  	s30 =	sld [smem:$0x0];
	_ =	sdelay $0x2  }
0xb9: {  	s31 =	sshll.u32 s1, $0xD;
	s1 =	sshrl.u32 s1, $0x2  }
0xba: {  	s3 =	sand.u32 $0x4000, s31;
	s1 =	sadd.s32 s1, s30  }
0xbb: {  	s0 =	sor.u32 s3, s0;
	s1 =	sshll.u32 s1, $0x11  }
0xbc: {  	s0 =	sor.u32 s1, s0  }
0xbd: {  	s0 =	sadd.s32 $0x8F2B, s0  }
0xbe: {  	[sflag:s0] =	ssyncadd.remote.s32 $0x1  }
0xbf: {  	_ =	sfence.sel $0xFFFF  }
0xc0: {  	[dreg:$0x0] =	wrdreg $0xFFFFFFFF;
	(pc) =	sbr.abs _section_cstart, $3  }
0xc1: {  	[dreg:$0x1] =	wrdreg $0xFFFFFFFF  }
0xc2: {  	_ =	task.clear_ibuf [dreg:s7], $0x2FFFF;
	_ =	strace $0x9FFFFFFF  }
0xc3: {  	(tm) =	ssettm $0x7FFFFFFF  }
tec
execute0_lowered:
.L_overlay_start_1:
0x0: {  	(tag) =	ssettag $0x1  }
0x1: {  	s0 =	rddreg [dreg:$0x0]  }
0x2: {  	s4 =	rddreg [dreg:$0x1]  }
0x3: {  	s2 =	rddreg [dreg:$0x2]  }
0x4: {  	s1 =	stileid.u32;
	s3 =	srdreg.scid;
	s17 =	simm.s32 $0x3  }
0x5: {  	s18 =	simm.s32 $0x1400;
	s19 =	simm.s32 $0x7D;
	s20 =	simm.s32 $0x2800  }
0x6: {  	s21 =	simm.s32 $0x80;
	s22 =	simm.s32 $0x6800;
	s28 =	simm.s32 $0x2  }
0x7: {  	s29 =	simm.s32 $0x2700;
	s30 =	simm.s32 $0x2780;
	s31 =	simm.s32 $0x0  }
0x8: {  	s8 =	sand.u32 $0x1, s3;
	s5 =	sshll.u32 s1, $0x1;
	s13 =	smul.u32 $0x2780, s1  }
0x9: {  	s3 =	simm.s32 $0x0;
	s10 =	smul.u32 $0x4F000, s1;
	s5 =	sor.u32 s8, s5  }
0xa: {  	[smem:$0x7FF] =	sst s3;
	s7 =	smul.u32 $0x27100, s8;
	s9 =	ssub.s32 $0x2, s8  }
0xb: {  	p3 =	seq.s32 s8, $0x1;
	s6 =	smul.u32 $0x500, s5;
	_ =	strace $0x80000050  }
0xc: {  	s5 =	sadd.s32 $0x36E00, s0;
	s12 =	sadd.s32 s13, s0;
	s24 =	sshrl.u32 s9, $0x1  }
0xd: {  	s25 =	sshrl.u32 s10, $0x2;
	s1 =	smov.u32 s13;
	s10 =	sadd.s32 $0x128400, s2  }
0xe: {  	s15 =	sadd.s32 s7, s0;
	s16 =	ssub.s32 s9, s24;
	s9 =	stileid.u32  }
0xf: {  	s8 =	sadd.s32 s25, s2;
	s26 =	sadd.s32 s5, s13;
	s12 =	sadd.s32 $0xFC00, s12  }
0x10: {  	s13 =	sadd.s32 $0x34C80, s0;
	s11 =	sadd.s32 s6, s0;
	s6 =	sadd.s32 s4, s6  }
0x11: {  	[dreg:$0x4] =	wrdreg s26;
	s15 =	sadd.s32 $0x5E000, s15;
	s16 =	smax.u32 s16, $0x1  }
0x12: {  	p1 =	seq.s32 @p3 s9, $0xF;
	p4 =	seq.s32 @!p3 s9, $0xF;
	s26 =	simm.s32 $0x1  }
0x13: {  	s7 =	sadd.s32 $0x5C00, s11;
	s11 =	sadd.s32 $0x5BE80, s0;
	s14 =	sadd.s32 $0x280, s6  }
0x14: {  	p0 =	por p1, !p3;
	p1 =	por !p1, !p3;
	p2 =	por !p4, p3  }
0x15: {  	p3 =	por p4, p3;
	p4 =	seq.s32 s9, $0xF;
	s0 =	sshll.u32 @!p0 s9, $0x6  }
0x16: {  	s23 =	sshrl.u32 @!p1 s10, $0x3;
	s25 =	sshrl.u32 @!p0 s8, $0x3;
	s24 =	sor.u32 @!p0 $0x1C03, s0  }
.LBB2_1:
0x17: {  	[tilespmem:s3], [sflag:$0x3] =	stream.linear.gather [hbm4b:s6+s3], $0x1400, $0x38;
	[tilespmem:$0x1E080] =	vst v63  }
0x18: {  	_ =	swait.ge [sflag:s17], $0x1400  }
0x19: {  	[sflag:s17] =	ssyncset.done $0x0  }
0x1a: {  	[sflag:s17] =	ssyncadd.s32 $0xFFFFEC00  }
0x1b: {  	[tilespmem:s18], [sflag:$0x3] =	stream.linear.gather [hbm4b:s7+s3], $0x1400, $0x38;
	[tilespmem:$0x1E080] =	vst v63  }
0x1c: {  	_ =	swait.ge [sflag:s17], $0x1400  }
0x1d: {  	[sflag:s17] =	ssyncset.done $0x0  }
0x1e: {  	[sflag:s17] =	ssyncadd.s32 $0xFFFFEC00  }
0x1f: {  	[tilespmem:s20], [sflag:$0x1] =	stream.indirect.gather [hbm4b:s5+s19], $0x80, s3, s19, $0xb8;
	[tilespmem:$0x1E080] =	vst v63  }
0x20: {  	s0 =	simm.s32 @!p1 $0x1FC3  }
0x21: {  	[tilespmem:s22], [sflag:$0x2] =	stream.indirect.gather [hbm4b:s5+s19], $0x80, s21, s19, $0xb8;
	[tilespmem:$0x1E080] =	vst v63  }
0x22: {  	[spmem:s23], [sflag:s0] =	dma.local @!p1 [hbm:s13], $0x2080  }
0x23: {  	s0 =	simm.s32 @!p1 $0x3  }
0x24: {  	_ =	swait.ge @!p1 [sflag:s0], $0x2080  }
0x25: {  	[sflag:s0] =	ssyncset.done @!p1 $0x0  }
0x26: {  	[sflag:s0] =	ssyncadd.s32 @!p1 $0xFFFFDF80;
	s0 =	simm.s32 @!p0 $0x3  }
0x27: {  	[spmem:s25], [sflag:s24] =	dma.local @!p0 [hbm:s12], $0x2780  }
0x28: {  	_ =	swait.ge @!p0 [sflag:s0], $0x2780  }
0x29: {  	[sflag:s0] =	ssyncset.done @!p0 $0x0  }
0x2a: {  	s4 =	simm.s32 @!p2 $0x1FC3;
	[sflag:s0] =	ssyncadd.s32 @!p0 $0xFFFFD880;
	s0 =	sshrl.u32 @!p2 s10, $0x3  }
0x2b: {  	[spmem:s0], [sflag:s4] =	dma.local @!p2 [hbm:s11], $0x2080  }
0x2c: {  	s0 =	simm.s32 @!p2 $0x3  }
0x2d: {  	_ =	swait.ge @!p2 [sflag:s0], $0x2080  }
0x2e: {  	s4 =	sshll.u32 @!p3 s9, $0x6;
	[sflag:s0] =	ssyncset.done @!p2 $0x0;
	s9 =	rddreg [dreg:$0x4]  }
0x2f: {  	[sflag:s0] =	ssyncadd.s32 @!p2 $0xFFFFDF80;
	s0 =	sor.u32 @!p3 $0x1C03, s4;
	s4 =	sshrl.u32 @!p3 s8, $0x3  }
0x30: {  	[spmem:s4], [sflag:s0] =	dma.local @!p3 [hbm:s9], $0x2780  }
0x31: {  	s0 =	simm.s32 @!p3 $0x3  }
0x32: {  	_ =	swait.ge @!p3 [sflag:s0], $0x2780  }
0x33: {  	[sflag:s0] =	ssyncset.done @!p3 $0x0  }
0x34: {  	[sflag:s0] =	ssyncadd.s32 @!p3 $0xFFFFD880  }
0x35: {  	[bflag:$0x0] =	sbarrier.arrive $0xFFFF  }
0x36: {  	_ =	swait.ge [sflag:s26], $0x3E80  }
0x37: {  	[sflag:s26] =	ssyncset.done $0x0  }
0x38: {  	s9 =	simm.s32 $0x1400;
	[sflag:s26] =	ssyncadd.s32 $0xFFFFC180  }
0x39: {  	[spmem:s2] =	stream.indirect.scatter.add.f32 [tilespmem:s20], [sflag:$0x3], $0x80, s9, s19, $0xb8;
	[tilespmem:$0x1E080] =	vst v63  }
0x3a: {  	_ =	swait.ge [sflag:s17], $0x3E80  }
0x3b: {  	[sflag:s17] =	ssyncset.done $0x0  }
0x3c: {  	s4 =	simm.s32 $0x100;
	[sflag:s17] =	ssyncadd.s32 $0xFFFFC180  }
0x3d: {  	[tilespmem:s20], [sflag:$0x1] =	stream.indirect.gather [hbm4b:s5+s19], $0x80, s4, s19, $0xb8;
	[tilespmem:$0x1E080] =	vst v63  }
0x3e: {  	_ =	swait.ge [sflag:s28], $0x3E80  }
0x3f: {  	[sflag:s28] =	ssyncset.done $0x0  }
0x40: {  	s9 =	simm.s32 $0x1480;
	[sflag:s28] =	ssyncadd.s32 $0xFFFFC180  }
0x41: {  	[spmem:s2] =	stream.indirect.scatter.add.f32 [tilespmem:s22], [sflag:$0x3], $0x80, s9, s19, $0xb8;
	[tilespmem:$0x1E080] =	vst v63  }
0x42: {  	_ =	swait.ge [sflag:s17], $0x3E80  }
0x43: {  	[sflag:s17] =	ssyncset.done $0x0  }
0x44: {  	s0 =	simm.s32 $0x400;
	s4 =	simm.s32 $0x180;
	[sflag:s17] =	ssyncadd.s32 $0xFFFFC180  }
.LBB2_2:
0x45: {  	[tilespmem:s22], [sflag:$0x2] =	stream.indirect.gather [hbm4b:s5+s19], $0x80, s4, s19, $0xb8;
	[tilespmem:$0x1E080] =	vst v63  }
0x46: {  	s4 =	smov.u32 s0  }
0x47: {  	p5 =	sne.s32 s0, $0x4800;
	s0 =	sadd.s32 $0x400, s0;
	_ =	swait.ge [sflag:s26], $0x3E80  }
0x48: {  	s4 =	sshra.s32 s4, $0x2;
	[sflag:s26] =	ssyncset.done $0x0  }
0x49: {  	s9 =	sadd.s32 $0x1400, s4;
	[sflag:s26] =	ssyncadd.s32 $0xFFFFC180  }
0x4a: {  	[spmem:s2] =	stream.indirect.scatter.add.f32 [tilespmem:s20], [sflag:$0x3], $0x80, s9, s19, $0xb8;
	[tilespmem:$0x1E080] =	vst v63  }
0x4b: {  	_ =	swait.ge [sflag:s17], $0x3E80  }
0x4c: {  	[sflag:s17] =	ssyncset.done $0x0  }
0x4d: {  	s9 =	sadd.s32 $0x100, s4;
	[sflag:s17] =	ssyncadd.s32 $0xFFFFC180  }
0x4e: {  	[tilespmem:s20], [sflag:$0x1] =	stream.indirect.gather [hbm4b:s5+s19], $0x80, s9, s19, $0xb8;
	[tilespmem:$0x1E080] =	vst v63  }
0x4f: {  	_ =	swait.ge [sflag:s28], $0x3E80  }
0x50: {  	[sflag:s28] =	ssyncset.done $0x0  }
.Ltmp0:
0x51: {  	s9 =	sadd.s32 $0x1480, s4;
	[sflag:s28] =	ssyncadd.s32 $0xFFFFC180;
	(pc) =	sbr.rel @p5 .LBB2_2-.Ltmp0, $4  }
0x52: {  	[spmem:s2] =	stream.indirect.scatter.add.f32 [tilespmem:s22], [sflag:$0x3], $0x80, s9, s19, $0xb8;
	[tilespmem:$0x1E080] =	vst v63  }
0x53: {  	_ =	swait.ge [sflag:s17], $0x3E80  }
0x54: {  	[sflag:s17] =	ssyncset.done $0x0  }
0x55: {  	s4 =	sadd.s32 $0x180, s4;
	[sflag:s17] =	ssyncadd.s32 $0xFFFFC180  }
0x56: {  	[tilespmem:s22], [sflag:$0x2] =	stream.indirect.gather [hbm4b:s5+s19], $0x80, s4, s19, $0xb8;
	[tilespmem:$0x1E080] =	vst v63  }
0x57: {  	_ =	swait.ge [sflag:s26], $0x3E80  }
0x58: {  	[sflag:s26] =	ssyncset.done $0x0  }
0x59: {  	[sflag:s26] =	ssyncadd.s32 $0xFFFFC180  }
0x5a: {  	[spmem:s2] =	stream.indirect.scatter.add.f32 [tilespmem:s20], [sflag:$0x3], $0x80, s29, s19, $0xb8;
	[tilespmem:$0x1E080] =	vst v63  }
0x5b: {  	_ =	swait.ge [sflag:s17], $0x3E80  }
0x5c: {  	[sflag:s17] =	ssyncset.done $0x0  }
0x5d: {  	[sflag:s17] =	ssyncadd.s32 $0xFFFFC180  }
0x5e: {  	_ =	swait.ge [sflag:s28], $0x3E80  }
0x5f: {  	[sflag:s28] =	ssyncset.done $0x0  }
0x60: {  	[sflag:s28] =	ssyncadd.s32 $0xFFFFC180  }
0x61: {  	[spmem:s2] =	stream.indirect.scatter.add.f32 [tilespmem:s22], [sflag:$0x3], $0x80, s30, s19, $0xb8;
	[tilespmem:$0x1E080] =	vst v63  }
0x62: {  	_ =	swait.ge [sflag:s17], $0x3E80  }
0x63: {  	[sflag:s17] =	ssyncset.done $0x0  }
0x64: {  	s0 =	simm.s32 $0x0;
	[sflag:s17] =	ssyncadd.s32 $0xFFFFC180  }
0x65: {  	[tilespmem:s0], [sflag:$0x3] =	stream.linear.gather [hbm4b:s14+s0], $0x1400, $0x38;
	[tilespmem:$0x1E080] =	vst v63  }
0x66: {  	_ =	swait.ge [sflag:s17], $0x1400  }
0x67: {  	[sflag:s17] =	ssyncset.done $0x0  }
0x68: {  	s9 =	sadd.s32 $0x280, s7;
	[sflag:s17] =	ssyncadd.s32 $0xFFFFEC00  }
0x69: {  	[tilespmem:s18], [sflag:$0x3] =	stream.linear.gather [hbm4b:s9+s0], $0x1400, $0x38;
	[tilespmem:$0x1E080] =	vst v63  }
0x6a: {  	_ =	swait.ge [sflag:s17], $0x1400  }
0x6b: {  	[sflag:s17] =	ssyncset.done $0x0  }
0x6c: {  	[sflag:s17] =	ssyncadd.s32 $0xFFFFEC00  }
0x6d: {  	[tilespmem:s20], [sflag:$0x1] =	stream.indirect.gather [hbm4b:s5+s19], $0x80, s0, s19, $0xb8;
	[tilespmem:$0x1E080] =	vst v63  }
0x6e: {  	_ = 	snop  }
0x6f: {  	[tilespmem:s22], [sflag:$0x2] =	stream.indirect.gather [hbm4b:s5+s19], $0x80, s21, s19, $0xb8;
	[tilespmem:$0x1E080] =	vst v63  }
0x70: {  	_ =	swait.ge [sflag:s26], $0x3E80  }
0x71: {  	[sflag:s26] =	ssyncset.done $0x0  }
0x72: {  	s9 =	simm.s32 $0x1400;
	[sflag:s26] =	ssyncadd.s32 $0xFFFFC180  }
0x73: {  	[spmem:s2] =	stream.indirect.scatter.add.f32 [tilespmem:s20], [sflag:$0x3], $0x80, s9, s19, $0xb8;
	[tilespmem:$0x1E080] =	vst v63  }
0x74: {  	_ =	swait.ge [sflag:s17], $0x3E80  }
0x75: {  	[sflag:s17] =	ssyncset.done $0x0  }
0x76: {  	s4 =	simm.s32 $0x100;
	[sflag:s17] =	ssyncadd.s32 $0xFFFFC180  }
0x77: {  	[tilespmem:s20], [sflag:$0x1] =	stream.indirect.gather [hbm4b:s5+s19], $0x80, s4, s19, $0xb8;
	[tilespmem:$0x1E080] =	vst v63  }
0x78: {  	_ =	swait.ge [sflag:s28], $0x3E80  }
0x79: {  	[sflag:s28] =	ssyncset.done $0x0  }
0x7a: {  	s9 =	simm.s32 $0x1480;
	[sflag:s28] =	ssyncadd.s32 $0xFFFFC180  }
0x7b: {  	[spmem:s2] =	stream.indirect.scatter.add.f32 [tilespmem:s22], [sflag:$0x3], $0x80, s9, s19, $0xb8;
	[tilespmem:$0x1E080] =	vst v63  }
0x7c: {  	_ =	swait.ge [sflag:s17], $0x3E80  }
0x7d: {  	[sflag:s17] =	ssyncset.done $0x0  }
0x7e: {  	s0 =	simm.s32 $0x400;
	s4 =	simm.s32 $0x180;
	[sflag:s17] =	ssyncadd.s32 $0xFFFFC180  }
.LBB2_4:
0x7f: {  	[tilespmem:s22], [sflag:$0x2] =	stream.indirect.gather [hbm4b:s5+s19], $0x80, s4, s19, $0xb8;
	[tilespmem:$0x1E080] =	vst v63  }
0x80: {  	s4 =	smov.u32 s0  }
0x81: {  	p5 =	sne.s32 s0, $0x4800;
	s0 =	sadd.s32 $0x400, s0;
	_ =	swait.ge [sflag:s26], $0x3E80  }
0x82: {  	s4 =	sshra.s32 s4, $0x2;
	[sflag:s26] =	ssyncset.done $0x0  }
0x83: {  	s9 =	sadd.s32 $0x1400, s4;
	[sflag:s26] =	ssyncadd.s32 $0xFFFFC180  }
0x84: {  	[spmem:s2] =	stream.indirect.scatter.add.f32 [tilespmem:s20], [sflag:$0x3], $0x80, s9, s19, $0xb8;
	[tilespmem:$0x1E080] =	vst v63  }
0x85: {  	_ =	swait.ge [sflag:s17], $0x3E80  }
0x86: {  	[sflag:s17] =	ssyncset.done $0x0  }
0x87: {  	s9 =	sadd.s32 $0x100, s4;
	[sflag:s17] =	ssyncadd.s32 $0xFFFFC180  }
0x88: {  	[tilespmem:s20], [sflag:$0x1] =	stream.indirect.gather [hbm4b:s5+s19], $0x80, s9, s19, $0xb8;
	[tilespmem:$0x1E080] =	vst v63  }
0x89: {  	_ =	swait.ge [sflag:s28], $0x3E80  }
0x8a: {  	[sflag:s28] =	ssyncset.done $0x0  }
.Ltmp1:
0x8b: {  	s9 =	sadd.s32 $0x1480, s4;
	[sflag:s28] =	ssyncadd.s32 $0xFFFFC180;
	(pc) =	sbr.rel @p5 .LBB2_4-.Ltmp1, $4  }
0x8c: {  	[spmem:s2] =	stream.indirect.scatter.add.f32 [tilespmem:s22], [sflag:$0x3], $0x80, s9, s19, $0xb8;
	[tilespmem:$0x1E080] =	vst v63  }
0x8d: {  	_ =	swait.ge [sflag:s17], $0x3E80  }
0x8e: {  	[sflag:s17] =	ssyncset.done $0x0  }
0x8f: {  	s4 =	sadd.s32 $0x180, s4;
	[sflag:s17] =	ssyncadd.s32 $0xFFFFC180  }
0x90: {  	[tilespmem:s22], [sflag:$0x2] =	stream.indirect.gather [hbm4b:s5+s19], $0x80, s4, s19, $0xb8;
	[tilespmem:$0x1E080] =	vst v63  }
0x91: {  	_ =	swait.ge [sflag:s26], $0x3E80  }
0x92: {  	[sflag:s26] =	ssyncset.done $0x0  }
0x93: {  	[sflag:s26] =	ssyncadd.s32 $0xFFFFC180  }
0x94: {  	[spmem:s2] =	stream.indirect.scatter.add.f32 [tilespmem:s20], [sflag:$0x3], $0x80, s29, s19, $0xb8;
	[tilespmem:$0x1E080] =	vst v63  }
0x95: {  	_ =	swait.ge [sflag:s17], $0x3E80  }
0x96: {  	[sflag:s17] =	ssyncset.done $0x0  }
0x97: {  	[sflag:s17] =	ssyncadd.s32 $0xFFFFC180  }
0x98: {  	_ =	swait.ge [sflag:s28], $0x3E80  }
0x99: {  	[sflag:s28] =	ssyncset.done $0x0  }
0x9a: {  	[sflag:s28] =	ssyncadd.s32 $0xFFFFC180  }
0x9b: {  	[spmem:s2] =	stream.indirect.scatter.add.f32 [tilespmem:s22], [sflag:$0x3], $0x80, s30, s19, $0xb8;
	[tilespmem:$0x1E080] =	vst v63  }
0x9c: {  	_ =	swait.ge [sflag:s17], $0x3E80  }
0x9d: {  	[sflag:s17] =	ssyncset.done $0x0  }
0x9e: {  	s0 =	sadd.s32 @p4 $0x25080, s15;
	[sflag:s17] =	ssyncadd.s32 $0xFFFFC180  }
0x9f: {  	s4 =	sshrl.u32 @p4 s10, $0x3;
	s9 =	simm.s32 @p4 $0x1FC3;
	[bflag:$0x0] =	sbarrier.arrive $0xFFFF  }
0xa0: {  	[hbm:s0], [sflag:s9] =	dma.local @p4 [spmem:s4], $0x2080  }
0xa1: {  	s0 =	simm.s32 @p4 $0x3  }
0xa2: {  	_ =	swait.ge @p4 [sflag:s0], $0x2080  }
0xa3: {  	[sflag:s0] =	ssyncset.done @p4 $0x0  }
0xa4: {  	s31 =	sadd.s32 $0x1, s31;
	[sflag:s0] =	ssyncadd.s32 @p4 $0xFFFFDF80;
	s0 =	stileid.u32  }
0xa5: {  	p5 =	sne.s32 s31, s16;
	s0 =	sshll.u32 @!p4 s0, $0x6  }
0xa6: {  	s4 =	sadd.s32 @!p4 s1, s15;
	s9 =	sshrl.u32 @!p4 s8, $0x3;
	s0 =	sor.u32 @!p4 $0x1C03, s0  }
0xa7: {  	[hbm:s4], [sflag:s0] =	dma.local @!p4 [spmem:s9], $0x2780  }
.Ltmp2:
0xa8: {  	_ = 	snop;
	(pc) =	sbr.rel @p5 .LBB2_1-.Ltmp2, $4  }
0xa9: {  	s0 =	simm.s32 @!p4 $0x3  }
0xaa: {  	_ =	swait.ge @!p4 [sflag:s0], $0x2780  }
0xab: {  	[sflag:s0] =	ssyncset.done @!p4 $0x0  }
0xac: {  	s9 =	stileid.u32;
	[sflag:s0] =	ssyncadd.s32 @!p4 $0xFFFFD880  }
0xad: {  	_ =	sfence.sel $0x180000  }
0xae: {  	[bflag:$0x0] =	sbarrier.arrive $0xFFFF  }
0xaf: {  	_ =	strace $0x90000050  }
0xb0: {  	[bflag:$0x2] =	sbarrier.arrive $0xFFFF  }
0xb1: {  	p0 =	sne.s32 s9, $0x0;
	s0 =	rddreg [dreg:$0x3]  }
0xb2: {  	s0 =	sadd.s32 @!p0 $0x100000, s0  }
0xb3: {  	[sflag:s0] =	ssyncadd.tile.s32 @!p0 $0x1;
	_ =	shalt  }
.Lfunc_end2:
_tile_overlayer_lowered:
.L_overlay_start_2:
0xb4: {  	(tag) =	ssettag $0x2  }
0xb5: {  	s0 =	rddreg [dreg:$0x0];
	s2 =	stileid.u32  }
0xb6: {  	s1 =	rddreg [dreg:$0x1];
	p0 =	sne.s32 s2, $0x0  }
0xb7: {  	s3 =	rddreg [dreg:$0x2];
	[bflag:$0x3] =	sbarrier.arrive $0xFFFF;
	s2 =	simm.s32 @!p0 $0x1C03  }
0xb8: {  	[timem:s3], [sflag:s2] =	dma.local @!p0 [hbm:s0], s1  }
0xb9: {  	s0 =	simm.s32 @!p0 $0x3  }
0xba: {  	_ =	swait.ge @!p0 [sflag:s0], s1  }
0xbb: {  	s1 =	ssub.s32 @!p0 $0x0, s1;
	[sflag:s0] =	ssyncset.done @!p0 $0x0  }
0xbc: {  	[sflag:s0] =	ssyncadd.s32 @!p0 s1  }
0xbd: {  	[bflag:$0x3] =	sbarrier.arrive $0xFFFF  }
0xbe: {  	_ =	shalt  }

// kernel: kernel.24.cloned.1.call-start
scs
__scs_entry_jumppad:
0x0: {  	(pc) =	sbr.rel $0x88, $3  }
0x1: {  	(tag) =	ssettag $0x0;
	lr =	simm.s32 $0x1  }
0x2: {  	[smem:$0x3F7D] =	sst lr;
	_ =	strace $0xD0000000  }
0x3: {  	_ = 	snop  }
0x4: {  	_ = 	snop  }
0x5: {  	_ = 	snop  }
0x6: {  	_ = 	snop  }
0x7: {  	_ = 	snop  }
__scs_overlays_trampoline_lowered:
0x8: {  	[smem:$0x3F8C] =	sst s0  }
0x9: {  	[smem:$0x3F8D] =	sst s1  }
0xa: {  	[smem:$0x3F8E] =	sst s2  }
0xb: {  	[smem:$0x3F8F] =	sst s3  }
0xc: {  	[smem:$0x3F90] =	sst s4  }
0xd: {  	[smem:$0x3F91] =	sst s5  }
0xe: {  	[smem:$0x3F92] =	sst s6  }
0xf: {  	[smem:$0x3F93] =	sst s7  }
0x10: {  	[smem:$0x3F94] =	sst s8  }
0x11: {  	[smem:$0x3F95] =	sst s9;
	s0 =	simm.s32 @!p0 $0x0  }
0x12: {  	s1 =	sld [smem:$0x3F7B];
	s0 =	simm.s32 @p0 $0x1  }
0x13: {  	[smem:$0x3F96] =	sst s0;
	s0 =	simm.s32 @!p1 $0x0  }
0x14: {  	s2 =	sld [smem:$0x3F7A];
	s0 =	simm.s32 @p1 $0x1  }
0x15: {  	[smem:$0x3F97] =	sst s0;
	s0 =	simm.s32 @!p2 $0x0  }
0x16: {  	s3 =	sld [smem:$0x3FDB];
	s0 =	simm.s32 @p2 $0x1  }
0x17: {  	s4 =	simm.s32 $0x1BF5;
	[smem:$0x3F99] =	sst s0  }
0x18: {  	s0 =	sld [smem:$0x3F7C];
	_ =	swait.ge [sflag:s4], $0x0  }
0x19: {  	s7 =	sld [smem:$0x3F7D]  }
0x1a: {  	s8 =	sadd.s32 $0xFFFFE003, lr  }
0x1b: {  	s9 =	sadd.s32 $0xFFFFFEF7, lr;
	s5 =	simm.s32 $0xFFFFFFFF;
	p2 =	slt.u32 s8, $0xFFFFF086  }
0x1c: {  	p1 =	slt.u32 s9, $0xF7A;
	s5 =	simm.s32 @!p2 $0x0  }
0x1d: {  	s5 =	simm.s32 @p1 $0x1;
	p0 =	seq.s32 s7, s2  }
0x1e: {  	s7 =	smul.u32 @!p0 $0xF7A, s2;
	p2 =	seq.s32 @!p0 s5, $0x0  }
0x1f: {  	s9 =	smul.u32 $0xF7A, s1;
	s8 =	simm.s32 @!p0 $0x1BF5;
	p2 =	por !p2, p0  }
0x20: {  	[sflag:s8] =	ssyncset.s32 @!p0 $0xFFFFF086;
	s6 =	sadd.s32 @!p0 s3, s7;
	s7 =	simm.s32 @!p0 $0x108  }
0x21: {  	s3 =	sadd.s32 s3, s9;
	s6 =	sadd.s32 @!p0 $0x88, s6;
	s7 =	simm.s32 @p2 $0x1082  }
0x22: {  	[simem:s7], [sflag:s8] =	dma.local @!p0 [hbm:s6], $0xF7A  }
0x23: {  	s9 =	sor.u32 $0xD0000000, s2;
	s6 =	simm.s32 $0x108;
	_ =	swait.ge @!p0 [sflag:s8], $0x0  }
0x24: {  	s3 =	sadd.s32 $0x88, s3;
	s6 =	simm.s32 @!p1 $0x1082;
	[sflag:s4] =	ssyncset.s32 $0xFFFFF086  }
0x25: {  	[simem:s6], [sflag:s4] =	dma.local [hbm:s3], $0xF7A  }
0x26: {  	[smem:$0x3F7D] =	sst s1;
	(tag) =	ssettag s2;
	_ =	strace s9  }
0x27: {  	s1 =	sld [smem:$0x3F8D]  }
0x28: {  	s2 =	sld [smem:$0x3F8E]  }
0x29: {  	s4 =	sld [smem:$0x3F90]  }
0x2a: {  	p0 =	seq.s32 s5, $0x0;
	s5 =	sld [smem:$0x3F91]  }
0x2b: {  	s6 =	sld [smem:$0x3F92]  }
0x2c: {  	s7 =	sld [smem:$0x3F93]  }
0x2d: {  	s3 =	simm.s32 $0x108;
	s8 =	sld [smem:$0x3F94]  }
0x2e: {  	s3 =	simm.s32 @!p0 $0x1082;
	s9 =	sld [smem:$0x3F95]  }
0x2f: {  	lr =	sadd.s32 s0, s3;
	s0 =	sld [smem:$0x3F8C]  }
0x30: {  	s3 =	sld [smem:$0x3F8F]  }
0x31: {  	[smem:$0x3F98] =	sst s10  }
0x32: {  	s10 =	sld [smem:$0x3F96];
	_ =	sdelay $0x3  }
0x33: {  	p0 =	seq.s32 s10, $0x1;
	s10 =	sld [smem:$0x3F98];
	_ =	sdelay $0x3  }
0x34: {  	[smem:$0x3F98] =	sst s10  }
0x35: {  	s10 =	sld [smem:$0x3F97];
	_ =	sdelay $0x3  }
0x36: {  	p1 =	seq.s32 s10, $0x1;
	s10 =	sld [smem:$0x3F98];
	_ =	sdelay $0x3  }
0x37: {  	[smem:$0x3F98] =	sst s10  }
0x38: {  	s10 =	sld [smem:$0x3F99]  }
0x39: {  	_ = 	snop;
	(pc) =	sbr.ind lr, $3  }
0x3a: {  	_ = 	snop  }
0x3b: {  	_ = 	snop  }
0x3c: {  	p2 =	seq.s32 s10, $0x1;
	s10 =	sld [smem:$0x3F98]  }
0x3d: {  	_ =	shalt  }
0x3e: {  	_ =	shalt  }
0x3f: {  	_ =	shalt  }
0x40: {  	_ =	shalt  }
0x41: {  	_ =	shalt  }
0x42: {  	_ =	shalt  }
0x43: {  	_ =	shalt  }
0x44: {  	_ =	shalt  }
0x45: {  	_ =	shalt  }
0x46: {  	_ =	shalt  }
0x47: {  	_ =	shalt  }
0x48: {  	_ =	shalt  }
0x49: {  	_ =	shalt  }
0x4a: {  	_ =	shalt  }
0x4b: {  	_ =	shalt  }
0x4c: {  	_ =	shalt  }
0x4d: {  	_ =	shalt  }
0x4e: {  	_ =	shalt  }
0x4f: {  	_ =	shalt  }
0x50: {  	_ =	shalt  }
0x51: {  	_ =	shalt  }
0x52: {  	_ =	shalt  }
0x53: {  	_ =	shalt  }
0x54: {  	_ =	shalt  }
0x55: {  	_ =	shalt  }
0x56: {  	_ =	shalt  }
0x57: {  	_ =	shalt  }
0x58: {  	_ =	shalt  }
0x59: {  	_ =	shalt  }
0x5a: {  	_ =	shalt  }
0x5b: {  	_ =	shalt  }
0x5c: {  	_ =	shalt  }
0x5d: {  	_ =	shalt  }
0x5e: {  	_ =	shalt  }
0x5f: {  	_ =	shalt  }
0x60: {  	_ =	shalt  }
0x61: {  	_ =	shalt  }
0x62: {  	_ =	shalt  }
0x63: {  	_ =	shalt  }
0x64: {  	_ =	shalt  }
0x65: {  	_ =	shalt  }
0x66: {  	_ =	shalt  }
0x67: {  	_ =	shalt  }
0x68: {  	_ =	shalt  }
0x69: {  	_ =	shalt  }
0x6a: {  	_ =	shalt  }
0x6b: {  	_ =	shalt  }
0x6c: {  	_ =	shalt  }
0x6d: {  	_ =	shalt  }
0x6e: {  	_ =	shalt  }
0x6f: {  	_ =	shalt  }
0x70: {  	_ =	shalt  }
0x71: {  	_ =	shalt  }
0x72: {  	_ =	shalt  }
0x73: {  	_ =	shalt  }
0x74: {  	_ =	shalt  }
0x75: {  	_ =	shalt  }
0x76: {  	_ =	shalt  }
0x77: {  	_ =	shalt  }
0x78: {  	_ =	shalt  }
0x79: {  	_ =	shalt  }
0x7a: {  	_ =	shalt  }
0x7b: {  	_ =	shalt  }
0x7c: {  	_ =	shalt  }
0x7d: {  	_ =	shalt  }
0x7e: {  	_ =	shalt  }
0x7f: {  	_ =	shalt  }
0x80: {  	_ =	shalt  }
0x81: {  	_ =	shalt  }
0x82: {  	_ =	shalt  }
0x83: {  	_ =	shalt  }
0x84: {  	_ =	shalt  }
0x85: {  	_ =	shalt  }
0x86: {  	_ =	shalt  }
0x87: {  	_ =	shalt  }
.Lfunc_end0:
.L_simem_size_0:
called_computation.4_lowered:
.L_overlay_start_0:
0x88: {  	s2 =	sld [smem:$0x3FD9]  }
0x89: {  	s3 =	sld [smem:$0x3FFE];
	_ =	sdelay $0x1  }
0x8a: {  	s1 =	srdreg.scid  }
0x8b: {  	s0 =	sand.u32 $0x1, s1  }
0x8c: {  	s17 =	sshll.u32 s0, $0xA;
	s2 =	sadd.s32 s3, s2  }
0x8d: {  	s2 =	sadd.s32 s2, s17  }
0x8e: {  	[smem:$0x3FA4] =	sst s2  }
0x8f: {  	_ = 	snop  }
0x90: {  	s2 =	sld [smem:$0x3FD0];
	(tm) =	ssettm $0x1  }
0x91: {  	s18 =	sld [smem:$0x3FFB];
	_ =	sdelay $0x3  }
0x92: {  	_ =	strace s18  }
0x93: {  	s3 =	sld [smem:$0x3FFC];
	_ =	sdelay $0x3  }
0x94: {  	_ =	strace s3  }
0x95: {  	s3 =	sld [smem:$0x3FFD];
	_ =	sdelay $0x3  }
0x96: {  	_ =	strace s3  }
0x97: {  	_ =	strace $0x8FFFFFFF  }
0x98: {  	s19 =	sld [smem:$0x3FDB];
	_ =	sdelay $0x1  }
0x99: {  	s4 =	simm.s32 $_scs_section_size  }
0x9a: {  	s5 =	simm.s32 $_size__tile_overlayer_lowered;
	s6 =	simm.s32 $_tile_overlayer_lowered  }
0x9b: {  	s22 =	simm.s32 $0x1BFF;
	s21 =	sshll.u32 s6, $0x1;
	s3 =	sadd.s32 s4, s19  }
0x9c: {  	s7 =	simm.s32 $0x0;
	s20 =	sshll.u32 s5, $0x1;
	s5 =	sadd.s32 s21, s3  }
0x9d: {  	[timem:s7], [sflag:s22] =	dma.local [hbm:s5], s20  }
0x9e: {  	_ =	swait.ge [sflag:s22], s20  }
0x9f: {  	s4 =	ssub.s32 $0x0, s20;
	[sflag:s22] =	ssyncset.done $0x0  }
0xa0: {  	[sflag:s22] =	ssyncadd.s32 s4;
	_ =	sdelay $0x1  }
0xa1: {  	s23 =	simm.s32 $0x1B8B  }
0xa2: {  	_ =	swait.ge [sflag:s23], $0x1  }
0xa3: {  	[sflag:s23] =	ssyncset.done $0x0  }
0xa4: {  	s25 =	simm.s32 $0x1B8E;
	s24 =	sld [smem:$0x3FFE];
	[sflag:s23] =	ssyncadd.s32 $0xFFFFFFFF  }
0xa5: {  	s26 =	simm.s32 $execute0_lowered;
	[smem:$0x3FD2] =	sst s25  }
0xa6: {  	s5 =	sshll.u32 s26, $0x1;
	_ =	strace $0x80000052;
	[dreg:$0x1] =	wrdreg $0xFFFFFFFF  }
0xa7: {  	s28 =	simm.s32 $_size_execute0_lowered;
	s3 =	sadd.s32 s3, s5;
	[dreg:$0x0] =	wrdreg $0x0  }
0xa8: {  	s5 =	sshll.u32 s28, $0x1;
	[dreg:$0x2] =	wrdreg s3  }
0xa9: {  	[dreg:$0x3] =	wrdreg s5  }
0xaa: {  	[dreg:$0x4] =	wrdreg $0xC0  }
0xab: {  	_ =	task [dreg:s7], $0x5FFFF  }
0xac: {  	[dreg:$0x1] =	wrdreg $0xFFFFFFFF  }
0xad: {  	[dreg:$0x0] =	wrdreg $0x60  }
0xae: {  	[dreg:$0x2] =	wrdreg s24  }
0xaf: {  	[dreg:$0x3] =	wrdreg s2  }
0xb0: {  	[dreg:$0x4] =	wrdreg $0xA8000  }
0xb1: {  	[dreg:$0x5] =	wrdreg $0x9  }
0xb2: {  	_ =	task.clear_ibuf [dreg:s7], $0x6FFFF;
	_ =	strace $0x90000052  }
0xb3: {  	s29 =	simm.s32 $0x9;
	_ =	strace $0x80000054  }
0xb4: {  	_ =	swait.ge [sflag:s29], $0x1  }
0xb5: {  	[sflag:s29] =	ssyncadd.s32 $0xFFFFFFFF  }
0xb6: {  	_ =	strace $0x90000054  }
0xb7: {  	_ =	sfence  }
0xb8: {  	s30 =	sld [smem:$0x0];
	_ =	sdelay $0x2  }
0xb9: {  	s31 =	sshll.u32 s1, $0xD;
	s1 =	sshrl.u32 s1, $0x2  }
0xba: {  	s3 =	sand.u32 $0x4000, s31;
	s1 =	sadd.s32 s1, s30  }
0xbb: {  	s0 =	sor.u32 s3, s0;
	s1 =	sshll.u32 s1, $0x11  }
0xbc: {  	s0 =	sor.u32 s1, s0  }
0xbd: {  	s0 =	sadd.s32 $0x8F2B, s0  }
0xbe: {  	[sflag:s0] =	ssyncadd.remote.s32 $0x1  }
0xbf: {  	_ =	sfence.sel $0xFFFF  }
0xc0: {  	[dreg:$0x0] =	wrdreg $0xFFFFFFFF;
	(pc) =	sbr.abs _section_cstart, $3  }
0xc1: {  	[dreg:$0x1] =	wrdreg $0xFFFFFFFF  }
0xc2: {  	_ =	task.clear_ibuf [dreg:s7], $0x2FFFF;
	_ =	strace $0x9FFFFFFF  }
0xc3: {  	(tm) =	ssettm $0x7FFFFFFF  }
tec
execute0_lowered:
.L_overlay_start_1:
0x0: {  	(tag) =	ssettag $0x1  }
0x1: {  	s0 =	rddreg [dreg:$0x0]  }
0x2: {  	s4 =	rddreg [dreg:$0x1]  }
0x3: {  	s2 =	rddreg [dreg:$0x2]  }
0x4: {  	s1 =	stileid.u32;
	s3 =	srdreg.scid;
	s17 =	simm.s32 $0x3  }
0x5: {  	s18 =	simm.s32 $0x1400;
	s19 =	simm.s32 $0x7D;
	s20 =	simm.s32 $0x2800  }
0x6: {  	s21 =	simm.s32 $0x80;
	s22 =	simm.s32 $0x6800;
	s28 =	simm.s32 $0x2  }
0x7: {  	s29 =	simm.s32 $0x2700;
	s30 =	simm.s32 $0x2780;
	s31 =	simm.s32 $0x0  }
0x8: {  	s8 =	sand.u32 $0x1, s3;
	s5 =	sshll.u32 s1, $0x1;
	s13 =	smul.u32 $0x2780, s1  }
0x9: {  	s3 =	simm.s32 $0x0;
	s10 =	smul.u32 $0x4F000, s1;
	s5 =	sor.u32 s8, s5  }
0xa: {  	[smem:$0x7FF] =	sst s3;
	s7 =	smul.u32 $0x27100, s8;
	s9 =	ssub.s32 $0x2, s8  }
0xb: {  	p3 =	seq.s32 s8, $0x1;
	s6 =	smul.u32 $0x500, s5;
	_ =	strace $0x80000053  }
0xc: {  	s5 =	sadd.s32 $0x36E00, s0;
	s12 =	sadd.s32 s13, s0;
	s24 =	sshrl.u32 s9, $0x1  }
0xd: {  	s25 =	sshrl.u32 s10, $0x2;
	s1 =	smov.u32 s13;
	s10 =	sadd.s32 $0x128400, s2  }
0xe: {  	s15 =	sadd.s32 s7, s0;
	s16 =	ssub.s32 s9, s24;
	s9 =	stileid.u32  }
0xf: {  	s8 =	sadd.s32 s25, s2;
	s26 =	sadd.s32 s5, s13;
	s12 =	sadd.s32 $0xFC00, s12  }
0x10: {  	s13 =	sadd.s32 $0x34C80, s0;
	s11 =	sadd.s32 s6, s0;
	s6 =	sadd.s32 s4, s6  }
0x11: {  	[dreg:$0x4] =	wrdreg s26;
	s15 =	sadd.s32 $0x5E000, s15;
	s16 =	smax.u32 s16, $0x1  }
0x12: {  	p1 =	seq.s32 @p3 s9, $0xF;
	p4 =	seq.s32 @!p3 s9, $0xF;
	s26 =	simm.s32 $0x1  }
0x13: {  	s7 =	sadd.s32 $0x5C00, s11;
	s11 =	sadd.s32 $0x5BE80, s0;
	s14 =	sadd.s32 $0x280, s6  }
0x14: {  	p0 =	por p1, !p3;
	p1 =	por !p1, !p3;
	p2 =	por !p4, p3  }
0x15: {  	p3 =	por p4, p3;
	p4 =	seq.s32 s9, $0xF;
	s0 =	sshll.u32 @!p0 s9, $0x6  }
0x16: {  	s23 =	sshrl.u32 @!p1 s10, $0x3;
	s25 =	sshrl.u32 @!p0 s8, $0x3;
	s24 =	sor.u32 @!p0 $0x1C03, s0  }
.LBB2_1:
0x17: {  	[tilespmem:s3], [sflag:$0x3] =	stream.linear.gather [hbm4b:s6+s3], $0x1400, $0x38;
	[tilespmem:$0x1E080] =	vst v63  }
0x18: {  	_ =	swait.ge [sflag:s17], $0x1400  }
0x19: {  	[sflag:s17] =	ssyncset.done $0x0  }
0x1a: {  	[sflag:s17] =	ssyncadd.s32 $0xFFFFEC00  }
0x1b: {  	[tilespmem:s18], [sflag:$0x3] =	stream.linear.gather [hbm4b:s7+s3], $0x1400, $0x38;
	[tilespmem:$0x1E080] =	vst v63  }
0x1c: {  	_ =	swait.ge [sflag:s17], $0x1400  }
0x1d: {  	[sflag:s17] =	ssyncset.done $0x0  }
0x1e: {  	[sflag:s17] =	ssyncadd.s32 $0xFFFFEC00  }
0x1f: {  	[tilespmem:s20], [sflag:$0x1] =	stream.indirect.gather [hbm4b:s5+s19], $0x80, s3, s19, $0xb8;
	[tilespmem:$0x1E080] =	vst v63  }
0x20: {  	s0 =	simm.s32 @!p1 $0x1FC3  }
0x21: {  	[tilespmem:s22], [sflag:$0x2] =	stream.indirect.gather [hbm4b:s5+s19], $0x80, s21, s19, $0xb8;
	[tilespmem:$0x1E080] =	vst v63  }
0x22: {  	[spmem:s23], [sflag:s0] =	dma.local @!p1 [hbm:s13], $0x2080  }
0x23: {  	s0 =	simm.s32 @!p1 $0x3  }
0x24: {  	_ =	swait.ge @!p1 [sflag:s0], $0x2080  }
0x25: {  	[sflag:s0] =	ssyncset.done @!p1 $0x0  }
0x26: {  	[sflag:s0] =	ssyncadd.s32 @!p1 $0xFFFFDF80;
	s0 =	simm.s32 @!p0 $0x3  }
0x27: {  	[spmem:s25], [sflag:s24] =	dma.local @!p0 [hbm:s12], $0x2780  }
0x28: {  	_ =	swait.ge @!p0 [sflag:s0], $0x2780  }
0x29: {  	[sflag:s0] =	ssyncset.done @!p0 $0x0  }
0x2a: {  	s4 =	simm.s32 @!p2 $0x1FC3;
	[sflag:s0] =	ssyncadd.s32 @!p0 $0xFFFFD880;
	s0 =	sshrl.u32 @!p2 s10, $0x3  }
0x2b: {  	[spmem:s0], [sflag:s4] =	dma.local @!p2 [hbm:s11], $0x2080  }
0x2c: {  	s0 =	simm.s32 @!p2 $0x3  }
0x2d: {  	_ =	swait.ge @!p2 [sflag:s0], $0x2080  }
0x2e: {  	s4 =	sshll.u32 @!p3 s9, $0x6;
	[sflag:s0] =	ssyncset.done @!p2 $0x0;
	s9 =	rddreg [dreg:$0x4]  }
0x2f: {  	[sflag:s0] =	ssyncadd.s32 @!p2 $0xFFFFDF80;
	s0 =	sor.u32 @!p3 $0x1C03, s4;
	s4 =	sshrl.u32 @!p3 s8, $0x3  }
0x30: {  	[spmem:s4], [sflag:s0] =	dma.local @!p3 [hbm:s9], $0x2780  }
0x31: {  	s0 =	simm.s32 @!p3 $0x3  }
0x32: {  	_ =	swait.ge @!p3 [sflag:s0], $0x2780  }
0x33: {  	[sflag:s0] =	ssyncset.done @!p3 $0x0  }
0x34: {  	[sflag:s0] =	ssyncadd.s32 @!p3 $0xFFFFD880  }
0x35: {  	[bflag:$0x0] =	sbarrier.arrive $0xFFFF  }
0x36: {  	_ =	swait.ge [sflag:s26], $0x3E80  }
0x37: {  	[sflag:s26] =	ssyncset.done $0x0  }
0x38: {  	s9 =	simm.s32 $0x1400;
	[sflag:s26] =	ssyncadd.s32 $0xFFFFC180  }
0x39: {  	[spmem:s2] =	stream.indirect.scatter.add.f32 [tilespmem:s20], [sflag:$0x3], $0x80, s9, s19, $0xb8;
	[tilespmem:$0x1E080] =	vst v63  }
0x3a: {  	_ =	swait.ge [sflag:s17], $0x3E80  }
0x3b: {  	[sflag:s17] =	ssyncset.done $0x0  }
0x3c: {  	s4 =	simm.s32 $0x100;
	[sflag:s17] =	ssyncadd.s32 $0xFFFFC180  }
0x3d: {  	[tilespmem:s20], [sflag:$0x1] =	stream.indirect.gather [hbm4b:s5+s19], $0x80, s4, s19, $0xb8;
	[tilespmem:$0x1E080] =	vst v63  }
0x3e: {  	_ =	swait.ge [sflag:s28], $0x3E80  }
0x3f: {  	[sflag:s28] =	ssyncset.done $0x0  }
0x40: {  	s9 =	simm.s32 $0x1480;
	[sflag:s28] =	ssyncadd.s32 $0xFFFFC180  }
0x41: {  	[spmem:s2] =	stream.indirect.scatter.add.f32 [tilespmem:s22], [sflag:$0x3], $0x80, s9, s19, $0xb8;
	[tilespmem:$0x1E080] =	vst v63  }
0x42: {  	_ =	swait.ge [sflag:s17], $0x3E80  }
0x43: {  	[sflag:s17] =	ssyncset.done $0x0  }
0x44: {  	s0 =	simm.s32 $0x400;
	s4 =	simm.s32 $0x180;
	[sflag:s17] =	ssyncadd.s32 $0xFFFFC180  }
.LBB2_2:
0x45: {  	[tilespmem:s22], [sflag:$0x2] =	stream.indirect.gather [hbm4b:s5+s19], $0x80, s4, s19, $0xb8;
	[tilespmem:$0x1E080] =	vst v63  }
0x46: {  	s4 =	smov.u32 s0  }
0x47: {  	p5 =	sne.s32 s0, $0x4800;
	s0 =	sadd.s32 $0x400, s0;
	_ =	swait.ge [sflag:s26], $0x3E80  }
0x48: {  	s4 =	sshra.s32 s4, $0x2;
	[sflag:s26] =	ssyncset.done $0x0  }
0x49: {  	s9 =	sadd.s32 $0x1400, s4;
	[sflag:s26] =	ssyncadd.s32 $0xFFFFC180  }
0x4a: {  	[spmem:s2] =	stream.indirect.scatter.add.f32 [tilespmem:s20], [sflag:$0x3], $0x80, s9, s19, $0xb8;
	[tilespmem:$0x1E080] =	vst v63  }
0x4b: {  	_ =	swait.ge [sflag:s17], $0x3E80  }
0x4c: {  	[sflag:s17] =	ssyncset.done $0x0  }
0x4d: {  	s9 =	sadd.s32 $0x100, s4;
	[sflag:s17] =	ssyncadd.s32 $0xFFFFC180  }
0x4e: {  	[tilespmem:s20], [sflag:$0x1] =	stream.indirect.gather [hbm4b:s5+s19], $0x80, s9, s19, $0xb8;
	[tilespmem:$0x1E080] =	vst v63  }
0x4f: {  	_ =	swait.ge [sflag:s28], $0x3E80  }
0x50: {  	[sflag:s28] =	ssyncset.done $0x0  }
.Ltmp0:
0x51: {  	s9 =	sadd.s32 $0x1480, s4;
	[sflag:s28] =	ssyncadd.s32 $0xFFFFC180;
	(pc) =	sbr.rel @p5 .LBB2_2-.Ltmp0, $4  }
0x52: {  	[spmem:s2] =	stream.indirect.scatter.add.f32 [tilespmem:s22], [sflag:$0x3], $0x80, s9, s19, $0xb8;
	[tilespmem:$0x1E080] =	vst v63  }
0x53: {  	_ =	swait.ge [sflag:s17], $0x3E80  }
0x54: {  	[sflag:s17] =	ssyncset.done $0x0  }
0x55: {  	s4 =	sadd.s32 $0x180, s4;
	[sflag:s17] =	ssyncadd.s32 $0xFFFFC180  }
0x56: {  	[tilespmem:s22], [sflag:$0x2] =	stream.indirect.gather [hbm4b:s5+s19], $0x80, s4, s19, $0xb8;
	[tilespmem:$0x1E080] =	vst v63  }
0x57: {  	_ =	swait.ge [sflag:s26], $0x3E80  }
0x58: {  	[sflag:s26] =	ssyncset.done $0x0  }
0x59: {  	[sflag:s26] =	ssyncadd.s32 $0xFFFFC180  }
0x5a: {  	[spmem:s2] =	stream.indirect.scatter.add.f32 [tilespmem:s20], [sflag:$0x3], $0x80, s29, s19, $0xb8;
	[tilespmem:$0x1E080] =	vst v63  }
0x5b: {  	_ =	swait.ge [sflag:s17], $0x3E80  }
0x5c: {  	[sflag:s17] =	ssyncset.done $0x0  }
0x5d: {  	[sflag:s17] =	ssyncadd.s32 $0xFFFFC180  }
0x5e: {  	_ =	swait.ge [sflag:s28], $0x3E80  }
0x5f: {  	[sflag:s28] =	ssyncset.done $0x0  }
0x60: {  	[sflag:s28] =	ssyncadd.s32 $0xFFFFC180  }
0x61: {  	[spmem:s2] =	stream.indirect.scatter.add.f32 [tilespmem:s22], [sflag:$0x3], $0x80, s30, s19, $0xb8;
	[tilespmem:$0x1E080] =	vst v63  }
0x62: {  	_ =	swait.ge [sflag:s17], $0x3E80  }
0x63: {  	[sflag:s17] =	ssyncset.done $0x0  }
0x64: {  	s0 =	simm.s32 $0x0;
	[sflag:s17] =	ssyncadd.s32 $0xFFFFC180  }
0x65: {  	[tilespmem:s0], [sflag:$0x3] =	stream.linear.gather [hbm4b:s14+s0], $0x1400, $0x38;
	[tilespmem:$0x1E080] =	vst v63  }
0x66: {  	_ =	swait.ge [sflag:s17], $0x1400  }
0x67: {  	[sflag:s17] =	ssyncset.done $0x0  }
0x68: {  	s9 =	sadd.s32 $0x280, s7;
	[sflag:s17] =	ssyncadd.s32 $0xFFFFEC00  }
0x69: {  	[tilespmem:s18], [sflag:$0x3] =	stream.linear.gather [hbm4b:s9+s0], $0x1400, $0x38;
	[tilespmem:$0x1E080] =	vst v63  }
0x6a: {  	_ =	swait.ge [sflag:s17], $0x1400  }
0x6b: {  	[sflag:s17] =	ssyncset.done $0x0  }
0x6c: {  	[sflag:s17] =	ssyncadd.s32 $0xFFFFEC00  }
0x6d: {  	[tilespmem:s20], [sflag:$0x1] =	stream.indirect.gather [hbm4b:s5+s19], $0x80, s0, s19, $0xb8;
	[tilespmem:$0x1E080] =	vst v63  }
0x6e: {  	_ = 	snop  }
0x6f: {  	[tilespmem:s22], [sflag:$0x2] =	stream.indirect.gather [hbm4b:s5+s19], $0x80, s21, s19, $0xb8;
	[tilespmem:$0x1E080] =	vst v63  }
0x70: {  	_ =	swait.ge [sflag:s26], $0x3E80  }
0x71: {  	[sflag:s26] =	ssyncset.done $0x0  }
0x72: {  	s9 =	simm.s32 $0x1400;
	[sflag:s26] =	ssyncadd.s32 $0xFFFFC180  }
0x73: {  	[spmem:s2] =	stream.indirect.scatter.add.f32 [tilespmem:s20], [sflag:$0x3], $0x80, s9, s19, $0xb8;
	[tilespmem:$0x1E080] =	vst v63  }
0x74: {  	_ =	swait.ge [sflag:s17], $0x3E80  }
0x75: {  	[sflag:s17] =	ssyncset.done $0x0  }
0x76: {  	s4 =	simm.s32 $0x100;
	[sflag:s17] =	ssyncadd.s32 $0xFFFFC180  }
0x77: {  	[tilespmem:s20], [sflag:$0x1] =	stream.indirect.gather [hbm4b:s5+s19], $0x80, s4, s19, $0xb8;
	[tilespmem:$0x1E080] =	vst v63  }
0x78: {  	_ =	swait.ge [sflag:s28], $0x3E80  }
0x79: {  	[sflag:s28] =	ssyncset.done $0x0  }
0x7a: {  	s9 =	simm.s32 $0x1480;
	[sflag:s28] =	ssyncadd.s32 $0xFFFFC180  }
0x7b: {  	[spmem:s2] =	stream.indirect.scatter.add.f32 [tilespmem:s22], [sflag:$0x3], $0x80, s9, s19, $0xb8;
	[tilespmem:$0x1E080] =	vst v63  }
0x7c: {  	_ =	swait.ge [sflag:s17], $0x3E80  }
0x7d: {  	[sflag:s17] =	ssyncset.done $0x0  }
0x7e: {  	s0 =	simm.s32 $0x400;
	s4 =	simm.s32 $0x180;
	[sflag:s17] =	ssyncadd.s32 $0xFFFFC180  }
.LBB2_4:
0x7f: {  	[tilespmem:s22], [sflag:$0x2] =	stream.indirect.gather [hbm4b:s5+s19], $0x80, s4, s19, $0xb8;
	[tilespmem:$0x1E080] =	vst v63  }
0x80: {  	s4 =	smov.u32 s0  }
0x81: {  	p5 =	sne.s32 s0, $0x4800;
	s0 =	sadd.s32 $0x400, s0;
	_ =	swait.ge [sflag:s26], $0x3E80  }
0x82: {  	s4 =	sshra.s32 s4, $0x2;
	[sflag:s26] =	ssyncset.done $0x0  }
0x83: {  	s9 =	sadd.s32 $0x1400, s4;
	[sflag:s26] =	ssyncadd.s32 $0xFFFFC180  }
0x84: {  	[spmem:s2] =	stream.indirect.scatter.add.f32 [tilespmem:s20], [sflag:$0x3], $0x80, s9, s19, $0xb8;
	[tilespmem:$0x1E080] =	vst v63  }
0x85: {  	_ =	swait.ge [sflag:s17], $0x3E80  }
0x86: {  	[sflag:s17] =	ssyncset.done $0x0  }
0x87: {  	s9 =	sadd.s32 $0x100, s4;
	[sflag:s17] =	ssyncadd.s32 $0xFFFFC180  }
0x88: {  	[tilespmem:s20], [sflag:$0x1] =	stream.indirect.gather [hbm4b:s5+s19], $0x80, s9, s19, $0xb8;
	[tilespmem:$0x1E080] =	vst v63  }
0x89: {  	_ =	swait.ge [sflag:s28], $0x3E80  }
0x8a: {  	[sflag:s28] =	ssyncset.done $0x0  }
.Ltmp1:
0x8b: {  	s9 =	sadd.s32 $0x1480, s4;
	[sflag:s28] =	ssyncadd.s32 $0xFFFFC180;
	(pc) =	sbr.rel @p5 .LBB2_4-.Ltmp1, $4  }
0x8c: {  	[spmem:s2] =	stream.indirect.scatter.add.f32 [tilespmem:s22], [sflag:$0x3], $0x80, s9, s19, $0xb8;
	[tilespmem:$0x1E080] =	vst v63  }
0x8d: {  	_ =	swait.ge [sflag:s17], $0x3E80  }
0x8e: {  	[sflag:s17] =	ssyncset.done $0x0  }
0x8f: {  	s4 =	sadd.s32 $0x180, s4;
	[sflag:s17] =	ssyncadd.s32 $0xFFFFC180  }
0x90: {  	[tilespmem:s22], [sflag:$0x2] =	stream.indirect.gather [hbm4b:s5+s19], $0x80, s4, s19, $0xb8;
	[tilespmem:$0x1E080] =	vst v63  }
0x91: {  	_ =	swait.ge [sflag:s26], $0x3E80  }
0x92: {  	[sflag:s26] =	ssyncset.done $0x0  }
0x93: {  	[sflag:s26] =	ssyncadd.s32 $0xFFFFC180  }
0x94: {  	[spmem:s2] =	stream.indirect.scatter.add.f32 [tilespmem:s20], [sflag:$0x3], $0x80, s29, s19, $0xb8;
	[tilespmem:$0x1E080] =	vst v63  }
0x95: {  	_ =	swait.ge [sflag:s17], $0x3E80  }
0x96: {  	[sflag:s17] =	ssyncset.done $0x0  }
0x97: {  	[sflag:s17] =	ssyncadd.s32 $0xFFFFC180  }
0x98: {  	_ =	swait.ge [sflag:s28], $0x3E80  }
0x99: {  	[sflag:s28] =	ssyncset.done $0x0  }
0x9a: {  	[sflag:s28] =	ssyncadd.s32 $0xFFFFC180  }
0x9b: {  	[spmem:s2] =	stream.indirect.scatter.add.f32 [tilespmem:s22], [sflag:$0x3], $0x80, s30, s19, $0xb8;
	[tilespmem:$0x1E080] =	vst v63  }
0x9c: {  	_ =	swait.ge [sflag:s17], $0x3E80  }
0x9d: {  	[sflag:s17] =	ssyncset.done $0x0  }
0x9e: {  	s0 =	sadd.s32 @p4 $0x25080, s15;
	[sflag:s17] =	ssyncadd.s32 $0xFFFFC180  }
0x9f: {  	s4 =	sshrl.u32 @p4 s10, $0x3;
	s9 =	simm.s32 @p4 $0x1FC3;
	[bflag:$0x0] =	sbarrier.arrive $0xFFFF  }
0xa0: {  	[hbm:s0], [sflag:s9] =	dma.local @p4 [spmem:s4], $0x2080  }
0xa1: {  	s0 =	simm.s32 @p4 $0x3  }
0xa2: {  	_ =	swait.ge @p4 [sflag:s0], $0x2080  }
0xa3: {  	[sflag:s0] =	ssyncset.done @p4 $0x0  }
0xa4: {  	s31 =	sadd.s32 $0x1, s31;
	[sflag:s0] =	ssyncadd.s32 @p4 $0xFFFFDF80;
	s0 =	stileid.u32  }
0xa5: {  	p5 =	sne.s32 s31, s16;
	s0 =	sshll.u32 @!p4 s0, $0x6  }
0xa6: {  	s4 =	sadd.s32 @!p4 s1, s15;
	s9 =	sshrl.u32 @!p4 s8, $0x3;
	s0 =	sor.u32 @!p4 $0x1C03, s0  }
0xa7: {  	[hbm:s4], [sflag:s0] =	dma.local @!p4 [spmem:s9], $0x2780  }
.Ltmp2:
0xa8: {  	_ = 	snop;
	(pc) =	sbr.rel @p5 .LBB2_1-.Ltmp2, $4  }
0xa9: {  	s0 =	simm.s32 @!p4 $0x3  }
0xaa: {  	_ =	swait.ge @!p4 [sflag:s0], $0x2780  }
0xab: {  	[sflag:s0] =	ssyncset.done @!p4 $0x0  }
0xac: {  	s9 =	stileid.u32;
	[sflag:s0] =	ssyncadd.s32 @!p4 $0xFFFFD880  }
0xad: {  	_ =	sfence.sel $0x180000  }
0xae: {  	[bflag:$0x0] =	sbarrier.arrive $0xFFFF  }
0xaf: {  	_ =	strace $0x90000053  }
0xb0: {  	[bflag:$0x2] =	sbarrier.arrive $0xFFFF  }
0xb1: {  	p0 =	sne.s32 s9, $0x0;
	s0 =	rddreg [dreg:$0x3]  }
0xb2: {  	s0 =	sadd.s32 @!p0 $0x100000, s0  }
0xb3: {  	[sflag:s0] =	ssyncadd.tile.s32 @!p0 $0x1;
	_ =	shalt  }
.Lfunc_end2:
_tile_overlayer_lowered:
.L_overlay_start_2:
0xb4: {  	(tag) =	ssettag $0x2  }
0xb5: {  	s0 =	rddreg [dreg:$0x0];
	s2 =	stileid.u32  }
0xb6: {  	s1 =	rddreg [dreg:$0x1];
	p0 =	sne.s32 s2, $0x0  }
0xb7: {  	s3 =	rddreg [dreg:$0x2];
	[bflag:$0x3] =	sbarrier.arrive $0xFFFF;
	s2 =	simm.s32 @!p0 $0x1C03  }
0xb8: {  	[timem:s3], [sflag:s2] =	dma.local @!p0 [hbm:s0], s1  }
0xb9: {  	s0 =	simm.s32 @!p0 $0x3  }
0xba: {  	_ =	swait.ge @!p0 [sflag:s0], s1  }
0xbb: {  	s1 =	ssub.s32 @!p0 $0x0, s1;
	[sflag:s0] =	ssyncset.done @!p0 $0x0  }
0xbc: {  	[sflag:s0] =	ssyncadd.s32 @!p0 s1  }
0xbd: {  	[bflag:$0x3] =	sbarrier.arrive $0xFFFF  }
0xbe: {  	_ =	shalt  }

</sc_bundles>
